<compile_context>
chip_gen: v7x
topology: tpu7x:2x2x1
jax: 0.10.2.dev20260603
libtpu: 0.0.44.dev20260713+nightly
codegen_flags: <defaults>
</compile_context>

<pallas_src>
import functools

import jax
import jax.numpy as jnp
from jax import lax
from jax.experimental import pallas as pl
from jax.experimental.pallas import tpu as pltpu
from jax.experimental.pallas import tpu_sc as plsc

N = 10000
NPAD = 10240
E = 160000
EPAD = 163840
NT = 16
NC = 2
RPT = NPAD // NT
NB = EPAD // (NT * 128)
DUMMY = N

f32 = jnp.float32


def _deg_body(coli, zo, degp, idx_v, ones_v, acc_sh):
    c = lax.axis_index("c")
    s = lax.axis_index("s")

    pltpu.sync_copy(zo.at[pl.ds(0, 128)], ones_v)
    for b in range(RPT // 128):
        pltpu.sync_copy(zo.at[pl.ds(128, 128)],
                        acc_sh.at[pl.ds(s * RPT + b * 128, 128)])
    pltpu.sync_copy(coli.at[s], idx_v)
    plsc.subcore_barrier()

    @pl.loop(0, NB // 2)
    def _scatter(j):
        pltpu.sync_copy(ones_v, acc_sh.at[idx_v.at[c * (NB // 2) + j]], add=True)

    plsc.subcore_barrier()
    pltpu.sync_copy(acc_sh.at[pl.ds(s * RPT, RPT)], degp.at[c, pl.ds(s * RPT, RPT)])


@functools.cache
def _sc_mesh():
    return plsc.VectorSubcoreMesh(core_axis_name="c", subcore_axis_name="s",
                                  num_cores=NC, num_subcores=NT)


@functools.cache
def _deg_kernel():
    return pl.kernel(
        _deg_body,
        out_type=jax.ShapeDtypeStruct((NC, NPAD, 128), f32),
        mesh=_sc_mesh(),
        scratch_types=[
            pltpu.VMEM((NB, 128), jnp.int32),
            pltpu.VMEM((128, 128), f32),
            pltpu.VMEM_SHARED((NPAD, 128), f32),
        ],
    )


def _conv_body(nchunks, *refs):
    per_core = nchunks // 2
    tables = refs[:nchunks]
    rowi, coli = refs[nchunks], refs[nchunks + 1]
    outs = refs[nchunks + 2:2 * nchunks + 2]
    idxr, idxc, buf0, buf1, acc_sh, sem0, sem1, ssem0, ssem1 = refs[2 * nchunks + 2:]

    c = lax.axis_index("c")
    s = lax.axis_index("s")
    HB = NB // 2

    for core_id in range(2):
        @pl.when(c == core_id)
        def _core():
            for k in range(per_core):
                table = tables[core_id * per_core + k]
                out = outs[core_id * per_core + k]
                pltpu.sync_copy(table.at[pl.ds(s * RPT, RPT)],
                                acc_sh.at[pl.ds(s * RPT, RPT)])
                plsc.subcore_barrier()

                for half in range(2):
                    pltpu.sync_copy(rowi.at[s, pl.ds(half * HB, HB)], idxr)
                    pltpu.sync_copy(coli.at[s, pl.ds(half * HB, HB)], idxc)

                    pltpu.async_copy(table.at[idxr.at[0]], buf0, sem0)
                    pltpu.async_copy(table.at[idxr.at[1]], buf1, sem1)

                    @pl.loop(0, HB // 2 - 1)
                    def _edges(j):
                        pltpu.make_async_copy(table.at[idxr.at[2 * j]], buf0, sem0).wait()
                        w0 = pltpu.async_copy(buf0, acc_sh.at[idxc.at[2 * j]], ssem0, add=True)
                        pltpu.make_async_copy(table.at[idxr.at[2 * j + 1]], buf1, sem1).wait()
                        w0.wait()
                        pltpu.async_copy(table.at[idxr.at[2 * j + 2]], buf0, sem0)
                        w1 = pltpu.async_copy(buf1, acc_sh.at[idxc.at[2 * j + 1]], ssem1, add=True)
                        w1.wait()
                        pltpu.async_copy(table.at[idxr.at[2 * j + 3]], buf1, sem1)

                    jl = HB - 2
                    pltpu.make_async_copy(table.at[idxr.at[jl]], buf0, sem0).wait()
                    pltpu.sync_copy(buf0, acc_sh.at[idxc.at[jl]], add=True)
                    pltpu.make_async_copy(table.at[idxr.at[jl + 1]], buf1, sem1).wait()
                    pltpu.sync_copy(buf1, acc_sh.at[idxc.at[jl + 1]], add=True)

                plsc.subcore_barrier()
                pltpu.sync_copy(acc_sh.at[pl.ds(s * RPT, RPT)],
                                out.at[pl.ds(s * RPT, RPT)])
                plsc.subcore_barrier()


@functools.cache
def _make_conv(nchunks):
    return pl.kernel(
        functools.partial(_conv_body, nchunks),
        out_type=tuple(jax.ShapeDtypeStruct((NPAD, 128), f32)
                       for _ in range(nchunks)),
        mesh=_sc_mesh(),
        scratch_types=[
            pltpu.VMEM((NB // 2, 128), jnp.int32),
            pltpu.VMEM((NB // 2, 128), jnp.int32),
            pltpu.VMEM((128, 128), f32),
            pltpu.VMEM((128, 128), f32),
            pltpu.VMEM_SHARED((NPAD, 128), f32),
            pltpu.SemaphoreType.DMA,
            pltpu.SemaphoreType.DMA,
            pltpu.SemaphoreType.DMA,
            pltpu.SemaphoreType.DMA,
        ],
    )


RB = 640


def _mm1_body(x_ref, w_ref, d0_ref, d1_ref, s0, s1, s2, s3, dis_ref):
    dis = lax.rsqrt(1.0 + d0_ref[...] + d1_ref[...])
    xw = jnp.dot(x_ref[...], w_ref[...], preferred_element_type=f32)
    dis_ref[...] = dis
    for k, o in enumerate((s0, s1, s2, s3)):
        o[...] = dis * xw[:, k * 128:(k + 1) * 128]


def _mm1(xp, w1, d0, d1):
    return pl.pallas_call(
        _mm1_body,
        grid=(NPAD // RB,),
        in_specs=[
            pl.BlockSpec((RB, 256), lambda r: (r, 0)),
            pl.BlockSpec((256, 512), lambda r: (0, 0)),
            pl.BlockSpec((RB, 1), lambda r: (r, 0)),
            pl.BlockSpec((RB, 1), lambda r: (r, 0)),
        ],
        out_specs=[pl.BlockSpec((RB, 128), lambda r: (r, 0))] * 4
        + [pl.BlockSpec((RB, 1), lambda r: (r, 0))],
        out_shape=[jax.ShapeDtypeStruct((NPAD, 128), f32)] * 4
        + [jax.ShapeDtypeStruct((NPAD, 1), f32)],
    )(xp, w1, d0, d1)


def _mm2_body(a0, a1, a2, a3, dis_ref, w_ref, s0, s1):
    dis = dis_ref[...]
    acc = jnp.zeros((RB, 256), f32)
    for k, a in enumerate((a0, a1, a2, a3)):
        h = jnp.maximum(dis * a[...], 0.0)
        acc = acc + jnp.dot(h, w_ref[...][k * 128:(k + 1) * 128, :],
                            preferred_element_type=f32)
    s0[...] = dis * acc[:, :128]
    s1[...] = dis * acc[:, 128:]


def _mm2(accs, dis, w2):
    return pl.pallas_call(
        _mm2_body,
        grid=(NPAD // RB,),
        in_specs=[pl.BlockSpec((RB, 128), lambda r: (r, 0))] * 4
        + [
            pl.BlockSpec((RB, 1), lambda r: (r, 0)),
            pl.BlockSpec((512, 256), lambda r: (0, 0)),
        ],
        out_specs=[pl.BlockSpec((RB, 128), lambda r: (r, 0))] * 2,
        out_shape=[jax.ShapeDtypeStruct((NPAD, 128), f32)] * 2,
    )(*accs, dis, w2)


FB = 80


def _final_body(x_ref, wp_ref, a0_ref, a1_ref, dis_ref, al_ref, out_ref):
    x0 = lax.dot_general(x_ref[...], wp_ref[...],
                         (((1,), (1,)), ((), ())),
                         preferred_element_type=f32)
    dis = dis_ref[...]
    h = jnp.concatenate([dis * a0_ref[...], dis * a1_ref[...]], axis=1)
    a = al_ref[...]
    X = h * a + x0 * (1.0 - a)
    m = jnp.max(X, axis=1, keepdims=True)
    lse = jnp.log(jnp.sum(jnp.exp(X - m), axis=1, keepdims=True)) + m
    out_ref[...] = X - lse


def _final(x, wp, a20, a21, dis, alpha):
    return pl.pallas_call(
        _final_body,
        grid=(N // FB,),
        in_specs=[
            pl.BlockSpec((FB, 256), lambda r: (r, 0)),
            pl.BlockSpec((256, 256), lambda r: (0, 0)),
            pl.BlockSpec((FB, 128), lambda r: (r, 0)),
            pl.BlockSpec((FB, 128), lambda r: (r, 0)),
            pl.BlockSpec((FB, 1), lambda r: (r, 0)),
            pl.BlockSpec((1, 1), lambda r: (0, 0)),
        ],
        out_specs=pl.BlockSpec((FB, 256), lambda r: (r, 0)),
        out_shape=jax.ShapeDtypeStruct((N, 256), f32),
    )(x, wp, a20, a21, dis, alpha)


@jax.jit
def kernel(x, edge_index, gnn_weight1, gnn_weight2, W_prej, alpha1):
    xp = jnp.zeros((NPAD, 256), f32).at[:N].set(x)
    row = jnp.zeros((EPAD,), jnp.int32).at[:E].set(edge_index[0])
    col = jnp.full((EPAD,), DUMMY, jnp.int32).at[:E].set(edge_index[1])
    rowi = row.reshape(NT, NB, 128)
    coli = col.reshape(NT, NB, 128)

    zo = jnp.concatenate([jnp.ones((128, 128), f32),
                          jnp.zeros((128, 128), f32)], axis=0)
    degp = _deg_kernel()(coli, zo)
    d0 = degp[0, :, 0:1]
    d1 = degp[1, :, 0:1]

    s1 = _mm1(xp, gnn_weight1, d0, d1)
    *s1_chunks, dis = s1
    acc1 = _make_conv(4)(*s1_chunks, rowi, coli)
    s2_0, s2_1 = _mm2(acc1, dis, gnn_weight2)
    a2_0, a2_1 = _make_conv(2)(s2_0, s2_1, rowi, coli)
    return _final(x, W_prej, a2_0, a2_1, dis, alpha1.reshape(1, 1))

# --- scband reference (transcript-rebuilt; emitter-appended) ---
"""Pipeline reference for scband-gcn-40673340293347 (READ-ONLY COPY).

The authoritative reference and input builder live on the scoring server;
editing this copy changes nothing except your own understanding.
"""

import jax, jax.numpy as jnp
import numpy as np


def gcn_conv(x, edge_index, W):
    N = x.shape[0]
    loops = jnp.arange(N, dtype=edge_index.dtype)
    row = jnp.concatenate([edge_index[0], loops])
    col = jnp.concatenate([edge_index[1], loops])
    xw = x @ W
    deg = jnp.zeros((N,), dtype=xw.dtype).at[col].add(1.0)
    deg_inv_sqrt = deg ** -0.5
    deg_inv_sqrt = jnp.where(jnp.isinf(deg_inv_sqrt), 0.0, deg_inv_sqrt)
    norm = deg_inv_sqrt[row] * deg_inv_sqrt[col]
    msgs = norm[:, None] * xw[row]
    out = jnp.zeros_like(xw).at[col].add(msgs)
    return out


def setup_inputs(seed: int = 0):
    key = jax.random.key(seed)
    ks = jax.random.split(key, 6)
    N, d_in, d_h, d_out, E = 10000, 256, 512, 256, 160000
    x = jax.random.normal(ks[0], (N, d_in), dtype=jnp.float32)
    edge_index = jax.random.randint(ks[1], (2, E), 0, N, dtype=jnp.int32)
    gnn_weight1 = jax.random.normal(ks[2], (d_in, d_h), dtype=jnp.float32) * 0.05
    gnn_weight2 = jax.random.normal(ks[3], (d_h, d_out), dtype=jnp.float32) * 0.05
    W_prej = jax.random.normal(ks[4], (d_out, d_in), dtype=jnp.float32) * 0.05
    alpha1 = jnp.ones((1,), dtype=jnp.float32)
    return {"x": x, "edge_index": edge_index, "gnn_weight1": gnn_weight1,
            "gnn_weight2": gnn_weight2, "W_prej": W_prej, "alpha1": alpha1}


def reference(x, edge_index, gnn_weight1, gnn_weight2, W_prej, alpha1):
    # prej linear (no bias): x @ W_prej.T
    x0 = x @ W_prej.T
    # conv1
    h = gcn_conv(x, edge_index, gnn_weight1)
    h = jax.nn.relu(h)
    # dropout is identity in eval mode
    # conv2
    h = gcn_conv(h, edge_index, gnn_weight2)
    X = h * alpha1 + x0 * (1.0 - alpha1)
    return jax.nn.log_softmax(X, axis=1)

if __name__ == "__main__":
    import jax
    _d = setup_inputs()
    print(jax.jit(kernel)(*tuple(_d.values())))

</pallas_src>

<mosaic_0001>
#map = affine_map<(d0, d1) -> (0, 0, 0)>
#map1 = affine_map<(d0, d1) -> (0, 0)>
module attributes {stable_mosaic.version = 14 : i64} {
  func.func @_deg_body(%arg0: i32, %arg1: i32, %arg2: memref<16x80x128xi32, #tpu.memory_space<hbm>>, %arg3: memref<256x128xf32, #tpu.memory_space<hbm>>, %arg4: memref<2x10240x128xf32, #tpu.memory_space<hbm>>, %arg5: memref<80x128xi32, #tpu.memory_space<vmem>>, %arg6: memref<128x128xf32, #tpu.memory_space<vmem>>, %arg7: memref<10240x128xf32, #tpu.memory_space<vmem_shared>>) attributes {dimension_semantics = [#tpu.dimension_semantics<core_parallel>, #tpu.dimension_semantics<subcore_parallel>], iteration_bounds = array<i64: 2, 16>, scalar_prefetch = 0 : i64, scratch_operands = 3 : i64, tpu.core_type = #tpu.core_type<sc_vector_subcore>, window_params = [{transform_indices = #map}, {transform_indices = #map1}, {transform_indices = #map}]} {
    "tpu.region"() ({
      %run_scoped3A = tpu.sem_alloc : memref<!tpu.dma_semaphore, #tpu.memory_space<semaphore_mem>>
      %dma_start3A = arith.constant 0 : i32
      %dma_start3A_27 = arith.constant 0 : i32
      %dma_start3A_28 = tpu.memref_slice %arg3[%dma_start3A, %dma_start3A_27] : memref<256x128xf32, #tpu.memory_space<hbm>> -> memref<128x128xf32, #tpu.memory_space<hbm>>
      %dma_start3A_29 = arith.constant 0 : i32
      %dma_start3A_30 = arith.constant 0 : i32
      %dma_start3A_31 = tpu.memref_slice %arg3[%dma_start3A_29, %dma_start3A_30] : memref<256x128xf32, #tpu.memory_space<hbm>> -> memref<128x128xf32, #tpu.memory_space<hbm>>
      tpu.enqueue_dma source(%dma_start3A_31 : memref<128x128xf32, #tpu.memory_space<hbm>>) target(%arg6 : memref<128x128xf32, #tpu.memory_space<vmem>>) target_semaphore(%run_scoped3A : memref<!tpu.dma_semaphore, #tpu.memory_space<semaphore_mem>>)
      %dma_wait3A = arith.constant 0 : i32
      %dma_wait3A_32 = arith.constant 0 : i32
      %dma_wait3A_33 = tpu.memref_slice %arg3[%dma_wait3A, %dma_wait3A_32] : memref<256x128xf32, #tpu.memory_space<hbm>> -> memref<128x128xf32, #tpu.memory_space<hbm>>
      %dma_wait3A_34 = arith.constant 0 : i32
      %dma_wait3A_35 = arith.constant 0 : i32
      %dma_wait3A_36 = tpu.memref_slice %arg3[%dma_wait3A_34, %dma_wait3A_35] : memref<256x128xf32, #tpu.memory_space<hbm>> -> memref<128x128xf32, #tpu.memory_space<hbm>>
      tpu.wait_dma2 semaphore(%run_scoped3A : memref<!tpu.dma_semaphore, #tpu.memory_space<semaphore_mem>>) src(%dma_wait3A_36 : memref<128x128xf32, #tpu.memory_space<hbm>>) dst(%arg6 : memref<128x128xf32, #tpu.memory_space<vmem>>)
      tpu.yield
    }) : () -> ()
    %mul3A = arith.constant 640 : i32
    %mul3A_0 = arith.muli %arg1, %mul3A : i32
    %add3A = arith.constant 0 : i32
    %add3A_1 = arith.addi %mul3A_0, %add3A : i32
    "tpu.region"() ({
      %run_scoped3A = tpu.sem_alloc : memref<!tpu.dma_semaphore, #tpu.memory_space<semaphore_mem>>
      %dma_start3A = arith.constant 0 : i32
      %dma_start3A_27 = tpu.memref_slice %arg7[%add3A_1, %dma_start3A] : memref<10240x128xf32, #tpu.memory_space<vmem_shared>> -> memref<128x128xf32, #tpu.memory_space<vmem_shared>>
      %dma_start3A_28 = arith.constant 128 : i32
      %dma_start3A_29 = arith.constant 0 : i32
      %dma_start3A_30 = tpu.memref_slice %arg3[%dma_start3A_28, %dma_start3A_29] : memref<256x128xf32, #tpu.memory_space<hbm>> -> memref<128x128xf32, #tpu.memory_space<hbm>>
      tpu.enqueue_dma source(%dma_start3A_30 : memref<128x128xf32, #tpu.memory_space<hbm>>) target(%dma_start3A_27 : memref<128x128xf32, #tpu.memory_space<vmem_shared>>) target_semaphore(%run_scoped3A : memref<!tpu.dma_semaphore, #tpu.memory_space<semaphore_mem>>)
      %dma_wait3A = arith.constant 0 : i32
      %dma_wait3A_31 = tpu.memref_slice %arg7[%add3A_1, %dma_wait3A] : memref<10240x128xf32, #tpu.memory_space<vmem_shared>> -> memref<128x128xf32, #tpu.memory_space<vmem_shared>>
      %dma_wait3A_32 = arith.constant 128 : i32
      %dma_wait3A_33 = arith.constant 0 : i32
      %dma_wait3A_34 = tpu.memref_slice %arg3[%dma_wait3A_32, %dma_wait3A_33] : memref<256x128xf32, #tpu.memory_space<hbm>> -> memref<128x128xf32, #tpu.memory_space<hbm>>
      tpu.wait_dma2 semaphore(%run_scoped3A : memref<!tpu.dma_semaphore, #tpu.memory_space<semaphore_mem>>) src(%dma_wait3A_34 : memref<128x128xf32, #tpu.memory_space<hbm>>) dst(%dma_wait3A_31 : memref<128x128xf32, #tpu.memory_space<vmem_shared>>)
      tpu.yield
    }) : () -> ()
    %mul3A_2 = arith.constant 640 : i32
    %mul3A_3 = arith.muli %arg1, %mul3A_2 : i32
    %add3A_4 = arith.constant 128 : i32
    %add3A_5 = arith.addi %mul3A_3, %add3A_4 : i32
    "tpu.region"() ({
      %run_scoped3A = tpu.sem_alloc : memref<!tpu.dma_semaphore, #tpu.memory_space<semaphore_mem>>
      %dma_start3A = arith.constant 0 : i32
      %dma_start3A_27 = tpu.memref_slice %arg7[%add3A_5, %dma_start3A] : memref<10240x128xf32, #tpu.memory_space<vmem_shared>> -> memref<128x128xf32, #tpu.memory_space<vmem_shared>>
      %dma_start3A_28 = arith.constant 128 : i32
      %dma_start3A_29 = arith.constant 0 : i32
      %dma_start3A_30 = tpu.memref_slice %arg3[%dma_start3A_28, %dma_start3A_29] : memref<256x128xf32, #tpu.memory_space<hbm>> -> memref<128x128xf32, #tpu.memory_space<hbm>>
      tpu.enqueue_dma source(%dma_start3A_30 : memref<128x128xf32, #tpu.memory_space<hbm>>) target(%dma_start3A_27 : memref<128x128xf32, #tpu.memory_space<vmem_shared>>) target_semaphore(%run_scoped3A : memref<!tpu.dma_semaphore, #tpu.memory_space<semaphore_mem>>)
      %dma_wait3A = arith.constant 0 : i32
      %dma_wait3A_31 = tpu.memref_slice %arg7[%add3A_5, %dma_wait3A] : memref<10240x128xf32, #tpu.memory_space<vmem_shared>> -> memref<128x128xf32, #tpu.memory_space<vmem_shared>>
      %dma_wait3A_32 = arith.constant 128 : i32
      %dma_wait3A_33 = arith.constant 0 : i32
      %dma_wait3A_34 = tpu.memref_slice %arg3[%dma_wait3A_32, %dma_wait3A_33] : memref<256x128xf32, #tpu.memory_space<hbm>> -> memref<128x128xf32, #tpu.memory_space<hbm>>
      tpu.wait_dma2 semaphore(%run_scoped3A : memref<!tpu.dma_semaphore, #tpu.memory_space<semaphore_mem>>) src(%dma_wait3A_34 : memref<128x128xf32, #tpu.memory_space<hbm>>) dst(%dma_wait3A_31 : memref<128x128xf32, #tpu.memory_space<vmem_shared>>)
      tpu.yield
    }) : () -> ()
    %mul3A_6 = arith.constant 640 : i32
    %mul3A_7 = arith.muli %arg1, %mul3A_6 : i32
    %add3A_8 = arith.constant 256 : i32
    %add3A_9 = arith.addi %mul3A_7, %add3A_8 : i32
    "tpu.region"() ({
      %run_scoped3A = tpu.sem_alloc : memref<!tpu.dma_semaphore, #tpu.memory_space<semaphore_mem>>
      %dma_start3A = arith.constant 0 : i32
      %dma_start3A_27 = tpu.memref_slice %arg7[%add3A_9, %dma_start3A] : memref<10240x128xf32, #tpu.memory_space<vmem_shared>> -> memref<128x128xf32, #tpu.memory_space<vmem_shared>>
      %dma_start3A_28 = arith.constant 128 : i32
      %dma_start3A_29 = arith.constant 0 : i32
      %dma_start3A_30 = tpu.memref_slice %arg3[%dma_start3A_28, %dma_start3A_29] : memref<256x128xf32, #tpu.memory_space<hbm>> -> memref<128x128xf32, #tpu.memory_space<hbm>>
      tpu.enqueue_dma source(%dma_start3A_30 : memref<128x128xf32, #tpu.memory_space<hbm>>) target(%dma_start3A_27 : memref<128x128xf32, #tpu.memory_space<vmem_shared>>) target_semaphore(%run_scoped3A : memref<!tpu.dma_semaphore, #tpu.memory_space<semaphore_mem>>)
      %dma_wait3A = arith.constant 0 : i32
      %dma_wait3A_31 = tpu.memref_slice %arg7[%add3A_9, %dma_wait3A] : memref<10240x128xf32, #tpu.memory_space<vmem_shared>> -> memref<128x128xf32, #tpu.memory_space<vmem_shared>>
      %dma_wait3A_32 = arith.constant 128 : i32
      %dma_wait3A_33 = arith.constant 0 : i32
      %dma_wait3A_34 = tpu.memref_slice %arg3[%dma_wait3A_32, %dma_wait3A_33] : memref<256x128xf32, #tpu.memory_space<hbm>> -> memref<128x128xf32, #tpu.memory_space<hbm>>
      tpu.wait_dma2 semaphore(%run_scoped3A : memref<!tpu.dma_semaphore, #tpu.memory_space<semaphore_mem>>) src(%dma_wait3A_34 : memref<128x128xf32, #tpu.memory_space<hbm>>) dst(%dma_wait3A_31 : memref<128x128xf32, #tpu.memory_space<vmem_shared>>)
      tpu.yield
    }) : () -> ()
    %mul3A_10 = arith.constant 640 : i32
    %mul3A_11 = arith.muli %arg1, %mul3A_10 : i32
    %add3A_12 = arith.constant 384 : i32
    %add3A_13 = arith.addi %mul3A_11, %add3A_12 : i32
    "tpu.region"() ({
      %run_scoped3A = tpu.sem_alloc : memref<!tpu.dma_semaphore, #tpu.memory_space<semaphore_mem>>
      %dma_start3A = arith.constant 0 : i32
      %dma_start3A_27 = tpu.memref_slice %arg7[%add3A_13, %dma_start3A] : memref<10240x128xf32, #tpu.memory_space<vmem_shared>> -> memref<128x128xf32, #tpu.memory_space<vmem_shared>>
      %dma_start3A_28 = arith.constant 128 : i32
      %dma_start3A_29 = arith.constant 0 : i32
      %dma_start3A_30 = tpu.memref_slice %arg3[%dma_start3A_28, %dma_start3A_29] : memref<256x128xf32, #tpu.memory_space<hbm>> -> memref<128x128xf32, #tpu.memory_space<hbm>>
      tpu.enqueue_dma source(%dma_start3A_30 : memref<128x128xf32, #tpu.memory_space<hbm>>) target(%dma_start3A_27 : memref<128x128xf32, #tpu.memory_space<vmem_shared>>) target_semaphore(%run_scoped3A : memref<!tpu.dma_semaphore, #tpu.memory_space<semaphore_mem>>)
      %dma_wait3A = arith.constant 0 : i32
      %dma_wait3A_31 = tpu.memref_slice %arg7[%add3A_13, %dma_wait3A] : memref<10240x128xf32, #tpu.memory_space<vmem_shared>> -> memref<128x128xf32, #tpu.memory_space<vmem_shared>>
      %dma_wait3A_32 = arith.constant 128 : i32
      %dma_wait3A_33 = arith.constant 0 : i32
      %dma_wait3A_34 = tpu.memref_slice %arg3[%dma_wait3A_32, %dma_wait3A_33] : memref<256x128xf32, #tpu.memory_space<hbm>> -> memref<128x128xf32, #tpu.memory_space<hbm>>
      tpu.wait_dma2 semaphore(%run_scoped3A : memref<!tpu.dma_semaphore, #tpu.memory_space<semaphore_mem>>) src(%dma_wait3A_34 : memref<128x128xf32, #tpu.memory_space<hbm>>) dst(%dma_wait3A_31 : memref<128x128xf32, #tpu.memory_space<vmem_shared>>)
      tpu.yield
    }) : () -> ()
    %mul3A_14 = arith.constant 640 : i32
    %mul3A_15 = arith.muli %arg1, %mul3A_14 : i32
    %add3A_16 = arith.constant 512 : i32
    %add3A_17 = arith.addi %mul3A_15, %add3A_16 : i32
    "tpu.region"() ({
      %run_scoped3A = tpu.sem_alloc : memref<!tpu.dma_semaphore, #tpu.memory_space<semaphore_mem>>
      %dma_start3A = arith.constant 0 : i32
      %dma_start3A_27 = tpu.memref_slice %arg7[%add3A_17, %dma_start3A] : memref<10240x128xf32, #tpu.memory_space<vmem_shared>> -> memref<128x128xf32, #tpu.memory_space<vmem_shared>>
      %dma_start3A_28 = arith.constant 128 : i32
      %dma_start3A_29 = arith.constant 0 : i32
      %dma_start3A_30 = tpu.memref_slice %arg3[%dma_start3A_28, %dma_start3A_29] : memref<256x128xf32, #tpu.memory_space<hbm>> -> memref<128x128xf32, #tpu.memory_space<hbm>>
      tpu.enqueue_dma source(%dma_start3A_30 : memref<128x128xf32, #tpu.memory_space<hbm>>) target(%dma_start3A_27 : memref<128x128xf32, #tpu.memory_space<vmem_shared>>) target_semaphore(%run_scoped3A : memref<!tpu.dma_semaphore, #tpu.memory_space<semaphore_mem>>)
      %dma_wait3A = arith.constant 0 : i32
      %dma_wait3A_31 = tpu.memref_slice %arg7[%add3A_17, %dma_wait3A] : memref<10240x128xf32, #tpu.memory_space<vmem_shared>> -> memref<128x128xf32, #tpu.memory_space<vmem_shared>>
      %dma_wait3A_32 = arith.constant 128 : i32
      %dma_wait3A_33 = arith.constant 0 : i32
      %dma_wait3A_34 = tpu.memref_slice %arg3[%dma_wait3A_32, %dma_wait3A_33] : memref<256x128xf32, #tpu.memory_space<hbm>> -> memref<128x128xf32, #tpu.memory_space<hbm>>
      tpu.wait_dma2 semaphore(%run_scoped3A : memref<!tpu.dma_semaphore, #tpu.memory_space<semaphore_mem>>) src(%dma_wait3A_34 : memref<128x128xf32, #tpu.memory_space<hbm>>) dst(%dma_wait3A_31 : memref<128x128xf32, #tpu.memory_space<vmem_shared>>)
      tpu.yield
    }) : () -> ()
    "tpu.region"() ({
      %run_scoped3A = tpu.sem_alloc : memref<!tpu.dma_semaphore, #tpu.memory_space<semaphore_mem>>
      %dma_start3A = arith.constant 0 : i32
      %dma_start3A_27 = arith.constant 0 : i32
      %dma_start3A_28 = tpu.memref_slice %arg2[%arg1, %dma_start3A, %dma_start3A_27] : memref<16x80x128xi32, #tpu.memory_space<hbm>> -> memref<1x80x128xi32, #tpu.memory_space<hbm>>
      %dma_start3A_29 = tpu.memref_squeeze %dma_start3A_28 : memref<1x80x128xi32, #tpu.memory_space<hbm>> -> memref<80x128xi32, #tpu.memory_space<hbm>>
      %dma_start3A_30 = arith.constant 0 : i32
      %dma_start3A_31 = arith.constant 0 : i32
      %dma_start3A_32 = tpu.memref_slice %arg2[%arg1, %dma_start3A_30, %dma_start3A_31] : memref<16x80x128xi32, #tpu.memory_space<hbm>> -> memref<1x80x128xi32, #tpu.memory_space<hbm>>
      %dma_start3A_33 = tpu.memref_squeeze %dma_start3A_32 : memref<1x80x128xi32, #tpu.memory_space<hbm>> -> memref<80x128xi32, #tpu.memory_space<hbm>>
      tpu.enqueue_dma source(%dma_start3A_33 : memref<80x128xi32, #tpu.memory_space<hbm>>) target(%arg5 : memref<80x128xi32, #tpu.memory_space<vmem>>) target_semaphore(%run_scoped3A : memref<!tpu.dma_semaphore, #tpu.memory_space<semaphore_mem>>)
      %dma_wait3A = arith.constant 0 : i32
      %dma_wait3A_34 = arith.constant 0 : i32
      %dma_wait3A_35 = tpu.memref_slice %arg2[%arg1, %dma_wait3A, %dma_wait3A_34] : memref<16x80x128xi32, #tpu.memory_space<hbm>> -> memref<1x80x128xi32, #tpu.memory_space<hbm>>
      %dma_wait3A_36 = tpu.memref_squeeze %dma_wait3A_35 : memref<1x80x128xi32, #tpu.memory_space<hbm>> -> memref<80x128xi32, #tpu.memory_space<hbm>>
      %dma_wait3A_37 = arith.constant 0 : i32
      %dma_wait3A_38 = arith.constant 0 : i32
      %dma_wait3A_39 = tpu.memref_slice %arg2[%arg1, %dma_wait3A_37, %dma_wait3A_38] : memref<16x80x128xi32, #tpu.memory_space<hbm>> -> memref<1x80x128xi32, #tpu.memory_space<hbm>>
      %dma_wait3A_40 = tpu.memref_squeeze %dma_wait3A_39 : memref<1x80x128xi32, #tpu.memory_space<hbm>> -> memref<80x128xi32, #tpu.memory_space<hbm>>
      tpu.wait_dma2 semaphore(%run_scoped3A : memref<!tpu.dma_semaphore, #tpu.memory_space<semaphore_mem>>) src(%dma_wait3A_40 : memref<80x128xi32, #tpu.memory_space<hbm>>) dst(%arg5 : memref<80x128xi32, #tpu.memory_space<vmem>>)
      tpu.yield
    }) : () -> ()
    %barrier3A = arith.constant 0 : index
    tpu.barrier barrier_id(%barrier3A)
    %scan3A = arith.constant 0 : i32
    %scan3A_18 = arith.constant 40 : i32
    %scan3A_19 = arith.addi %scan3A, %scan3A_18 : i32
    %scan3A_20 = arith.constant 1 : i32
    scf.for %scan3A_27 = %scan3A to %scan3A_19 step %scan3A_20  : i32 {
      %mul3A_28 = arith.constant 1 : i32
      %mul3A_29 = arith.muli %scan3A_27, %mul3A_28 : i32
      %add3A_30 = arith.constant 0 : i32
      %add3A_31 = arith.addi %add3A_30, %mul3A_29 : i32
      %mul3A_32 = arith.constant 40 : i32
      %mul3A_33 = arith.muli %arg0, %mul3A_32 : i32
      %add3A_34 = arith.addi %mul3A_33, %add3A_31 : i32
      "tpu.region"() ({
        %run_scoped3A = tpu.sem_alloc : memref<!tpu.dma_semaphore, #tpu.memory_space<semaphore_mem>>
        %dma_start3A = arith.constant 0 : i32
        %dma_start3A_35 = tpu.memref_slice %arg5[%add3A_34, %dma_start3A] : memref<80x128xi32, #tpu.memory_space<vmem>> -> memref<1x128xi32, #tpu.memory_space<vmem>>
        %dma_start3A_36 = tpu.memref_squeeze %dma_start3A_35 : memref<1x128xi32, #tpu.memory_space<vmem>> -> memref<128xi32, #tpu.memory_space<vmem>>
        %dma_start3A_37 = arith.constant 0 : i32
        %dma_start3A_38 = arith.constant 0 : i32
        %dma_start3A_39 = tpu.memref_slice %arg7[%dma_start3A_37, %dma_start3A_38] : memref<10240x128xf32, #tpu.memory_space<vmem_shared>> -> memref<10240x128xf32, #tpu.memory_space<vmem_shared>>
        tpu.enqueue_indirect_dma source(%arg6 : memref<128x128xf32, #tpu.memory_space<vmem>>) target(%dma_start3A_39 : memref<10240x128xf32, #tpu.memory_space<vmem_shared>>) offsets(%dma_start3A_36 : memref<128xi32, #tpu.memory_space<vmem>>) semaphore(%run_scoped3A : memref<!tpu.dma_semaphore, #tpu.memory_space<semaphore_mem>>) {add = true}
        %dma_wait3A = arith.constant 0 : i32
        %dma_wait3A_40 = tpu.memref_slice %arg5[%add3A_34, %dma_wait3A] : memref<80x128xi32, #tpu.memory_space<vmem>> -> memref<1x128xi32, #tpu.memory_space<vmem>>
        %dma_wait3A_41 = tpu.memref_squeeze %dma_wait3A_40 : memref<1x128xi32, #tpu.memory_space<vmem>> -> memref<128xi32, #tpu.memory_space<vmem>>
        %dma_wait3A_42 = arith.constant 0 : i32
        %dma_wait3A_43 = arith.constant 0 : i32
        %dma_wait3A_44 = tpu.memref_slice %arg7[%dma_wait3A_42, %dma_wait3A_43] : memref<10240x128xf32, #tpu.memory_space<vmem_shared>> -> memref<10240x128xf32, #tpu.memory_space<vmem_shared>>
        tpu.wait_indirect_dma semaphore(%run_scoped3A : memref<!tpu.dma_semaphore, #tpu.memory_space<semaphore_mem>>) src(%arg6 : memref<128x128xf32, #tpu.memory_space<vmem>>) dst(%dma_wait3A_44 : memref<10240x128xf32, #tpu.memory_space<vmem_shared>>)
        tpu.yield
      }) : () -> ()
    }
    %scan3A_21 = arith.constant 40 : i32
    %barrier3A_22 = arith.constant 0 : index
    tpu.barrier barrier_id(%barrier3A_22)
    %mul3A_23 = arith.constant 640 : i32
    %mul3A_24 = arith.muli %arg1, %mul3A_23 : i32
    %mul3A_25 = arith.constant 640 : i32
    %mul3A_26 = arith.muli %arg1, %mul3A_25 : i32
    "tpu.region"() ({
      %run_scoped3A = tpu.sem_alloc : memref<!tpu.dma_semaphore, #tpu.memory_space<semaphore_mem>>
      %dma_start3A = arith.constant 0 : i32
      %dma_start3A_27 = tpu.memref_slice %arg4[%arg0, %mul3A_26, %dma_start3A] : memref<2x10240x128xf32, #tpu.memory_space<hbm>> -> memref<1x640x128xf32, #tpu.memory_space<hbm>>
      %dma_start3A_28 = tpu.memref_squeeze %dma_start3A_27 : memref<1x640x128xf32, #tpu.memory_space<hbm>> -> memref<640x128xf32, #tpu.memory_space<hbm>>
      %dma_start3A_29 = arith.constant 0 : i32
      %dma_start3A_30 = tpu.memref_slice %arg7[%mul3A_24, %dma_start3A_29] : memref<10240x128xf32, #tpu.memory_space<vmem_shared>> -> memref<640x128xf32, #tpu.memory_space<vmem_shared>>
      tpu.enqueue_dma source(%dma_start3A_30 : memref<640x128xf32, #tpu.memory_space<vmem_shared>>) target(%dma_start3A_28 : memref<640x128xf32, #tpu.memory_space<hbm>>) target_semaphore(%run_scoped3A : memref<!tpu.dma_semaphore, #tpu.memory_space<semaphore_mem>>)
      %dma_wait3A = arith.constant 0 : i32
      %dma_wait3A_31 = tpu.memref_slice %arg4[%arg0, %mul3A_26, %dma_wait3A] : memref<2x10240x128xf32, #tpu.memory_space<hbm>> -> memref<1x640x128xf32, #tpu.memory_space<hbm>>
      %dma_wait3A_32 = tpu.memref_squeeze %dma_wait3A_31 : memref<1x640x128xf32, #tpu.memory_space<hbm>> -> memref<640x128xf32, #tpu.memory_space<hbm>>
      %dma_wait3A_33 = arith.constant 0 : i32
      %dma_wait3A_34 = tpu.memref_slice %arg7[%mul3A_24, %dma_wait3A_33] : memref<10240x128xf32, #tpu.memory_space<vmem_shared>> -> memref<640x128xf32, #tpu.memory_space<vmem_shared>>
      tpu.wait_dma2 semaphore(%run_scoped3A : memref<!tpu.dma_semaphore, #tpu.memory_space<semaphore_mem>>) src(%dma_wait3A_34 : memref<640x128xf32, #tpu.memory_space<vmem_shared>>) dst(%dma_wait3A_32 : memref<640x128xf32, #tpu.memory_space<hbm>>)
      tpu.yield
    }) : () -> ()
    return
  }
}

#map = affine_map<(d0, d1) -> (0, 0)>
#map1 = affine_map<(d0, d1) -> (0, 0, 0)>
module attributes {stable_mosaic.version = 14 : i64} {
  func.func @_conv_body(%arg0: i32, %arg1: i32, %arg2: memref<10240x128xf32, #tpu.memory_space<hbm>>, %arg3: memref<10240x128xf32, #tpu.memory_space<hbm>>, %arg4: memref<16x80x128xi32, #tpu.memory_space<hbm>>, %arg5: memref<16x80x128xi32, #tpu.memory_space<hbm>>, %arg6: memref<10240x128xf32, #tpu.memory_space<hbm>>, %arg7: memref<10240x128xf32, #tpu.memory_space<hbm>>, %arg8: memref<40x128xi32, #tpu.memory_space<vmem>>, %arg9: memref<40x128xi32, #tpu.memory_space<vmem>>, %arg10: memref<128x128xf32, #tpu.memory_space<vmem>>, %arg11: memref<128x128xf32, #tpu.memory_space<vmem>>, %arg12: memref<10240x128xf32, #tpu.memory_space<vmem_shared>>, %arg13: memref<!tpu.dma_semaphore, #tpu.memory_space<semaphore_mem>>, %arg14: memref<!tpu.dma_semaphore, #tpu.memory_space<semaphore_mem>>, %arg15: memref<!tpu.dma_semaphore, #tpu.memory_space<semaphore_mem>>, %arg16: memref<!tpu.dma_semaphore, #tpu.memory_space<semaphore_mem>>) attributes {dimension_semantics = [#tpu.dimension_semantics<core_parallel>, #tpu.dimension_semantics<subcore_parallel>], iteration_bounds = array<i64: 2, 16>, scalar_prefetch = 0 : i64, scratch_operands = 9 : i64, tpu.core_type = #tpu.core_type<sc_vector_subcore>, window_params = [{transform_indices = #map}, {transform_indices = #map}, {transform_indices = #map1}, {transform_indices = #map1}, {transform_indices = #map}, {transform_indices = #map}]} {
    %eq3A = arith.constant 0 : i32
    %eq3A_0 = arith.cmpi eq, %arg0, %eq3A : i32
    %convert_element_type3A = arith.extui %eq3A_0 : i1 to i32
    %cond3A = arith.constant 0 : i32
    %cond3A_1 = arith.cmpi ne, %convert_element_type3A, %cond3A : i32
    scf.if %cond3A_1 {
      %mul3A = arith.constant 640 : i32
      %mul3A_7 = arith.muli %arg1, %mul3A : i32
      %mul3A_8 = arith.constant 640 : i32
      %mul3A_9 = arith.muli %arg1, %mul3A_8 : i32
      "tpu.region"() ({
        %run_scoped3A_82 = tpu.sem_alloc : memref<!tpu.dma_semaphore, #tpu.memory_space<semaphore_mem>>
        %dma_start3A_83 = arith.constant 0 : i32
        %dma_start3A_84 = tpu.memref_slice %arg12[%mul3A_9, %dma_start3A_83] : memref<10240x128xf32, #tpu.memory_space<vmem_shared>> -> memref<640x128xf32, #tpu.memory_space<vmem_shared>>
        %dma_start3A_85 = arith.constant 0 : i32
        %dma_start3A_86 = tpu.memref_slice %arg2[%mul3A_7, %dma_start3A_85] : memref<10240x128xf32, #tpu.memory_space<hbm>> -> memref<640x128xf32, #tpu.memory_space<hbm>>
        tpu.enqueue_dma source(%dma_start3A_86 : memref<640x128xf32, #tpu.memory_space<hbm>>) target(%dma_start3A_84 : memref<640x128xf32, #tpu.memory_space<vmem_shared>>) target_semaphore(%run_scoped3A_82 : memref<!tpu.dma_semaphore, #tpu.memory_space<semaphore_mem>>)
        %dma_wait3A_87 = arith.constant 0 : i32
        %dma_wait3A_88 = tpu.memref_slice %arg12[%mul3A_9, %dma_wait3A_87] : memref<10240x128xf32, #tpu.memory_space<vmem_shared>> -> memref<640x128xf32, #tpu.memory_space<vmem_shared>>
        %dma_wait3A_89 = arith.constant 0 : i32
        %dma_wait3A_90 = tpu.memref_slice %arg2[%mul3A_7, %dma_wait3A_89] : memref<10240x128xf32, #tpu.memory_space<hbm>> -> memref<640x128xf32, #tpu.memory_space<hbm>>
        tpu.wait_dma2 semaphore(%run_scoped3A_82 : memref<!tpu.dma_semaphore, #tpu.memory_space<semaphore_mem>>) src(%dma_wait3A_90 : memref<640x128xf32, #tpu.memory_space<hbm>>) dst(%dma_wait3A_88 : memref<640x128xf32, #tpu.memory_space<vmem_shared>>)
        tpu.yield
      }) : () -> ()
      %barrier3A = arith.constant 0 : index
      tpu.barrier barrier_id(%barrier3A)
      "tpu.region"() ({
        %run_scoped3A_82 = tpu.sem_alloc : memref<!tpu.dma_semaphore, #tpu.memory_space<semaphore_mem>>
        %dma_start3A_83 = arith.constant 0 : i32
        %dma_start3A_84 = arith.constant 0 : i32
        %dma_start3A_85 = tpu.memref_slice %arg4[%arg1, %dma_start3A_83, %dma_start3A_84] : memref<16x80x128xi32, #tpu.memory_space<hbm>> -> memref<1x40x128xi32, #tpu.memory_space<hbm>>
        %dma_start3A_86 = tpu.memref_squeeze %dma_start3A_85 : memref<1x40x128xi32, #tpu.memory_space<hbm>> -> memref<40x128xi32, #tpu.memory_space<hbm>>
        %dma_start3A_87 = arith.constant 0 : i32
        %dma_start3A_88 = arith.constant 0 : i32
        %dma_start3A_89 = tpu.memref_slice %arg4[%arg1, %dma_start3A_87, %dma_start3A_88] : memref<16x80x128xi32, #tpu.memory_space<hbm>> -> memref<1x40x128xi32, #tpu.memory_space<hbm>>
        %dma_start3A_90 = tpu.memref_squeeze %dma_start3A_89 : memref<1x40x128xi32, #tpu.memory_space<hbm>> -> memref<40x128xi32, #tpu.memory_space<hbm>>
        tpu.enqueue_dma source(%dma_start3A_90 : memref<40x128xi32, #tpu.memory_space<hbm>>) target(%arg8 : memref<40x128xi32, #tpu.memory_space<vmem>>) target_semaphore(%run_scoped3A_82 : memref<!tpu.dma_semaphore, #tpu.memory_space<semaphore_mem>>)
        %dma_wait3A_91 = arith.constant 0 : i32
        %dma_wait3A_92 = arith.constant 0 : i32
        %dma_wait3A_93 = tpu.memref_slice %arg4[%arg1, %dma_wait3A_91, %dma_wait3A_92] : memref<16x80x128xi32, #tpu.memory_space<hbm>> -> memref<1x40x128xi32, #tpu.memory_space<hbm>>
        %dma_wait3A_94 = tpu.memref_squeeze %dma_wait3A_93 : memref<1x40x128xi32, #tpu.memory_space<hbm>> -> memref<40x128xi32, #tpu.memory_space<hbm>>
        %dma_wait3A_95 = arith.constant 0 : i32
        %dma_wait3A_96 = arith.constant 0 : i32
        %dma_wait3A_97 = tpu.memref_slice %arg4[%arg1, %dma_wait3A_95, %dma_wait3A_96] : memref<16x80x128xi32, #tpu.memory_space<hbm>> -> memref<1x40x128xi32, #tpu.memory_space<hbm>>
        %dma_wait3A_98 = tpu.memref_squeeze %dma_wait3A_97 : memref<1x40x128xi32, #tpu.memory_space<hbm>> -> memref<40x128xi32, #tpu.memory_space<hbm>>
        tpu.wait_dma2 semaphore(%run_scoped3A_82 : memref<!tpu.dma_semaphore, #tpu.memory_space<semaphore_mem>>) src(%dma_wait3A_98 : memref<40x128xi32, #tpu.memory_space<hbm>>) dst(%arg8 : memref<40x128xi32, #tpu.memory_space<vmem>>)
        tpu.yield
      }) : () -> ()
      "tpu.region"() ({
        %run_scoped3A_82 = tpu.sem_alloc : memref<!tpu.dma_semaphore, #tpu.memory_space<semaphore_mem>>
        %dma_start3A_83 = arith.constant 0 : i32
        %dma_start3A_84 = arith.constant 0 : i32
        %dma_start3A_85 = tpu.memref_slice %arg5[%arg1, %dma_start3A_83, %dma_start3A_84] : memref<16x80x128xi32, #tpu.memory_space<hbm>> -> memref<1x40x128xi32, #tpu.memory_space<hbm>>
        %dma_start3A_86 = tpu.memref_squeeze %dma_start3A_85 : memref<1x40x128xi32, #tpu.memory_space<hbm>> -> memref<40x128xi32, #tpu.memory_space<hbm>>
        %dma_start3A_87 = arith.constant 0 : i32
        %dma_start3A_88 = arith.constant 0 : i32
        %dma_start3A_89 = tpu.memref_slice %arg5[%arg1, %dma_start3A_87, %dma_start3A_88] : memref<16x80x128xi32, #tpu.memory_space<hbm>> -> memref<1x40x128xi32, #tpu.memory_space<hbm>>
        %dma_start3A_90 = tpu.memref_squeeze %dma_start3A_89 : memref<1x40x128xi32, #tpu.memory_space<hbm>> -> memref<40x128xi32, #tpu.memory_space<hbm>>
        tpu.enqueue_dma source(%dma_start3A_90 : memref<40x128xi32, #tpu.memory_space<hbm>>) target(%arg9 : memref<40x128xi32, #tpu.memory_space<vmem>>) target_semaphore(%run_scoped3A_82 : memref<!tpu.dma_semaphore, #tpu.memory_space<semaphore_mem>>)
        %dma_wait3A_91 = arith.constant 0 : i32
        %dma_wait3A_92 = arith.constant 0 : i32
        %dma_wait3A_93 = tpu.memref_slice %arg5[%arg1, %dma_wait3A_91, %dma_wait3A_92] : memref<16x80x128xi32, #tpu.memory_space<hbm>> -> memref<1x40x128xi32, #tpu.memory_space<hbm>>
        %dma_wait3A_94 = tpu.memref_squeeze %dma_wait3A_93 : memref<1x40x128xi32, #tpu.memory_space<hbm>> -> memref<40x128xi32, #tpu.memory_space<hbm>>
        %dma_wait3A_95 = arith.constant 0 : i32
        %dma_wait3A_96 = arith.constant 0 : i32
        %dma_wait3A_97 = tpu.memref_slice %arg5[%arg1, %dma_wait3A_95, %dma_wait3A_96] : memref<16x80x128xi32, #tpu.memory_space<hbm>> -> memref<1x40x128xi32, #tpu.memory_space<hbm>>
        %dma_wait3A_98 = tpu.memref_squeeze %dma_wait3A_97 : memref<1x40x128xi32, #tpu.memory_space<hbm>> -> memref<40x128xi32, #tpu.memory_space<hbm>>
        tpu.wait_dma2 semaphore(%run_scoped3A_82 : memref<!tpu.dma_semaphore, #tpu.memory_space<semaphore_mem>>) src(%dma_wait3A_98 : memref<40x128xi32, #tpu.memory_space<hbm>>) dst(%arg9 : memref<40x128xi32, #tpu.memory_space<vmem>>)
        tpu.yield
      }) : () -> ()
      %dma_start3A = arith.constant 0 : i32
      %dma_start3A_10 = arith.constant 0 : i32
      %dma_start3A_11 = tpu.memref_slice %arg8[%dma_start3A, %dma_start3A_10] : memref<40x128xi32, #tpu.memory_space<vmem>> -> memref<1x128xi32, #tpu.memory_space<vmem>>
      %dma_start3A_12 = tpu.memref_squeeze %dma_start3A_11 : memref<1x128xi32, #tpu.memory_space<vmem>> -> memref<128xi32, #tpu.memory_space<vmem>>
      %dma_start3A_13 = arith.constant 0 : i32
      %dma_start3A_14 = arith.constant 0 : i32
      %dma_start3A_15 = tpu.memref_slice %arg2[%dma_start3A_13, %dma_start3A_14] : memref<10240x128xf32, #tpu.memory_space<hbm>> -> memref<10240x128xf32, #tpu.memory_space<hbm>>
      tpu.enqueue_indirect_dma source(%dma_start3A_15 : memref<10240x128xf32, #tpu.memory_space<hbm>>) target(%arg10 : memref<128x128xf32, #tpu.memory_space<vmem>>) offsets(%dma_start3A_12 : memref<128xi32, #tpu.memory_space<vmem>>) semaphore(%arg13 : memref<!tpu.dma_semaphore, #tpu.memory_space<semaphore_mem>>)
      %dma_start3A_16 = arith.constant 1 : i32
      %dma_start3A_17 = arith.constant 0 : i32
      %dma_start3A_18 = tpu.memref_slice %arg8[%dma_start3A_16, %dma_start3A_17] : memref<40x128xi32, #tpu.memory_space<vmem>> -> memref<1x128xi32, #tpu.memory_space<vmem>>
      %dma_start3A_19 = tpu.memref_squeeze %dma_start3A_18 : memref<1x128xi32, #tpu.memory_space<vmem>> -> memref<128xi32, #tpu.memory_space<vmem>>
      %dma_start3A_20 = arith.constant 0 : i32
      %dma_start3A_21 = arith.constant 0 : i32
      %dma_start3A_22 = tpu.memref_slice %arg2[%dma_start3A_20, %dma_start3A_21] : memref<10240x128xf32, #tpu.memory_space<hbm>> -> memref<10240x128xf32, #tpu.memory_space<hbm>>
      tpu.enqueue_indirect_dma source(%dma_start3A_22 : memref<10240x128xf32, #tpu.memory_space<hbm>>) target(%arg11 : memref<128x128xf32, #tpu.memory_space<vmem>>) offsets(%dma_start3A_19 : memref<128xi32, #tpu.memory_space<vmem>>) semaphore(%arg14 : memref<!tpu.dma_semaphore, #tpu.memory_space<semaphore_mem>>)
      %scan3A = arith.constant 0 : i32
      %scan3A_23 = arith.constant 19 : i32
      %scan3A_24 = arith.addi %scan3A, %scan3A_23 : i32
      %scan3A_25 = arith.constant 1 : i32
      scf.for %scan3A_82 = %scan3A to %scan3A_24 step %scan3A_25  : i32 {
        %mul3A_83 = arith.constant 1 : i32
        %mul3A_84 = arith.muli %scan3A_82, %mul3A_83 : i32
        %add3A = arith.constant 0 : i32
        %add3A_85 = arith.addi %add3A, %mul3A_84 : i32
        %mul3A_86 = arith.constant 2 : i32
        %mul3A_87 = arith.muli %mul3A_86, %add3A_85 : i32
        %dma_wait3A_88 = arith.constant 0 : i32
        %dma_wait3A_89 = tpu.memref_slice %arg8[%mul3A_87, %dma_wait3A_88] : memref<40x128xi32, #tpu.memory_space<vmem>> -> memref<1x128xi32, #tpu.memory_space<vmem>>
        %dma_wait3A_90 = tpu.memref_squeeze %dma_wait3A_89 : memref<1x128xi32, #tpu.memory_space<vmem>> -> memref<128xi32, #tpu.memory_space<vmem>>
        %dma_wait3A_91 = arith.constant 0 : i32
        %dma_wait3A_92 = arith.constant 0 : i32
        %dma_wait3A_93 = tpu.memref_slice %arg2[%dma_wait3A_91, %dma_wait3A_92] : memref<10240x128xf32, #tpu.memory_space<hbm>> -> memref<10240x128xf32, #tpu.memory_space<hbm>>
        tpu.wait_indirect_dma semaphore(%arg13 : memref<!tpu.dma_semaphore, #tpu.memory_space<semaphore_mem>>) src(%dma_wait3A_93 : memref<10240x128xf32, #tpu.memory_space<hbm>>) dst(%arg10 : memref<128x128xf32, #tpu.memory_space<vmem>>)
        %mul3A_94 = arith.constant 2 : i32
        %mul3A_95 = arith.muli %mul3A_94, %add3A_85 : i32
        %dma_start3A_96 = arith.constant 0 : i32
        %dma_start3A_97 = tpu.memref_slice %arg9[%mul3A_95, %dma_start3A_96] : memref<40x128xi32, #tpu.memory_space<vmem>> -> memref<1x128xi32, #tpu.memory_space<vmem>>
        %dma_start3A_98 = tpu.memref_squeeze %dma_start3A_97 : memref<1x128xi32, #tpu.memory_space<vmem>> -> memref<128xi32, #tpu.memory_space<vmem>>
        %dma_start3A_99 = arith.constant 0 : i32
        %dma_start3A_100 = arith.constant 0 : i32
        %dma_start3A_101 = tpu.memref_slice %arg12[%dma_start3A_99, %dma_start3A_100] : memref<10240x128xf32, #tpu.memory_space<vmem_shared>> -> memref<10240x128xf32, #tpu.memory_space<vmem_shared>>
        tpu.enqueue_indirect_dma source(%arg10 : memref<128x128xf32, #tpu.memory_space<vmem>>) target(%dma_start3A_101 : memref<10240x128xf32, #tpu.memory_space<vmem_shared>>) offsets(%dma_start3A_98 : memref<128xi32, #tpu.memory_space<vmem>>) semaphore(%arg15 : memref<!tpu.dma_semaphore, #tpu.memory_space<semaphore_mem>>) {add = true}
        %mul3A_102 = arith.constant 2 : i32
        %mul3A_103 = arith.muli %mul3A_102, %add3A_85 : i32
        %add3A_104 = arith.constant 1 : i32
        %add3A_105 = arith.addi %mul3A_103, %add3A_104 : i32
        %dma_wait3A_106 = arith.constant 0 : i32
        %dma_wait3A_107 = tpu.memref_slice %arg8[%add3A_105, %dma_wait3A_106] : memref<40x128xi32, #tpu.memory_space<vmem>> -> memref<1x128xi32, #tpu.memory_space<vmem>>
        %dma_wait3A_108 = tpu.memref_squeeze %dma_wait3A_107 : memref<1x128xi32, #tpu.memory_space<vmem>> -> memref<128xi32, #tpu.memory_space<vmem>>
        %dma_wait3A_109 = arith.constant 0 : i32
        %dma_wait3A_110 = arith.constant 0 : i32
        %dma_wait3A_111 = tpu.memref_slice %arg2[%dma_wait3A_109, %dma_wait3A_110] : memref<10240x128xf32, #tpu.memory_space<hbm>> -> memref<10240x128xf32, #tpu.memory_space<hbm>>
        tpu.wait_indirect_dma semaphore(%arg14 : memref<!tpu.dma_semaphore, #tpu.memory_space<semaphore_mem>>) src(%dma_wait3A_111 : memref<10240x128xf32, #tpu.memory_space<hbm>>) dst(%arg11 : memref<128x128xf32, #tpu.memory_space<vmem>>)
        %dma_wait3A_112 = arith.constant 0 : i32
        %dma_wait3A_113 = tpu.memref_slice %arg9[%mul3A_95, %dma_wait3A_112] : memref<40x128xi32, #tpu.memory_space<vmem>> -> memref<1x128xi32, #tpu.memory_space<vmem>>
        %dma_wait3A_114 = tpu.memref_squeeze %dma_wait3A_113 : memref<1x128xi32, #tpu.memory_space<vmem>> -> memref<128xi32, #tpu.memory_space<vmem>>
        %dma_wait3A_115 = arith.constant 0 : i32
        %dma_wait3A_116 = arith.constant 0 : i32
        %dma_wait3A_117 = tpu.memref_slice %arg12[%dma_wait3A_115, %dma_wait3A_116] : memref<10240x128xf32, #tpu.memory_space<vmem_shared>> -> memref<10240x128xf32, #tpu.memory_space<vmem_shared>>
        tpu.wait_indirect_dma semaphore(%arg15 : memref<!tpu.dma_semaphore, #tpu.memory_space<semaphore_mem>>) src(%arg10 : memref<128x128xf32, #tpu.memory_space<vmem>>) dst(%dma_wait3A_117 : memref<10240x128xf32, #tpu.memory_space<vmem_shared>>)
        %mul3A_118 = arith.constant 2 : i32
        %mul3A_119 = arith.muli %mul3A_118, %add3A_85 : i32
        %add3A_120 = arith.constant 2 : i32
        %add3A_121 = arith.addi %mul3A_119, %add3A_120 : i32
        %dma_start3A_122 = arith.constant 0 : i32
        %dma_start3A_123 = tpu.memref_slice %arg8[%add3A_121, %dma_start3A_122] : memref<40x128xi32, #tpu.memory_space<vmem>> -> memref<1x128xi32, #tpu.memory_space<vmem>>
        %dma_start3A_124 = tpu.memref_squeeze %dma_start3A_123 : memref<1x128xi32, #tpu.memory_space<vmem>> -> memref<128xi32, #tpu.memory_space<vmem>>
        %dma_start3A_125 = arith.constant 0 : i32
        %dma_start3A_126 = arith.constant 0 : i32
        %dma_start3A_127 = tpu.memref_slice %arg2[%dma_start3A_125, %dma_start3A_126] : memref<10240x128xf32, #tpu.memory_space<hbm>> -> memref<10240x128xf32, #tpu.memory_space<hbm>>
        tpu.enqueue_indirect_dma source(%dma_start3A_127 : memref<10240x128xf32, #tpu.memory_space<hbm>>) target(%arg10 : memref<128x128xf32, #tpu.memory_space<vmem>>) offsets(%dma_start3A_124 : memref<128xi32, #tpu.memory_space<vmem>>) semaphore(%arg13 : memref<!tpu.dma_semaphore, #tpu.memory_space<semaphore_mem>>)
        %mul3A_128 = arith.constant 2 : i32
        %mul3A_129 = arith.muli %mul3A_128, %add3A_85 : i32
        %add3A_130 = arith.constant 1 : i32
        %add3A_131 = arith.addi %mul3A_129, %add3A_130 : i32
        %dma_start3A_132 = arith.constant 0 : i32
        %dma_start3A_133 = tpu.memref_slice %arg9[%add3A_131, %dma_start3A_132] : memref<40x128xi32, #tpu.memory_space<vmem>> -> memref<1x128xi32, #tpu.memory_space<vmem>>
        %dma_start3A_134 = tpu.memref_squeeze %dma_start3A_133 : memref<1x128xi32, #tpu.memory_space<vmem>> -> memref<128xi32, #tpu.memory_space<vmem>>
        %dma_start3A_135 = arith.constant 0 : i32
        %dma_start3A_136 = arith.constant 0 : i32
        %dma_start3A_137 = tpu.memref_slice %arg12[%dma_start3A_135, %dma_start3A_136] : memref<10240x128xf32, #tpu.memory_space<vmem_shared>> -> memref<10240x128xf32, #tpu.memory_space<vmem_shared>>
        tpu.enqueue_indirect_dma source(%arg11 : memref<128x128xf32, #tpu.memory_space<vmem>>) target(%dma_start3A_137 : memref<10240x128xf32, #tpu.memory_space<vmem_shared>>) offsets(%dma_start3A_134 : memref<128xi32, #tpu.memory_space<vmem>>) semaphore(%arg16 : memref<!tpu.dma_semaphore, #tpu.memory_space<semaphore_mem>>) {add = true}
        %dma_wait3A_138 = arith.constant 0 : i32
        %dma_wait3A_139 = tpu.memref_slice %arg9[%add3A_131, %dma_wait3A_138] : memref<40x128xi32, #tpu.memory_space<vmem>> -> memref<1x128xi32, #tpu.memory_space<vmem>>
        %dma_wait3A_140 = tpu.memref_squeeze %dma_wait3A_139 : memref<1x128xi32, #tpu.memory_space<vmem>> -> memref<128xi32, #tpu.memory_space<vmem>>
        %dma_wait3A_141 = arith.constant 0 : i32
        %dma_wait3A_142 = arith.constant 0 : i32
        %dma_wait3A_143 = tpu.memref_slice %arg12[%dma_wait3A_141, %dma_wait3A_142] : memref<10240x128xf32, #tpu.memory_space<vmem_shared>> -> memref<10240x128xf32, #tpu.memory_space<vmem_shared>>
        tpu.wait_indirect_dma semaphore(%arg16 : memref<!tpu.dma_semaphore, #tpu.memory_space<semaphore_mem>>) src(%arg11 : memref<128x128xf32, #tpu.memory_space<vmem>>) dst(%dma_wait3A_143 : memref<10240x128xf32, #tpu.memory_space<vmem_shared>>)
        %mul3A_144 = arith.constant 2 : i32
        %mul3A_145 = arith.muli %mul3A_144, %add3A_85 : i32
        %add3A_146 = arith.constant 3 : i32
        %add3A_147 = arith.addi %mul3A_145, %add3A_146 : i32
        %dma_start3A_148 = arith.constant 0 : i32
        %dma_start3A_149 = tpu.memref_slice %arg8[%add3A_147, %dma_start3A_148] : memref<40x128xi32, #tpu.memory_space<vmem>> -> memref<1x128xi32, #tpu.memory_space<vmem>>
        %dma_start3A_150 = tpu.memref_squeeze %dma_start3A_149 : memref<1x128xi32, #tpu.memory_space<vmem>> -> memref<128xi32, #tpu.memory_space<vmem>>
        %dma_start3A_151 = arith.constant 0 : i32
        %dma_start3A_152 = arith.constant 0 : i32
        %dma_start3A_153 = tpu.memref_slice %arg2[%dma_start3A_151, %dma_start3A_152] : memref<10240x128xf32, #tpu.memory_space<hbm>> -> memref<10240x128xf32, #tpu.memory_space<hbm>>
        tpu.enqueue_indirect_dma source(%dma_start3A_153 : memref<10240x128xf32, #tpu.memory_space<hbm>>) target(%arg11 : memref<128x128xf32, #tpu.memory_space<vmem>>) offsets(%dma_start3A_150 : memref<128xi32, #tpu.memory_space<vmem>>) semaphore(%arg14 : memref<!tpu.dma_semaphore, #tpu.memory_space<semaphore_mem>>)
      }
      %scan3A_26 = arith.constant 19 : i32
      %dma_wait3A = arith.constant 38 : i32
      %dma_wait3A_27 = arith.constant 0 : i32
      %dma_wait3A_28 = tpu.memref_slice %arg8[%dma_wait3A, %dma_wait3A_27] : memref<40x128xi32, #tpu.memory_space<vmem>> -> memref<1x128xi32, #tpu.memory_space<vmem>>
      %dma_wait3A_29 = tpu.memref_squeeze %dma_wait3A_28 : memref<1x128xi32, #tpu.memory_space<vmem>> -> memref<128xi32, #tpu.memory_space<vmem>>
      %dma_wait3A_30 = arith.constant 0 : i32
      %dma_wait3A_31 = arith.constant 0 : i32
      %dma_wait3A_32 = tpu.memref_slice %arg2[%dma_wait3A_30, %dma_wait3A_31] : memref<10240x128xf32, #tpu.memory_space<hbm>> -> memref<10240x128xf32, #tpu.memory_space<hbm>>
      tpu.wait_indirect_dma semaphore(%arg13 : memref<!tpu.dma_semaphore, #tpu.memory_space<semaphore_mem>>) src(%dma_wait3A_32 : memref<10240x128xf32, #tpu.memory_space<hbm>>) dst(%arg10 : memref<128x128xf32, #tpu.memory_space<vmem>>)
      %run_scoped3A = arith.constant 38 : i32
      "tpu.region"() ({
        %run_scoped3A_82 = tpu.sem_alloc : memref<!tpu.dma_semaphore, #tpu.memory_space<semaphore_mem>>
        %dma_start3A_83 = arith.constant 0 : i32
        %dma_start3A_84 = tpu.memref_slice %arg9[%run_scoped3A, %dma_start3A_83] : memref<40x128xi32, #tpu.memory_space<vmem>> -> memref<1x128xi32, #tpu.memory_space<vmem>>
        %dma_start3A_85 = tpu.memref_squeeze %dma_start3A_84 : memref<1x128xi32, #tpu.memory_space<vmem>> -> memref<128xi32, #tpu.memory_space<vmem>>
        %dma_start3A_86 = arith.constant 0 : i32
        %dma_start3A_87 = arith.constant 0 : i32
        %dma_start3A_88 = tpu.memref_slice %arg12[%dma_start3A_86, %dma_start3A_87] : memref<10240x128xf32, #tpu.memory_space<vmem_shared>> -> memref<10240x128xf32, #tpu.memory_space<vmem_shared>>
        tpu.enqueue_indirect_dma source(%arg10 : memref<128x128xf32, #tpu.memory_space<vmem>>) target(%dma_start3A_88 : memref<10240x128xf32, #tpu.memory_space<vmem_shared>>) offsets(%dma_start3A_85 : memref<128xi32, #tpu.memory_space<vmem>>) semaphore(%run_scoped3A_82 : memref<!tpu.dma_semaphore, #tpu.memory_space<semaphore_mem>>) {add = true}
        %dma_wait3A_89 = arith.constant 0 : i32
        %dma_wait3A_90 = tpu.memref_slice %arg9[%run_scoped3A, %dma_wait3A_89] : memref<40x128xi32, #tpu.memory_space<vmem>> -> memref<1x128xi32, #tpu.memory_space<vmem>>
        %dma_wait3A_91 = tpu.memref_squeeze %dma_wait3A_90 : memref<1x128xi32, #tpu.memory_space<vmem>> -> memref<128xi32, #tpu.memory_space<vmem>>
        %dma_wait3A_92 = arith.constant 0 : i32
        %dma_wait3A_93 = arith.constant 0 : i32
        %dma_wait3A_94 = tpu.memref_slice %arg12[%dma_wait3A_92, %dma_wait3A_93] : memref<10240x128xf32, #tpu.memory_space<vmem_shared>> -> memref<10240x128xf32, #tpu.memory_space<vmem_shared>>
        tpu.wait_indirect_dma semaphore(%run_scoped3A_82 : memref<!tpu.dma_semaphore, #tpu.memory_space<semaphore_mem>>) src(%arg10 : memref<128x128xf32, #tpu.memory_space<vmem>>) dst(%dma_wait3A_94 : memref<10240x128xf32, #tpu.memory_space<vmem_shared>>)
        tpu.yield
      }) : () -> ()
      %dma_wait3A_33 = arith.constant 39 : i32
      %dma_wait3A_34 = arith.constant 0 : i32
      %dma_wait3A_35 = tpu.memref_slice %arg8[%dma_wait3A_33, %dma_wait3A_34] : memref<40x128xi32, #tpu.memory_space<vmem>> -> memref<1x128xi32, #tpu.memory_space<vmem>>
      %dma_wait3A_36 = tpu.memref_squeeze %dma_wait3A_35 : memref<1x128xi32, #tpu.memory_space<vmem>> -> memref<128xi32, #tpu.memory_space<vmem>>
      %dma_wait3A_37 = arith.constant 0 : i32
      %dma_wait3A_38 = arith.constant 0 : i32
      %dma_wait3A_39 = tpu.memref_slice %arg2[%dma_wait3A_37, %dma_wait3A_38] : memref<10240x128xf32, #tpu.memory_space<hbm>> -> memref<10240x128xf32, #tpu.memory_space<hbm>>
      tpu.wait_indirect_dma semaphore(%arg14 : memref<!tpu.dma_semaphore, #tpu.memory_space<semaphore_mem>>) src(%dma_wait3A_39 : memref<10240x128xf32, #tpu.memory_space<hbm>>) dst(%arg11 : memref<128x128xf32, #tpu.memory_space<vmem>>)
      %run_scoped3A_40 = arith.constant 39 : i32
      "tpu.region"() ({
        %run_scoped3A_82 = tpu.sem_alloc : memref<!tpu.dma_semaphore, #tpu.memory_space<semaphore_mem>>
        %dma_start3A_83 = arith.constant 0 : i32
        %dma_start3A_84 = tpu.memref_slice %arg9[%run_scoped3A_40, %dma_start3A_83] : memref<40x128xi32, #tpu.memory_space<vmem>> -> memref<1x128xi32, #tpu.memory_space<vmem>>
        %dma_start3A_85 = tpu.memref_squeeze %dma_start3A_84 : memref<1x128xi32, #tpu.memory_space<vmem>> -> memref<128xi32, #tpu.memory_space<vmem>>
        %dma_start3A_86 = arith.constant 0 : i32
        %dma_start3A_87 = arith.constant 0 : i32
        %dma_start3A_88 = tpu.memref_slice %arg12[%dma_start3A_86, %dma_start3A_87] : memref<10240x128xf32, #tpu.memory_space<vmem_shared>> -> memref<10240x128xf32, #tpu.memory_space<vmem_shared>>
        tpu.enqueue_indirect_dma source(%arg11 : memref<128x128xf32, #tpu.memory_space<vmem>>) target(%dma_start3A_88 : memref<10240x128xf32, #tpu.memory_space<vmem_shared>>) offsets(%dma_start3A_85 : memref<128xi32, #tpu.memory_space<vmem>>) semaphore(%run_scoped3A_82 : memref<!tpu.dma_semaphore, #tpu.memory_space<semaphore_mem>>) {add = true}
        %dma_wait3A_89 = arith.constant 0 : i32
        %dma_wait3A_90 = tpu.memref_slice %arg9[%run_scoped3A_40, %dma_wait3A_89] : memref<40x128xi32, #tpu.memory_space<vmem>> -> memref<1x128xi32, #tpu.memory_space<vmem>>
        %dma_wait3A_91 = tpu.memref_squeeze %dma_wait3A_90 : memref<1x128xi32, #tpu.memory_space<vmem>> -> memref<128xi32, #tpu.memory_space<vmem>>
        %dma_wait3A_92 = arith.constant 0 : i32
        %dma_wait3A_93 = arith.constant 0 : i32
        %dma_wait3A_94 = tpu.memref_slice %arg12[%dma_wait3A_92, %dma_wait3A_93] : memref<10240x128xf32, #tpu.memory_space<vmem_shared>> -> memref<10240x128xf32, #tpu.memory_space<vmem_shared>>
        tpu.wait_indirect_dma semaphore(%run_scoped3A_82 : memref<!tpu.dma_semaphore, #tpu.memory_space<semaphore_mem>>) src(%arg11 : memref<128x128xf32, #tpu.memory_space<vmem>>) dst(%dma_wait3A_94 : memref<10240x128xf32, #tpu.memory_space<vmem_shared>>)
        tpu.yield
      }) : () -> ()
      "tpu.region"() ({
        %run_scoped3A_82 = tpu.sem_alloc : memref<!tpu.dma_semaphore, #tpu.memory_space<semaphore_mem>>
        %dma_start3A_83 = arith.constant 40 : i32
        %dma_start3A_84 = arith.constant 0 : i32
        %dma_start3A_85 = tpu.memref_slice %arg4[%arg1, %dma_start3A_83, %dma_start3A_84] : memref<16x80x128xi32, #tpu.memory_space<hbm>> -> memref<1x40x128xi32, #tpu.memory_space<hbm>>
        %dma_start3A_86 = tpu.memref_squeeze %dma_start3A_85 : memref<1x40x128xi32, #tpu.memory_space<hbm>> -> memref<40x128xi32, #tpu.memory_space<hbm>>
        %dma_start3A_87 = arith.constant 40 : i32
        %dma_start3A_88 = arith.constant 0 : i32
        %dma_start3A_89 = tpu.memref_slice %arg4[%arg1, %dma_start3A_87, %dma_start3A_88] : memref<16x80x128xi32, #tpu.memory_space<hbm>> -> memref<1x40x128xi32, #tpu.memory_space<hbm>>
        %dma_start3A_90 = tpu.memref_squeeze %dma_start3A_89 : memref<1x40x128xi32, #tpu.memory_space<hbm>> -> memref<40x128xi32, #tpu.memory_space<hbm>>
        tpu.enqueue_dma source(%dma_start3A_90 : memref<40x128xi32, #tpu.memory_space<hbm>>) target(%arg8 : memref<40x128xi32, #tpu.memory_space<vmem>>) target_semaphore(%run_scoped3A_82 : memref<!tpu.dma_semaphore, #tpu.memory_space<semaphore_mem>>)
        %dma_wait3A_91 = arith.constant 40 : i32
        %dma_wait3A_92 = arith.constant 0 : i32
        %dma_wait3A_93 = tpu.memref_slice %arg4[%arg1, %dma_wait3A_91, %dma_wait3A_92] : memref<16x80x128xi32, #tpu.memory_space<hbm>> -> memref<1x40x128xi32, #tpu.memory_space<hbm>>
        %dma_wait3A_94 = tpu.memref_squeeze %dma_wait3A_93 : memref<1x40x128xi32, #tpu.memory_space<hbm>> -> memref<40x128xi32, #tpu.memory_space<hbm>>
        %dma_wait3A_95 = arith.constant 40 : i32
        %dma_wait3A_96 = arith.constant 0 : i32
        %dma_wait3A_97 = tpu.memref_slice %arg4[%arg1, %dma_wait3A_95, %dma_wait3A_96] : memref<16x80x128xi32, #tpu.memory_space<hbm>> -> memref<1x40x128xi32, #tpu.memory_space<hbm>>
        %dma_wait3A_98 = tpu.memref_squeeze %dma_wait3A_97 : memref<1x40x128xi32, #tpu.memory_space<hbm>> -> memref<40x128xi32, #tpu.memory_space<hbm>>
        tpu.wait_dma2 semaphore(%run_scoped3A_82 : memref<!tpu.dma_semaphore, #tpu.memory_space<semaphore_mem>>) src(%dma_wait3A_98 : memref<40x128xi32, #tpu.memory_space<hbm>>) dst(%arg8 : memref<40x128xi32, #tpu.memory_space<vmem>>)
        tpu.yield
      }) : () -> ()
      "tpu.region"() ({
        %run_scoped3A_82 = tpu.sem_alloc : memref<!tpu.dma_semaphore, #tpu.memory_space<semaphore_mem>>
        %dma_start3A_83 = arith.constant 40 : i32
        %dma_start3A_84 = arith.constant 0 : i32
        %dma_start3A_85 = tpu.memref_slice %arg5[%arg1, %dma_start3A_83, %dma_start3A_84] : memref<16x80x128xi32, #tpu.memory_space<hbm>> -> memref<1x40x128xi32, #tpu.memory_space<hbm>>
        %dma_start3A_86 = tpu.memref_squeeze %dma_start3A_85 : memref<1x40x128xi32, #tpu.memory_space<hbm>> -> memref<40x128xi32, #tpu.memory_space<hbm>>
        %dma_start3A_87 = arith.constant 40 : i32
        %dma_start3A_88 = arith.constant 0 : i32
        %dma_start3A_89 = tpu.memref_slice %arg5[%arg1, %dma_start3A_87, %dma_start3A_88] : memref<16x80x128xi32, #tpu.memory_space<hbm>> -> memref<1x40x128xi32, #tpu.memory_space<hbm>>
        %dma_start3A_90 = tpu.memref_squeeze %dma_start3A_89 : memref<1x40x128xi32, #tpu.memory_space<hbm>> -> memref<40x128xi32, #tpu.memory_space<hbm>>
        tpu.enqueue_dma source(%dma_start3A_90 : memref<40x128xi32, #tpu.memory_space<hbm>>) target(%arg9 : memref<40x128xi32, #tpu.memory_space<vmem>>) target_semaphore(%run_scoped3A_82 : memref<!tpu.dma_semaphore, #tpu.memory_space<semaphore_mem>>)
        %dma_wait3A_91 = arith.constant 40 : i32
        %dma_wait3A_92 = arith.constant 0 : i32
        %dma_wait3A_93 = tpu.memref_slice %arg5[%arg1, %dma_wait3A_91, %dma_wait3A_92] : memref<16x80x128xi32, #tpu.memory_space<hbm>> -> memref<1x40x128xi32, #tpu.memory_space<hbm>>
        %dma_wait3A_94 = tpu.memref_squeeze %dma_wait3A_93 : memref<1x40x128xi32, #tpu.memory_space<hbm>> -> memref<40x128xi32, #tpu.memory_space<hbm>>
        %dma_wait3A_95 = arith.constant 40 : i32
        %dma_wait3A_96 = arith.constant 0 : i32
        %dma_wait3A_97 = tpu.memref_slice %arg5[%arg1, %dma_wait3A_95, %dma_wait3A_96] : memref<16x80x128xi32, #tpu.memory_space<hbm>> -> memref<1x40x128xi32, #tpu.memory_space<hbm>>
        %dma_wait3A_98 = tpu.memref_squeeze %dma_wait3A_97 : memref<1x40x128xi32, #tpu.memory_space<hbm>> -> memref<40x128xi32, #tpu.memory_space<hbm>>
        tpu.wait_dma2 semaphore(%run_scoped3A_82 : memref<!tpu.dma_semaphore, #tpu.memory_space<semaphore_mem>>) src(%dma_wait3A_98 : memref<40x128xi32, #tpu.memory_space<hbm>>) dst(%arg9 : memref<40x128xi32, #tpu.memory_space<vmem>>)
        tpu.yield
      }) : () -> ()
      %dma_start3A_41 = arith.constant 0 : i32
      %dma_start3A_42 = arith.constant 0 : i32
      %dma_start3A_43 = tpu.memref_slice %arg8[%dma_start3A_41, %dma_start3A_42] : memref<40x128xi32, #tpu.memory_space<vmem>> -> memref<1x128xi32, #tpu.memory_space<vmem>>
      %dma_start3A_44 = tpu.memref_squeeze %dma_start3A_43 : memref<1x128xi32, #tpu.memory_space<vmem>> -> memref<128xi32, #tpu.memory_space<vmem>>
      %dma_start3A_45 = arith.constant 0 : i32
      %dma_start3A_46 = arith.constant 0 : i32
      %dma_start3A_47 = tpu.memref_slice %arg2[%dma_start3A_45, %dma_start3A_46] : memref<10240x128xf32, #tpu.memory_space<hbm>> -> memref<10240x128xf32, #tpu.memory_space<hbm>>
      tpu.enqueue_indirect_dma source(%dma_start3A_47 : memref<10240x128xf32, #tpu.memory_space<hbm>>) target(%arg10 : memref<128x128xf32, #tpu.memory_space<vmem>>) offsets(%dma_start3A_44 : memref<128xi32, #tpu.memory_space<vmem>>) semaphore(%arg13 : memref<!tpu.dma_semaphore, #tpu.memory_space<semaphore_mem>>)
      %dma_start3A_48 = arith.constant 1 : i32
      %dma_start3A_49 = arith.constant 0 : i32
      %dma_start3A_50 = tpu.memref_slice %arg8[%dma_start3A_48, %dma_start3A_49] : memref<40x128xi32, #tpu.memory_space<vmem>> -> memref<1x128xi32, #tpu.memory_space<vmem>>
      %dma_start3A_51 = tpu.memref_squeeze %dma_start3A_50 : memref<1x128xi32, #tpu.memory_space<vmem>> -> memref<128xi32, #tpu.memory_space<vmem>>
      %dma_start3A_52 = arith.constant 0 : i32
      %dma_start3A_53 = arith.constant 0 : i32
      %dma_start3A_54 = tpu.memref_slice %arg2[%dma_start3A_52, %dma_start3A_53] : memref<10240x128xf32, #tpu.memory_space<hbm>> -> memref<10240x128xf32, #tpu.memory_space<hbm>>
      tpu.enqueue_indirect_dma source(%dma_start3A_54 : memref<10240x128xf32, #tpu.memory_space<hbm>>) target(%arg11 : memref<128x128xf32, #tpu.memory_space<vmem>>) offsets(%dma_start3A_51 : memref<128xi32, #tpu.memory_space<vmem>>) semaphore(%arg14 : memref<!tpu.dma_semaphore, #tpu.memory_space<semaphore_mem>>)
      %scan3A_55 = arith.constant 0 : i32
      %scan3A_56 = arith.constant 19 : i32
      %scan3A_57 = arith.addi %scan3A_55, %scan3A_56 : i32
      %scan3A_58 = arith.constant 1 : i32
      scf.for %scan3A_82 = %scan3A_55 to %scan3A_57 step %scan3A_58  : i32 {
        %mul3A_83 = arith.constant 1 : i32
        %mul3A_84 = arith.muli %scan3A_82, %mul3A_83 : i32
        %add3A = arith.constant 0 : i32
        %add3A_85 = arith.addi %add3A, %mul3A_84 : i32
        %mul3A_86 = arith.constant 2 : i32
        %mul3A_87 = arith.muli %mul3A_86, %add3A_85 : i32
        %dma_wait3A_88 = arith.constant 0 : i32
        %dma_wait3A_89 = tpu.memref_slice %arg8[%mul3A_87, %dma_wait3A_88] : memref<40x128xi32, #tpu.memory_space<vmem>> -> memref<1x128xi32, #tpu.memory_space<vmem>>
        %dma_wait3A_90 = tpu.memref_squeeze %dma_wait3A_89 : memref<1x128xi32, #tpu.memory_space<vmem>> -> memref<128xi32, #tpu.memory_space<vmem>>
        %dma_wait3A_91 = arith.constant 0 : i32
        %dma_wait3A_92 = arith.constant 0 : i32
        %dma_wait3A_93 = tpu.memref_slice %arg2[%dma_wait3A_91, %dma_wait3A_92] : memref<10240x128xf32, #tpu.memory_space<hbm>> -> memref<10240x128xf32, #tpu.memory_space<hbm>>
        tpu.wait_indirect_dma semaphore(%arg13 : memref<!tpu.dma_semaphore, #tpu.memory_space<semaphore_mem>>) src(%dma_wait3A_93 : memref<10240x128xf32, #tpu.memory_space<hbm>>) dst(%arg10 : memref<128x128xf32, #tpu.memory_space<vmem>>)
        %mul3A_94 = arith.constant 2 : i32
        %mul3A_95 = arith.muli %mul3A_94, %add3A_85 : i32
        %dma_start3A_96 = arith.constant 0 : i32
        %dma_start3A_97 = tpu.memref_slice %arg9[%mul3A_95, %dma_start3A_96] : memref<40x128xi32, #tpu.memory_space<vmem>> -> memref<1x128xi32, #tpu.memory_space<vmem>>
        %dma_start3A_98 = tpu.memref_squeeze %dma_start3A_97 : memref<1x128xi32, #tpu.memory_space<vmem>> -> memref<128xi32, #tpu.memory_space<vmem>>
        %dma_start3A_99 = arith.constant 0 : i32
        %dma_start3A_100 = arith.constant 0 : i32
        %dma_start3A_101 = tpu.memref_slice %arg12[%dma_start3A_99, %dma_start3A_100] : memref<10240x128xf32, #tpu.memory_space<vmem_shared>> -> memref<10240x128xf32, #tpu.memory_space<vmem_shared>>
        tpu.enqueue_indirect_dma source(%arg10 : memref<128x128xf32, #tpu.memory_space<vmem>>) target(%dma_start3A_101 : memref<10240x128xf32, #tpu.memory_space<vmem_shared>>) offsets(%dma_start3A_98 : memref<128xi32, #tpu.memory_space<vmem>>) semaphore(%arg15 : memref<!tpu.dma_semaphore, #tpu.memory_space<semaphore_mem>>) {add = true}
        %mul3A_102 = arith.constant 2 : i32
        %mul3A_103 = arith.muli %mul3A_102, %add3A_85 : i32
        %add3A_104 = arith.constant 1 : i32
        %add3A_105 = arith.addi %mul3A_103, %add3A_104 : i32
        %dma_wait3A_106 = arith.constant 0 : i32
        %dma_wait3A_107 = tpu.memref_slice %arg8[%add3A_105, %dma_wait3A_106] : memref<40x128xi32, #tpu.memory_space<vmem>> -> memref<1x128xi32, #tpu.memory_space<vmem>>
        %dma_wait3A_108 = tpu.memref_squeeze %dma_wait3A_107 : memref<1x128xi32, #tpu.memory_space<vmem>> -> memref<128xi32, #tpu.memory_space<vmem>>
        %dma_wait3A_109 = arith.constant 0 : i32
        %dma_wait3A_110 = arith.constant 0 : i32
        %dma_wait3A_111 = tpu.memref_slice %arg2[%dma_wait3A_109, %dma_wait3A_110] : memref<10240x128xf32, #tpu.memory_space<hbm>> -> memref<10240x128xf32, #tpu.memory_space<hbm>>
        tpu.wait_indirect_dma semaphore(%arg14 : memref<!tpu.dma_semaphore, #tpu.memory_space<semaphore_mem>>) src(%dma_wait3A_111 : memref<10240x128xf32, #tpu.memory_space<hbm>>) dst(%arg11 : memref<128x128xf32, #tpu.memory_space<vmem>>)
        %dma_wait3A_112 = arith.constant 0 : i32
        %dma_wait3A_113 = tpu.memref_slice %arg9[%mul3A_95, %dma_wait3A_112] : memref<40x128xi32, #tpu.memory_space<vmem>> -> memref<1x128xi32, #tpu.memory_space<vmem>>
        %dma_wait3A_114 = tpu.memref_squeeze %dma_wait3A_113 : memref<1x128xi32, #tpu.memory_space<vmem>> -> memref<128xi32, #tpu.memory_space<vmem>>
        %dma_wait3A_115 = arith.constant 0 : i32
        %dma_wait3A_116 = arith.constant 0 : i32
        %dma_wait3A_117 = tpu.memref_slice %arg12[%dma_wait3A_115, %dma_wait3A_116] : memref<10240x128xf32, #tpu.memory_space<vmem_shared>> -> memref<10240x128xf32, #tpu.memory_space<vmem_shared>>
        tpu.wait_indirect_dma semaphore(%arg15 : memref<!tpu.dma_semaphore, #tpu.memory_space<semaphore_mem>>) src(%arg10 : memref<128x128xf32, #tpu.memory_space<vmem>>) dst(%dma_wait3A_117 : memref<10240x128xf32, #tpu.memory_space<vmem_shared>>)
        %mul3A_118 = arith.constant 2 : i32
        %mul3A_119 = arith.muli %mul3A_118, %add3A_85 : i32
        %add3A_120 = arith.constant 2 : i32
        %add3A_121 = arith.addi %mul3A_119, %add3A_120 : i32
        %dma_start3A_122 = arith.constant 0 : i32
        %dma_start3A_123 = tpu.memref_slice %arg8[%add3A_121, %dma_start3A_122] : memref<40x128xi32, #tpu.memory_space<vmem>> -> memref<1x128xi32, #tpu.memory_space<vmem>>
        %dma_start3A_124 = tpu.memref_squeeze %dma_start3A_123 : memref<1x128xi32, #tpu.memory_space<vmem>> -> memref<128xi32, #tpu.memory_space<vmem>>
        %dma_start3A_125 = arith.constant 0 : i32
        %dma_start3A_126 = arith.constant 0 : i32
        %dma_start3A_127 = tpu.memref_slice %arg2[%dma_start3A_125, %dma_start3A_126] : memref<10240x128xf32, #tpu.memory_space<hbm>> -> memref<10240x128xf32, #tpu.memory_space<hbm>>
        tpu.enqueue_indirect_dma source(%dma_start3A_127 : memref<10240x128xf32, #tpu.memory_space<hbm>>) target(%arg10 : memref<128x128xf32, #tpu.memory_space<vmem>>) offsets(%dma_start3A_124 : memref<128xi32, #tpu.memory_space<vmem>>) semaphore(%arg13 : memref<!tpu.dma_semaphore, #tpu.memory_space<semaphore_mem>>)
        %mul3A_128 = arith.constant 2 : i32
        %mul3A_129 = arith.muli %mul3A_128, %add3A_85 : i32
        %add3A_130 = arith.constant 1 : i32
        %add3A_131 = arith.addi %mul3A_129, %add3A_130 : i32
        %dma_start3A_132 = arith.constant 0 : i32
        %dma_start3A_133 = tpu.memref_slice %arg9[%add3A_131, %dma_start3A_132] : memref<40x128xi32, #tpu.memory_space<vmem>> -> memref<1x128xi32, #tpu.memory_space<vmem>>
        %dma_start3A_134 = tpu.memref_squeeze %dma_start3A_133 : memref<1x128xi32, #tpu.memory_space<vmem>> -> memref<128xi32, #tpu.memory_space<vmem>>
        %dma_start3A_135 = arith.constant 0 : i32
        %dma_start3A_136 = arith.constant 0 : i32
        %dma_start3A_137 = tpu.memref_slice %arg12[%dma_start3A_135, %dma_start3A_136] : memref<10240x128xf32, #tpu.memory_space<vmem_shared>> -> memref<10240x128xf32, #tpu.memory_space<vmem_shared>>
        tpu.enqueue_indirect_dma source(%arg11 : memref<128x128xf32, #tpu.memory_space<vmem>>) target(%dma_start3A_137 : memref<10240x128xf32, #tpu.memory_space<vmem_shared>>) offsets(%dma_start3A_134 : memref<128xi32, #tpu.memory_space<vmem>>) semaphore(%arg16 : memref<!tpu.dma_semaphore, #tpu.memory_space<semaphore_mem>>) {add = true}
        %dma_wait3A_138 = arith.constant 0 : i32
        %dma_wait3A_139 = tpu.memref_slice %arg9[%add3A_131, %dma_wait3A_138] : memref<40x128xi32, #tpu.memory_space<vmem>> -> memref<1x128xi32, #tpu.memory_space<vmem>>
        %dma_wait3A_140 = tpu.memref_squeeze %dma_wait3A_139 : memref<1x128xi32, #tpu.memory_space<vmem>> -> memref<128xi32, #tpu.memory_space<vmem>>
        %dma_wait3A_141 = arith.constant 0 : i32
        %dma_wait3A_142 = arith.constant 0 : i32
        %dma_wait3A_143 = tpu.memref_slice %arg12[%dma_wait3A_141, %dma_wait3A_142] : memref<10240x128xf32, #tpu.memory_space<vmem_shared>> -> memref<10240x128xf32, #tpu.memory_space<vmem_shared>>
        tpu.wait_indirect_dma semaphore(%arg16 : memref<!tpu.dma_semaphore, #tpu.memory_space<semaphore_mem>>) src(%arg11 : memref<128x128xf32, #tpu.memory_space<vmem>>) dst(%dma_wait3A_143 : memref<10240x128xf32, #tpu.memory_space<vmem_shared>>)
        %mul3A_144 = arith.constant 2 : i32
        %mul3A_145 = arith.muli %mul3A_144, %add3A_85 : i32
        %add3A_146 = arith.constant 3 : i32
        %add3A_147 = arith.addi %mul3A_145, %add3A_146 : i32
        %dma_start3A_148 = arith.constant 0 : i32
        %dma_start3A_149 = tpu.memref_slice %arg8[%add3A_147, %dma_start3A_148] : memref<40x128xi32, #tpu.memory_space<vmem>> -> memref<1x128xi32, #tpu.memory_space<vmem>>
        %dma_start3A_150 = tpu.memref_squeeze %dma_start3A_149 : memref<1x128xi32, #tpu.memory_space<vmem>> -> memref<128xi32, #tpu.memory_space<vmem>>
        %dma_start3A_151 = arith.constant 0 : i32
        %dma_start3A_152 = arith.constant 0 : i32
        %dma_start3A_153 = tpu.memref_slice %arg2[%dma_start3A_151, %dma_start3A_152] : memref<10240x128xf32, #tpu.memory_space<hbm>> -> memref<10240x128xf32, #tpu.memory_space<hbm>>
        tpu.enqueue_indirect_dma source(%dma_start3A_153 : memref<10240x128xf32, #tpu.memory_space<hbm>>) target(%arg11 : memref<128x128xf32, #tpu.memory_space<vmem>>) offsets(%dma_start3A_150 : memref<128xi32, #tpu.memory_space<vmem>>) semaphore(%arg14 : memref<!tpu.dma_semaphore, #tpu.memory_space<semaphore_mem>>)
      }
      %scan3A_59 = arith.constant 19 : i32
      %dma_wait3A_60 = arith.constant 38 : i32
      %dma_wait3A_61 = arith.constant 0 : i32
      %dma_wait3A_62 = tpu.memref_slice %arg8[%dma_wait3A_60, %dma_wait3A_61] : memref<40x128xi32, #tpu.memory_space<vmem>> -> memref<1x128xi32, #tpu.memory_space<vmem>>
      %dma_wait3A_63 = tpu.memref_squeeze %dma_wait3A_62 : memref<1x128xi32, #tpu.memory_space<vmem>> -> memref<128xi32, #tpu.memory_space<vmem>>
      %dma_wait3A_64 = arith.constant 0 : i32
      %dma_wait3A_65 = arith.constant 0 : i32
      %dma_wait3A_66 = tpu.memref_slice %arg2[%dma_wait3A_64, %dma_wait3A_65] : memref<10240x128xf32, #tpu.memory_space<hbm>> -> memref<10240x128xf32, #tpu.memory_space<hbm>>
      tpu.wait_indirect_dma semaphore(%arg13 : memref<!tpu.dma_semaphore, #tpu.memory_space<semaphore_mem>>) src(%dma_wait3A_66 : memref<10240x128xf32, #tpu.memory_space<hbm>>) dst(%arg10 : memref<128x128xf32, #tpu.memory_space<vmem>>)
      %run_scoped3A_67 = arith.constant 38 : i32
      "tpu.region"() ({
        %run_scoped3A_82 = tpu.sem_alloc : memref<!tpu.dma_semaphore, #tpu.memory_space<semaphore_mem>>
        %dma_start3A_83 = arith.constant 0 : i32
        %dma_start3A_84 = tpu.memref_slice %arg9[%run_scoped3A_67, %dma_start3A_83] : memref<40x128xi32, #tpu.memory_space<vmem>> -> memref<1x128xi32, #tpu.memory_space<vmem>>
        %dma_start3A_85 = tpu.memref_squeeze %dma_start3A_84 : memref<1x128xi32, #tpu.memory_space<vmem>> -> memref<128xi32, #tpu.memory_space<vmem>>
        %dma_start3A_86 = arith.constant 0 : i32
        %dma_start3A_87 = arith.constant 0 : i32
        %dma_start3A_88 = tpu.memref_slice %arg12[%dma_start3A_86, %dma_start3A_87] : memref<10240x128xf32, #tpu.memory_space<vmem_shared>> -> memref<10240x128xf32, #tpu.memory_space<vmem_shared>>
        tpu.enqueue_indirect_dma source(%arg10 : memref<128x128xf32, #tpu.memory_space<vmem>>) target(%dma_start3A_88 : memref<10240x128xf32, #tpu.memory_space<vmem_shared>>) offsets(%dma_start3A_85 : memref<128xi32, #tpu.memory_space<vmem>>) semaphore(%run_scoped3A_82 : memref<!tpu.dma_semaphore, #tpu.memory_space<semaphore_mem>>) {add = true}
        %dma_wait3A_89 = arith.constant 0 : i32
        %dma_wait3A_90 = tpu.memref_slice %arg9[%run_scoped3A_67, %dma_wait3A_89] : memref<40x128xi32, #tpu.memory_space<vmem>> -> memref<1x128xi32, #tpu.memory_space<vmem>>
        %dma_wait3A_91 = tpu.memref_squeeze %dma_wait3A_90 : memref<1x128xi32, #tpu.memory_space<vmem>> -> memref<128xi32, #tpu.memory_space<vmem>>
        %dma_wait3A_92 = arith.constant 0 : i32
        %dma_wait3A_93 = arith.constant 0 : i32
        %dma_wait3A_94 = tpu.memref_slice %arg12[%dma_wait3A_92, %dma_wait3A_93] : memref<10240x128xf32, #tpu.memory_space<vmem_shared>> -> memref<10240x128xf32, #tpu.memory_space<vmem_shared>>
        tpu.wait_indirect_dma semaphore(%run_scoped3A_82 : memref<!tpu.dma_semaphore, #tpu.memory_space<semaphore_mem>>) src(%arg10 : memref<128x128xf32, #tpu.memory_space<vmem>>) dst(%dma_wait3A_94 : memref<10240x128xf32, #tpu.memory_space<vmem_shared>>)
        tpu.yield
      }) : () -> ()
      %dma_wait3A_68 = arith.constant 39 : i32
      %dma_wait3A_69 = arith.constant 0 : i32
      %dma_wait3A_70 = tpu.memref_slice %arg8[%dma_wait3A_68, %dma_wait3A_69] : memref<40x128xi32, #tpu.memory_space<vmem>> -> memref<1x128xi32, #tpu.memory_space<vmem>>
      %dma_wait3A_71 = tpu.memref_squeeze %dma_wait3A_70 : memref<1x128xi32, #tpu.memory_space<vmem>> -> memref<128xi32, #tpu.memory_space<vmem>>
      %dma_wait3A_72 = arith.constant 0 : i32
      %dma_wait3A_73 = arith.constant 0 : i32
      %dma_wait3A_74 = tpu.memref_slice %arg2[%dma_wait3A_72, %dma_wait3A_73] : memref<10240x128xf32, #tpu.memory_space<hbm>> -> memref<10240x128xf32, #tpu.memory_space<hbm>>
      tpu.wait_indirect_dma semaphore(%arg14 : memref<!tpu.dma_semaphore, #tpu.memory_space<semaphore_mem>>) src(%dma_wait3A_74 : memref<10240x128xf32, #tpu.memory_space<hbm>>) dst(%arg11 : memref<128x128xf32, #tpu.memory_space<vmem>>)
      %run_scoped3A_75 = arith.constant 39 : i32
      "tpu.region"() ({
        %run_scoped3A_82 = tpu.sem_alloc : memref<!tpu.dma_semaphore, #tpu.memory_space<semaphore_mem>>
        %dma_start3A_83 = arith.constant 0 : i32
        %dma_start3A_84 = tpu.memref_slice %arg9[%run_scoped3A_75, %dma_start3A_83] : memref<40x128xi32, #tpu.memory_space<vmem>> -> memref<1x128xi32, #tpu.memory_space<vmem>>
        %dma_start3A_85 = tpu.memref_squeeze %dma_start3A_84 : memref<1x128xi32, #tpu.memory_space<vmem>> -> memref<128xi32, #tpu.memory_space<vmem>>
        %dma_start3A_86 = arith.constant 0 : i32
        %dma_start3A_87 = arith.constant 0 : i32
        %dma_start3A_88 = tpu.memref_slice %arg12[%dma_start3A_86, %dma_start3A_87] : memref<10240x128xf32, #tpu.memory_space<vmem_shared>> -> memref<10240x128xf32, #tpu.memory_space<vmem_shared>>
        tpu.enqueue_indirect_dma source(%arg11 : memref<128x128xf32, #tpu.memory_space<vmem>>) target(%dma_start3A_88 : memref<10240x128xf32, #tpu.memory_space<vmem_shared>>) offsets(%dma_start3A_85 : memref<128xi32, #tpu.memory_space<vmem>>) semaphore(%run_scoped3A_82 : memref<!tpu.dma_semaphore, #tpu.memory_space<semaphore_mem>>) {add = true}
        %dma_wait3A_89 = arith.constant 0 : i32
        %dma_wait3A_90 = tpu.memref_slice %arg9[%run_scoped3A_75, %dma_wait3A_89] : memref<40x128xi32, #tpu.memory_space<vmem>> -> memref<1x128xi32, #tpu.memory_space<vmem>>
        %dma_wait3A_91 = tpu.memref_squeeze %dma_wait3A_90 : memref<1x128xi32, #tpu.memory_space<vmem>> -> memref<128xi32, #tpu.memory_space<vmem>>
        %dma_wait3A_92 = arith.constant 0 : i32
        %dma_wait3A_93 = arith.constant 0 : i32
        %dma_wait3A_94 = tpu.memref_slice %arg12[%dma_wait3A_92, %dma_wait3A_93] : memref<10240x128xf32, #tpu.memory_space<vmem_shared>> -> memref<10240x128xf32, #tpu.memory_space<vmem_shared>>
        tpu.wait_indirect_dma semaphore(%run_scoped3A_82 : memref<!tpu.dma_semaphore, #tpu.memory_space<semaphore_mem>>) src(%arg11 : memref<128x128xf32, #tpu.memory_space<vmem>>) dst(%dma_wait3A_94 : memref<10240x128xf32, #tpu.memory_space<vmem_shared>>)
        tpu.yield
      }) : () -> ()
      %barrier3A_76 = arith.constant 0 : index
      tpu.barrier barrier_id(%barrier3A_76)
      %mul3A_77 = arith.constant 640 : i32
      %mul3A_78 = arith.muli %arg1, %mul3A_77 : i32
      %mul3A_79 = arith.constant 640 : i32
      %mul3A_80 = arith.muli %arg1, %mul3A_79 : i32
      "tpu.region"() ({
        %run_scoped3A_82 = tpu.sem_alloc : memref<!tpu.dma_semaphore, #tpu.memory_space<semaphore_mem>>
        %dma_start3A_83 = arith.constant 0 : i32
        %dma_start3A_84 = tpu.memref_slice %arg6[%mul3A_80, %dma_start3A_83] : memref<10240x128xf32, #tpu.memory_space<hbm>> -> memref<640x128xf32, #tpu.memory_space<hbm>>
        %dma_start3A_85 = arith.constant 0 : i32
        %dma_start3A_86 = tpu.memref_slice %arg12[%mul3A_78, %dma_start3A_85] : memref<10240x128xf32, #tpu.memory_space<vmem_shared>> -> memref<640x128xf32, #tpu.memory_space<vmem_shared>>
        tpu.enqueue_dma source(%dma_start3A_86 : memref<640x128xf32, #tpu.memory_space<vmem_shared>>) target(%dma_start3A_84 : memref<640x128xf32, #tpu.memory_space<hbm>>) target_semaphore(%run_scoped3A_82 : memref<!tpu.dma_semaphore, #tpu.memory_space<semaphore_mem>>)
        %dma_wait3A_87 = arith.constant 0 : i32
        %dma_wait3A_88 = tpu.memref_slice %arg6[%mul3A_80, %dma_wait3A_87] : memref<10240x128xf32, #tpu.memory_space<hbm>> -> memref<640x128xf32, #tpu.memory_space<hbm>>
        %dma_wait3A_89 = arith.constant 0 : i32
        %dma_wait3A_90 = tpu.memref_slice %arg12[%mul3A_78, %dma_wait3A_89] : memref<10240x128xf32, #tpu.memory_space<vmem_shared>> -> memref<640x128xf32, #tpu.memory_space<vmem_shared>>
        tpu.wait_dma2 semaphore(%run_scoped3A_82 : memref<!tpu.dma_semaphore, #tpu.memory_space<semaphore_mem>>) src(%dma_wait3A_90 : memref<640x128xf32, #tpu.memory_space<vmem_shared>>) dst(%dma_wait3A_88 : memref<640x128xf32, #tpu.memory_space<hbm>>)
        tpu.yield
      }) : () -> ()
      %barrier3A_81 = arith.constant 0 : index
      tpu.barrier barrier_id(%barrier3A_81)
    } else {
    }
    %eq3A_2 = arith.constant 1 : i32
    %eq3A_3 = arith.cmpi eq, %arg0, %eq3A_2 : i32
    %convert_element_type3A_4 = arith.extui %eq3A_3 : i1 to i32
    %cond3A_5 = arith.constant 0 : i32
    %cond3A_6 = arith.cmpi ne, %convert_element_type3A_4, %cond3A_5 : i32
    scf.if %cond3A_6 {
      %mul3A = arith.constant 640 : i32
      %mul3A_7 = arith.muli %arg1, %mul3A : i32
      %mul3A_8 = arith.constant 640 : i32
      %mul3A_9 = arith.muli %arg1, %mul3A_8 : i32
      "tpu.region"() ({
        %run_scoped3A_82 = tpu.sem_alloc : memref<!tpu.dma_semaphore, #tpu.memory_space<semaphore_mem>>
        %dma_start3A_83 = arith.constant 0 : i32
        %dma_start3A_84 = tpu.memref_slice %arg12[%mul3A_9, %dma_start3A_83] : memref<10240x128xf32, #tpu.memory_space<vmem_shared>> -> memref<640x128xf32, #tpu.memory_space<vmem_shared>>
        %dma_start3A_85 = arith.constant 0 : i32
        %dma_start3A_86 = tpu.memref_slice %arg3[%mul3A_7, %dma_start3A_85] : memref<10240x128xf32, #tpu.memory_space<hbm>> -> memref<640x128xf32, #tpu.memory_space<hbm>>
        tpu.enqueue_dma source(%dma_start3A_86 : memref<640x128xf32, #tpu.memory_space<hbm>>) target(%dma_start3A_84 : memref<640x128xf32, #tpu.memory_space<vmem_shared>>) target_semaphore(%run_scoped3A_82 : memref<!tpu.dma_semaphore, #tpu.memory_space<semaphore_mem>>)
        %dma_wait3A_87 = arith.constant 0 : i32
        %dma_wait3A_88 = tpu.memref_slice %arg12[%mul3A_9, %dma_wait3A_87] : memref<10240x128xf32, #tpu.memory_space<vmem_shared>> -> memref<640x128xf32, #tpu.memory_space<vmem_shared>>
        %dma_wait3A_89 = arith.constant 0 : i32
        %dma_wait3A_90 = tpu.memref_slice %arg3[%mul3A_7, %dma_wait3A_89] : memref<10240x128xf32, #tpu.memory_space<hbm>> -> memref<640x128xf32, #tpu.memory_space<hbm>>
        tpu.wait_dma2 semaphore(%run_scoped3A_82 : memref<!tpu.dma_semaphore, #tpu.memory_space<semaphore_mem>>) src(%dma_wait3A_90 : memref<640x128xf32, #tpu.memory_space<hbm>>) dst(%dma_wait3A_88 : memref<640x128xf32, #tpu.memory_space<vmem_shared>>)
        tpu.yield
      }) : () -> ()
      %barrier3A = arith.constant 0 : index
      tpu.barrier barrier_id(%barrier3A)
      "tpu.region"() ({
        %run_scoped3A_82 = tpu.sem_alloc : memref<!tpu.dma_semaphore, #tpu.memory_space<semaphore_mem>>
        %dma_start3A_83 = arith.constant 0 : i32
        %dma_start3A_84 = arith.constant 0 : i32
        %dma_start3A_85 = tpu.memref_slice %arg4[%arg1, %dma_start3A_83, %dma_start3A_84] : memref<16x80x128xi32, #tpu.memory_space<hbm>> -> memref<1x40x128xi32, #tpu.memory_space<hbm>>
        %dma_start3A_86 = tpu.memref_squeeze %dma_start3A_85 : memref<1x40x128xi32, #tpu.memory_space<hbm>> -> memref<40x128xi32, #tpu.memory_space<hbm>>
        %dma_start3A_87 = arith.constant 0 : i32
        %dma_start3A_88 = arith.constant 0 : i32
        %dma_start3A_89 = tpu.memref_slice %arg4[%arg1, %dma_start3A_87, %dma_start3A_88] : memref<16x80x128xi32, #tpu.memory_space<hbm>> -> memref<1x40x128xi32, #tpu.memory_space<hbm>>
        %dma_start3A_90 = tpu.memref_squeeze %dma_start3A_89 : memref<1x40x128xi32, #tpu.memory_space<hbm>> -> memref<40x128xi32, #tpu.memory_space<hbm>>
        tpu.enqueue_dma source(%dma_start3A_90 : memref<40x128xi32, #tpu.memory_space<hbm>>) target(%arg8 : memref<40x128xi32, #tpu.memory_space<vmem>>) target_semaphore(%run_scoped3A_82 : memref<!tpu.dma_semaphore, #tpu.memory_space<semaphore_mem>>)
        %dma_wait3A_91 = arith.constant 0 : i32
        %dma_wait3A_92 = arith.constant 0 : i32
        %dma_wait3A_93 = tpu.memref_slice %arg4[%arg1, %dma_wait3A_91, %dma_wait3A_92] : memref<16x80x128xi32, #tpu.memory_space<hbm>> -> memref<1x40x128xi32, #tpu.memory_space<hbm>>
        %dma_wait3A_94 = tpu.memref_squeeze %dma_wait3A_93 : memref<1x40x128xi32, #tpu.memory_space<hbm>> -> memref<40x128xi32, #tpu.memory_space<hbm>>
        %dma_wait3A_95 = arith.constant 0 : i32
        %dma_wait3A_96 = arith.constant 0 : i32
        %dma_wait3A_97 = tpu.memref_slice %arg4[%arg1, %dma_wait3A_95, %dma_wait3A_96] : memref<16x80x128xi32, #tpu.memory_space<hbm>> -> memref<1x40x128xi32, #tpu.memory_space<hbm>>
        %dma_wait3A_98 = tpu.memref_squeeze %dma_wait3A_97 : memref<1x40x128xi32, #tpu.memory_space<hbm>> -> memref<40x128xi32, #tpu.memory_space<hbm>>
        tpu.wait_dma2 semaphore(%run_scoped3A_82 : memref<!tpu.dma_semaphore, #tpu.memory_space<semaphore_mem>>) src(%dma_wait3A_98 : memref<40x128xi32, #tpu.memory_space<hbm>>) dst(%arg8 : memref<40x128xi32, #tpu.memory_space<vmem>>)
        tpu.yield
      }) : () -> ()
      "tpu.region"() ({
        %run_scoped3A_82 = tpu.sem_alloc : memref<!tpu.dma_semaphore, #tpu.memory_space<semaphore_mem>>
        %dma_start3A_83 = arith.constant 0 : i32
        %dma_start3A_84 = arith.constant 0 : i32
        %dma_start3A_85 = tpu.memref_slice %arg5[%arg1, %dma_start3A_83, %dma_start3A_84] : memref<16x80x128xi32, #tpu.memory_space<hbm>> -> memref<1x40x128xi32, #tpu.memory_space<hbm>>
        %dma_start3A_86 = tpu.memref_squeeze %dma_start3A_85 : memref<1x40x128xi32, #tpu.memory_space<hbm>> -> memref<40x128xi32, #tpu.memory_space<hbm>>
        %dma_start3A_87 = arith.constant 0 : i32
        %dma_start3A_88 = arith.constant 0 : i32
        %dma_start3A_89 = tpu.memref_slice %arg5[%arg1, %dma_start3A_87, %dma_start3A_88] : memref<16x80x128xi32, #tpu.memory_space<hbm>> -> memref<1x40x128xi32, #tpu.memory_space<hbm>>
        %dma_start3A_90 = tpu.memref_squeeze %dma_start3A_89 : memref<1x40x128xi32, #tpu.memory_space<hbm>> -> memref<40x128xi32, #tpu.memory_space<hbm>>
        tpu.enqueue_dma source(%dma_start3A_90 : memref<40x128xi32, #tpu.memory_space<hbm>>) target(%arg9 : memref<40x128xi32, #tpu.memory_space<vmem>>) target_semaphore(%run_scoped3A_82 : memref<!tpu.dma_semaphore, #tpu.memory_space<semaphore_mem>>)
        %dma_wait3A_91 = arith.constant 0 : i32
        %dma_wait3A_92 = arith.constant 0 : i32
        %dma_wait3A_93 = tpu.memref_slice %arg5[%arg1, %dma_wait3A_91, %dma_wait3A_92] : memref<16x80x128xi32, #tpu.memory_space<hbm>> -> memref<1x40x128xi32, #tpu.memory_space<hbm>>
        %dma_wait3A_94 = tpu.memref_squeeze %dma_wait3A_93 : memref<1x40x128xi32, #tpu.memory_space<hbm>> -> memref<40x128xi32, #tpu.memory_space<hbm>>
        %dma_wait3A_95 = arith.constant 0 : i32
        %dma_wait3A_96 = arith.constant 0 : i32
        %dma_wait3A_97 = tpu.memref_slice %arg5[%arg1, %dma_wait3A_95, %dma_wait3A_96] : memref<16x80x128xi32, #tpu.memory_space<hbm>> -> memref<1x40x128xi32, #tpu.memory_space<hbm>>
        %dma_wait3A_98 = tpu.memref_squeeze %dma_wait3A_97 : memref<1x40x128xi32, #tpu.memory_space<hbm>> -> memref<40x128xi32, #tpu.memory_space<hbm>>
        tpu.wait_dma2 semaphore(%run_scoped3A_82 : memref<!tpu.dma_semaphore, #tpu.memory_space<semaphore_mem>>) src(%dma_wait3A_98 : memref<40x128xi32, #tpu.memory_space<hbm>>) dst(%arg9 : memref<40x128xi32, #tpu.memory_space<vmem>>)
        tpu.yield
      }) : () -> ()
      %dma_start3A = arith.constant 0 : i32
      %dma_start3A_10 = arith.constant 0 : i32
      %dma_start3A_11 = tpu.memref_slice %arg8[%dma_start3A, %dma_start3A_10] : memref<40x128xi32, #tpu.memory_space<vmem>> -> memref<1x128xi32, #tpu.memory_space<vmem>>
      %dma_start3A_12 = tpu.memref_squeeze %dma_start3A_11 : memref<1x128xi32, #tpu.memory_space<vmem>> -> memref<128xi32, #tpu.memory_space<vmem>>
      %dma_start3A_13 = arith.constant 0 : i32
      %dma_start3A_14 = arith.constant 0 : i32
      %dma_start3A_15 = tpu.memref_slice %arg3[%dma_start3A_13, %dma_start3A_14] : memref<10240x128xf32, #tpu.memory_space<hbm>> -> memref<10240x128xf32, #tpu.memory_space<hbm>>
      tpu.enqueue_indirect_dma source(%dma_start3A_15 : memref<10240x128xf32, #tpu.memory_space<hbm>>) target(%arg10 : memref<128x128xf32, #tpu.memory_space<vmem>>) offsets(%dma_start3A_12 : memref<128xi32, #tpu.memory_space<vmem>>) semaphore(%arg13 : memref<!tpu.dma_semaphore, #tpu.memory_space<semaphore_mem>>)
      %dma_start3A_16 = arith.constant 1 : i32
      %dma_start3A_17 = arith.constant 0 : i32
      %dma_start3A_18 = tpu.memref_slice %arg8[%dma_start3A_16, %dma_start3A_17] : memref<40x128xi32, #tpu.memory_space<vmem>> -> memref<1x128xi32, #tpu.memory_space<vmem>>
      %dma_start3A_19 = tpu.memref_squeeze %dma_start3A_18 : memref<1x128xi32, #tpu.memory_space<vmem>> -> memref<128xi32, #tpu.memory_space<vmem>>
      %dma_start3A_20 = arith.constant 0 : i32
      %dma_start3A_21 = arith.constant 0 : i32
      %dma_start3A_22 = tpu.memref_slice %arg3[%dma_start3A_20, %dma_start3A_21] : memref<10240x128xf32, #tpu.memory_space<hbm>> -> memref<10240x128xf32, #tpu.memory_space<hbm>>
      tpu.enqueue_indirect_dma source(%dma_start3A_22 : memref<10240x128xf32, #tpu.memory_space<hbm>>) target(%arg11 : memref<128x128xf32, #tpu.memory_space<vmem>>) offsets(%dma_start3A_19 : memref<128xi32, #tpu.memory_space<vmem>>) semaphore(%arg14 : memref<!tpu.dma_semaphore, #tpu.memory_space<semaphore_mem>>)
      %scan3A = arith.constant 0 : i32
      %scan3A_23 = arith.constant 19 : i32
      %scan3A_24 = arith.addi %scan3A, %scan3A_23 : i32
      %scan3A_25 = arith.constant 1 : i32
      scf.for %scan3A_82 = %scan3A to %scan3A_24 step %scan3A_25  : i32 {
        %mul3A_83 = arith.constant 1 : i32
        %mul3A_84 = arith.muli %scan3A_82, %mul3A_83 : i32
        %add3A = arith.constant 0 : i32
        %add3A_85 = arith.addi %add3A, %mul3A_84 : i32
        %mul3A_86 = arith.constant 2 : i32
        %mul3A_87 = arith.muli %mul3A_86, %add3A_85 : i32
        %dma_wait3A_88 = arith.constant 0 : i32
        %dma_wait3A_89 = tpu.memref_slice %arg8[%mul3A_87, %dma_wait3A_88] : memref<40x128xi32, #tpu.memory_space<vmem>> -> memref<1x128xi32, #tpu.memory_space<vmem>>
        %dma_wait3A_90 = tpu.memref_squeeze %dma_wait3A_89 : memref<1x128xi32, #tpu.memory_space<vmem>> -> memref<128xi32, #tpu.memory_space<vmem>>
        %dma_wait3A_91 = arith.constant 0 : i32
        %dma_wait3A_92 = arith.constant 0 : i32
        %dma_wait3A_93 = tpu.memref_slice %arg3[%dma_wait3A_91, %dma_wait3A_92] : memref<10240x128xf32, #tpu.memory_space<hbm>> -> memref<10240x128xf32, #tpu.memory_space<hbm>>
        tpu.wait_indirect_dma semaphore(%arg13 : memref<!tpu.dma_semaphore, #tpu.memory_space<semaphore_mem>>) src(%dma_wait3A_93 : memref<10240x128xf32, #tpu.memory_space<hbm>>) dst(%arg10 : memref<128x128xf32, #tpu.memory_space<vmem>>)
        %mul3A_94 = arith.constant 2 : i32
        %mul3A_95 = arith.muli %mul3A_94, %add3A_85 : i32
        %dma_start3A_96 = arith.constant 0 : i32
        %dma_start3A_97 = tpu.memref_slice %arg9[%mul3A_95, %dma_start3A_96] : memref<40x128xi32, #tpu.memory_space<vmem>> -> memref<1x128xi32, #tpu.memory_space<vmem>>
        %dma_start3A_98 = tpu.memref_squeeze %dma_start3A_97 : memref<1x128xi32, #tpu.memory_space<vmem>> -> memref<128xi32, #tpu.memory_space<vmem>>
        %dma_start3A_99 = arith.constant 0 : i32
        %dma_start3A_100 = arith.constant 0 : i32
        %dma_start3A_101 = tpu.memref_slice %arg12[%dma_start3A_99, %dma_start3A_100] : memref<10240x128xf32, #tpu.memory_space<vmem_shared>> -> memref<10240x128xf32, #tpu.memory_space<vmem_shared>>
        tpu.enqueue_indirect_dma source(%arg10 : memref<128x128xf32, #tpu.memory_space<vmem>>) target(%dma_start3A_101 : memref<10240x128xf32, #tpu.memory_space<vmem_shared>>) offsets(%dma_start3A_98 : memref<128xi32, #tpu.memory_space<vmem>>) semaphore(%arg15 : memref<!tpu.dma_semaphore, #tpu.memory_space<semaphore_mem>>) {add = true}
        %mul3A_102 = arith.constant 2 : i32
        %mul3A_103 = arith.muli %mul3A_102, %add3A_85 : i32
        %add3A_104 = arith.constant 1 : i32
        %add3A_105 = arith.addi %mul3A_103, %add3A_104 : i32
        %dma_wait3A_106 = arith.constant 0 : i32
        %dma_wait3A_107 = tpu.memref_slice %arg8[%add3A_105, %dma_wait3A_106] : memref<40x128xi32, #tpu.memory_space<vmem>> -> memref<1x128xi32, #tpu.memory_space<vmem>>
        %dma_wait3A_108 = tpu.memref_squeeze %dma_wait3A_107 : memref<1x128xi32, #tpu.memory_space<vmem>> -> memref<128xi32, #tpu.memory_space<vmem>>
        %dma_wait3A_109 = arith.constant 0 : i32
        %dma_wait3A_110 = arith.constant 0 : i32
        %dma_wait3A_111 = tpu.memref_slice %arg3[%dma_wait3A_109, %dma_wait3A_110] : memref<10240x128xf32, #tpu.memory_space<hbm>> -> memref<10240x128xf32, #tpu.memory_space<hbm>>
        tpu.wait_indirect_dma semaphore(%arg14 : memref<!tpu.dma_semaphore, #tpu.memory_space<semaphore_mem>>) src(%dma_wait3A_111 : memref<10240x128xf32, #tpu.memory_space<hbm>>) dst(%arg11 : memref<128x128xf32, #tpu.memory_space<vmem>>)
        %dma_wait3A_112 = arith.constant 0 : i32
        %dma_wait3A_113 = tpu.memref_slice %arg9[%mul3A_95, %dma_wait3A_112] : memref<40x128xi32, #tpu.memory_space<vmem>> -> memref<1x128xi32, #tpu.memory_space<vmem>>
        %dma_wait3A_114 = tpu.memref_squeeze %dma_wait3A_113 : memref<1x128xi32, #tpu.memory_space<vmem>> -> memref<128xi32, #tpu.memory_space<vmem>>
        %dma_wait3A_115 = arith.constant 0 : i32
        %dma_wait3A_116 = arith.constant 0 : i32
        %dma_wait3A_117 = tpu.memref_slice %arg12[%dma_wait3A_115, %dma_wait3A_116] : memref<10240x128xf32, #tpu.memory_space<vmem_shared>> -> memref<10240x128xf32, #tpu.memory_space<vmem_shared>>
        tpu.wait_indirect_dma semaphore(%arg15 : memref<!tpu.dma_semaphore, #tpu.memory_space<semaphore_mem>>) src(%arg10 : memref<128x128xf32, #tpu.memory_space<vmem>>) dst(%dma_wait3A_117 : memref<10240x128xf32, #tpu.memory_space<vmem_shared>>)
        %mul3A_118 = arith.constant 2 : i32
        %mul3A_119 = arith.muli %mul3A_118, %add3A_85 : i32
        %add3A_120 = arith.constant 2 : i32
        %add3A_121 = arith.addi %mul3A_119, %add3A_120 : i32
        %dma_start3A_122 = arith.constant 0 : i32
        %dma_start3A_123 = tpu.memref_slice %arg8[%add3A_121, %dma_start3A_122] : memref<40x128xi32, #tpu.memory_space<vmem>> -> memref<1x128xi32, #tpu.memory_space<vmem>>
        %dma_start3A_124 = tpu.memref_squeeze %dma_start3A_123 : memref<1x128xi32, #tpu.memory_space<vmem>> -> memref<128xi32, #tpu.memory_space<vmem>>
        %dma_start3A_125 = arith.constant 0 : i32
        %dma_start3A_126 = arith.constant 0 : i32
        %dma_start3A_127 = tpu.memref_slice %arg3[%dma_start3A_125, %dma_start3A_126] : memref<10240x128xf32, #tpu.memory_space<hbm>> -> memref<10240x128xf32, #tpu.memory_space<hbm>>
        tpu.enqueue_indirect_dma source(%dma_start3A_127 : memref<10240x128xf32, #tpu.memory_space<hbm>>) target(%arg10 : memref<128x128xf32, #tpu.memory_space<vmem>>) offsets(%dma_start3A_124 : memref<128xi32, #tpu.memory_space<vmem>>) semaphore(%arg13 : memref<!tpu.dma_semaphore, #tpu.memory_space<semaphore_mem>>)
        %mul3A_128 = arith.constant 2 : i32
        %mul3A_129 = arith.muli %mul3A_128, %add3A_85 : i32
        %add3A_130 = arith.constant 1 : i32
        %add3A_131 = arith.addi %mul3A_129, %add3A_130 : i32
        %dma_start3A_132 = arith.constant 0 : i32
        %dma_start3A_133 = tpu.memref_slice %arg9[%add3A_131, %dma_start3A_132] : memref<40x128xi32, #tpu.memory_space<vmem>> -> memref<1x128xi32, #tpu.memory_space<vmem>>
        %dma_start3A_134 = tpu.memref_squeeze %dma_start3A_133 : memref<1x128xi32, #tpu.memory_space<vmem>> -> memref<128xi32, #tpu.memory_space<vmem>>
        %dma_start3A_135 = arith.constant 0 : i32
        %dma_start3A_136 = arith.constant 0 : i32
        %dma_start3A_137 = tpu.memref_slice %arg12[%dma_start3A_135, %dma_start3A_136] : memref<10240x128xf32, #tpu.memory_space<vmem_shared>> -> memref<10240x128xf32, #tpu.memory_space<vmem_shared>>
        tpu.enqueue_indirect_dma source(%arg11 : memref<128x128xf32, #tpu.memory_space<vmem>>) target(%dma_start3A_137 : memref<10240x128xf32, #tpu.memory_space<vmem_shared>>) offsets(%dma_start3A_134 : memref<128xi32, #tpu.memory_space<vmem>>) semaphore(%arg16 : memref<!tpu.dma_semaphore, #tpu.memory_space<semaphore_mem>>) {add = true}
        %dma_wait3A_138 = arith.constant 0 : i32
        %dma_wait3A_139 = tpu.memref_slice %arg9[%add3A_131, %dma_wait3A_138] : memref<40x128xi32, #tpu.memory_space<vmem>> -> memref<1x128xi32, #tpu.memory_space<vmem>>
        %dma_wait3A_140 = tpu.memref_squeeze %dma_wait3A_139 : memref<1x128xi32, #tpu.memory_space<vmem>> -> memref<128xi32, #tpu.memory_space<vmem>>
        %dma_wait3A_141 = arith.constant 0 : i32
        %dma_wait3A_142 = arith.constant 0 : i32
        %dma_wait3A_143 = tpu.memref_slice %arg12[%dma_wait3A_141, %dma_wait3A_142] : memref<10240x128xf32, #tpu.memory_space<vmem_shared>> -> memref<10240x128xf32, #tpu.memory_space<vmem_shared>>
        tpu.wait_indirect_dma semaphore(%arg16 : memref<!tpu.dma_semaphore, #tpu.memory_space<semaphore_mem>>) src(%arg11 : memref<128x128xf32, #tpu.memory_space<vmem>>) dst(%dma_wait3A_143 : memref<10240x128xf32, #tpu.memory_space<vmem_shared>>)
        %mul3A_144 = arith.constant 2 : i32
        %mul3A_145 = arith.muli %mul3A_144, %add3A_85 : i32
        %add3A_146 = arith.constant 3 : i32
        %add3A_147 = arith.addi %mul3A_145, %add3A_146 : i32
        %dma_start3A_148 = arith.constant 0 : i32
        %dma_start3A_149 = tpu.memref_slice %arg8[%add3A_147, %dma_start3A_148] : memref<40x128xi32, #tpu.memory_space<vmem>> -> memref<1x128xi32, #tpu.memory_space<vmem>>
        %dma_start3A_150 = tpu.memref_squeeze %dma_start3A_149 : memref<1x128xi32, #tpu.memory_space<vmem>> -> memref<128xi32, #tpu.memory_space<vmem>>
        %dma_start3A_151 = arith.constant 0 : i32
        %dma_start3A_152 = arith.constant 0 : i32
        %dma_start3A_153 = tpu.memref_slice %arg3[%dma_start3A_151, %dma_start3A_152] : memref<10240x128xf32, #tpu.memory_space<hbm>> -> memref<10240x128xf32, #tpu.memory_space<hbm>>
        tpu.enqueue_indirect_dma source(%dma_start3A_153 : memref<10240x128xf32, #tpu.memory_space<hbm>>) target(%arg11 : memref<128x128xf32, #tpu.memory_space<vmem>>) offsets(%dma_start3A_150 : memref<128xi32, #tpu.memory_space<vmem>>) semaphore(%arg14 : memref<!tpu.dma_semaphore, #tpu.memory_space<semaphore_mem>>)
      }
      %scan3A_26 = arith.constant 19 : i32
      %dma_wait3A = arith.constant 38 : i32
      %dma_wait3A_27 = arith.constant 0 : i32
      %dma_wait3A_28 = tpu.memref_slice %arg8[%dma_wait3A, %dma_wait3A_27] : memref<40x128xi32, #tpu.memory_space<vmem>> -> memref<1x128xi32, #tpu.memory_space<vmem>>
      %dma_wait3A_29 = tpu.memref_squeeze %dma_wait3A_28 : memref<1x128xi32, #tpu.memory_space<vmem>> -> memref<128xi32, #tpu.memory_space<vmem>>
      %dma_wait3A_30 = arith.constant 0 : i32
      %dma_wait3A_31 = arith.constant 0 : i32
      %dma_wait3A_32 = tpu.memref_slice %arg3[%dma_wait3A_30, %dma_wait3A_31] : memref<10240x128xf32, #tpu.memory_space<hbm>> -> memref<10240x128xf32, #tpu.memory_space<hbm>>
      tpu.wait_indirect_dma semaphore(%arg13 : memref<!tpu.dma_semaphore, #tpu.memory_space<semaphore_mem>>) src(%dma_wait3A_32 : memref<10240x128xf32, #tpu.memory_space<hbm>>) dst(%arg10 : memref<128x128xf32, #tpu.memory_space<vmem>>)
      %run_scoped3A = arith.constant 38 : i32
      "tpu.region"() ({
        %run_scoped3A_82 = tpu.sem_alloc : memref<!tpu.dma_semaphore, #tpu.memory_space<semaphore_mem>>
        %dma_start3A_83 = arith.constant 0 : i32
        %dma_start3A_84 = tpu.memref_slice %arg9[%run_scoped3A, %dma_start3A_83] : memref<40x128xi32, #tpu.memory_space<vmem>> -> memref<1x128xi32, #tpu.memory_space<vmem>>
        %dma_start3A_85 = tpu.memref_squeeze %dma_start3A_84 : memref<1x128xi32, #tpu.memory_space<vmem>> -> memref<128xi32, #tpu.memory_space<vmem>>
        %dma_start3A_86 = arith.constant 0 : i32
        %dma_start3A_87 = arith.constant 0 : i32
        %dma_start3A_88 = tpu.memref_slice %arg12[%dma_start3A_86, %dma_start3A_87] : memref<10240x128xf32, #tpu.memory_space<vmem_shared>> -> memref<10240x128xf32, #tpu.memory_space<vmem_shared>>
        tpu.enqueue_indirect_dma source(%arg10 : memref<128x128xf32, #tpu.memory_space<vmem>>) target(%dma_start3A_88 : memref<10240x128xf32, #tpu.memory_space<vmem_shared>>) offsets(%dma_start3A_85 : memref<128xi32, #tpu.memory_space<vmem>>) semaphore(%run_scoped3A_82 : memref<!tpu.dma_semaphore, #tpu.memory_space<semaphore_mem>>) {add = true}
        %dma_wait3A_89 = arith.constant 0 : i32
        %dma_wait3A_90 = tpu.memref_slice %arg9[%run_scoped3A, %dma_wait3A_89] : memref<40x128xi32, #tpu.memory_space<vmem>> -> memref<1x128xi32, #tpu.memory_space<vmem>>
        %dma_wait3A_91 = tpu.memref_squeeze %dma_wait3A_90 : memref<1x128xi32, #tpu.memory_space<vmem>> -> memref<128xi32, #tpu.memory_space<vmem>>
        %dma_wait3A_92 = arith.constant 0 : i32
        %dma_wait3A_93 = arith.constant 0 : i32
        %dma_wait3A_94 = tpu.memref_slice %arg12[%dma_wait3A_92, %dma_wait3A_93] : memref<10240x128xf32, #tpu.memory_space<vmem_shared>> -> memref<10240x128xf32, #tpu.memory_space<vmem_shared>>
        tpu.wait_indirect_dma semaphore(%run_scoped3A_82 : memref<!tpu.dma_semaphore, #tpu.memory_space<semaphore_mem>>) src(%arg10 : memref<128x128xf32, #tpu.memory_space<vmem>>) dst(%dma_wait3A_94 : memref<10240x128xf32, #tpu.memory_space<vmem_shared>>)
        tpu.yield
      }) : () -> ()
      %dma_wait3A_33 = arith.constant 39 : i32
      %dma_wait3A_34 = arith.constant 0 : i32
      %dma_wait3A_35 = tpu.memref_slice %arg8[%dma_wait3A_33, %dma_wait3A_34] : memref<40x128xi32, #tpu.memory_space<vmem>> -> memref<1x128xi32, #tpu.memory_space<vmem>>
      %dma_wait3A_36 = tpu.memref_squeeze %dma_wait3A_35 : memref<1x128xi32, #tpu.memory_space<vmem>> -> memref<128xi32, #tpu.memory_space<vmem>>
      %dma_wait3A_37 = arith.constant 0 : i32
      %dma_wait3A_38 = arith.constant 0 : i32
      %dma_wait3A_39 = tpu.memref_slice %arg3[%dma_wait3A_37, %dma_wait3A_38] : memref<10240x128xf32, #tpu.memory_space<hbm>> -> memref<10240x128xf32, #tpu.memory_space<hbm>>
      tpu.wait_indirect_dma semaphore(%arg14 : memref<!tpu.dma_semaphore, #tpu.memory_space<semaphore_mem>>) src(%dma_wait3A_39 : memref<10240x128xf32, #tpu.memory_space<hbm>>) dst(%arg11 : memref<128x128xf32, #tpu.memory_space<vmem>>)
      %run_scoped3A_40 = arith.constant 39 : i32
      "tpu.region"() ({
        %run_scoped3A_82 = tpu.sem_alloc : memref<!tpu.dma_semaphore, #tpu.memory_space<semaphore_mem>>
        %dma_start3A_83 = arith.constant 0 : i32
        %dma_start3A_84 = tpu.memref_slice %arg9[%run_scoped3A_40, %dma_start3A_83] : memref<40x128xi32, #tpu.memory_space<vmem>> -> memref<1x128xi32, #tpu.memory_space<vmem>>
        %dma_start3A_85 = tpu.memref_squeeze %dma_start3A_84 : memref<1x128xi32, #tpu.memory_space<vmem>> -> memref<128xi32, #tpu.memory_space<vmem>>
        %dma_start3A_86 = arith.constant 0 : i32
        %dma_start3A_87 = arith.constant 0 : i32
        %dma_start3A_88 = tpu.memref_slice %arg12[%dma_start3A_86, %dma_start3A_87] : memref<10240x128xf32, #tpu.memory_space<vmem_shared>> -> memref<10240x128xf32, #tpu.memory_space<vmem_shared>>
        tpu.enqueue_indirect_dma source(%arg11 : memref<128x128xf32, #tpu.memory_space<vmem>>) target(%dma_start3A_88 : memref<10240x128xf32, #tpu.memory_space<vmem_shared>>) offsets(%dma_start3A_85 : memref<128xi32, #tpu.memory_space<vmem>>) semaphore(%run_scoped3A_82 : memref<!tpu.dma_semaphore, #tpu.memory_space<semaphore_mem>>) {add = true}
        %dma_wait3A_89 = arith.constant 0 : i32
        %dma_wait3A_90 = tpu.memref_slice %arg9[%run_scoped3A_40, %dma_wait3A_89] : memref<40x128xi32, #tpu.memory_space<vmem>> -> memref<1x128xi32, #tpu.memory_space<vmem>>
        %dma_wait3A_91 = tpu.memref_squeeze %dma_wait3A_90 : memref<1x128xi32, #tpu.memory_space<vmem>> -> memref<128xi32, #tpu.memory_space<vmem>>
        %dma_wait3A_92 = arith.constant 0 : i32
        %dma_wait3A_93 = arith.constant 0 : i32
        %dma_wait3A_94 = tpu.memref_slice %arg12[%dma_wait3A_92, %dma_wait3A_93] : memref<10240x128xf32, #tpu.memory_space<vmem_shared>> -> memref<10240x128xf32, #tpu.memory_space<vmem_shared>>
        tpu.wait_indirect_dma semaphore(%run_scoped3A_82 : memref<!tpu.dma_semaphore, #tpu.memory_space<semaphore_mem>>) src(%arg11 : memref<128x128xf32, #tpu.memory_space<vmem>>) dst(%dma_wait3A_94 : memref<10240x128xf32, #tpu.memory_space<vmem_shared>>)
        tpu.yield
      }) : () -> ()
      "tpu.region"() ({
        %run_scoped3A_82 = tpu.sem_alloc : memref<!tpu.dma_semaphore, #tpu.memory_space<semaphore_mem>>
        %dma_start3A_83 = arith.constant 40 : i32
        %dma_start3A_84 = arith.constant 0 : i32
        %dma_start3A_85 = tpu.memref_slice %arg4[%arg1, %dma_start3A_83, %dma_start3A_84] : memref<16x80x128xi32, #tpu.memory_space<hbm>> -> memref<1x40x128xi32, #tpu.memory_space<hbm>>
        %dma_start3A_86 = tpu.memref_squeeze %dma_start3A_85 : memref<1x40x128xi32, #tpu.memory_space<hbm>> -> memref<40x128xi32, #tpu.memory_space<hbm>>
        %dma_start3A_87 = arith.constant 40 : i32
        %dma_start3A_88 = arith.constant 0 : i32
        %dma_start3A_89 = tpu.memref_slice %arg4[%arg1, %dma_start3A_87, %dma_start3A_88] : memref<16x80x128xi32, #tpu.memory_space<hbm>> -> memref<1x40x128xi32, #tpu.memory_space<hbm>>
        %dma_start3A_90 = tpu.memref_squeeze %dma_start3A_89 : memref<1x40x128xi32, #tpu.memory_space<hbm>> -> memref<40x128xi32, #tpu.memory_space<hbm>>
        tpu.enqueue_dma source(%dma_start3A_90 : memref<40x128xi32, #tpu.memory_space<hbm>>) target(%arg8 : memref<40x128xi32, #tpu.memory_space<vmem>>) target_semaphore(%run_scoped3A_82 : memref<!tpu.dma_semaphore, #tpu.memory_space<semaphore_mem>>)
        %dma_wait3A_91 = arith.constant 40 : i32
        %dma_wait3A_92 = arith.constant 0 : i32
        %dma_wait3A_93 = tpu.memref_slice %arg4[%arg1, %dma_wait3A_91, %dma_wait3A_92] : memref<16x80x128xi32, #tpu.memory_space<hbm>> -> memref<1x40x128xi32, #tpu.memory_space<hbm>>
        %dma_wait3A_94 = tpu.memref_squeeze %dma_wait3A_93 : memref<1x40x128xi32, #tpu.memory_space<hbm>> -> memref<40x128xi32, #tpu.memory_space<hbm>>
        %dma_wait3A_95 = arith.constant 40 : i32
        %dma_wait3A_96 = arith.constant 0 : i32
        %dma_wait3A_97 = tpu.memref_slice %arg4[%arg1, %dma_wait3A_95, %dma_wait3A_96] : memref<16x80x128xi32, #tpu.memory_space<hbm>> -> memref<1x40x128xi32, #tpu.memory_space<hbm>>
        %dma_wait3A_98 = tpu.memref_squeeze %dma_wait3A_97 : memref<1x40x128xi32, #tpu.memory_space<hbm>> -> memref<40x128xi32, #tpu.memory_space<hbm>>
        tpu.wait_dma2 semaphore(%run_scoped3A_82 : memref<!tpu.dma_semaphore, #tpu.memory_space<semaphore_mem>>) src(%dma_wait3A_98 : memref<40x128xi32, #tpu.memory_space<hbm>>) dst(%arg8 : memref<40x128xi32, #tpu.memory_space<vmem>>)
        tpu.yield
      }) : () -> ()
      "tpu.region"() ({
        %run_scoped3A_82 = tpu.sem_alloc : memref<!tpu.dma_semaphore, #tpu.memory_space<semaphore_mem>>
        %dma_start3A_83 = arith.constant 40 : i32
        %dma_start3A_84 = arith.constant 0 : i32
        %dma_start3A_85 = tpu.memref_slice %arg5[%arg1, %dma_start3A_83, %dma_start3A_84] : memref<16x80x128xi32, #tpu.memory_space<hbm>> -> memref<1x40x128xi32, #tpu.memory_space<hbm>>
        %dma_start3A_86 = tpu.memref_squeeze %dma_start3A_85 : memref<1x40x128xi32, #tpu.memory_space<hbm>> -> memref<40x128xi32, #tpu.memory_space<hbm>>
        %dma_start3A_87 = arith.constant 40 : i32
        %dma_start3A_88 = arith.constant 0 : i32
        %dma_start3A_89 = tpu.memref_slice %arg5[%arg1, %dma_start3A_87, %dma_start3A_88] : memref<16x80x128xi32, #tpu.memory_space<hbm>> -> memref<1x40x128xi32, #tpu.memory_space<hbm>>
        %dma_start3A_90 = tpu.memref_squeeze %dma_start3A_89 : memref<1x40x128xi32, #tpu.memory_space<hbm>> -> memref<40x128xi32, #tpu.memory_space<hbm>>
        tpu.enqueue_dma source(%dma_start3A_90 : memref<40x128xi32, #tpu.memory_space<hbm>>) target(%arg9 : memref<40x128xi32, #tpu.memory_space<vmem>>) target_semaphore(%run_scoped3A_82 : memref<!tpu.dma_semaphore, #tpu.memory_space<semaphore_mem>>)
        %dma_wait3A_91 = arith.constant 40 : i32
        %dma_wait3A_92 = arith.constant 0 : i32
        %dma_wait3A_93 = tpu.memref_slice %arg5[%arg1, %dma_wait3A_91, %dma_wait3A_92] : memref<16x80x128xi32, #tpu.memory_space<hbm>> -> memref<1x40x128xi32, #tpu.memory_space<hbm>>
        %dma_wait3A_94 = tpu.memref_squeeze %dma_wait3A_93 : memref<1x40x128xi32, #tpu.memory_space<hbm>> -> memref<40x128xi32, #tpu.memory_space<hbm>>
        %dma_wait3A_95 = arith.constant 40 : i32
        %dma_wait3A_96 = arith.constant 0 : i32
        %dma_wait3A_97 = tpu.memref_slice %arg5[%arg1, %dma_wait3A_95, %dma_wait3A_96] : memref<16x80x128xi32, #tpu.memory_space<hbm>> -> memref<1x40x128xi32, #tpu.memory_space<hbm>>
        %dma_wait3A_98 = tpu.memref_squeeze %dma_wait3A_97 : memref<1x40x128xi32, #tpu.memory_space<hbm>> -> memref<40x128xi32, #tpu.memory_space<hbm>>
        tpu.wait_dma2 semaphore(%run_scoped3A_82 : memref<!tpu.dma_semaphore, #tpu.memory_space<semaphore_mem>>) src(%dma_wait3A_98 : memref<40x128xi32, #tpu.memory_space<hbm>>) dst(%arg9 : memref<40x128xi32, #tpu.memory_space<vmem>>)
        tpu.yield
      }) : () -> ()
      %dma_start3A_41 = arith.constant 0 : i32
      %dma_start3A_42 = arith.constant 0 : i32
      %dma_start3A_43 = tpu.memref_slice %arg8[%dma_start3A_41, %dma_start3A_42] : memref<40x128xi32, #tpu.memory_space<vmem>> -> memref<1x128xi32, #tpu.memory_space<vmem>>
      %dma_start3A_44 = tpu.memref_squeeze %dma_start3A_43 : memref<1x128xi32, #tpu.memory_space<vmem>> -> memref<128xi32, #tpu.memory_space<vmem>>
      %dma_start3A_45 = arith.constant 0 : i32
      %dma_start3A_46 = arith.constant 0 : i32
      %dma_start3A_47 = tpu.memref_slice %arg3[%dma_start3A_45, %dma_start3A_46] : memref<10240x128xf32, #tpu.memory_space<hbm>> -> memref<10240x128xf32, #tpu.memory_space<hbm>>
      tpu.enqueue_indirect_dma source(%dma_start3A_47 : memref<10240x128xf32, #tpu.memory_space<hbm>>) target(%arg10 : memref<128x128xf32, #tpu.memory_space<vmem>>) offsets(%dma_start3A_44 : memref<128xi32, #tpu.memory_space<vmem>>) semaphore(%arg13 : memref<!tpu.dma_semaphore, #tpu.memory_space<semaphore_mem>>)
      %dma_start3A_48 = arith.constant 1 : i32
      %dma_start3A_49 = arith.constant 0 : i32
      %dma_start3A_50 = tpu.memref_slice %arg8[%dma_start3A_48, %dma_start3A_49] : memref<40x128xi32, #tpu.memory_space<vmem>> -> memref<1x128xi32, #tpu.memory_space<vmem>>
      %dma_start3A_51 = tpu.memref_squeeze %dma_start3A_50 : memref<1x128xi32, #tpu.memory_space<vmem>> -> memref<128xi32, #tpu.memory_space<vmem>>
      %dma_start3A_52 = arith.constant 0 : i32
      %dma_start3A_53 = arith.constant 0 : i32
      %dma_start3A_54 = tpu.memref_slice %arg3[%dma_start3A_52, %dma_start3A_53] : memref<10240x128xf32, #tpu.memory_space<hbm>> -> memref<10240x128xf32, #tpu.memory_space<hbm>>
      tpu.enqueue_indirect_dma source(%dma_start3A_54 : memref<10240x128xf32, #tpu.memory_space<hbm>>) target(%arg11 : memref<128x128xf32, #tpu.memory_space<vmem>>) offsets(%dma_start3A_51 : memref<128xi32, #tpu.memory_space<vmem>>) semaphore(%arg14 : memref<!tpu.dma_semaphore, #tpu.memory_space<semaphore_mem>>)
      %scan3A_55 = arith.constant 0 : i32
      %scan3A_56 = arith.constant 19 : i32
      %scan3A_57 = arith.addi %scan3A_55, %scan3A_56 : i32
      %scan3A_58 = arith.constant 1 : i32
      scf.for %scan3A_82 = %scan3A_55 to %scan3A_57 step %scan3A_58  : i32 {
        %mul3A_83 = arith.constant 1 : i32
        %mul3A_84 = arith.muli %scan3A_82, %mul3A_83 : i32
        %add3A = arith.constant 0 : i32
        %add3A_85 = arith.addi %add3A, %mul3A_84 : i32
        %mul3A_86 = arith.constant 2 : i32
        %mul3A_87 = arith.muli %mul3A_86, %add3A_85 : i32
        %dma_wait3A_88 = arith.constant 0 : i32
        %dma_wait3A_89 = tpu.memref_slice %arg8[%mul3A_87, %dma_wait3A_88] : memref<40x128xi32, #tpu.memory_space<vmem>> -> memref<1x128xi32, #tpu.memory_space<vmem>>
        %dma_wait3A_90 = tpu.memref_squeeze %dma_wait3A_89 : memref<1x128xi32, #tpu.memory_space<vmem>> -> memref<128xi32, #tpu.memory_space<vmem>>
        %dma_wait3A_91 = arith.constant 0 : i32
        %dma_wait3A_92 = arith.constant 0 : i32
        %dma_wait3A_93 = tpu.memref_slice %arg3[%dma_wait3A_91, %dma_wait3A_92] : memref<10240x128xf32, #tpu.memory_space<hbm>> -> memref<10240x128xf32, #tpu.memory_space<hbm>>
        tpu.wait_indirect_dma semaphore(%arg13 : memref<!tpu.dma_semaphore, #tpu.memory_space<semaphore_mem>>) src(%dma_wait3A_93 : memref<10240x128xf32, #tpu.memory_space<hbm>>) dst(%arg10 : memref<128x128xf32, #tpu.memory_space<vmem>>)
        %mul3A_94 = arith.constant 2 : i32
        %mul3A_95 = arith.muli %mul3A_94, %add3A_85 : i32
        %dma_start3A_96 = arith.constant 0 : i32
        %dma_start3A_97 = tpu.memref_slice %arg9[%mul3A_95, %dma_start3A_96] : memref<40x128xi32, #tpu.memory_space<vmem>> -> memref<1x128xi32, #tpu.memory_space<vmem>>
        %dma_start3A_98 = tpu.memref_squeeze %dma_start3A_97 : memref<1x128xi32, #tpu.memory_space<vmem>> -> memref<128xi32, #tpu.memory_space<vmem>>
        %dma_start3A_99 = arith.constant 0 : i32
        %dma_start3A_100 = arith.constant 0 : i32
        %dma_start3A_101 = tpu.memref_slice %arg12[%dma_start3A_99, %dma_start3A_100] : memref<10240x128xf32, #tpu.memory_space<vmem_shared>> -> memref<10240x128xf32, #tpu.memory_space<vmem_shared>>
        tpu.enqueue_indirect_dma source(%arg10 : memref<128x128xf32, #tpu.memory_space<vmem>>) target(%dma_start3A_101 : memref<10240x128xf32, #tpu.memory_space<vmem_shared>>) offsets(%dma_start3A_98 : memref<128xi32, #tpu.memory_space<vmem>>) semaphore(%arg15 : memref<!tpu.dma_semaphore, #tpu.memory_space<semaphore_mem>>) {add = true}
        %mul3A_102 = arith.constant 2 : i32
        %mul3A_103 = arith.muli %mul3A_102, %add3A_85 : i32
        %add3A_104 = arith.constant 1 : i32
        %add3A_105 = arith.addi %mul3A_103, %add3A_104 : i32
        %dma_wait3A_106 = arith.constant 0 : i32
        %dma_wait3A_107 = tpu.memref_slice %arg8[%add3A_105, %dma_wait3A_106] : memref<40x128xi32, #tpu.memory_space<vmem>> -> memref<1x128xi32, #tpu.memory_space<vmem>>
        %dma_wait3A_108 = tpu.memref_squeeze %dma_wait3A_107 : memref<1x128xi32, #tpu.memory_space<vmem>> -> memref<128xi32, #tpu.memory_space<vmem>>
        %dma_wait3A_109 = arith.constant 0 : i32
        %dma_wait3A_110 = arith.constant 0 : i32
        %dma_wait3A_111 = tpu.memref_slice %arg3[%dma_wait3A_109, %dma_wait3A_110] : memref<10240x128xf32, #tpu.memory_space<hbm>> -> memref<10240x128xf32, #tpu.memory_space<hbm>>
        tpu.wait_indirect_dma semaphore(%arg14 : memref<!tpu.dma_semaphore, #tpu.memory_space<semaphore_mem>>) src(%dma_wait3A_111 : memref<10240x128xf32, #tpu.memory_space<hbm>>) dst(%arg11 : memref<128x128xf32, #tpu.memory_space<vmem>>)
        %dma_wait3A_112 = arith.constant 0 : i32
        %dma_wait3A_113 = tpu.memref_slice %arg9[%mul3A_95, %dma_wait3A_112] : memref<40x128xi32, #tpu.memory_space<vmem>> -> memref<1x128xi32, #tpu.memory_space<vmem>>
        %dma_wait3A_114 = tpu.memref_squeeze %dma_wait3A_113 : memref<1x128xi32, #tpu.memory_space<vmem>> -> memref<128xi32, #tpu.memory_space<vmem>>
        %dma_wait3A_115 = arith.constant 0 : i32
        %dma_wait3A_116 = arith.constant 0 : i32
        %dma_wait3A_117 = tpu.memref_slice %arg12[%dma_wait3A_115, %dma_wait3A_116] : memref<10240x128xf32, #tpu.memory_space<vmem_shared>> -> memref<10240x128xf32, #tpu.memory_space<vmem_shared>>
        tpu.wait_indirect_dma semaphore(%arg15 : memref<!tpu.dma_semaphore, #tpu.memory_space<semaphore_mem>>) src(%arg10 : memref<128x128xf32, #tpu.memory_space<vmem>>) dst(%dma_wait3A_117 : memref<10240x128xf32, #tpu.memory_space<vmem_shared>>)
        %mul3A_118 = arith.constant 2 : i32
        %mul3A_119 = arith.muli %mul3A_118, %add3A_85 : i32
        %add3A_120 = arith.constant 2 : i32
        %add3A_121 = arith.addi %mul3A_119, %add3A_120 : i32
        %dma_start3A_122 = arith.constant 0 : i32
        %dma_start3A_123 = tpu.memref_slice %arg8[%add3A_121, %dma_start3A_122] : memref<40x128xi32, #tpu.memory_space<vmem>> -> memref<1x128xi32, #tpu.memory_space<vmem>>
        %dma_start3A_124 = tpu.memref_squeeze %dma_start3A_123 : memref<1x128xi32, #tpu.memory_space<vmem>> -> memref<128xi32, #tpu.memory_space<vmem>>
        %dma_start3A_125 = arith.constant 0 : i32
        %dma_start3A_126 = arith.constant 0 : i32
        %dma_start3A_127 = tpu.memref_slice %arg3[%dma_start3A_125, %dma_start3A_126] : memref<10240x128xf32, #tpu.memory_space<hbm>> -> memref<10240x128xf32, #tpu.memory_space<hbm>>
        tpu.enqueue_indirect_dma source(%dma_start3A_127 : memref<10240x128xf32, #tpu.memory_space<hbm>>) target(%arg10 : memref<128x128xf32, #tpu.memory_space<vmem>>) offsets(%dma_start3A_124 : memref<128xi32, #tpu.memory_space<vmem>>) semaphore(%arg13 : memref<!tpu.dma_semaphore, #tpu.memory_space<semaphore_mem>>)
        %mul3A_128 = arith.constant 2 : i32
        %mul3A_129 = arith.muli %mul3A_128, %add3A_85 : i32
        %add3A_130 = arith.constant 1 : i32
        %add3A_131 = arith.addi %mul3A_129, %add3A_130 : i32
        %dma_start3A_132 = arith.constant 0 : i32
        %dma_start3A_133 = tpu.memref_slice %arg9[%add3A_131, %dma_start3A_132] : memref<40x128xi32, #tpu.memory_space<vmem>> -> memref<1x128xi32, #tpu.memory_space<vmem>>
        %dma_start3A_134 = tpu.memref_squeeze %dma_start3A_133 : memref<1x128xi32, #tpu.memory_space<vmem>> -> memref<128xi32, #tpu.memory_space<vmem>>
        %dma_start3A_135 = arith.constant 0 : i32
        %dma_start3A_136 = arith.constant 0 : i32
        %dma_start3A_137 = tpu.memref_slice %arg12[%dma_start3A_135, %dma_start3A_136] : memref<10240x128xf32, #tpu.memory_space<vmem_shared>> -> memref<10240x128xf32, #tpu.memory_space<vmem_shared>>
        tpu.enqueue_indirect_dma source(%arg11 : memref<128x128xf32, #tpu.memory_space<vmem>>) target(%dma_start3A_137 : memref<10240x128xf32, #tpu.memory_space<vmem_shared>>) offsets(%dma_start3A_134 : memref<128xi32, #tpu.memory_space<vmem>>) semaphore(%arg16 : memref<!tpu.dma_semaphore, #tpu.memory_space<semaphore_mem>>) {add = true}
        %dma_wait3A_138 = arith.constant 0 : i32
        %dma_wait3A_139 = tpu.memref_slice %arg9[%add3A_131, %dma_wait3A_138] : memref<40x128xi32, #tpu.memory_space<vmem>> -> memref<1x128xi32, #tpu.memory_space<vmem>>
        %dma_wait3A_140 = tpu.memref_squeeze %dma_wait3A_139 : memref<1x128xi32, #tpu.memory_space<vmem>> -> memref<128xi32, #tpu.memory_space<vmem>>
        %dma_wait3A_141 = arith.constant 0 : i32
        %dma_wait3A_142 = arith.constant 0 : i32
        %dma_wait3A_143 = tpu.memref_slice %arg12[%dma_wait3A_141, %dma_wait3A_142] : memref<10240x128xf32, #tpu.memory_space<vmem_shared>> -> memref<10240x128xf32, #tpu.memory_space<vmem_shared>>
        tpu.wait_indirect_dma semaphore(%arg16 : memref<!tpu.dma_semaphore, #tpu.memory_space<semaphore_mem>>) src(%arg11 : memref<128x128xf32, #tpu.memory_space<vmem>>) dst(%dma_wait3A_143 : memref<10240x128xf32, #tpu.memory_space<vmem_shared>>)
        %mul3A_144 = arith.constant 2 : i32
        %mul3A_145 = arith.muli %mul3A_144, %add3A_85 : i32
        %add3A_146 = arith.constant 3 : i32
        %add3A_147 = arith.addi %mul3A_145, %add3A_146 : i32
        %dma_start3A_148 = arith.constant 0 : i32
        %dma_start3A_149 = tpu.memref_slice %arg8[%add3A_147, %dma_start3A_148] : memref<40x128xi32, #tpu.memory_space<vmem>> -> memref<1x128xi32, #tpu.memory_space<vmem>>
        %dma_start3A_150 = tpu.memref_squeeze %dma_start3A_149 : memref<1x128xi32, #tpu.memory_space<vmem>> -> memref<128xi32, #tpu.memory_space<vmem>>
        %dma_start3A_151 = arith.constant 0 : i32
        %dma_start3A_152 = arith.constant 0 : i32
        %dma_start3A_153 = tpu.memref_slice %arg3[%dma_start3A_151, %dma_start3A_152] : memref<10240x128xf32, #tpu.memory_space<hbm>> -> memref<10240x128xf32, #tpu.memory_space<hbm>>
        tpu.enqueue_indirect_dma source(%dma_start3A_153 : memref<10240x128xf32, #tpu.memory_space<hbm>>) target(%arg11 : memref<128x128xf32, #tpu.memory_space<vmem>>) offsets(%dma_start3A_150 : memref<128xi32, #tpu.memory_space<vmem>>) semaphore(%arg14 : memref<!tpu.dma_semaphore, #tpu.memory_space<semaphore_mem>>)
      }
      %scan3A_59 = arith.constant 19 : i32
      %dma_wait3A_60 = arith.constant 38 : i32
      %dma_wait3A_61 = arith.constant 0 : i32
      %dma_wait3A_62 = tpu.memref_slice %arg8[%dma_wait3A_60, %dma_wait3A_61] : memref<40x128xi32, #tpu.memory_space<vmem>> -> memref<1x128xi32, #tpu.memory_space<vmem>>
      %dma_wait3A_63 = tpu.memref_squeeze %dma_wait3A_62 : memref<1x128xi32, #tpu.memory_space<vmem>> -> memref<128xi32, #tpu.memory_space<vmem>>
      %dma_wait3A_64 = arith.constant 0 : i32
      %dma_wait3A_65 = arith.constant 0 : i32
      %dma_wait3A_66 = tpu.memref_slice %arg3[%dma_wait3A_64, %dma_wait3A_65] : memref<10240x128xf32, #tpu.memory_space<hbm>> -> memref<10240x128xf32, #tpu.memory_space<hbm>>
      tpu.wait_indirect_dma semaphore(%arg13 : memref<!tpu.dma_semaphore, #tpu.memory_space<semaphore_mem>>) src(%dma_wait3A_66 : memref<10240x128xf32, #tpu.memory_space<hbm>>) dst(%arg10 : memref<128x128xf32, #tpu.memory_space<vmem>>)
      %run_scoped3A_67 = arith.constant 38 : i32
      "tpu.region"() ({
        %run_scoped3A_82 = tpu.sem_alloc : memref<!tpu.dma_semaphore, #tpu.memory_space<semaphore_mem>>
        %dma_start3A_83 = arith.constant 0 : i32
        %dma_start3A_84 = tpu.memref_slice %arg9[%run_scoped3A_67, %dma_start3A_83] : memref<40x128xi32, #tpu.memory_space<vmem>> -> memref<1x128xi32, #tpu.memory_space<vmem>>
        %dma_start3A_85 = tpu.memref_squeeze %dma_start3A_84 : memref<1x128xi32, #tpu.memory_space<vmem>> -> memref<128xi32, #tpu.memory_space<vmem>>
        %dma_start3A_86 = arith.constant 0 : i32
        %dma_start3A_87 = arith.constant 0 : i32
        %dma_start3A_88 = tpu.memref_slice %arg12[%dma_start3A_86, %dma_start3A_87] : memref<10240x128xf32, #tpu.memory_space<vmem_shared>> -> memref<10240x128xf32, #tpu.memory_space<vmem_shared>>
        tpu.enqueue_indirect_dma source(%arg10 : memref<128x128xf32, #tpu.memory_space<vmem>>) target(%dma_start3A_88 : memref<10240x128xf32, #tpu.memory_space<vmem_shared>>) offsets(%dma_start3A_85 : memref<128xi32, #tpu.memory_space<vmem>>) semaphore(%run_scoped3A_82 : memref<!tpu.dma_semaphore, #tpu.memory_space<semaphore_mem>>) {add = true}
        %dma_wait3A_89 = arith.constant 0 : i32
        %dma_wait3A_90 = tpu.memref_slice %arg9[%run_scoped3A_67, %dma_wait3A_89] : memref<40x128xi32, #tpu.memory_space<vmem>> -> memref<1x128xi32, #tpu.memory_space<vmem>>
        %dma_wait3A_91 = tpu.memref_squeeze %dma_wait3A_90 : memref<1x128xi32, #tpu.memory_space<vmem>> -> memref<128xi32, #tpu.memory_space<vmem>>
        %dma_wait3A_92 = arith.constant 0 : i32
        %dma_wait3A_93 = arith.constant 0 : i32
        %dma_wait3A_94 = tpu.memref_slice %arg12[%dma_wait3A_92, %dma_wait3A_93] : memref<10240x128xf32, #tpu.memory_space<vmem_shared>> -> memref<10240x128xf32, #tpu.memory_space<vmem_shared>>
        tpu.wait_indirect_dma semaphore(%run_scoped3A_82 : memref<!tpu.dma_semaphore, #tpu.memory_space<semaphore_mem>>) src(%arg10 : memref<128x128xf32, #tpu.memory_space<vmem>>) dst(%dma_wait3A_94 : memref<10240x128xf32, #tpu.memory_space<vmem_shared>>)
        tpu.yield
      }) : () -> ()
      %dma_wait3A_68 = arith.constant 39 : i32
      %dma_wait3A_69 = arith.constant 0 : i32
      %dma_wait3A_70 = tpu.memref_slice %arg8[%dma_wait3A_68, %dma_wait3A_69] : memref<40x128xi32, #tpu.memory_space<vmem>> -> memref<1x128xi32, #tpu.memory_space<vmem>>
      %dma_wait3A_71 = tpu.memref_squeeze %dma_wait3A_70 : memref<1x128xi32, #tpu.memory_space<vmem>> -> memref<128xi32, #tpu.memory_space<vmem>>
      %dma_wait3A_72 = arith.constant 0 : i32
      %dma_wait3A_73 = arith.constant 0 : i32
      %dma_wait3A_74 = tpu.memref_slice %arg3[%dma_wait3A_72, %dma_wait3A_73] : memref<10240x128xf32, #tpu.memory_space<hbm>> -> memref<10240x128xf32, #tpu.memory_space<hbm>>
      tpu.wait_indirect_dma semaphore(%arg14 : memref<!tpu.dma_semaphore, #tpu.memory_space<semaphore_mem>>) src(%dma_wait3A_74 : memref<10240x128xf32, #tpu.memory_space<hbm>>) dst(%arg11 : memref<128x128xf32, #tpu.memory_space<vmem>>)
      %run_scoped3A_75 = arith.constant 39 : i32
      "tpu.region"() ({
        %run_scoped3A_82 = tpu.sem_alloc : memref<!tpu.dma_semaphore, #tpu.memory_space<semaphore_mem>>
        %dma_start3A_83 = arith.constant 0 : i32
        %dma_start3A_84 = tpu.memref_slice %arg9[%run_scoped3A_75, %dma_start3A_83] : memref<40x128xi32, #tpu.memory_space<vmem>> -> memref<1x128xi32, #tpu.memory_space<vmem>>
        %dma_start3A_85 = tpu.memref_squeeze %dma_start3A_84 : memref<1x128xi32, #tpu.memory_space<vmem>> -> memref<128xi32, #tpu.memory_space<vmem>>
        %dma_start3A_86 = arith.constant 0 : i32
        %dma_start3A_87 = arith.constant 0 : i32
        %dma_start3A_88 = tpu.memref_slice %arg12[%dma_start3A_86, %dma_start3A_87] : memref<10240x128xf32, #tpu.memory_space<vmem_shared>> -> memref<10240x128xf32, #tpu.memory_space<vmem_shared>>
        tpu.enqueue_indirect_dma source(%arg11 : memref<128x128xf32, #tpu.memory_space<vmem>>) target(%dma_start3A_88 : memref<10240x128xf32, #tpu.memory_space<vmem_shared>>) offsets(%dma_start3A_85 : memref<128xi32, #tpu.memory_space<vmem>>) semaphore(%run_scoped3A_82 : memref<!tpu.dma_semaphore, #tpu.memory_space<semaphore_mem>>) {add = true}
        %dma_wait3A_89 = arith.constant 0 : i32
        %dma_wait3A_90 = tpu.memref_slice %arg9[%run_scoped3A_75, %dma_wait3A_89] : memref<40x128xi32, #tpu.memory_space<vmem>> -> memref<1x128xi32, #tpu.memory_space<vmem>>
        %dma_wait3A_91 = tpu.memref_squeeze %dma_wait3A_90 : memref<1x128xi32, #tpu.memory_space<vmem>> -> memref<128xi32, #tpu.memory_space<vmem>>
        %dma_wait3A_92 = arith.constant 0 : i32
        %dma_wait3A_93 = arith.constant 0 : i32
        %dma_wait3A_94 = tpu.memref_slice %arg12[%dma_wait3A_92, %dma_wait3A_93] : memref<10240x128xf32, #tpu.memory_space<vmem_shared>> -> memref<10240x128xf32, #tpu.memory_space<vmem_shared>>
        tpu.wait_indirect_dma semaphore(%run_scoped3A_82 : memref<!tpu.dma_semaphore, #tpu.memory_space<semaphore_mem>>) src(%arg11 : memref<128x128xf32, #tpu.memory_space<vmem>>) dst(%dma_wait3A_94 : memref<10240x128xf32, #tpu.memory_space<vmem_shared>>)
        tpu.yield
      }) : () -> ()
      %barrier3A_76 = arith.constant 0 : index
      tpu.barrier barrier_id(%barrier3A_76)
      %mul3A_77 = arith.constant 640 : i32
      %mul3A_78 = arith.muli %arg1, %mul3A_77 : i32
      %mul3A_79 = arith.constant 640 : i32
      %mul3A_80 = arith.muli %arg1, %mul3A_79 : i32
      "tpu.region"() ({
        %run_scoped3A_82 = tpu.sem_alloc : memref<!tpu.dma_semaphore, #tpu.memory_space<semaphore_mem>>
        %dma_start3A_83 = arith.constant 0 : i32
        %dma_start3A_84 = tpu.memref_slice %arg7[%mul3A_80, %dma_start3A_83] : memref<10240x128xf32, #tpu.memory_space<hbm>> -> memref<640x128xf32, #tpu.memory_space<hbm>>
        %dma_start3A_85 = arith.constant 0 : i32
        %dma_start3A_86 = tpu.memref_slice %arg12[%mul3A_78, %dma_start3A_85] : memref<10240x128xf32, #tpu.memory_space<vmem_shared>> -> memref<640x128xf32, #tpu.memory_space<vmem_shared>>
        tpu.enqueue_dma source(%dma_start3A_86 : memref<640x128xf32, #tpu.memory_space<vmem_shared>>) target(%dma_start3A_84 : memref<640x128xf32, #tpu.memory_space<hbm>>) target_semaphore(%run_scoped3A_82 : memref<!tpu.dma_semaphore, #tpu.memory_space<semaphore_mem>>)
        %dma_wait3A_87 = arith.constant 0 : i32
        %dma_wait3A_88 = tpu.memref_slice %arg7[%mul3A_80, %dma_wait3A_87] : memref<10240x128xf32, #tpu.memory_space<hbm>> -> memref<640x128xf32, #tpu.memory_space<hbm>>
        %dma_wait3A_89 = arith.constant 0 : i32
        %dma_wait3A_90 = tpu.memref_slice %arg12[%mul3A_78, %dma_wait3A_89] : memref<10240x128xf32, #tpu.memory_space<vmem_shared>> -> memref<640x128xf32, #tpu.memory_space<vmem_shared>>
        tpu.wait_dma2 semaphore(%run_scoped3A_82 : memref<!tpu.dma_semaphore, #tpu.memory_space<semaphore_mem>>) src(%dma_wait3A_90 : memref<640x128xf32, #tpu.memory_space<vmem_shared>>) dst(%dma_wait3A_88 : memref<640x128xf32, #tpu.memory_space<hbm>>)
        tpu.yield
      }) : () -> ()
      %barrier3A_81 = arith.constant 0 : index
      tpu.barrier barrier_id(%barrier3A_81)
    } else {
    }
    return
  }
}

#map = affine_map<(d0, d1) -> (0, 0)>
#map1 = affine_map<(d0, d1) -> (0, 0, 0)>
module attributes {stable_mosaic.version = 14 : i64} {
  func.func @_conv_body(%arg0: i32, %arg1: i32, %arg2: memref<10240x128xf32, #tpu.memory_space<hbm>>, %arg3: memref<10240x128xf32, #tpu.memory_space<hbm>>, %arg4: memref<10240x128xf32, #tpu.memory_space<hbm>>, %arg5: memref<10240x128xf32, #tpu.memory_space<hbm>>, %arg6: memref<16x80x128xi32, #tpu.memory_space<hbm>>, %arg7: memref<16x80x128xi32, #tpu.memory_space<hbm>>, %arg8: memref<10240x128xf32, #tpu.memory_space<hbm>>, %arg9: memref<10240x128xf32, #tpu.memory_space<hbm>>, %arg10: memref<10240x128xf32, #tpu.memory_space<hbm>>, %arg11: memref<10240x128xf32, #tpu.memory_space<hbm>>, %arg12: memref<40x128xi32, #tpu.memory_space<vmem>>, %arg13: memref<40x128xi32, #tpu.memory_space<vmem>>, %arg14: memref<128x128xf32, #tpu.memory_space<vmem>>, %arg15: memref<128x128xf32, #tpu.memory_space<vmem>>, %arg16: memref<10240x128xf32, #tpu.memory_space<vmem_shared>>, %arg17: memref<!tpu.dma_semaphore, #tpu.memory_space<semaphore_mem>>, %arg18: memref<!tpu.dma_semaphore, #tpu.memory_space<semaphore_mem>>, %arg19: memref<!tpu.dma_semaphore, #tpu.memory_space<semaphore_mem>>, %arg20: memref<!tpu.dma_semaphore, #tpu.memory_space<semaphore_mem>>) attributes {dimension_semantics = [#tpu.dimension_semantics<core_parallel>, #tpu.dimension_semantics<subcore_parallel>], iteration_bounds = array<i64: 2, 16>, scalar_prefetch = 0 : i64, scratch_operands = 9 : i64, tpu.core_type = #tpu.core_type<sc_vector_subcore>, window_params = [{transform_indices = #map}, {transform_indices = #map}, {transform_indices = #map}, {transform_indices = #map}, {transform_indices = #map1}, {transform_indices = #map1}, {transform_indices = #map}, {transform_indices = #map}, {transform_indices = #map}, {transform_indices = #map}]} {
    %eq3A = arith.constant 0 : i32
    %eq3A_0 = arith.cmpi eq, %arg0, %eq3A : i32
    %convert_element_type3A = arith.extui %eq3A_0 : i1 to i32
    %cond3A = arith.constant 0 : i32
    %cond3A_1 = arith.cmpi ne, %convert_element_type3A, %cond3A : i32
    scf.if %cond3A_1 {
      %mul3A = arith.constant 640 : i32
      %mul3A_7 = arith.muli %arg1, %mul3A : i32
      %mul3A_8 = arith.constant 640 : i32
      %mul3A_9 = arith.muli %arg1, %mul3A_8 : i32
      "tpu.region"() ({
        %run_scoped3A_163 = tpu.sem_alloc : memref<!tpu.dma_semaphore, #tpu.memory_space<semaphore_mem>>
        %dma_start3A_164 = arith.constant 0 : i32
        %dma_start3A_165 = tpu.memref_slice %arg16[%mul3A_9, %dma_start3A_164] : memref<10240x128xf32, #tpu.memory_space<vmem_shared>> -> memref<640x128xf32, #tpu.memory_space<vmem_shared>>
        %dma_start3A_166 = arith.constant 0 : i32
        %dma_start3A_167 = tpu.memref_slice %arg2[%mul3A_7, %dma_start3A_166] : memref<10240x128xf32, #tpu.memory_space<hbm>> -> memref<640x128xf32, #tpu.memory_space<hbm>>
        tpu.enqueue_dma source(%dma_start3A_167 : memref<640x128xf32, #tpu.memory_space<hbm>>) target(%dma_start3A_165 : memref<640x128xf32, #tpu.memory_space<vmem_shared>>) target_semaphore(%run_scoped3A_163 : memref<!tpu.dma_semaphore, #tpu.memory_space<semaphore_mem>>)
        %dma_wait3A_168 = arith.constant 0 : i32
        %dma_wait3A_169 = tpu.memref_slice %arg16[%mul3A_9, %dma_wait3A_168] : memref<10240x128xf32, #tpu.memory_space<vmem_shared>> -> memref<640x128xf32, #tpu.memory_space<vmem_shared>>
        %dma_wait3A_170 = arith.constant 0 : i32
        %dma_wait3A_171 = tpu.memref_slice %arg2[%mul3A_7, %dma_wait3A_170] : memref<10240x128xf32, #tpu.memory_space<hbm>> -> memref<640x128xf32, #tpu.memory_space<hbm>>
        tpu.wait_dma2 semaphore(%run_scoped3A_163 : memref<!tpu.dma_semaphore, #tpu.memory_space<semaphore_mem>>) src(%dma_wait3A_171 : memref<640x128xf32, #tpu.memory_space<hbm>>) dst(%dma_wait3A_169 : memref<640x128xf32, #tpu.memory_space<vmem_shared>>)
        tpu.yield
      }) : () -> ()
      %barrier3A = arith.constant 0 : index
      tpu.barrier barrier_id(%barrier3A)
      "tpu.region"() ({
        %run_scoped3A_163 = tpu.sem_alloc : memref<!tpu.dma_semaphore, #tpu.memory_space<semaphore_mem>>
        %dma_start3A_164 = arith.constant 0 : i32
        %dma_start3A_165 = arith.constant 0 : i32
        %dma_start3A_166 = tpu.memref_slice %arg6[%arg1, %dma_start3A_164, %dma_start3A_165] : memref<16x80x128xi32, #tpu.memory_space<hbm>> -> memref<1x40x128xi32, #tpu.memory_space<hbm>>
        %dma_start3A_167 = tpu.memref_squeeze %dma_start3A_166 : memref<1x40x128xi32, #tpu.memory_space<hbm>> -> memref<40x128xi32, #tpu.memory_space<hbm>>
        %dma_start3A_168 = arith.constant 0 : i32
        %dma_start3A_169 = arith.constant 0 : i32
        %dma_start3A_170 = tpu.memref_slice %arg6[%arg1, %dma_start3A_168, %dma_start3A_169] : memref<16x80x128xi32, #tpu.memory_space<hbm>> -> memref<1x40x128xi32, #tpu.memory_space<hbm>>
        %dma_start3A_171 = tpu.memref_squeeze %dma_start3A_170 : memref<1x40x128xi32, #tpu.memory_space<hbm>> -> memref<40x128xi32, #tpu.memory_space<hbm>>
        tpu.enqueue_dma source(%dma_start3A_171 : memref<40x128xi32, #tpu.memory_space<hbm>>) target(%arg12 : memref<40x128xi32, #tpu.memory_space<vmem>>) target_semaphore(%run_scoped3A_163 : memref<!tpu.dma_semaphore, #tpu.memory_space<semaphore_mem>>)
        %dma_wait3A_172 = arith.constant 0 : i32
        %dma_wait3A_173 = arith.constant 0 : i32
        %dma_wait3A_174 = tpu.memref_slice %arg6[%arg1, %dma_wait3A_172, %dma_wait3A_173] : memref<16x80x128xi32, #tpu.memory_space<hbm>> -> memref<1x40x128xi32, #tpu.memory_space<hbm>>
        %dma_wait3A_175 = tpu.memref_squeeze %dma_wait3A_174 : memref<1x40x128xi32, #tpu.memory_space<hbm>> -> memref<40x128xi32, #tpu.memory_space<hbm>>
        %dma_wait3A_176 = arith.constant 0 : i32
        %dma_wait3A_177 = arith.constant 0 : i32
        %dma_wait3A_178 = tpu.memref_slice %arg6[%arg1, %dma_wait3A_176, %dma_wait3A_177] : memref<16x80x128xi32, #tpu.memory_space<hbm>> -> memref<1x40x128xi32, #tpu.memory_space<hbm>>
        %dma_wait3A_179 = tpu.memref_squeeze %dma_wait3A_178 : memref<1x40x128xi32, #tpu.memory_space<hbm>> -> memref<40x128xi32, #tpu.memory_space<hbm>>
        tpu.wait_dma2 semaphore(%run_scoped3A_163 : memref<!tpu.dma_semaphore, #tpu.memory_space<semaphore_mem>>) src(%dma_wait3A_179 : memref<40x128xi32, #tpu.memory_space<hbm>>) dst(%arg12 : memref<40x128xi32, #tpu.memory_space<vmem>>)
        tpu.yield
      }) : () -> ()
      "tpu.region"() ({
        %run_scoped3A_163 = tpu.sem_alloc : memref<!tpu.dma_semaphore, #tpu.memory_space<semaphore_mem>>
        %dma_start3A_164 = arith.constant 0 : i32
        %dma_start3A_165 = arith.constant 0 : i32
        %dma_start3A_166 = tpu.memref_slice %arg7[%arg1, %dma_start3A_164, %dma_start3A_165] : memref<16x80x128xi32, #tpu.memory_space<hbm>> -> memref<1x40x128xi32, #tpu.memory_space<hbm>>
        %dma_start3A_167 = tpu.memref_squeeze %dma_start3A_166 : memref<1x40x128xi32, #tpu.memory_space<hbm>> -> memref<40x128xi32, #tpu.memory_space<hbm>>
        %dma_start3A_168 = arith.constant 0 : i32
        %dma_start3A_169 = arith.constant 0 : i32
        %dma_start3A_170 = tpu.memref_slice %arg7[%arg1, %dma_start3A_168, %dma_start3A_169] : memref<16x80x128xi32, #tpu.memory_space<hbm>> -> memref<1x40x128xi32, #tpu.memory_space<hbm>>
        %dma_start3A_171 = tpu.memref_squeeze %dma_start3A_170 : memref<1x40x128xi32, #tpu.memory_space<hbm>> -> memref<40x128xi32, #tpu.memory_space<hbm>>
        tpu.enqueue_dma source(%dma_start3A_171 : memref<40x128xi32, #tpu.memory_space<hbm>>) target(%arg13 : memref<40x128xi32, #tpu.memory_space<vmem>>) target_semaphore(%run_scoped3A_163 : memref<!tpu.dma_semaphore, #tpu.memory_space<semaphore_mem>>)
        %dma_wait3A_172 = arith.constant 0 : i32
        %dma_wait3A_173 = arith.constant 0 : i32
        %dma_wait3A_174 = tpu.memref_slice %arg7[%arg1, %dma_wait3A_172, %dma_wait3A_173] : memref<16x80x128xi32, #tpu.memory_space<hbm>> -> memref<1x40x128xi32, #tpu.memory_space<hbm>>
        %dma_wait3A_175 = tpu.memref_squeeze %dma_wait3A_174 : memref<1x40x128xi32, #tpu.memory_space<hbm>> -> memref<40x128xi32, #tpu.memory_space<hbm>>
        %dma_wait3A_176 = arith.constant 0 : i32
        %dma_wait3A_177 = arith.constant 0 : i32
        %dma_wait3A_178 = tpu.memref_slice %arg7[%arg1, %dma_wait3A_176, %dma_wait3A_177] : memref<16x80x128xi32, #tpu.memory_space<hbm>> -> memref<1x40x128xi32, #tpu.memory_space<hbm>>
        %dma_wait3A_179 = tpu.memref_squeeze %dma_wait3A_178 : memref<1x40x128xi32, #tpu.memory_space<hbm>> -> memref<40x128xi32, #tpu.memory_space<hbm>>
        tpu.wait_dma2 semaphore(%run_scoped3A_163 : memref<!tpu.dma_semaphore, #tpu.memory_space<semaphore_mem>>) src(%dma_wait3A_179 : memref<40x128xi32, #tpu.memory_space<hbm>>) dst(%arg13 : memref<40x128xi32, #tpu.memory_space<vmem>>)
        tpu.yield
      }) : () -> ()
      %dma_start3A = arith.constant 0 : i32
      %dma_start3A_10 = arith.constant 0 : i32
      %dma_start3A_11 = tpu.memref_slice %arg12[%dma_start3A, %dma_start3A_10] : memref<40x128xi32, #tpu.memory_space<vmem>> -> memref<1x128xi32, #tpu.memory_space<vmem>>
      %dma_start3A_12 = tpu.memref_squeeze %dma_start3A_11 : memref<1x128xi32, #tpu.memory_space<vmem>> -> memref<128xi32, #tpu.memory_space<vmem>>
      %dma_start3A_13 = arith.constant 0 : i32
      %dma_start3A_14 = arith.constant 0 : i32
      %dma_start3A_15 = tpu.memref_slice %arg2[%dma_start3A_13, %dma_start3A_14] : memref<10240x128xf32, #tpu.memory_space<hbm>> -> memref<10240x128xf32, #tpu.memory_space<hbm>>
      tpu.enqueue_indirect_dma source(%dma_start3A_15 : memref<10240x128xf32, #tpu.memory_space<hbm>>) target(%arg14 : memref<128x128xf32, #tpu.memory_space<vmem>>) offsets(%dma_start3A_12 : memref<128xi32, #tpu.memory_space<vmem>>) semaphore(%arg17 : memref<!tpu.dma_semaphore, #tpu.memory_space<semaphore_mem>>)
      %dma_start3A_16 = arith.constant 1 : i32
      %dma_start3A_17 = arith.constant 0 : i32
      %dma_start3A_18 = tpu.memref_slice %arg12[%dma_start3A_16, %dma_start3A_17] : memref<40x128xi32, #tpu.memory_space<vmem>> -> memref<1x128xi32, #tpu.memory_space<vmem>>
      %dma_start3A_19 = tpu.memref_squeeze %dma_start3A_18 : memref<1x128xi32, #tpu.memory_space<vmem>> -> memref<128xi32, #tpu.memory_space<vmem>>
      %dma_start3A_20 = arith.constant 0 : i32
      %dma_start3A_21 = arith.constant 0 : i32
      %dma_start3A_22 = tpu.memref_slice %arg2[%dma_start3A_20, %dma_start3A_21] : memref<10240x128xf32, #tpu.memory_space<hbm>> -> memref<10240x128xf32, #tpu.memory_space<hbm>>
      tpu.enqueue_indirect_dma source(%dma_start3A_22 : memref<10240x128xf32, #tpu.memory_space<hbm>>) target(%arg15 : memref<128x128xf32, #tpu.memory_space<vmem>>) offsets(%dma_start3A_19 : memref<128xi32, #tpu.memory_space<vmem>>) semaphore(%arg18 : memref<!tpu.dma_semaphore, #tpu.memory_space<semaphore_mem>>)
      %scan3A = arith.constant 0 : i32
      %scan3A_23 = arith.constant 19 : i32
      %scan3A_24 = arith.addi %scan3A, %scan3A_23 : i32
      %scan3A_25 = arith.constant 1 : i32
      scf.for %scan3A_163 = %scan3A to %scan3A_24 step %scan3A_25  : i32 {
        %mul3A_164 = arith.constant 1 : i32
        %mul3A_165 = arith.muli %scan3A_163, %mul3A_164 : i32
        %add3A = arith.constant 0 : i32
        %add3A_166 = arith.addi %add3A, %mul3A_165 : i32
        %mul3A_167 = arith.constant 2 : i32
        %mul3A_168 = arith.muli %mul3A_167, %add3A_166 : i32
        %dma_wait3A_169 = arith.constant 0 : i32
        %dma_wait3A_170 = tpu.memref_slice %arg12[%mul3A_168, %dma_wait3A_169] : memref<40x128xi32, #tpu.memory_space<vmem>> -> memref<1x128xi32, #tpu.memory_space<vmem>>
        %dma_wait3A_171 = tpu.memref_squeeze %dma_wait3A_170 : memref<1x128xi32, #tpu.memory_space<vmem>> -> memref<128xi32, #tpu.memory_space<vmem>>
        %dma_wait3A_172 = arith.constant 0 : i32
        %dma_wait3A_173 = arith.constant 0 : i32
        %dma_wait3A_174 = tpu.memref_slice %arg2[%dma_wait3A_172, %dma_wait3A_173] : memref<10240x128xf32, #tpu.memory_space<hbm>> -> memref<10240x128xf32, #tpu.memory_space<hbm>>
        tpu.wait_indirect_dma semaphore(%arg17 : memref<!tpu.dma_semaphore, #tpu.memory_space<semaphore_mem>>) src(%dma_wait3A_174 : memref<10240x128xf32, #tpu.memory_space<hbm>>) dst(%arg14 : memref<128x128xf32, #tpu.memory_space<vmem>>)
        %mul3A_175 = arith.constant 2 : i32
        %mul3A_176 = arith.muli %mul3A_175, %add3A_166 : i32
        %dma_start3A_177 = arith.constant 0 : i32
        %dma_start3A_178 = tpu.memref_slice %arg13[%mul3A_176, %dma_start3A_177] : memref<40x128xi32, #tpu.memory_space<vmem>> -> memref<1x128xi32, #tpu.memory_space<vmem>>
        %dma_start3A_179 = tpu.memref_squeeze %dma_start3A_178 : memref<1x128xi32, #tpu.memory_space<vmem>> -> memref<128xi32, #tpu.memory_space<vmem>>
        %dma_start3A_180 = arith.constant 0 : i32
        %dma_start3A_181 = arith.constant 0 : i32
        %dma_start3A_182 = tpu.memref_slice %arg16[%dma_start3A_180, %dma_start3A_181] : memref<10240x128xf32, #tpu.memory_space<vmem_shared>> -> memref<10240x128xf32, #tpu.memory_space<vmem_shared>>
        tpu.enqueue_indirect_dma source(%arg14 : memref<128x128xf32, #tpu.memory_space<vmem>>) target(%dma_start3A_182 : memref<10240x128xf32, #tpu.memory_space<vmem_shared>>) offsets(%dma_start3A_179 : memref<128xi32, #tpu.memory_space<vmem>>) semaphore(%arg19 : memref<!tpu.dma_semaphore, #tpu.memory_space<semaphore_mem>>) {add = true}
        %mul3A_183 = arith.constant 2 : i32
        %mul3A_184 = arith.muli %mul3A_183, %add3A_166 : i32
        %add3A_185 = arith.constant 1 : i32
        %add3A_186 = arith.addi %mul3A_184, %add3A_185 : i32
        %dma_wait3A_187 = arith.constant 0 : i32
        %dma_wait3A_188 = tpu.memref_slice %arg12[%add3A_186, %dma_wait3A_187] : memref<40x128xi32, #tpu.memory_space<vmem>> -> memref<1x128xi32, #tpu.memory_space<vmem>>
        %dma_wait3A_189 = tpu.memref_squeeze %dma_wait3A_188 : memref<1x128xi32, #tpu.memory_space<vmem>> -> memref<128xi32, #tpu.memory_space<vmem>>
        %dma_wait3A_190 = arith.constant 0 : i32
        %dma_wait3A_191 = arith.constant 0 : i32
        %dma_wait3A_192 = tpu.memref_slice %arg2[%dma_wait3A_190, %dma_wait3A_191] : memref<10240x128xf32, #tpu.memory_space<hbm>> -> memref<10240x128xf32, #tpu.memory_space<hbm>>
        tpu.wait_indirect_dma semaphore(%arg18 : memref<!tpu.dma_semaphore, #tpu.memory_space<semaphore_mem>>) src(%dma_wait3A_192 : memref<10240x128xf32, #tpu.memory_space<hbm>>) dst(%arg15 : memref<128x128xf32, #tpu.memory_space<vmem>>)
        %dma_wait3A_193 = arith.constant 0 : i32
        %dma_wait3A_194 = tpu.memref_slice %arg13[%mul3A_176, %dma_wait3A_193] : memref<40x128xi32, #tpu.memory_space<vmem>> -> memref<1x128xi32, #tpu.memory_space<vmem>>
        %dma_wait3A_195 = tpu.memref_squeeze %dma_wait3A_194 : memref<1x128xi32, #tpu.memory_space<vmem>> -> memref<128xi32, #tpu.memory_space<vmem>>
        %dma_wait3A_196 = arith.constant 0 : i32
        %dma_wait3A_197 = arith.constant 0 : i32
        %dma_wait3A_198 = tpu.memref_slice %arg16[%dma_wait3A_196, %dma_wait3A_197] : memref<10240x128xf32, #tpu.memory_space<vmem_shared>> -> memref<10240x128xf32, #tpu.memory_space<vmem_shared>>
        tpu.wait_indirect_dma semaphore(%arg19 : memref<!tpu.dma_semaphore, #tpu.memory_space<semaphore_mem>>) src(%arg14 : memref<128x128xf32, #tpu.memory_space<vmem>>) dst(%dma_wait3A_198 : memref<10240x128xf32, #tpu.memory_space<vmem_shared>>)
        %mul3A_199 = arith.constant 2 : i32
        %mul3A_200 = arith.muli %mul3A_199, %add3A_166 : i32
        %add3A_201 = arith.constant 2 : i32
        %add3A_202 = arith.addi %mul3A_200, %add3A_201 : i32
        %dma_start3A_203 = arith.constant 0 : i32
        %dma_start3A_204 = tpu.memref_slice %arg12[%add3A_202, %dma_start3A_203] : memref<40x128xi32, #tpu.memory_space<vmem>> -> memref<1x128xi32, #tpu.memory_space<vmem>>
        %dma_start3A_205 = tpu.memref_squeeze %dma_start3A_204 : memref<1x128xi32, #tpu.memory_space<vmem>> -> memref<128xi32, #tpu.memory_space<vmem>>
        %dma_start3A_206 = arith.constant 0 : i32
        %dma_start3A_207 = arith.constant 0 : i32
        %dma_start3A_208 = tpu.memref_slice %arg2[%dma_start3A_206, %dma_start3A_207] : memref<10240x128xf32, #tpu.memory_space<hbm>> -> memref<10240x128xf32, #tpu.memory_space<hbm>>
        tpu.enqueue_indirect_dma source(%dma_start3A_208 : memref<10240x128xf32, #tpu.memory_space<hbm>>) target(%arg14 : memref<128x128xf32, #tpu.memory_space<vmem>>) offsets(%dma_start3A_205 : memref<128xi32, #tpu.memory_space<vmem>>) semaphore(%arg17 : memref<!tpu.dma_semaphore, #tpu.memory_space<semaphore_mem>>)
        %mul3A_209 = arith.constant 2 : i32
        %mul3A_210 = arith.muli %mul3A_209, %add3A_166 : i32
        %add3A_211 = arith.constant 1 : i32
        %add3A_212 = arith.addi %mul3A_210, %add3A_211 : i32
        %dma_start3A_213 = arith.constant 0 : i32
        %dma_start3A_214 = tpu.memref_slice %arg13[%add3A_212, %dma_start3A_213] : memref<40x128xi32, #tpu.memory_space<vmem>> -> memref<1x128xi32, #tpu.memory_space<vmem>>
        %dma_start3A_215 = tpu.memref_squeeze %dma_start3A_214 : memref<1x128xi32, #tpu.memory_space<vmem>> -> memref<128xi32, #tpu.memory_space<vmem>>
        %dma_start3A_216 = arith.constant 0 : i32
        %dma_start3A_217 = arith.constant 0 : i32
        %dma_start3A_218 = tpu.memref_slice %arg16[%dma_start3A_216, %dma_start3A_217] : memref<10240x128xf32, #tpu.memory_space<vmem_shared>> -> memref<10240x128xf32, #tpu.memory_space<vmem_shared>>
        tpu.enqueue_indirect_dma source(%arg15 : memref<128x128xf32, #tpu.memory_space<vmem>>) target(%dma_start3A_218 : memref<10240x128xf32, #tpu.memory_space<vmem_shared>>) offsets(%dma_start3A_215 : memref<128xi32, #tpu.memory_space<vmem>>) semaphore(%arg20 : memref<!tpu.dma_semaphore, #tpu.memory_space<semaphore_mem>>) {add = true}
        %dma_wait3A_219 = arith.constant 0 : i32
        %dma_wait3A_220 = tpu.memref_slice %arg13[%add3A_212, %dma_wait3A_219] : memref<40x128xi32, #tpu.memory_space<vmem>> -> memref<1x128xi32, #tpu.memory_space<vmem>>
        %dma_wait3A_221 = tpu.memref_squeeze %dma_wait3A_220 : memref<1x128xi32, #tpu.memory_space<vmem>> -> memref<128xi32, #tpu.memory_space<vmem>>
        %dma_wait3A_222 = arith.constant 0 : i32
        %dma_wait3A_223 = arith.constant 0 : i32
        %dma_wait3A_224 = tpu.memref_slice %arg16[%dma_wait3A_222, %dma_wait3A_223] : memref<10240x128xf32, #tpu.memory_space<vmem_shared>> -> memref<10240x128xf32, #tpu.memory_space<vmem_shared>>
        tpu.wait_indirect_dma semaphore(%arg20 : memref<!tpu.dma_semaphore, #tpu.memory_space<semaphore_mem>>) src(%arg15 : memref<128x128xf32, #tpu.memory_space<vmem>>) dst(%dma_wait3A_224 : memref<10240x128xf32, #tpu.memory_space<vmem_shared>>)
        %mul3A_225 = arith.constant 2 : i32
        %mul3A_226 = arith.muli %mul3A_225, %add3A_166 : i32
        %add3A_227 = arith.constant 3 : i32
        %add3A_228 = arith.addi %mul3A_226, %add3A_227 : i32
        %dma_start3A_229 = arith.constant 0 : i32
        %dma_start3A_230 = tpu.memref_slice %arg12[%add3A_228, %dma_start3A_229] : memref<40x128xi32, #tpu.memory_space<vmem>> -> memref<1x128xi32, #tpu.memory_space<vmem>>
        %dma_start3A_231 = tpu.memref_squeeze %dma_start3A_230 : memref<1x128xi32, #tpu.memory_space<vmem>> -> memref<128xi32, #tpu.memory_space<vmem>>
        %dma_start3A_232 = arith.constant 0 : i32
        %dma_start3A_233 = arith.constant 0 : i32
        %dma_start3A_234 = tpu.memref_slice %arg2[%dma_start3A_232, %dma_start3A_233] : memref<10240x128xf32, #tpu.memory_space<hbm>> -> memref<10240x128xf32, #tpu.memory_space<hbm>>
        tpu.enqueue_indirect_dma source(%dma_start3A_234 : memref<10240x128xf32, #tpu.memory_space<hbm>>) target(%arg15 : memref<128x128xf32, #tpu.memory_space<vmem>>) offsets(%dma_start3A_231 : memref<128xi32, #tpu.memory_space<vmem>>) semaphore(%arg18 : memref<!tpu.dma_semaphore, #tpu.memory_space<semaphore_mem>>)
      }
      %scan3A_26 = arith.constant 19 : i32
      %dma_wait3A = arith.constant 38 : i32
      %dma_wait3A_27 = arith.constant 0 : i32
      %dma_wait3A_28 = tpu.memref_slice %arg12[%dma_wait3A, %dma_wait3A_27] : memref<40x128xi32, #tpu.memory_space<vmem>> -> memref<1x128xi32, #tpu.memory_space<vmem>>
      %dma_wait3A_29 = tpu.memref_squeeze %dma_wait3A_28 : memref<1x128xi32, #tpu.memory_space<vmem>> -> memref<128xi32, #tpu.memory_space<vmem>>
      %dma_wait3A_30 = arith.constant 0 : i32
      %dma_wait3A_31 = arith.constant 0 : i32
      %dma_wait3A_32 = tpu.memref_slice %arg2[%dma_wait3A_30, %dma_wait3A_31] : memref<10240x128xf32, #tpu.memory_space<hbm>> -> memref<10240x128xf32, #tpu.memory_space<hbm>>
      tpu.wait_indirect_dma semaphore(%arg17 : memref<!tpu.dma_semaphore, #tpu.memory_space<semaphore_mem>>) src(%dma_wait3A_32 : memref<10240x128xf32, #tpu.memory_space<hbm>>) dst(%arg14 : memref<128x128xf32, #tpu.memory_space<vmem>>)
      %run_scoped3A = arith.constant 38 : i32
      "tpu.region"() ({
        %run_scoped3A_163 = tpu.sem_alloc : memref<!tpu.dma_semaphore, #tpu.memory_space<semaphore_mem>>
        %dma_start3A_164 = arith.constant 0 : i32
        %dma_start3A_165 = tpu.memref_slice %arg13[%run_scoped3A, %dma_start3A_164] : memref<40x128xi32, #tpu.memory_space<vmem>> -> memref<1x128xi32, #tpu.memory_space<vmem>>
        %dma_start3A_166 = tpu.memref_squeeze %dma_start3A_165 : memref<1x128xi32, #tpu.memory_space<vmem>> -> memref<128xi32, #tpu.memory_space<vmem>>
        %dma_start3A_167 = arith.constant 0 : i32
        %dma_start3A_168 = arith.constant 0 : i32
        %dma_start3A_169 = tpu.memref_slice %arg16[%dma_start3A_167, %dma_start3A_168] : memref<10240x128xf32, #tpu.memory_space<vmem_shared>> -> memref<10240x128xf32, #tpu.memory_space<vmem_shared>>
        tpu.enqueue_indirect_dma source(%arg14 : memref<128x128xf32, #tpu.memory_space<vmem>>) target(%dma_start3A_169 : memref<10240x128xf32, #tpu.memory_space<vmem_shared>>) offsets(%dma_start3A_166 : memref<128xi32, #tpu.memory_space<vmem>>) semaphore(%run_scoped3A_163 : memref<!tpu.dma_semaphore, #tpu.memory_space<semaphore_mem>>) {add = true}
        %dma_wait3A_170 = arith.constant 0 : i32
        %dma_wait3A_171 = tpu.memref_slice %arg13[%run_scoped3A, %dma_wait3A_170] : memref<40x128xi32, #tpu.memory_space<vmem>> -> memref<1x128xi32, #tpu.memory_space<vmem>>
        %dma_wait3A_172 = tpu.memref_squeeze %dma_wait3A_171 : memref<1x128xi32, #tpu.memory_space<vmem>> -> memref<128xi32, #tpu.memory_space<vmem>>
        %dma_wait3A_173 = arith.constant 0 : i32
        %dma_wait3A_174 = arith.constant 0 : i32
        %dma_wait3A_175 = tpu.memref_slice %arg16[%dma_wait3A_173, %dma_wait3A_174] : memref<10240x128xf32, #tpu.memory_space<vmem_shared>> -> memref<10240x128xf32, #tpu.memory_space<vmem_shared>>
        tpu.wait_indirect_dma semaphore(%run_scoped3A_163 : memref<!tpu.dma_semaphore, #tpu.memory_space<semaphore_mem>>) src(%arg14 : memref<128x128xf32, #tpu.memory_space<vmem>>) dst(%dma_wait3A_175 : memref<10240x128xf32, #tpu.memory_space<vmem_shared>>)
        tpu.yield
      }) : () -> ()
      %dma_wait3A_33 = arith.constant 39 : i32
      %dma_wait3A_34 = arith.constant 0 : i32
      %dma_wait3A_35 = tpu.memref_slice %arg12[%dma_wait3A_33, %dma_wait3A_34] : memref<40x128xi32, #tpu.memory_space<vmem>> -> memref<1x128xi32, #tpu.memory_space<vmem>>
      %dma_wait3A_36 = tpu.memref_squeeze %dma_wait3A_35 : memref<1x128xi32, #tpu.memory_space<vmem>> -> memref<128xi32, #tpu.memory_space<vmem>>
      %dma_wait3A_37 = arith.constant 0 : i32
      %dma_wait3A_38 = arith.constant 0 : i32
      %dma_wait3A_39 = tpu.memref_slice %arg2[%dma_wait3A_37, %dma_wait3A_38] : memref<10240x128xf32, #tpu.memory_space<hbm>> -> memref<10240x128xf32, #tpu.memory_space<hbm>>
      tpu.wait_indirect_dma semaphore(%arg18 : memref<!tpu.dma_semaphore, #tpu.memory_space<semaphore_mem>>) src(%dma_wait3A_39 : memref<10240x128xf32, #tpu.memory_space<hbm>>) dst(%arg15 : memref<128x128xf32, #tpu.memory_space<vmem>>)
      %run_scoped3A_40 = arith.constant 39 : i32
      "tpu.region"() ({
        %run_scoped3A_163 = tpu.sem_alloc : memref<!tpu.dma_semaphore, #tpu.memory_space<semaphore_mem>>
        %dma_start3A_164 = arith.constant 0 : i32
        %dma_start3A_165 = tpu.memref_slice %arg13[%run_scoped3A_40, %dma_start3A_164] : memref<40x128xi32, #tpu.memory_space<vmem>> -> memref<1x128xi32, #tpu.memory_space<vmem>>
        %dma_start3A_166 = tpu.memref_squeeze %dma_start3A_165 : memref<1x128xi32, #tpu.memory_space<vmem>> -> memref<128xi32, #tpu.memory_space<vmem>>
        %dma_start3A_167 = arith.constant 0 : i32
        %dma_start3A_168 = arith.constant 0 : i32
        %dma_start3A_169 = tpu.memref_slice %arg16[%dma_start3A_167, %dma_start3A_168] : memref<10240x128xf32, #tpu.memory_space<vmem_shared>> -> memref<10240x128xf32, #tpu.memory_space<vmem_shared>>
        tpu.enqueue_indirect_dma source(%arg15 : memref<128x128xf32, #tpu.memory_space<vmem>>) target(%dma_start3A_169 : memref<10240x128xf32, #tpu.memory_space<vmem_shared>>) offsets(%dma_start3A_166 : memref<128xi32, #tpu.memory_space<vmem>>) semaphore(%run_scoped3A_163 : memref<!tpu.dma_semaphore, #tpu.memory_space<semaphore_mem>>) {add = true}
        %dma_wait3A_170 = arith.constant 0 : i32
        %dma_wait3A_171 = tpu.memref_slice %arg13[%run_scoped3A_40, %dma_wait3A_170] : memref<40x128xi32, #tpu.memory_space<vmem>> -> memref<1x128xi32, #tpu.memory_space<vmem>>
        %dma_wait3A_172 = tpu.memref_squeeze %dma_wait3A_171 : memref<1x128xi32, #tpu.memory_space<vmem>> -> memref<128xi32, #tpu.memory_space<vmem>>
        %dma_wait3A_173 = arith.constant 0 : i32
        %dma_wait3A_174 = arith.constant 0 : i32
        %dma_wait3A_175 = tpu.memref_slice %arg16[%dma_wait3A_173, %dma_wait3A_174] : memref<10240x128xf32, #tpu.memory_space<vmem_shared>> -> memref<10240x128xf32, #tpu.memory_space<vmem_shared>>
        tpu.wait_indirect_dma semaphore(%run_scoped3A_163 : memref<!tpu.dma_semaphore, #tpu.memory_space<semaphore_mem>>) src(%arg15 : memref<128x128xf32, #tpu.memory_space<vmem>>) dst(%dma_wait3A_175 : memref<10240x128xf32, #tpu.memory_space<vmem_shared>>)
        tpu.yield
      }) : () -> ()
      "tpu.region"() ({
        %run_scoped3A_163 = tpu.sem_alloc : memref<!tpu.dma_semaphore, #tpu.memory_space<semaphore_mem>>
        %dma_start3A_164 = arith.constant 40 : i32
        %dma_start3A_165 = arith.constant 0 : i32
        %dma_start3A_166 = tpu.memref_slice %arg6[%arg1, %dma_start3A_164, %dma_start3A_165] : memref<16x80x128xi32, #tpu.memory_space<hbm>> -> memref<1x40x128xi32, #tpu.memory_space<hbm>>
        %dma_start3A_167 = tpu.memref_squeeze %dma_start3A_166 : memref<1x40x128xi32, #tpu.memory_space<hbm>> -> memref<40x128xi32, #tpu.memory_space<hbm>>
        %dma_start3A_168 = arith.constant 40 : i32
        %dma_start3A_169 = arith.constant 0 : i32
        %dma_start3A_170 = tpu.memref_slice %arg6[%arg1, %dma_start3A_168, %dma_start3A_169] : memref<16x80x128xi32, #tpu.memory_space<hbm>> -> memref<1x40x128xi32, #tpu.memory_space<hbm>>
        %dma_start3A_171 = tpu.memref_squeeze %dma_start3A_170 : memref<1x40x128xi32, #tpu.memory_space<hbm>> -> memref<40x128xi32, #tpu.memory_space<hbm>>
        tpu.enqueue_dma source(%dma_start3A_171 : memref<40x128xi32, #tpu.memory_space<hbm>>) target(%arg12 : memref<40x128xi32, #tpu.memory_space<vmem>>) target_semaphore(%run_scoped3A_163 : memref<!tpu.dma_semaphore, #tpu.memory_space<semaphore_mem>>)
        %dma_wait3A_172 = arith.constant 40 : i32
        %dma_wait3A_173 = arith.constant 0 : i32
        %dma_wait3A_174 = tpu.memref_slice %arg6[%arg1, %dma_wait3A_172, %dma_wait3A_173] : memref<16x80x128xi32, #tpu.memory_space<hbm>> -> memref<1x40x128xi32, #tpu.memory_space<hbm>>
        %dma_wait3A_175 = tpu.memref_squeeze %dma_wait3A_174 : memref<1x40x128xi32, #tpu.memory_space<hbm>> -> memref<40x128xi32, #tpu.memory_space<hbm>>
        %dma_wait3A_176 = arith.constant 40 : i32
        %dma_wait3A_177 = arith.constant 0 : i32
        %dma_wait3A_178 = tpu.memref_slice %arg6[%arg1, %dma_wait3A_176, %dma_wait3A_177] : memref<16x80x128xi32, #tpu.memory_space<hbm>> -> memref<1x40x128xi32, #tpu.memory_space<hbm>>
        %dma_wait3A_179 = tpu.memref_squeeze %dma_wait3A_178 : memref<1x40x128xi32, #tpu.memory_space<hbm>> -> memref<40x128xi32, #tpu.memory_space<hbm>>
        tpu.wait_dma2 semaphore(%run_scoped3A_163 : memref<!tpu.dma_semaphore, #tpu.memory_space<semaphore_mem>>) src(%dma_wait3A_179 : memref<40x128xi32, #tpu.memory_space<hbm>>) dst(%arg12 : memref<40x128xi32, #tpu.memory_space<vmem>>)
        tpu.yield
      }) : () -> ()
      "tpu.region"() ({
        %run_scoped3A_163 = tpu.sem_alloc : memref<!tpu.dma_semaphore, #tpu.memory_space<semaphore_mem>>
        %dma_start3A_164 = arith.constant 40 : i32
        %dma_start3A_165 = arith.constant 0 : i32
        %dma_start3A_166 = tpu.memref_slice %arg7[%arg1, %dma_start3A_164, %dma_start3A_165] : memref<16x80x128xi32, #tpu.memory_space<hbm>> -> memref<1x40x128xi32, #tpu.memory_space<hbm>>
        %dma_start3A_167 = tpu.memref_squeeze %dma_start3A_166 : memref<1x40x128xi32, #tpu.memory_space<hbm>> -> memref<40x128xi32, #tpu.memory_space<hbm>>
        %dma_start3A_168 = arith.constant 40 : i32
        %dma_start3A_169 = arith.constant 0 : i32
        %dma_start3A_170 = tpu.memref_slice %arg7[%arg1, %dma_start3A_168, %dma_start3A_169] : memref<16x80x128xi32, #tpu.memory_space<hbm>> -> memref<1x40x128xi32, #tpu.memory_space<hbm>>
        %dma_start3A_171 = tpu.memref_squeeze %dma_start3A_170 : memref<1x40x128xi32, #tpu.memory_space<hbm>> -> memref<40x128xi32, #tpu.memory_space<hbm>>
        tpu.enqueue_dma source(%dma_start3A_171 : memref<40x128xi32, #tpu.memory_space<hbm>>) target(%arg13 : memref<40x128xi32, #tpu.memory_space<vmem>>) target_semaphore(%run_scoped3A_163 : memref<!tpu.dma_semaphore, #tpu.memory_space<semaphore_mem>>)
        %dma_wait3A_172 = arith.constant 40 : i32
        %dma_wait3A_173 = arith.constant 0 : i32
        %dma_wait3A_174 = tpu.memref_slice %arg7[%arg1, %dma_wait3A_172, %dma_wait3A_173] : memref<16x80x128xi32, #tpu.memory_space<hbm>> -> memref<1x40x128xi32, #tpu.memory_space<hbm>>
        %dma_wait3A_175 = tpu.memref_squeeze %dma_wait3A_174 : memref<1x40x128xi32, #tpu.memory_space<hbm>> -> memref<40x128xi32, #tpu.memory_space<hbm>>
        %dma_wait3A_176 = arith.constant 40 : i32
        %dma_wait3A_177 = arith.constant 0 : i32
        %dma_wait3A_178 = tpu.memref_slice %arg7[%arg1, %dma_wait3A_176, %dma_wait3A_177] : memref<16x80x128xi32, #tpu.memory_space<hbm>> -> memref<1x40x128xi32, #tpu.memory_space<hbm>>
        %dma_wait3A_179 = tpu.memref_squeeze %dma_wait3A_178 : memref<1x40x128xi32, #tpu.memory_space<hbm>> -> memref<40x128xi32, #tpu.memory_space<hbm>>
        tpu.wait_dma2 semaphore(%run_scoped3A_163 : memref<!tpu.dma_semaphore, #tpu.memory_space<semaphore_mem>>) src(%dma_wait3A_179 : memref<40x128xi32, #tpu.memory_space<hbm>>) dst(%arg13 : memref<40x128xi32, #tpu.memory_space<vmem>>)
        tpu.yield
      }) : () -> ()
      %dma_start3A_41 = arith.constant 0 : i32
      %dma_start3A_42 = arith.constant 0 : i32
      %dma_start3A_43 = tpu.memref_slice %arg12[%dma_start3A_41, %dma_start3A_42] : memref<40x128xi32, #tpu.memory_space<vmem>> -> memref<1x128xi32, #tpu.memory_space<vmem>>
      %dma_start3A_44 = tpu.memref_squeeze %dma_start3A_43 : memref<1x128xi32, #tpu.memory_space<vmem>> -> memref<128xi32, #tpu.memory_space<vmem>>
      %dma_start3A_45 = arith.constant 0 : i32
      %dma_start3A_46 = arith.constant 0 : i32
      %dma_start3A_47 = tpu.memref_slice %arg2[%dma_start3A_45, %dma_start3A_46] : memref<10240x128xf32, #tpu.memory_space<hbm>> -> memref<10240x128xf32, #tpu.memory_space<hbm>>
      tpu.enqueue_indirect_dma source(%dma_start3A_47 : memref<10240x128xf32, #tpu.memory_space<hbm>>) target(%arg14 : memref<128x128xf32, #tpu.memory_space<vmem>>) offsets(%dma_start3A_44 : memref<128xi32, #tpu.memory_space<vmem>>) semaphore(%arg17 : memref<!tpu.dma_semaphore, #tpu.memory_space<semaphore_mem>>)
      %dma_start3A_48 = arith.constant 1 : i32
      %dma_start3A_49 = arith.constant 0 : i32
      %dma_start3A_50 = tpu.memref_slice %arg12[%dma_start3A_48, %dma_start3A_49] : memref<40x128xi32, #tpu.memory_space<vmem>> -> memref<1x128xi32, #tpu.memory_space<vmem>>
      %dma_start3A_51 = tpu.memref_squeeze %dma_start3A_50 : memref<1x128xi32, #tpu.memory_space<vmem>> -> memref<128xi32, #tpu.memory_space<vmem>>
      %dma_start3A_52 = arith.constant 0 : i32
      %dma_start3A_53 = arith.constant 0 : i32
      %dma_start3A_54 = tpu.memref_slice %arg2[%dma_start3A_52, %dma_start3A_53] : memref<10240x128xf32, #tpu.memory_space<hbm>> -> memref<10240x128xf32, #tpu.memory_space<hbm>>
      tpu.enqueue_indirect_dma source(%dma_start3A_54 : memref<10240x128xf32, #tpu.memory_space<hbm>>) target(%arg15 : memref<128x128xf32, #tpu.memory_space<vmem>>) offsets(%dma_start3A_51 : memref<128xi32, #tpu.memory_space<vmem>>) semaphore(%arg18 : memref<!tpu.dma_semaphore, #tpu.memory_space<semaphore_mem>>)
      %scan3A_55 = arith.constant 0 : i32
      %scan3A_56 = arith.constant 19 : i32
      %scan3A_57 = arith.addi %scan3A_55, %scan3A_56 : i32
      %scan3A_58 = arith.constant 1 : i32
      scf.for %scan3A_163 = %scan3A_55 to %scan3A_57 step %scan3A_58  : i32 {
        %mul3A_164 = arith.constant 1 : i32
        %mul3A_165 = arith.muli %scan3A_163, %mul3A_164 : i32
        %add3A = arith.constant 0 : i32
        %add3A_166 = arith.addi %add3A, %mul3A_165 : i32
        %mul3A_167 = arith.constant 2 : i32
        %mul3A_168 = arith.muli %mul3A_167, %add3A_166 : i32
        %dma_wait3A_169 = arith.constant 0 : i32
        %dma_wait3A_170 = tpu.memref_slice %arg12[%mul3A_168, %dma_wait3A_169] : memref<40x128xi32, #tpu.memory_space<vmem>> -> memref<1x128xi32, #tpu.memory_space<vmem>>
        %dma_wait3A_171 = tpu.memref_squeeze %dma_wait3A_170 : memref<1x128xi32, #tpu.memory_space<vmem>> -> memref<128xi32, #tpu.memory_space<vmem>>
        %dma_wait3A_172 = arith.constant 0 : i32
        %dma_wait3A_173 = arith.constant 0 : i32
        %dma_wait3A_174 = tpu.memref_slice %arg2[%dma_wait3A_172, %dma_wait3A_173] : memref<10240x128xf32, #tpu.memory_space<hbm>> -> memref<10240x128xf32, #tpu.memory_space<hbm>>
        tpu.wait_indirect_dma semaphore(%arg17 : memref<!tpu.dma_semaphore, #tpu.memory_space<semaphore_mem>>) src(%dma_wait3A_174 : memref<10240x128xf32, #tpu.memory_space<hbm>>) dst(%arg14 : memref<128x128xf32, #tpu.memory_space<vmem>>)
        %mul3A_175 = arith.constant 2 : i32
        %mul3A_176 = arith.muli %mul3A_175, %add3A_166 : i32
        %dma_start3A_177 = arith.constant 0 : i32
        %dma_start3A_178 = tpu.memref_slice %arg13[%mul3A_176, %dma_start3A_177] : memref<40x128xi32, #tpu.memory_space<vmem>> -> memref<1x128xi32, #tpu.memory_space<vmem>>
        %dma_start3A_179 = tpu.memref_squeeze %dma_start3A_178 : memref<1x128xi32, #tpu.memory_space<vmem>> -> memref<128xi32, #tpu.memory_space<vmem>>
        %dma_start3A_180 = arith.constant 0 : i32
        %dma_start3A_181 = arith.constant 0 : i32
        %dma_start3A_182 = tpu.memref_slice %arg16[%dma_start3A_180, %dma_start3A_181] : memref<10240x128xf32, #tpu.memory_space<vmem_shared>> -> memref<10240x128xf32, #tpu.memory_space<vmem_shared>>
        tpu.enqueue_indirect_dma source(%arg14 : memref<128x128xf32, #tpu.memory_space<vmem>>) target(%dma_start3A_182 : memref<10240x128xf32, #tpu.memory_space<vmem_shared>>) offsets(%dma_start3A_179 : memref<128xi32, #tpu.memory_space<vmem>>) semaphore(%arg19 : memref<!tpu.dma_semaphore, #tpu.memory_space<semaphore_mem>>) {add = true}
        %mul3A_183 = arith.constant 2 : i32
        %mul3A_184 = arith.muli %mul3A_183, %add3A_166 : i32
        %add3A_185 = arith.constant 1 : i32
        %add3A_186 = arith.addi %mul3A_184, %add3A_185 : i32
        %dma_wait3A_187 = arith.constant 0 : i32
        %dma_wait3A_188 = tpu.memref_slice %arg12[%add3A_186, %dma_wait3A_187] : memref<40x128xi32, #tpu.memory_space<vmem>> -> memref<1x128xi32, #tpu.memory_space<vmem>>
        %dma_wait3A_189 = tpu.memref_squeeze %dma_wait3A_188 : memref<1x128xi32, #tpu.memory_space<vmem>> -> memref<128xi32, #tpu.memory_space<vmem>>
        %dma_wait3A_190 = arith.constant 0 : i32
        %dma_wait3A_191 = arith.constant 0 : i32
        %dma_wait3A_192 = tpu.memref_slice %arg2[%dma_wait3A_190, %dma_wait3A_191] : memref<10240x128xf32, #tpu.memory_space<hbm>> -> memref<10240x128xf32, #tpu.memory_space<hbm>>
        tpu.wait_indirect_dma semaphore(%arg18 : memref<!tpu.dma_semaphore, #tpu.memory_space<semaphore_mem>>) src(%dma_wait3A_192 : memref<10240x128xf32, #tpu.memory_space<hbm>>) dst(%arg15 : memref<128x128xf32, #tpu.memory_space<vmem>>)
        %dma_wait3A_193 = arith.constant 0 : i32
        %dma_wait3A_194 = tpu.memref_slice %arg13[%mul3A_176, %dma_wait3A_193] : memref<40x128xi32, #tpu.memory_space<vmem>> -> memref<1x128xi32, #tpu.memory_space<vmem>>
        %dma_wait3A_195 = tpu.memref_squeeze %dma_wait3A_194 : memref<1x128xi32, #tpu.memory_space<vmem>> -> memref<128xi32, #tpu.memory_space<vmem>>
        %dma_wait3A_196 = arith.constant 0 : i32
        %dma_wait3A_197 = arith.constant 0 : i32
        %dma_wait3A_198 = tpu.memref_slice %arg16[%dma_wait3A_196, %dma_wait3A_197] : memref<10240x128xf32, #tpu.memory_space<vmem_shared>> -> memref<10240x128xf32, #tpu.memory_space<vmem_shared>>
        tpu.wait_indirect_dma semaphore(%arg19 : memref<!tpu.dma_semaphore, #tpu.memory_space<semaphore_mem>>) src(%arg14 : memref<128x128xf32, #tpu.memory_space<vmem>>) dst(%dma_wait3A_198 : memref<10240x128xf32, #tpu.memory_space<vmem_shared>>)
        %mul3A_199 = arith.constant 2 : i32
        %mul3A_200 = arith.muli %mul3A_199, %add3A_166 : i32
        %add3A_201 = arith.constant 2 : i32
        %add3A_202 = arith.addi %mul3A_200, %add3A_201 : i32
        %dma_start3A_203 = arith.constant 0 : i32
        %dma_start3A_204 = tpu.memref_slice %arg12[%add3A_202, %dma_start3A_203] : memref<40x128xi32, #tpu.memory_space<vmem>> -> memref<1x128xi32, #tpu.memory_space<vmem>>
        %dma_start3A_205 = tpu.memref_squeeze %dma_start3A_204 : memref<1x128xi32, #tpu.memory_space<vmem>> -> memref<128xi32, #tpu.memory_space<vmem>>
        %dma_start3A_206 = arith.constant 0 : i32
        %dma_start3A_207 = arith.constant 0 : i32
        %dma_start3A_208 = tpu.memref_slice %arg2[%dma_start3A_206, %dma_start3A_207] : memref<10240x128xf32, #tpu.memory_space<hbm>> -> memref<10240x128xf32, #tpu.memory_space<hbm>>
        tpu.enqueue_indirect_dma source(%dma_start3A_208 : memref<10240x128xf32, #tpu.memory_space<hbm>>) target(%arg14 : memref<128x128xf32, #tpu.memory_space<vmem>>) offsets(%dma_start3A_205 : memref<128xi32, #tpu.memory_space<vmem>>) semaphore(%arg17 : memref<!tpu.dma_semaphore, #tpu.memory_space<semaphore_mem>>)
        %mul3A_209 = arith.constant 2 : i32
        %mul3A_210 = arith.muli %mul3A_209, %add3A_166 : i32
        %add3A_211 = arith.constant 1 : i32
        %add3A_212 = arith.addi %mul3A_210, %add3A_211 : i32
        %dma_start3A_213 = arith.constant 0 : i32
        %dma_start3A_214 = tpu.memref_slice %arg13[%add3A_212, %dma_start3A_213] : memref<40x128xi32, #tpu.memory_space<vmem>> -> memref<1x128xi32, #tpu.memory_space<vmem>>
        %dma_start3A_215 = tpu.memref_squeeze %dma_start3A_214 : memref<1x128xi32, #tpu.memory_space<vmem>> -> memref<128xi32, #tpu.memory_space<vmem>>
        %dma_start3A_216 = arith.constant 0 : i32
        %dma_start3A_217 = arith.constant 0 : i32
        %dma_start3A_218 = tpu.memref_slice %arg16[%dma_start3A_216, %dma_start3A_217] : memref<10240x128xf32, #tpu.memory_space<vmem_shared>> -> memref<10240x128xf32, #tpu.memory_space<vmem_shared>>
        tpu.enqueue_indirect_dma source(%arg15 : memref<128x128xf32, #tpu.memory_space<vmem>>) target(%dma_start3A_218 : memref<10240x128xf32, #tpu.memory_space<vmem_shared>>) offsets(%dma_start3A_215 : memref<128xi32, #tpu.memory_space<vmem>>) semaphore(%arg20 : memref<!tpu.dma_semaphore, #tpu.memory_space<semaphore_mem>>) {add = true}
        %dma_wait3A_219 = arith.constant 0 : i32
        %dma_wait3A_220 = tpu.memref_slice %arg13[%add3A_212, %dma_wait3A_219] : memref<40x128xi32, #tpu.memory_space<vmem>> -> memref<1x128xi32, #tpu.memory_space<vmem>>
        %dma_wait3A_221 = tpu.memref_squeeze %dma_wait3A_220 : memref<1x128xi32, #tpu.memory_space<vmem>> -> memref<128xi32, #tpu.memory_space<vmem>>
        %dma_wait3A_222 = arith.constant 0 : i32
        %dma_wait3A_223 = arith.constant 0 : i32
        %dma_wait3A_224 = tpu.memref_slice %arg16[%dma_wait3A_222, %dma_wait3A_223] : memref<10240x128xf32, #tpu.memory_space<vmem_shared>> -> memref<10240x128xf32, #tpu.memory_space<vmem_shared>>
        tpu.wait_indirect_dma semaphore(%arg20 : memref<!tpu.dma_semaphore, #tpu.memory_space<semaphore_mem>>) src(%arg15 : memref<128x128xf32, #tpu.memory_space<vmem>>) dst(%dma_wait3A_224 : memref<10240x128xf32, #tpu.memory_space<vmem_shared>>)
        %mul3A_225 = arith.constant 2 : i32
        %mul3A_226 = arith.muli %mul3A_225, %add3A_166 : i32
        %add3A_227 = arith.constant 3 : i32
        %add3A_228 = arith.addi %mul3A_226, %add3A_227 : i32
        %dma_start3A_229 = arith.constant 0 : i32
        %dma_start3A_230 = tpu.memref_slice %arg12[%add3A_228, %dma_start3A_229] : memref<40x128xi32, #tpu.memory_space<vmem>> -> memref<1x128xi32, #tpu.memory_space<vmem>>
        %dma_start3A_231 = tpu.memref_squeeze %dma_start3A_230 : memref<1x128xi32, #tpu.memory_space<vmem>> -> memref<128xi32, #tpu.memory_space<vmem>>
        %dma_start3A_232 = arith.constant 0 : i32
        %dma_start3A_233 = arith.constant 0 : i32
        %dma_start3A_234 = tpu.memref_slice %arg2[%dma_start3A_232, %dma_start3A_233] : memref<10240x128xf32, #tpu.memory_space<hbm>> -> memref<10240x128xf32, #tpu.memory_space<hbm>>
        tpu.enqueue_indirect_dma source(%dma_start3A_234 : memref<10240x128xf32, #tpu.memory_space<hbm>>) target(%arg15 : memref<128x128xf32, #tpu.memory_space<vmem>>) offsets(%dma_start3A_231 : memref<128xi32, #tpu.memory_space<vmem>>) semaphore(%arg18 : memref<!tpu.dma_semaphore, #tpu.memory_space<semaphore_mem>>)
      }
      %scan3A_59 = arith.constant 19 : i32
      %dma_wait3A_60 = arith.constant 38 : i32
      %dma_wait3A_61 = arith.constant 0 : i32
      %dma_wait3A_62 = tpu.memref_slice %arg12[%dma_wait3A_60, %dma_wait3A_61] : memref<40x128xi32, #tpu.memory_space<vmem>> -> memref<1x128xi32, #tpu.memory_space<vmem>>
      %dma_wait3A_63 = tpu.memref_squeeze %dma_wait3A_62 : memref<1x128xi32, #tpu.memory_space<vmem>> -> memref<128xi32, #tpu.memory_space<vmem>>
      %dma_wait3A_64 = arith.constant 0 : i32
      %dma_wait3A_65 = arith.constant 0 : i32
      %dma_wait3A_66 = tpu.memref_slice %arg2[%dma_wait3A_64, %dma_wait3A_65] : memref<10240x128xf32, #tpu.memory_space<hbm>> -> memref<10240x128xf32, #tpu.memory_space<hbm>>
      tpu.wait_indirect_dma semaphore(%arg17 : memref<!tpu.dma_semaphore, #tpu.memory_space<semaphore_mem>>) src(%dma_wait3A_66 : memref<10240x128xf32, #tpu.memory_space<hbm>>) dst(%arg14 : memref<128x128xf32, #tpu.memory_space<vmem>>)
      %run_scoped3A_67 = arith.constant 38 : i32
      "tpu.region"() ({
        %run_scoped3A_163 = tpu.sem_alloc : memref<!tpu.dma_semaphore, #tpu.memory_space<semaphore_mem>>
        %dma_start3A_164 = arith.constant 0 : i32
        %dma_start3A_165 = tpu.memref_slice %arg13[%run_scoped3A_67, %dma_start3A_164] : memref<40x128xi32, #tpu.memory_space<vmem>> -> memref<1x128xi32, #tpu.memory_space<vmem>>
        %dma_start3A_166 = tpu.memref_squeeze %dma_start3A_165 : memref<1x128xi32, #tpu.memory_space<vmem>> -> memref<128xi32, #tpu.memory_space<vmem>>
        %dma_start3A_167 = arith.constant 0 : i32
        %dma_start3A_168 = arith.constant 0 : i32
        %dma_start3A_169 = tpu.memref_slice %arg16[%dma_start3A_167, %dma_start3A_168] : memref<10240x128xf32, #tpu.memory_space<vmem_shared>> -> memref<10240x128xf32, #tpu.memory_space<vmem_shared>>
        tpu.enqueue_indirect_dma source(%arg14 : memref<128x128xf32, #tpu.memory_space<vmem>>) target(%dma_start3A_169 : memref<10240x128xf32, #tpu.memory_space<vmem_shared>>) offsets(%dma_start3A_166 : memref<128xi32, #tpu.memory_space<vmem>>) semaphore(%run_scoped3A_163 : memref<!tpu.dma_semaphore, #tpu.memory_space<semaphore_mem>>) {add = true}
        %dma_wait3A_170 = arith.constant 0 : i32
        %dma_wait3A_171 = tpu.memref_slice %arg13[%run_scoped3A_67, %dma_wait3A_170] : memref<40x128xi32, #tpu.memory_space<vmem>> -> memref<1x128xi32, #tpu.memory_space<vmem>>
        %dma_wait3A_172 = tpu.memref_squeeze %dma_wait3A_171 : memref<1x128xi32, #tpu.memory_space<vmem>> -> memref<128xi32, #tpu.memory_space<vmem>>
        %dma_wait3A_173 = arith.constant 0 : i32
        %dma_wait3A_174 = arith.constant 0 : i32
        %dma_wait3A_175 = tpu.memref_slice %arg16[%dma_wait3A_173, %dma_wait3A_174] : memref<10240x128xf32, #tpu.memory_space<vmem_shared>> -> memref<10240x128xf32, #tpu.memory_space<vmem_shared>>
        tpu.wait_indirect_dma semaphore(%run_scoped3A_163 : memref<!tpu.dma_semaphore, #tpu.memory_space<semaphore_mem>>) src(%arg14 : memref<128x128xf32, #tpu.memory_space<vmem>>) dst(%dma_wait3A_175 : memref<10240x128xf32, #tpu.memory_space<vmem_shared>>)
        tpu.yield
      }) : () -> ()
      %dma_wait3A_68 = arith.constant 39 : i32
      %dma_wait3A_69 = arith.constant 0 : i32
      %dma_wait3A_70 = tpu.memref_slice %arg12[%dma_wait3A_68, %dma_wait3A_69] : memref<40x128xi32, #tpu.memory_space<vmem>> -> memref<1x128xi32, #tpu.memory_space<vmem>>
      %dma_wait3A_71 = tpu.memref_squeeze %dma_wait3A_70 : memref<1x128xi32, #tpu.memory_space<vmem>> -> memref<128xi32, #tpu.memory_space<vmem>>
      %dma_wait3A_72 = arith.constant 0 : i32
      %dma_wait3A_73 = arith.constant 0 : i32
      %dma_wait3A_74 = tpu.memref_slice %arg2[%dma_wait3A_72, %dma_wait3A_73] : memref<10240x128xf32, #tpu.memory_space<hbm>> -> memref<10240x128xf32, #tpu.memory_space<hbm>>
      tpu.wait_indirect_dma semaphore(%arg18 : memref<!tpu.dma_semaphore, #tpu.memory_space<semaphore_mem>>) src(%dma_wait3A_74 : memref<10240x128xf32, #tpu.memory_space<hbm>>) dst(%arg15 : memref<128x128xf32, #tpu.memory_space<vmem>>)
      %run_scoped3A_75 = arith.constant 39 : i32
      "tpu.region"() ({
        %run_scoped3A_163 = tpu.sem_alloc : memref<!tpu.dma_semaphore, #tpu.memory_space<semaphore_mem>>
        %dma_start3A_164 = arith.constant 0 : i32
        %dma_start3A_165 = tpu.memref_slice %arg13[%run_scoped3A_75, %dma_start3A_164] : memref<40x128xi32, #tpu.memory_space<vmem>> -> memref<1x128xi32, #tpu.memory_space<vmem>>
        %dma_start3A_166 = tpu.memref_squeeze %dma_start3A_165 : memref<1x128xi32, #tpu.memory_space<vmem>> -> memref<128xi32, #tpu.memory_space<vmem>>
        %dma_start3A_167 = arith.constant 0 : i32
        %dma_start3A_168 = arith.constant 0 : i32
        %dma_start3A_169 = tpu.memref_slice %arg16[%dma_start3A_167, %dma_start3A_168] : memref<10240x128xf32, #tpu.memory_space<vmem_shared>> -> memref<10240x128xf32, #tpu.memory_space<vmem_shared>>
        tpu.enqueue_indirect_dma source(%arg15 : memref<128x128xf32, #tpu.memory_space<vmem>>) target(%dma_start3A_169 : memref<10240x128xf32, #tpu.memory_space<vmem_shared>>) offsets(%dma_start3A_166 : memref<128xi32, #tpu.memory_space<vmem>>) semaphore(%run_scoped3A_163 : memref<!tpu.dma_semaphore, #tpu.memory_space<semaphore_mem>>) {add = true}
        %dma_wait3A_170 = arith.constant 0 : i32
        %dma_wait3A_171 = tpu.memref_slice %arg13[%run_scoped3A_75, %dma_wait3A_170] : memref<40x128xi32, #tpu.memory_space<vmem>> -> memref<1x128xi32, #tpu.memory_space<vmem>>
        %dma_wait3A_172 = tpu.memref_squeeze %dma_wait3A_171 : memref<1x128xi32, #tpu.memory_space<vmem>> -> memref<128xi32, #tpu.memory_space<vmem>>
        %dma_wait3A_173 = arith.constant 0 : i32
        %dma_wait3A_174 = arith.constant 0 : i32
        %dma_wait3A_175 = tpu.memref_slice %arg16[%dma_wait3A_173, %dma_wait3A_174] : memref<10240x128xf32, #tpu.memory_space<vmem_shared>> -> memref<10240x128xf32, #tpu.memory_space<vmem_shared>>
        tpu.wait_indirect_dma semaphore(%run_scoped3A_163 : memref<!tpu.dma_semaphore, #tpu.memory_space<semaphore_mem>>) src(%arg15 : memref<128x128xf32, #tpu.memory_space<vmem>>) dst(%dma_wait3A_175 : memref<10240x128xf32, #tpu.memory_space<vmem_shared>>)
        tpu.yield
      }) : () -> ()
      %barrier3A_76 = arith.constant 0 : index
      tpu.barrier barrier_id(%barrier3A_76)
      %mul3A_77 = arith.constant 640 : i32
      %mul3A_78 = arith.muli %arg1, %mul3A_77 : i32
      %mul3A_79 = arith.constant 640 : i32
      %mul3A_80 = arith.muli %arg1, %mul3A_79 : i32
      "tpu.region"() ({
        %run_scoped3A_163 = tpu.sem_alloc : memref<!tpu.dma_semaphore, #tpu.memory_space<semaphore_mem>>
        %dma_start3A_164 = arith.constant 0 : i32
        %dma_start3A_165 = tpu.memref_slice %arg8[%mul3A_80, %dma_start3A_164] : memref<10240x128xf32, #tpu.memory_space<hbm>> -> memref<640x128xf32, #tpu.memory_space<hbm>>
        %dma_start3A_166 = arith.constant 0 : i32
        %dma_start3A_167 = tpu.memref_slice %arg16[%mul3A_78, %dma_start3A_166] : memref<10240x128xf32, #tpu.memory_space<vmem_shared>> -> memref<640x128xf32, #tpu.memory_space<vmem_shared>>
        tpu.enqueue_dma source(%dma_start3A_167 : memref<640x128xf32, #tpu.memory_space<vmem_shared>>) target(%dma_start3A_165 : memref<640x128xf32, #tpu.memory_space<hbm>>) target_semaphore(%run_scoped3A_163 : memref<!tpu.dma_semaphore, #tpu.memory_space<semaphore_mem>>)
        %dma_wait3A_168 = arith.constant 0 : i32
        %dma_wait3A_169 = tpu.memref_slice %arg8[%mul3A_80, %dma_wait3A_168] : memref<10240x128xf32, #tpu.memory_space<hbm>> -> memref<640x128xf32, #tpu.memory_space<hbm>>
        %dma_wait3A_170 = arith.constant 0 : i32
        %dma_wait3A_171 = tpu.memref_slice %arg16[%mul3A_78, %dma_wait3A_170] : memref<10240x128xf32, #tpu.memory_space<vmem_shared>> -> memref<640x128xf32, #tpu.memory_space<vmem_shared>>
        tpu.wait_dma2 semaphore(%run_scoped3A_163 : memref<!tpu.dma_semaphore, #tpu.memory_space<semaphore_mem>>) src(%dma_wait3A_171 : memref<640x128xf32, #tpu.memory_space<vmem_shared>>) dst(%dma_wait3A_169 : memref<640x128xf32, #tpu.memory_space<hbm>>)
        tpu.yield
      }) : () -> ()
      %barrier3A_81 = arith.constant 0 : index
      tpu.barrier barrier_id(%barrier3A_81)
      %mul3A_82 = arith.constant 640 : i32
      %mul3A_83 = arith.muli %arg1, %mul3A_82 : i32
      %mul3A_84 = arith.constant 640 : i32
      %mul3A_85 = arith.muli %arg1, %mul3A_84 : i32
      "tpu.region"() ({
        %run_scoped3A_163 = tpu.sem_alloc : memref<!tpu.dma_semaphore, #tpu.memory_space<semaphore_mem>>
        %dma_start3A_164 = arith.constant 0 : i32
        %dma_start3A_165 = tpu.memref_slice %arg16[%mul3A_85, %dma_start3A_164] : memref<10240x128xf32, #tpu.memory_space<vmem_shared>> -> memref<640x128xf32, #tpu.memory_space<vmem_shared>>
        %dma_start3A_166 = arith.constant 0 : i32
        %dma_start3A_167 = tpu.memref_slice %arg3[%mul3A_83, %dma_start3A_166] : memref<10240x128xf32, #tpu.memory_space<hbm>> -> memref<640x128xf32, #tpu.memory_space<hbm>>
        tpu.enqueue_dma source(%dma_start3A_167 : memref<640x128xf32, #tpu.memory_space<hbm>>) target(%dma_start3A_165 : memref<640x128xf32, #tpu.memory_space<vmem_shared>>) target_semaphore(%run_scoped3A_163 : memref<!tpu.dma_semaphore, #tpu.memory_space<semaphore_mem>>)
        %dma_wait3A_168 = arith.constant 0 : i32
        %dma_wait3A_169 = tpu.memref_slice %arg16[%mul3A_85, %dma_wait3A_168] : memref<10240x128xf32, #tpu.memory_space<vmem_shared>> -> memref<640x128xf32, #tpu.memory_space<vmem_shared>>
        %dma_wait3A_170 = arith.constant 0 : i32
        %dma_wait3A_171 = tpu.memref_slice %arg3[%mul3A_83, %dma_wait3A_170] : memref<10240x128xf32, #tpu.memory_space<hbm>> -> memref<640x128xf32, #tpu.memory_space<hbm>>
        tpu.wait_dma2 semaphore(%run_scoped3A_163 : memref<!tpu.dma_semaphore, #tpu.memory_space<semaphore_mem>>) src(%dma_wait3A_171 : memref<640x128xf32, #tpu.memory_space<hbm>>) dst(%dma_wait3A_169 : memref<640x128xf32, #tpu.memory_space<vmem_shared>>)
        tpu.yield
      }) : () -> ()
      %barrier3A_86 = arith.constant 0 : index
      tpu.barrier barrier_id(%barrier3A_86)
      "tpu.region"() ({
        %run_scoped3A_163 = tpu.sem_alloc : memref<!tpu.dma_semaphore, #tpu.memory_space<semaphore_mem>>
        %dma_start3A_164 = arith.constant 0 : i32
        %dma_start3A_165 = arith.constant 0 : i32
        %dma_start3A_166 = tpu.memref_slice %arg6[%arg1, %dma_start3A_164, %dma_start3A_165] : memref<16x80x128xi32, #tpu.memory_space<hbm>> -> memref<1x40x128xi32, #tpu.memory_space<hbm>>
        %dma_start3A_167 = tpu.memref_squeeze %dma_start3A_166 : memref<1x40x128xi32, #tpu.memory_space<hbm>> -> memref<40x128xi32, #tpu.memory_space<hbm>>
        %dma_start3A_168 = arith.constant 0 : i32
        %dma_start3A_169 = arith.constant 0 : i32
        %dma_start3A_170 = tpu.memref_slice %arg6[%arg1, %dma_start3A_168, %dma_start3A_169] : memref<16x80x128xi32, #tpu.memory_space<hbm>> -> memref<1x40x128xi32, #tpu.memory_space<hbm>>
        %dma_start3A_171 = tpu.memref_squeeze %dma_start3A_170 : memref<1x40x128xi32, #tpu.memory_space<hbm>> -> memref<40x128xi32, #tpu.memory_space<hbm>>
        tpu.enqueue_dma source(%dma_start3A_171 : memref<40x128xi32, #tpu.memory_space<hbm>>) target(%arg12 : memref<40x128xi32, #tpu.memory_space<vmem>>) target_semaphore(%run_scoped3A_163 : memref<!tpu.dma_semaphore, #tpu.memory_space<semaphore_mem>>)
        %dma_wait3A_172 = arith.constant 0 : i32
        %dma_wait3A_173 = arith.constant 0 : i32
        %dma_wait3A_174 = tpu.memref_slice %arg6[%arg1, %dma_wait3A_172, %dma_wait3A_173] : memref<16x80x128xi32, #tpu.memory_space<hbm>> -> memref<1x40x128xi32, #tpu.memory_space<hbm>>
        %dma_wait3A_175 = tpu.memref_squeeze %dma_wait3A_174 : memref<1x40x128xi32, #tpu.memory_space<hbm>> -> memref<40x128xi32, #tpu.memory_space<hbm>>
        %dma_wait3A_176 = arith.constant 0 : i32
        %dma_wait3A_177 = arith.constant 0 : i32
        %dma_wait3A_178 = tpu.memref_slice %arg6[%arg1, %dma_wait3A_176, %dma_wait3A_177] : memref<16x80x128xi32, #tpu.memory_space<hbm>> -> memref<1x40x128xi32, #tpu.memory_space<hbm>>
        %dma_wait3A_179 = tpu.memref_squeeze %dma_wait3A_178 : memref<1x40x128xi32, #tpu.memory_space<hbm>> -> memref<40x128xi32, #tpu.memory_space<hbm>>
        tpu.wait_dma2 semaphore(%run_scoped3A_163 : memref<!tpu.dma_semaphore, #tpu.memory_space<semaphore_mem>>) src(%dma_wait3A_179 : memref<40x128xi32, #tpu.memory_space<hbm>>) dst(%arg12 : memref<40x128xi32, #tpu.memory_space<vmem>>)
        tpu.yield
      }) : () -> ()
      "tpu.region"() ({
        %run_scoped3A_163 = tpu.sem_alloc : memref<!tpu.dma_semaphore, #tpu.memory_space<semaphore_mem>>
        %dma_start3A_164 = arith.constant 0 : i32
        %dma_start3A_165 = arith.constant 0 : i32
        %dma_start3A_166 = tpu.memref_slice %arg7[%arg1, %dma_start3A_164, %dma_start3A_165] : memref<16x80x128xi32, #tpu.memory_space<hbm>> -> memref<1x40x128xi32, #tpu.memory_space<hbm>>
        %dma_start3A_167 = tpu.memref_squeeze %dma_start3A_166 : memref<1x40x128xi32, #tpu.memory_space<hbm>> -> memref<40x128xi32, #tpu.memory_space<hbm>>
        %dma_start3A_168 = arith.constant 0 : i32
        %dma_start3A_169 = arith.constant 0 : i32
        %dma_start3A_170 = tpu.memref_slice %arg7[%arg1, %dma_start3A_168, %dma_start3A_169] : memref<16x80x128xi32, #tpu.memory_space<hbm>> -> memref<1x40x128xi32, #tpu.memory_space<hbm>>
        %dma_start3A_171 = tpu.memref_squeeze %dma_start3A_170 : memref<1x40x128xi32, #tpu.memory_space<hbm>> -> memref<40x128xi32, #tpu.memory_space<hbm>>
        tpu.enqueue_dma source(%dma_start3A_171 : memref<40x128xi32, #tpu.memory_space<hbm>>) target(%arg13 : memref<40x128xi32, #tpu.memory_space<vmem>>) target_semaphore(%run_scoped3A_163 : memref<!tpu.dma_semaphore, #tpu.memory_space<semaphore_mem>>)
        %dma_wait3A_172 = arith.constant 0 : i32
        %dma_wait3A_173 = arith.constant 0 : i32
        %dma_wait3A_174 = tpu.memref_slice %arg7[%arg1, %dma_wait3A_172, %dma_wait3A_173] : memref<16x80x128xi32, #tpu.memory_space<hbm>> -> memref<1x40x128xi32, #tpu.memory_space<hbm>>
        %dma_wait3A_175 = tpu.memref_squeeze %dma_wait3A_174 : memref<1x40x128xi32, #tpu.memory_space<hbm>> -> memref<40x128xi32, #tpu.memory_space<hbm>>
        %dma_wait3A_176 = arith.constant 0 : i32
        %dma_wait3A_177 = arith.constant 0 : i32
        %dma_wait3A_178 = tpu.memref_slice %arg7[%arg1, %dma_wait3A_176, %dma_wait3A_177] : memref<16x80x128xi32, #tpu.memory_space<hbm>> -> memref<1x40x128xi32, #tpu.memory_space<hbm>>
        %dma_wait3A_179 = tpu.memref_squeeze %dma_wait3A_178 : memref<1x40x128xi32, #tpu.memory_space<hbm>> -> memref<40x128xi32, #tpu.memory_space<hbm>>
        tpu.wait_dma2 semaphore(%run_scoped3A_163 : memref<!tpu.dma_semaphore, #tpu.memory_space<semaphore_mem>>) src(%dma_wait3A_179 : memref<40x128xi32, #tpu.memory_space<hbm>>) dst(%arg13 : memref<40x128xi32, #tpu.memory_space<vmem>>)
        tpu.yield
      }) : () -> ()
      %dma_start3A_87 = arith.constant 0 : i32
      %dma_start3A_88 = arith.constant 0 : i32
      %dma_start3A_89 = tpu.memref_slice %arg12[%dma_start3A_87, %dma_start3A_88] : memref<40x128xi32, #tpu.memory_space<vmem>> -> memref<1x128xi32, #tpu.memory_space<vmem>>
      %dma_start3A_90 = tpu.memref_squeeze %dma_start3A_89 : memref<1x128xi32, #tpu.memory_space<vmem>> -> memref<128xi32, #tpu.memory_space<vmem>>
      %dma_start3A_91 = arith.constant 0 : i32
      %dma_start3A_92 = arith.constant 0 : i32
      %dma_start3A_93 = tpu.memref_slice %arg3[%dma_start3A_91, %dma_start3A_92] : memref<10240x128xf32, #tpu.memory_space<hbm>> -> memref<10240x128xf32, #tpu.memory_space<hbm>>
      tpu.enqueue_indirect_dma source(%dma_start3A_93 : memref<10240x128xf32, #tpu.memory_space<hbm>>) target(%arg14 : memref<128x128xf32, #tpu.memory_space<vmem>>) offsets(%dma_start3A_90 : memref<128xi32, #tpu.memory_space<vmem>>) semaphore(%arg17 : memref<!tpu.dma_semaphore, #tpu.memory_space<semaphore_mem>>)
      %dma_start3A_94 = arith.constant 1 : i32
      %dma_start3A_95 = arith.constant 0 : i32
      %dma_start3A_96 = tpu.memref_slice %arg12[%dma_start3A_94, %dma_start3A_95] : memref<40x128xi32, #tpu.memory_space<vmem>> -> memref<1x128xi32, #tpu.memory_space<vmem>>
      %dma_start3A_97 = tpu.memref_squeeze %dma_start3A_96 : memref<1x128xi32, #tpu.memory_space<vmem>> -> memref<128xi32, #tpu.memory_space<vmem>>
      %dma_start3A_98 = arith.constant 0 : i32
      %dma_start3A_99 = arith.constant 0 : i32
      %dma_start3A_100 = tpu.memref_slice %arg3[%dma_start3A_98, %dma_start3A_99] : memref<10240x128xf32, #tpu.memory_space<hbm>> -> memref<10240x128xf32, #tpu.memory_space<hbm>>
      tpu.enqueue_indirect_dma source(%dma_start3A_100 : memref<10240x128xf32, #tpu.memory_space<hbm>>) target(%arg15 : memref<128x128xf32, #tpu.memory_space<vmem>>) offsets(%dma_start3A_97 : memref<128xi32, #tpu.memory_space<vmem>>) semaphore(%arg18 : memref<!tpu.dma_semaphore, #tpu.memory_space<semaphore_mem>>)
      %scan3A_101 = arith.constant 0 : i32
      %scan3A_102 = arith.constant 19 : i32
      %scan3A_103 = arith.addi %scan3A_101, %scan3A_102 : i32
      %scan3A_104 = arith.constant 1 : i32
      scf.for %scan3A_163 = %scan3A_101 to %scan3A_103 step %scan3A_104  : i32 {
        %mul3A_164 = arith.constant 1 : i32
        %mul3A_165 = arith.muli %scan3A_163, %mul3A_164 : i32
        %add3A = arith.constant 0 : i32
        %add3A_166 = arith.addi %add3A, %mul3A_165 : i32
        %mul3A_167 = arith.constant 2 : i32
        %mul3A_168 = arith.muli %mul3A_167, %add3A_166 : i32
        %dma_wait3A_169 = arith.constant 0 : i32
        %dma_wait3A_170 = tpu.memref_slice %arg12[%mul3A_168, %dma_wait3A_169] : memref<40x128xi32, #tpu.memory_space<vmem>> -> memref<1x128xi32, #tpu.memory_space<vmem>>
        %dma_wait3A_171 = tpu.memref_squeeze %dma_wait3A_170 : memref<1x128xi32, #tpu.memory_space<vmem>> -> memref<128xi32, #tpu.memory_space<vmem>>
        %dma_wait3A_172 = arith.constant 0 : i32
        %dma_wait3A_173 = arith.constant 0 : i32
        %dma_wait3A_174 = tpu.memref_slice %arg3[%dma_wait3A_172, %dma_wait3A_173] : memref<10240x128xf32, #tpu.memory_space<hbm>> -> memref<10240x128xf32, #tpu.memory_space<hbm>>
        tpu.wait_indirect_dma semaphore(%arg17 : memref<!tpu.dma_semaphore, #tpu.memory_space<semaphore_mem>>) src(%dma_wait3A_174 : memref<10240x128xf32, #tpu.memory_space<hbm>>) dst(%arg14 : memref<128x128xf32, #tpu.memory_space<vmem>>)
        %mul3A_175 = arith.constant 2 : i32
        %mul3A_176 = arith.muli %mul3A_175, %add3A_166 : i32
        %dma_start3A_177 = arith.constant 0 : i32
        %dma_start3A_178 = tpu.memref_slice %arg13[%mul3A_176, %dma_start3A_177] : memref<40x128xi32, #tpu.memory_space<vmem>> -> memref<1x128xi32, #tpu.memory_space<vmem>>
        %dma_start3A_179 = tpu.memref_squeeze %dma_start3A_178 : memref<1x128xi32, #tpu.memory_space<vmem>> -> memref<128xi32, #tpu.memory_space<vmem>>
        %dma_start3A_180 = arith.constant 0 : i32
        %dma_start3A_181 = arith.constant 0 : i32
        %dma_start3A_182 = tpu.memref_slice %arg16[%dma_start3A_180, %dma_start3A_181] : memref<10240x128xf32, #tpu.memory_space<vmem_shared>> -> memref<10240x128xf32, #tpu.memory_space<vmem_shared>>
        tpu.enqueue_indirect_dma source(%arg14 : memref<128x128xf32, #tpu.memory_space<vmem>>) target(%dma_start3A_182 : memref<10240x128xf32, #tpu.memory_space<vmem_shared>>) offsets(%dma_start3A_179 : memref<128xi32, #tpu.memory_space<vmem>>) semaphore(%arg19 : memref<!tpu.dma_semaphore, #tpu.memory_space<semaphore_mem>>) {add = true}
        %mul3A_183 = arith.constant 2 : i32
        %mul3A_184 = arith.muli %mul3A_183, %add3A_166 : i32
        %add3A_185 = arith.constant 1 : i32
        %add3A_186 = arith.addi %mul3A_184, %add3A_185 : i32
        %dma_wait3A_187 = arith.constant 0 : i32
        %dma_wait3A_188 = tpu.memref_slice %arg12[%add3A_186, %dma_wait3A_187] : memref<40x128xi32, #tpu.memory_space<vmem>> -> memref<1x128xi32, #tpu.memory_space<vmem>>
        %dma_wait3A_189 = tpu.memref_squeeze %dma_wait3A_188 : memref<1x128xi32, #tpu.memory_space<vmem>> -> memref<128xi32, #tpu.memory_space<vmem>>
        %dma_wait3A_190 = arith.constant 0 : i32
        %dma_wait3A_191 = arith.constant 0 : i32
        %dma_wait3A_192 = tpu.memref_slice %arg3[%dma_wait3A_190, %dma_wait3A_191] : memref<10240x128xf32, #tpu.memory_space<hbm>> -> memref<10240x128xf32, #tpu.memory_space<hbm>>
        tpu.wait_indirect_dma semaphore(%arg18 : memref<!tpu.dma_semaphore, #tpu.memory_space<semaphore_mem>>) src(%dma_wait3A_192 : memref<10240x128xf32, #tpu.memory_space<hbm>>) dst(%arg15 : memref<128x128xf32, #tpu.memory_space<vmem>>)
        %dma_wait3A_193 = arith.constant 0 : i32
        %dma_wait3A_194 = tpu.memref_slice %arg13[%mul3A_176, %dma_wait3A_193] : memref<40x128xi32, #tpu.memory_space<vmem>> -> memref<1x128xi32, #tpu.memory_space<vmem>>
        %dma_wait3A_195 = tpu.memref_squeeze %dma_wait3A_194 : memref<1x128xi32, #tpu.memory_space<vmem>> -> memref<128xi32, #tpu.memory_space<vmem>>
        %dma_wait3A_196 = arith.constant 0 : i32
        %dma_wait3A_197 = arith.constant 0 : i32
        %dma_wait3A_198 = tpu.memref_slice %arg16[%dma_wait3A_196, %dma_wait3A_197] : memref<10240x128xf32, #tpu.memory_space<vmem_shared>> -> memref<10240x128xf32, #tpu.memory_space<vmem_shared>>
        tpu.wait_indirect_dma semaphore(%arg19 : memref<!tpu.dma_semaphore, #tpu.memory_space<semaphore_mem>>) src(%arg14 : memref<128x128xf32, #tpu.memory_space<vmem>>) dst(%dma_wait3A_198 : memref<10240x128xf32, #tpu.memory_space<vmem_shared>>)
        %mul3A_199 = arith.constant 2 : i32
        %mul3A_200 = arith.muli %mul3A_199, %add3A_166 : i32
        %add3A_201 = arith.constant 2 : i32
        %add3A_202 = arith.addi %mul3A_200, %add3A_201 : i32
        %dma_start3A_203 = arith.constant 0 : i32
        %dma_start3A_204 = tpu.memref_slice %arg12[%add3A_202, %dma_start3A_203] : memref<40x128xi32, #tpu.memory_space<vmem>> -> memref<1x128xi32, #tpu.memory_space<vmem>>
        %dma_start3A_205 = tpu.memref_squeeze %dma_start3A_204 : memref<1x128xi32, #tpu.memory_space<vmem>> -> memref<128xi32, #tpu.memory_space<vmem>>
        %dma_start3A_206 = arith.constant 0 : i32
        %dma_start3A_207 = arith.constant 0 : i32
        %dma_start3A_208 = tpu.memref_slice %arg3[%dma_start3A_206, %dma_start3A_207] : memref<10240x128xf32, #tpu.memory_space<hbm>> -> memref<10240x128xf32, #tpu.memory_space<hbm>>
        tpu.enqueue_indirect_dma source(%dma_start3A_208 : memref<10240x128xf32, #tpu.memory_space<hbm>>) target(%arg14 : memref<128x128xf32, #tpu.memory_space<vmem>>) offsets(%dma_start3A_205 : memref<128xi32, #tpu.memory_space<vmem>>) semaphore(%arg17 : memref<!tpu.dma_semaphore, #tpu.memory_space<semaphore_mem>>)
        %mul3A_209 = arith.constant 2 : i32
        %mul3A_210 = arith.muli %mul3A_209, %add3A_166 : i32
        %add3A_211 = arith.constant 1 : i32
        %add3A_212 = arith.addi %mul3A_210, %add3A_211 : i32
        %dma_start3A_213 = arith.constant 0 : i32
        %dma_start3A_214 = tpu.memref_slice %arg13[%add3A_212, %dma_start3A_213] : memref<40x128xi32, #tpu.memory_space<vmem>> -> memref<1x128xi32, #tpu.memory_space<vmem>>
        %dma_start3A_215 = tpu.memref_squeeze %dma_start3A_214 : memref<1x128xi32, #tpu.memory_space<vmem>> -> memref<128xi32, #tpu.memory_space<vmem>>
        %dma_start3A_216 = arith.constant 0 : i32
        %dma_start3A_217 = arith.constant 0 : i32
        %dma_start3A_218 = tpu.memref_slice %arg16[%dma_start3A_216, %dma_start3A_217] : memref<10240x128xf32, #tpu.memory_space<vmem_shared>> -> memref<10240x128xf32, #tpu.memory_space<vmem_shared>>
        tpu.enqueue_indirect_dma source(%arg15 : memref<128x128xf32, #tpu.memory_space<vmem>>) target(%dma_start3A_218 : memref<10240x128xf32, #tpu.memory_space<vmem_shared>>) offsets(%dma_start3A_215 : memref<128xi32, #tpu.memory_space<vmem>>) semaphore(%arg20 : memref<!tpu.dma_semaphore, #tpu.memory_space<semaphore_mem>>) {add = true}
        %dma_wait3A_219 = arith.constant 0 : i32
        %dma_wait3A_220 = tpu.memref_slice %arg13[%add3A_212, %dma_wait3A_219] : memref<40x128xi32, #tpu.memory_space<vmem>> -> memref<1x128xi32, #tpu.memory_space<vmem>>
        %dma_wait3A_221 = tpu.memref_squeeze %dma_wait3A_220 : memref<1x128xi32, #tpu.memory_space<vmem>> -> memref<128xi32, #tpu.memory_space<vmem>>
        %dma_wait3A_222 = arith.constant 0 : i32
        %dma_wait3A_223 = arith.constant 0 : i32
        %dma_wait3A_224 = tpu.memref_slice %arg16[%dma_wait3A_222, %dma_wait3A_223] : memref<10240x128xf32, #tpu.memory_space<vmem_shared>> -> memref<10240x128xf32, #tpu.memory_space<vmem_shared>>
        tpu.wait_indirect_dma semaphore(%arg20 : memref<!tpu.dma_semaphore, #tpu.memory_space<semaphore_mem>>) src(%arg15 : memref<128x128xf32, #tpu.memory_space<vmem>>) dst(%dma_wait3A_224 : memref<10240x128xf32, #tpu.memory_space<vmem_shared>>)
        %mul3A_225 = arith.constant 2 : i32
        %mul3A_226 = arith.muli %mul3A_225, %add3A_166 : i32
        %add3A_227 = arith.constant 3 : i32
        %add3A_228 = arith.addi %mul3A_226, %add3A_227 : i32
        %dma_start3A_229 = arith.constant 0 : i32
        %dma_start3A_230 = tpu.memref_slice %arg12[%add3A_228, %dma_start3A_229] : memref<40x128xi32, #tpu.memory_space<vmem>> -> memref<1x128xi32, #tpu.memory_space<vmem>>
        %dma_start3A_231 = tpu.memref_squeeze %dma_start3A_230 : memref<1x128xi32, #tpu.memory_space<vmem>> -> memref<128xi32, #tpu.memory_space<vmem>>
        %dma_start3A_232 = arith.constant 0 : i32
        %dma_start3A_233 = arith.constant 0 : i32
        %dma_start3A_234 = tpu.memref_slice %arg3[%dma_start3A_232, %dma_start3A_233] : memref<10240x128xf32, #tpu.memory_space<hbm>> -> memref<10240x128xf32, #tpu.memory_space<hbm>>
        tpu.enqueue_indirect_dma source(%dma_start3A_234 : memref<10240x128xf32, #tpu.memory_space<hbm>>) target(%arg15 : memref<128x128xf32, #tpu.memory_space<vmem>>) offsets(%dma_start3A_231 : memref<128xi32, #tpu.memory_space<vmem>>) semaphore(%arg18 : memref<!tpu.dma_semaphore, #tpu.memory_space<semaphore_mem>>)
      }
      %scan3A_105 = arith.constant 19 : i32
      %dma_wait3A_106 = arith.constant 38 : i32
      %dma_wait3A_107 = arith.constant 0 : i32
      %dma_wait3A_108 = tpu.memref_slice %arg12[%dma_wait3A_106, %dma_wait3A_107] : memref<40x128xi32, #tpu.memory_space<vmem>> -> memref<1x128xi32, #tpu.memory_space<vmem>>
      %dma_wait3A_109 = tpu.memref_squeeze %dma_wait3A_108 : memref<1x128xi32, #tpu.memory_space<vmem>> -> memref<128xi32, #tpu.memory_space<vmem>>
      %dma_wait3A_110 = arith.constant 0 : i32
      %dma_wait3A_111 = arith.constant 0 : i32
      %dma_wait3A_112 = tpu.memref_slice %arg3[%dma_wait3A_110, %dma_wait3A_111] : memref<10240x128xf32, #tpu.memory_space<hbm>> -> memref<10240x128xf32, #tpu.memory_space<hbm>>
      tpu.wait_indirect_dma semaphore(%arg17 : memref<!tpu.dma_semaphore, #tpu.memory_space<semaphore_mem>>) src(%dma_wait3A_112 : memref<10240x128xf32, #tpu.memory_space<hbm>>) dst(%arg14 : memref<128x128xf32, #tpu.memory_space<vmem>>)
      %run_scoped3A_113 = arith.constant 38 : i32
      "tpu.region"() ({
        %run_scoped3A_163 = tpu.sem_alloc : memref<!tpu.dma_semaphore, #tpu.memory_space<semaphore_mem>>
        %dma_start3A_164 = arith.constant 0 : i32
        %dma_start3A_165 = tpu.memref_slice %arg13[%run_scoped3A_113, %dma_start3A_164] : memref<40x128xi32, #tpu.memory_space<vmem>> -> memref<1x128xi32, #tpu.memory_space<vmem>>
        %dma_start3A_166 = tpu.memref_squeeze %dma_start3A_165 : memref<1x128xi32, #tpu.memory_space<vmem>> -> memref<128xi32, #tpu.memory_space<vmem>>
        %dma_start3A_167 = arith.constant 0 : i32
        %dma_start3A_168 = arith.constant 0 : i32
        %dma_start3A_169 = tpu.memref_slice %arg16[%dma_start3A_167, %dma_start3A_168] : memref<10240x128xf32, #tpu.memory_space<vmem_shared>> -> memref<10240x128xf32, #tpu.memory_space<vmem_shared>>
        tpu.enqueue_indirect_dma source(%arg14 : memref<128x128xf32, #tpu.memory_space<vmem>>) target(%dma_start3A_169 : memref<10240x128xf32, #tpu.memory_space<vmem_shared>>) offsets(%dma_start3A_166 : memref<128xi32, #tpu.memory_space<vmem>>) semaphore(%run_scoped3A_163 : memref<!tpu.dma_semaphore, #tpu.memory_space<semaphore_mem>>) {add = true}
        %dma_wait3A_170 = arith.constant 0 : i32
        %dma_wait3A_171 = tpu.memref_slice %arg13[%run_scoped3A_113, %dma_wait3A_170] : memref<40x128xi32, #tpu.memory_space<vmem>> -> memref<1x128xi32, #tpu.memory_space<vmem>>
        %dma_wait3A_172 = tpu.memref_squeeze %dma_wait3A_171 : memref<1x128xi32, #tpu.memory_space<vmem>> -> memref<128xi32, #tpu.memory_space<vmem>>
        %dma_wait3A_173 = arith.constant 0 : i32
        %dma_wait3A_174 = arith.constant 0 : i32
        %dma_wait3A_175 = tpu.memref_slice %arg16[%dma_wait3A_173, %dma_wait3A_174] : memref<10240x128xf32, #tpu.memory_space<vmem_shared>> -> memref<10240x128xf32, #tpu.memory_space<vmem_shared>>
        tpu.wait_indirect_dma semaphore(%run_scoped3A_163 : memref<!tpu.dma_semaphore, #tpu.memory_space<semaphore_mem>>) src(%arg14 : memref<128x128xf32, #tpu.memory_space<vmem>>) dst(%dma_wait3A_175 : memref<10240x128xf32, #tpu.memory_space<vmem_shared>>)
        tpu.yield
      }) : () -> ()
      %dma_wait3A_114 = arith.constant 39 : i32
      %dma_wait3A_115 = arith.constant 0 : i32
      %dma_wait3A_116 = tpu.memref_slice %arg12[%dma_wait3A_114, %dma_wait3A_115] : memref<40x128xi32, #tpu.memory_space<vmem>> -> memref<1x128xi32, #tpu.memory_space<vmem>>
      %dma_wait3A_117 = tpu.memref_squeeze %dma_wait3A_116 : memref<1x128xi32, #tpu.memory_space<vmem>> -> memref<128xi32, #tpu.memory_space<vmem>>
      %dma_wait3A_118 = arith.constant 0 : i32
      %dma_wait3A_119 = arith.constant 0 : i32
      %dma_wait3A_120 = tpu.memref_slice %arg3[%dma_wait3A_118, %dma_wait3A_119] : memref<10240x128xf32, #tpu.memory_space<hbm>> -> memref<10240x128xf32, #tpu.memory_space<hbm>>
      tpu.wait_indirect_dma semaphore(%arg18 : memref<!tpu.dma_semaphore, #tpu.memory_space<semaphore_mem>>) src(%dma_wait3A_120 : memref<10240x128xf32, #tpu.memory_space<hbm>>) dst(%arg15 : memref<128x128xf32, #tpu.memory_space<vmem>>)
      %run_scoped3A_121 = arith.constant 39 : i32
      "tpu.region"() ({
        %run_scoped3A_163 = tpu.sem_alloc : memref<!tpu.dma_semaphore, #tpu.memory_space<semaphore_mem>>
        %dma_start3A_164 = arith.constant 0 : i32
        %dma_start3A_165 = tpu.memref_slice %arg13[%run_scoped3A_121, %dma_start3A_164] : memref<40x128xi32, #tpu.memory_space<vmem>> -> memref<1x128xi32, #tpu.memory_space<vmem>>
        %dma_start3A_166 = tpu.memref_squeeze %dma_start3A_165 : memref<1x128xi32, #tpu.memory_space<vmem>> -> memref<128xi32, #tpu.memory_space<vmem>>
        %dma_start3A_167 = arith.constant 0 : i32
        %dma_start3A_168 = arith.constant 0 : i32
        %dma_start3A_169 = tpu.memref_slice %arg16[%dma_start3A_167, %dma_start3A_168] : memref<10240x128xf32, #tpu.memory_space<vmem_shared>> -> memref<10240x128xf32, #tpu.memory_space<vmem_shared>>
        tpu.enqueue_indirect_dma source(%arg15 : memref<128x128xf32, #tpu.memory_space<vmem>>) target(%dma_start3A_169 : memref<10240x128xf32, #tpu.memory_space<vmem_shared>>) offsets(%dma_start3A_166 : memref<128xi32, #tpu.memory_space<vmem>>) semaphore(%run_scoped3A_163 : memref<!tpu.dma_semaphore, #tpu.memory_space<semaphore_mem>>) {add = true}
        %dma_wait3A_170 = arith.constant 0 : i32
        %dma_wait3A_171 = tpu.memref_slice %arg13[%run_scoped3A_121, %dma_wait3A_170] : memref<40x128xi32, #tpu.memory_space<vmem>> -> memref<1x128xi32, #tpu.memory_space<vmem>>
        %dma_wait3A_172 = tpu.memref_squeeze %dma_wait3A_171 : memref<1x128xi32, #tpu.memory_space<vmem>> -> memref<128xi32, #tpu.memory_space<vmem>>
        %dma_wait3A_173 = arith.constant 0 : i32
        %dma_wait3A_174 = arith.constant 0 : i32
        %dma_wait3A_175 = tpu.memref_slice %arg16[%dma_wait3A_173, %dma_wait3A_174] : memref<10240x128xf32, #tpu.memory_space<vmem_shared>> -> memref<10240x128xf32, #tpu.memory_space<vmem_shared>>
        tpu.wait_indirect_dma semaphore(%run_scoped3A_163 : memref<!tpu.dma_semaphore, #tpu.memory_space<semaphore_mem>>) src(%arg15 : memref<128x128xf32, #tpu.memory_space<vmem>>) dst(%dma_wait3A_175 : memref<10240x128xf32, #tpu.memory_space<vmem_shared>>)
        tpu.yield
      }) : () -> ()
      "tpu.region"() ({
        %run_scoped3A_163 = tpu.sem_alloc : memref<!tpu.dma_semaphore, #tpu.memory_space<semaphore_mem>>
        %dma_start3A_164 = arith.constant 40 : i32
        %dma_start3A_165 = arith.constant 0 : i32
        %dma_start3A_166 = tpu.memref_slice %arg6[%arg1, %dma_start3A_164, %dma_start3A_165] : memref<16x80x128xi32, #tpu.memory_space<hbm>> -> memref<1x40x128xi32, #tpu.memory_space<hbm>>
        %dma_start3A_167 = tpu.memref_squeeze %dma_start3A_166 : memref<1x40x128xi32, #tpu.memory_space<hbm>> -> memref<40x128xi32, #tpu.memory_space<hbm>>
        %dma_start3A_168 = arith.constant 40 : i32
        %dma_start3A_169 = arith.constant 0 : i32
        %dma_start3A_170 = tpu.memref_slice %arg6[%arg1, %dma_start3A_168, %dma_start3A_169] : memref<16x80x128xi32, #tpu.memory_space<hbm>> -> memref<1x40x128xi32, #tpu.memory_space<hbm>>
        %dma_start3A_171 = tpu.memref_squeeze %dma_start3A_170 : memref<1x40x128xi32, #tpu.memory_space<hbm>> -> memref<40x128xi32, #tpu.memory_space<hbm>>
        tpu.enqueue_dma source(%dma_start3A_171 : memref<40x128xi32, #tpu.memory_space<hbm>>) target(%arg12 : memref<40x128xi32, #tpu.memory_space<vmem>>) target_semaphore(%run_scoped3A_163 : memref<!tpu.dma_semaphore, #tpu.memory_space<semaphore_mem>>)
        %dma_wait3A_172 = arith.constant 40 : i32
        %dma_wait3A_173 = arith.constant 0 : i32
        %dma_wait3A_174 = tpu.memref_slice %arg6[%arg1, %dma_wait3A_172, %dma_wait3A_173] : memref<16x80x128xi32, #tpu.memory_space<hbm>> -> memref<1x40x128xi32, #tpu.memory_space<hbm>>
        %dma_wait3A_175 = tpu.memref_squeeze %dma_wait3A_174 : memref<1x40x128xi32, #tpu.memory_space<hbm>> -> memref<40x128xi32, #tpu.memory_space<hbm>>
        %dma_wait3A_176 = arith.constant 40 : i32
        %dma_wait3A_177 = arith.constant 0 : i32
        %dma_wait3A_178 = tpu.memref_slice %arg6[%arg1, %dma_wait3A_176, %dma_wait3A_177] : memref<16x80x128xi32, #tpu.memory_space<hbm>> -> memref<1x40x128xi32, #tpu.memory_space<hbm>>
        %dma_wait3A_179 = tpu.memref_squeeze %dma_wait3A_178 : memref<1x40x128xi32, #tpu.memory_space<hbm>> -> memref<40x128xi32, #tpu.memory_space<hbm>>
        tpu.wait_dma2 semaphore(%run_scoped3A_163 : memref<!tpu.dma_semaphore, #tpu.memory_space<semaphore_mem>>) src(%dma_wait3A_179 : memref<40x128xi32, #tpu.memory_space<hbm>>) dst(%arg12 : memref<40x128xi32, #tpu.memory_space<vmem>>)
        tpu.yield
      }) : () -> ()
      "tpu.region"() ({
        %run_scoped3A_163 = tpu.sem_alloc : memref<!tpu.dma_semaphore, #tpu.memory_space<semaphore_mem>>
        %dma_start3A_164 = arith.constant 40 : i32
        %dma_start3A_165 = arith.constant 0 : i32
        %dma_start3A_166 = tpu.memref_slice %arg7[%arg1, %dma_start3A_164, %dma_start3A_165] : memref<16x80x128xi32, #tpu.memory_space<hbm>> -> memref<1x40x128xi32, #tpu.memory_space<hbm>>
        %dma_start3A_167 = tpu.memref_squeeze %dma_start3A_166 : memref<1x40x128xi32, #tpu.memory_space<hbm>> -> memref<40x128xi32, #tpu.memory_space<hbm>>
        %dma_start3A_168 = arith.constant 40 : i32
        %dma_start3A_169 = arith.constant 0 : i32
        %dma_start3A_170 = tpu.memref_slice %arg7[%arg1, %dma_start3A_168, %dma_start3A_169] : memref<16x80x128xi32, #tpu.memory_space<hbm>> -> memref<1x40x128xi32, #tpu.memory_space<hbm>>
        %dma_start3A_171 = tpu.memref_squeeze %dma_start3A_170 : memref<1x40x128xi32, #tpu.memory_space<hbm>> -> memref<40x128xi32, #tpu.memory_space<hbm>>
        tpu.enqueue_dma source(%dma_start3A_171 : memref<40x128xi32, #tpu.memory_space<hbm>>) target(%arg13 : memref<40x128xi32, #tpu.memory_space<vmem>>) target_semaphore(%run_scoped3A_163 : memref<!tpu.dma_semaphore, #tpu.memory_space<semaphore_mem>>)
        %dma_wait3A_172 = arith.constant 40 : i32
        %dma_wait3A_173 = arith.constant 0 : i32
        %dma_wait3A_174 = tpu.memref_slice %arg7[%arg1, %dma_wait3A_172, %dma_wait3A_173] : memref<16x80x128xi32, #tpu.memory_space<hbm>> -> memref<1x40x128xi32, #tpu.memory_space<hbm>>
        %dma_wait3A_175 = tpu.memref_squeeze %dma_wait3A_174 : memref<1x40x128xi32, #tpu.memory_space<hbm>> -> memref<40x128xi32, #tpu.memory_space<hbm>>
        %dma_wait3A_176 = arith.constant 40 : i32
        %dma_wait3A_177 = arith.constant 0 : i32
        %dma_wait3A_178 = tpu.memref_slice %arg7[%arg1, %dma_wait3A_176, %dma_wait3A_177] : memref<16x80x128xi32, #tpu.memory_space<hbm>> -> memref<1x40x128xi32, #tpu.memory_space<hbm>>
        %dma_wait3A_179 = tpu.memref_squeeze %dma_wait3A_178 : memref<1x40x128xi32, #tpu.memory_space<hbm>> -> memref<40x128xi32, #tpu.memory_space<hbm>>
        tpu.wait_dma2 semaphore(%run_scoped3A_163 : memref<!tpu.dma_semaphore, #tpu.memory_space<semaphore_mem>>) src(%dma_wait3A_179 : memref<40x128xi32, #tpu.memory_space<hbm>>) dst(%arg13 : memref<40x128xi32, #tpu.memory_space<vmem>>)
        tpu.yield
      }) : () -> ()
      %dma_start3A_122 = arith.constant 0 : i32
      %dma_start3A_123 = arith.constant 0 : i32
      %dma_start3A_124 = tpu.memref_slice %arg12[%dma_start3A_122, %dma_start3A_123] : memref<40x128xi32, #tpu.memory_space<vmem>> -> memref<1x128xi32, #tpu.memory_space<vmem>>
      %dma_start3A_125 = tpu.memref_squeeze %dma_start3A_124 : memref<1x128xi32, #tpu.memory_space<vmem>> -> memref<128xi32, #tpu.memory_space<vmem>>
      %dma_start3A_126 = arith.constant 0 : i32
      %dma_start3A_127 = arith.constant 0 : i32
      %dma_start3A_128 = tpu.memref_slice %arg3[%dma_start3A_126, %dma_start3A_127] : memref<10240x128xf32, #tpu.memory_space<hbm>> -> memref<10240x128xf32, #tpu.memory_space<hbm>>
      tpu.enqueue_indirect_dma source(%dma_start3A_128 : memref<10240x128xf32, #tpu.memory_space<hbm>>) target(%arg14 : memref<128x128xf32, #tpu.memory_space<vmem>>) offsets(%dma_start3A_125 : memref<128xi32, #tpu.memory_space<vmem>>) semaphore(%arg17 : memref<!tpu.dma_semaphore, #tpu.memory_space<semaphore_mem>>)
      %dma_start3A_129 = arith.constant 1 : i32
      %dma_start3A_130 = arith.constant 0 : i32
      %dma_start3A_131 = tpu.memref_slice %arg12[%dma_start3A_129, %dma_start3A_130] : memref<40x128xi32, #tpu.memory_space<vmem>> -> memref<1x128xi32, #tpu.memory_space<vmem>>
      %dma_start3A_132 = tpu.memref_squeeze %dma_start3A_131 : memref<1x128xi32, #tpu.memory_space<vmem>> -> memref<128xi32, #tpu.memory_space<vmem>>
      %dma_start3A_133 = arith.constant 0 : i32
      %dma_start3A_134 = arith.constant 0 : i32
      %dma_start3A_135 = tpu.memref_slice %arg3[%dma_start3A_133, %dma_start3A_134] : memref<10240x128xf32, #tpu.memory_space<hbm>> -> memref<10240x128xf32, #tpu.memory_space<hbm>>
      tpu.enqueue_indirect_dma source(%dma_start3A_135 : memref<10240x128xf32, #tpu.memory_space<hbm>>) target(%arg15 : memref<128x128xf32, #tpu.memory_space<vmem>>) offsets(%dma_start3A_132 : memref<128xi32, #tpu.memory_space<vmem>>) semaphore(%arg18 : memref<!tpu.dma_semaphore, #tpu.memory_space<semaphore_mem>>)
      %scan3A_136 = arith.constant 0 : i32
      %scan3A_137 = arith.constant 19 : i32
      %scan3A_138 = arith.addi %scan3A_136, %scan3A_137 : i32
      %scan3A_139 = arith.constant 1 : i32
      scf.for %scan3A_163 = %scan3A_136 to %scan3A_138 step %scan3A_139  : i32 {
        %mul3A_164 = arith.constant 1 : i32
        %mul3A_165 = arith.muli %scan3A_163, %mul3A_164 : i32
        %add3A = arith.constant 0 : i32
        %add3A_166 = arith.addi %add3A, %mul3A_165 : i32
        %mul3A_167 = arith.constant 2 : i32
        %mul3A_168 = arith.muli %mul3A_167, %add3A_166 : i32
        %dma_wait3A_169 = arith.constant 0 : i32
        %dma_wait3A_170 = tpu.memref_slice %arg12[%mul3A_168, %dma_wait3A_169] : memref<40x128xi32, #tpu.memory_space<vmem>> -> memref<1x128xi32, #tpu.memory_space<vmem>>
        %dma_wait3A_171 = tpu.memref_squeeze %dma_wait3A_170 : memref<1x128xi32, #tpu.memory_space<vmem>> -> memref<128xi32, #tpu.memory_space<vmem>>
        %dma_wait3A_172 = arith.constant 0 : i32
        %dma_wait3A_173 = arith.constant 0 : i32
        %dma_wait3A_174 = tpu.memref_slice %arg3[%dma_wait3A_172, %dma_wait3A_173] : memref<10240x128xf32, #tpu.memory_space<hbm>> -> memref<10240x128xf32, #tpu.memory_space<hbm>>
        tpu.wait_indirect_dma semaphore(%arg17 : memref<!tpu.dma_semaphore, #tpu.memory_space<semaphore_mem>>) src(%dma_wait3A_174 : memref<10240x128xf32, #tpu.memory_space<hbm>>) dst(%arg14 : memref<128x128xf32, #tpu.memory_space<vmem>>)
        %mul3A_175 = arith.constant 2 : i32
        %mul3A_176 = arith.muli %mul3A_175, %add3A_166 : i32
        %dma_start3A_177 = arith.constant 0 : i32
        %dma_start3A_178 = tpu.memref_slice %arg13[%mul3A_176, %dma_start3A_177] : memref<40x128xi32, #tpu.memory_space<vmem>> -> memref<1x128xi32, #tpu.memory_space<vmem>>
        %dma_start3A_179 = tpu.memref_squeeze %dma_start3A_178 : memref<1x128xi32, #tpu.memory_space<vmem>> -> memref<128xi32, #tpu.memory_space<vmem>>
        %dma_start3A_180 = arith.constant 0 : i32
        %dma_start3A_181 = arith.constant 0 : i32
        %dma_start3A_182 = tpu.memref_slice %arg16[%dma_start3A_180, %dma_start3A_181] : memref<10240x128xf32, #tpu.memory_space<vmem_shared>> -> memref<10240x128xf32, #tpu.memory_space<vmem_shared>>
        tpu.enqueue_indirect_dma source(%arg14 : memref<128x128xf32, #tpu.memory_space<vmem>>) target(%dma_start3A_182 : memref<10240x128xf32, #tpu.memory_space<vmem_shared>>) offsets(%dma_start3A_179 : memref<128xi32, #tpu.memory_space<vmem>>) semaphore(%arg19 : memref<!tpu.dma_semaphore, #tpu.memory_space<semaphore_mem>>) {add = true}
        %mul3A_183 = arith.constant 2 : i32
        %mul3A_184 = arith.muli %mul3A_183, %add3A_166 : i32
        %add3A_185 = arith.constant 1 : i32
        %add3A_186 = arith.addi %mul3A_184, %add3A_185 : i32
        %dma_wait3A_187 = arith.constant 0 : i32
        %dma_wait3A_188 = tpu.memref_slice %arg12[%add3A_186, %dma_wait3A_187] : memref<40x128xi32, #tpu.memory_space<vmem>> -> memref<1x128xi32, #tpu.memory_space<vmem>>
        %dma_wait3A_189 = tpu.memref_squeeze %dma_wait3A_188 : memref<1x128xi32, #tpu.memory_space<vmem>> -> memref<128xi32, #tpu.memory_space<vmem>>
        %dma_wait3A_190 = arith.constant 0 : i32
        %dma_wait3A_191 = arith.constant 0 : i32
        %dma_wait3A_192 = tpu.memref_slice %arg3[%dma_wait3A_190, %dma_wait3A_191] : memref<10240x128xf32, #tpu.memory_space<hbm>> -> memref<10240x128xf32, #tpu.memory_space<hbm>>
        tpu.wait_indirect_dma semaphore(%arg18 : memref<!tpu.dma_semaphore, #tpu.memory_space<semaphore_mem>>) src(%dma_wait3A_192 : memref<10240x128xf32, #tpu.memory_space<hbm>>) dst(%arg15 : memref<128x128xf32, #tpu.memory_space<vmem>>)
        %dma_wait3A_193 = arith.constant 0 : i32
        %dma_wait3A_194 = tpu.memref_slice %arg13[%mul3A_176, %dma_wait3A_193] : memref<40x128xi32, #tpu.memory_space<vmem>> -> memref<1x128xi32, #tpu.memory_space<vmem>>
        %dma_wait3A_195 = tpu.memref_squeeze %dma_wait3A_194 : memref<1x128xi32, #tpu.memory_space<vmem>> -> memref<128xi32, #tpu.memory_space<vmem>>
        %dma_wait3A_196 = arith.constant 0 : i32
        %dma_wait3A_197 = arith.constant 0 : i32
        %dma_wait3A_198 = tpu.memref_slice %arg16[%dma_wait3A_196, %dma_wait3A_197] : memref<10240x128xf32, #tpu.memory_space<vmem_shared>> -> memref<10240x128xf32, #tpu.memory_space<vmem_shared>>
        tpu.wait_indirect_dma semaphore(%arg19 : memref<!tpu.dma_semaphore, #tpu.memory_space<semaphore_mem>>) src(%arg14 : memref<128x128xf32, #tpu.memory_space<vmem>>) dst(%dma_wait3A_198 : memref<10240x128xf32, #tpu.memory_space<vmem_shared>>)
        %mul3A_199 = arith.constant 2 : i32
        %mul3A_200 = arith.muli %mul3A_199, %add3A_166 : i32
        %add3A_201 = arith.constant 2 : i32
        %add3A_202 = arith.addi %mul3A_200, %add3A_201 : i32
        %dma_start3A_203 = arith.constant 0 : i32
        %dma_start3A_204 = tpu.memref_slice %arg12[%add3A_202, %dma_start3A_203] : memref<40x128xi32, #tpu.memory_space<vmem>> -> memref<1x128xi32, #tpu.memory_space<vmem>>
        %dma_start3A_205 = tpu.memref_squeeze %dma_start3A_204 : memref<1x128xi32, #tpu.memory_space<vmem>> -> memref<128xi32, #tpu.memory_space<vmem>>
        %dma_start3A_206 = arith.constant 0 : i32
        %dma_start3A_207 = arith.constant 0 : i32
        %dma_start3A_208 = tpu.memref_slice %arg3[%dma_start3A_206, %dma_start3A_207] : memref<10240x128xf32, #tpu.memory_space<hbm>> -> memref<10240x128xf32, #tpu.memory_space<hbm>>
        tpu.enqueue_indirect_dma source(%dma_start3A_208 : memref<10240x128xf32, #tpu.memory_space<hbm>>) target(%arg14 : memref<128x128xf32, #tpu.memory_space<vmem>>) offsets(%dma_start3A_205 : memref<128xi32, #tpu.memory_space<vmem>>) semaphore(%arg17 : memref<!tpu.dma_semaphore, #tpu.memory_space<semaphore_mem>>)
        %mul3A_209 = arith.constant 2 : i32
        %mul3A_210 = arith.muli %mul3A_209, %add3A_166 : i32
        %add3A_211 = arith.constant 1 : i32
        %add3A_212 = arith.addi %mul3A_210, %add3A_211 : i32
        %dma_start3A_213 = arith.constant 0 : i32
        %dma_start3A_214 = tpu.memref_slice %arg13[%add3A_212, %dma_start3A_213] : memref<40x128xi32, #tpu.memory_space<vmem>> -> memref<1x128xi32, #tpu.memory_space<vmem>>
        %dma_start3A_215 = tpu.memref_squeeze %dma_start3A_214 : memref<1x128xi32, #tpu.memory_space<vmem>> -> memref<128xi32, #tpu.memory_space<vmem>>
        %dma_start3A_216 = arith.constant 0 : i32
        %dma_start3A_217 = arith.constant 0 : i32
        %dma_start3A_218 = tpu.memref_slice %arg16[%dma_start3A_216, %dma_start3A_217] : memref<10240x128xf32, #tpu.memory_space<vmem_shared>> -> memref<10240x128xf32, #tpu.memory_space<vmem_shared>>
        tpu.enqueue_indirect_dma source(%arg15 : memref<128x128xf32, #tpu.memory_space<vmem>>) target(%dma_start3A_218 : memref<10240x128xf32, #tpu.memory_space<vmem_shared>>) offsets(%dma_start3A_215 : memref<128xi32, #tpu.memory_space<vmem>>) semaphore(%arg20 : memref<!tpu.dma_semaphore, #tpu.memory_space<semaphore_mem>>) {add = true}
        %dma_wait3A_219 = arith.constant 0 : i32
        %dma_wait3A_220 = tpu.memref_slice %arg13[%add3A_212, %dma_wait3A_219] : memref<40x128xi32, #tpu.memory_space<vmem>> -> memref<1x128xi32, #tpu.memory_space<vmem>>
        %dma_wait3A_221 = tpu.memref_squeeze %dma_wait3A_220 : memref<1x128xi32, #tpu.memory_space<vmem>> -> memref<128xi32, #tpu.memory_space<vmem>>
        %dma_wait3A_222 = arith.constant 0 : i32
        %dma_wait3A_223 = arith.constant 0 : i32
        %dma_wait3A_224 = tpu.memref_slice %arg16[%dma_wait3A_222, %dma_wait3A_223] : memref<10240x128xf32, #tpu.memory_space<vmem_shared>> -> memref<10240x128xf32, #tpu.memory_space<vmem_shared>>
        tpu.wait_indirect_dma semaphore(%arg20 : memref<!tpu.dma_semaphore, #tpu.memory_space<semaphore_mem>>) src(%arg15 : memref<128x128xf32, #tpu.memory_space<vmem>>) dst(%dma_wait3A_224 : memref<10240x128xf32, #tpu.memory_space<vmem_shared>>)
        %mul3A_225 = arith.constant 2 : i32
        %mul3A_226 = arith.muli %mul3A_225, %add3A_166 : i32
        %add3A_227 = arith.constant 3 : i32
        %add3A_228 = arith.addi %mul3A_226, %add3A_227 : i32
        %dma_start3A_229 = arith.constant 0 : i32
        %dma_start3A_230 = tpu.memref_slice %arg12[%add3A_228, %dma_start3A_229] : memref<40x128xi32, #tpu.memory_space<vmem>> -> memref<1x128xi32, #tpu.memory_space<vmem>>
        %dma_start3A_231 = tpu.memref_squeeze %dma_start3A_230 : memref<1x128xi32, #tpu.memory_space<vmem>> -> memref<128xi32, #tpu.memory_space<vmem>>
        %dma_start3A_232 = arith.constant 0 : i32
        %dma_start3A_233 = arith.constant 0 : i32
        %dma_start3A_234 = tpu.memref_slice %arg3[%dma_start3A_232, %dma_start3A_233] : memref<10240x128xf32, #tpu.memory_space<hbm>> -> memref<10240x128xf32, #tpu.memory_space<hbm>>
        tpu.enqueue_indirect_dma source(%dma_start3A_234 : memref<10240x128xf32, #tpu.memory_space<hbm>>) target(%arg15 : memref<128x128xf32, #tpu.memory_space<vmem>>) offsets(%dma_start3A_231 : memref<128xi32, #tpu.memory_space<vmem>>) semaphore(%arg18 : memref<!tpu.dma_semaphore, #tpu.memory_space<semaphore_mem>>)
      }
      %scan3A_140 = arith.constant 19 : i32
      %dma_wait3A_141 = arith.constant 38 : i32
      %dma_wait3A_142 = arith.constant 0 : i32
      %dma_wait3A_143 = tpu.memref_slice %arg12[%dma_wait3A_141, %dma_wait3A_142] : memref<40x128xi32, #tpu.memory_space<vmem>> -> memref<1x128xi32, #tpu.memory_space<vmem>>
      %dma_wait3A_144 = tpu.memref_squeeze %dma_wait3A_143 : memref<1x128xi32, #tpu.memory_space<vmem>> -> memref<128xi32, #tpu.memory_space<vmem>>
      %dma_wait3A_145 = arith.constant 0 : i32
      %dma_wait3A_146 = arith.constant 0 : i32
      %dma_wait3A_147 = tpu.memref_slice %arg3[%dma_wait3A_145, %dma_wait3A_146] : memref<10240x128xf32, #tpu.memory_space<hbm>> -> memref<10240x128xf32, #tpu.memory_space<hbm>>
      tpu.wait_indirect_dma semaphore(%arg17 : memref<!tpu.dma_semaphore, #tpu.memory_space<semaphore_mem>>) src(%dma_wait3A_147 : memref<10240x128xf32, #tpu.memory_space<hbm>>) dst(%arg14 : memref<128x128xf32, #tpu.memory_space<vmem>>)
      %run_scoped3A_148 = arith.constant 38 : i32
      "tpu.region"() ({
        %run_scoped3A_163 = tpu.sem_alloc : memref<!tpu.dma_semaphore, #tpu.memory_space<semaphore_mem>>
        %dma_start3A_164 = arith.constant 0 : i32
        %dma_start3A_165 = tpu.memref_slice %arg13[%run_scoped3A_148, %dma_start3A_164] : memref<40x128xi32, #tpu.memory_space<vmem>> -> memref<1x128xi32, #tpu.memory_space<vmem>>
        %dma_start3A_166 = tpu.memref_squeeze %dma_start3A_165 : memref<1x128xi32, #tpu.memory_space<vmem>> -> memref<128xi32, #tpu.memory_space<vmem>>
        %dma_start3A_167 = arith.constant 0 : i32
        %dma_start3A_168 = arith.constant 0 : i32
        %dma_start3A_169 = tpu.memref_slice %arg16[%dma_start3A_167, %dma_start3A_168] : memref<10240x128xf32, #tpu.memory_space<vmem_shared>> -> memref<10240x128xf32, #tpu.memory_space<vmem_shared>>
        tpu.enqueue_indirect_dma source(%arg14 : memref<128x128xf32, #tpu.memory_space<vmem>>) target(%dma_start3A_169 : memref<10240x128xf32, #tpu.memory_space<vmem_shared>>) offsets(%dma_start3A_166 : memref<128xi32, #tpu.memory_space<vmem>>) semaphore(%run_scoped3A_163 : memref<!tpu.dma_semaphore, #tpu.memory_space<semaphore_mem>>) {add = true}
        %dma_wait3A_170 = arith.constant 0 : i32
        %dma_wait3A_171 = tpu.memref_slice %arg13[%run_scoped3A_148, %dma_wait3A_170] : memref<40x128xi32, #tpu.memory_space<vmem>> -> memref<1x128xi32, #tpu.memory_space<vmem>>
        %dma_wait3A_172 = tpu.memref_squeeze %dma_wait3A_171 : memref<1x128xi32, #tpu.memory_space<vmem>> -> memref<128xi32, #tpu.memory_space<vmem>>
        %dma_wait3A_173 = arith.constant 0 : i32
        %dma_wait3A_174 = arith.constant 0 : i32
        %dma_wait3A_175 = tpu.memref_slice %arg16[%dma_wait3A_173, %dma_wait3A_174] : memref<10240x128xf32, #tpu.memory_space<vmem_shared>> -> memref<10240x128xf32, #tpu.memory_space<vmem_shared>>
        tpu.wait_indirect_dma semaphore(%run_scoped3A_163 : memref<!tpu.dma_semaphore, #tpu.memory_space<semaphore_mem>>) src(%arg14 : memref<128x128xf32, #tpu.memory_space<vmem>>) dst(%dma_wait3A_175 : memref<10240x128xf32, #tpu.memory_space<vmem_shared>>)
        tpu.yield
      }) : () -> ()
      %dma_wait3A_149 = arith.constant 39 : i32
      %dma_wait3A_150 = arith.constant 0 : i32
      %dma_wait3A_151 = tpu.memref_slice %arg12[%dma_wait3A_149, %dma_wait3A_150] : memref<40x128xi32, #tpu.memory_space<vmem>> -> memref<1x128xi32, #tpu.memory_space<vmem>>
      %dma_wait3A_152 = tpu.memref_squeeze %dma_wait3A_151 : memref<1x128xi32, #tpu.memory_space<vmem>> -> memref<128xi32, #tpu.memory_space<vmem>>
      %dma_wait3A_153 = arith.constant 0 : i32
      %dma_wait3A_154 = arith.constant 0 : i32
      %dma_wait3A_155 = tpu.memref_slice %arg3[%dma_wait3A_153, %dma_wait3A_154] : memref<10240x128xf32, #tpu.memory_space<hbm>> -> memref<10240x128xf32, #tpu.memory_space<hbm>>
      tpu.wait_indirect_dma semaphore(%arg18 : memref<!tpu.dma_semaphore, #tpu.memory_space<semaphore_mem>>) src(%dma_wait3A_155 : memref<10240x128xf32, #tpu.memory_space<hbm>>) dst(%arg15 : memref<128x128xf32, #tpu.memory_space<vmem>>)
      %run_scoped3A_156 = arith.constant 39 : i32
      "tpu.region"() ({
        %run_scoped3A_163 = tpu.sem_alloc : memref<!tpu.dma_semaphore, #tpu.memory_space<semaphore_mem>>
        %dma_start3A_164 = arith.constant 0 : i32
        %dma_start3A_165 = tpu.memref_slice %arg13[%run_scoped3A_156, %dma_start3A_164] : memref<40x128xi32, #tpu.memory_space<vmem>> -> memref<1x128xi32, #tpu.memory_space<vmem>>
        %dma_start3A_166 = tpu.memref_squeeze %dma_start3A_165 : memref<1x128xi32, #tpu.memory_space<vmem>> -> memref<128xi32, #tpu.memory_space<vmem>>
        %dma_start3A_167 = arith.constant 0 : i32
        %dma_start3A_168 = arith.constant 0 : i32
        %dma_start3A_169 = tpu.memref_slice %arg16[%dma_start3A_167, %dma_start3A_168] : memref<10240x128xf32, #tpu.memory_space<vmem_shared>> -> memref<10240x128xf32, #tpu.memory_space<vmem_shared>>
        tpu.enqueue_indirect_dma source(%arg15 : memref<128x128xf32, #tpu.memory_space<vmem>>) target(%dma_start3A_169 : memref<10240x128xf32, #tpu.memory_space<vmem_shared>>) offsets(%dma_start3A_166 : memref<128xi32, #tpu.memory_space<vmem>>) semaphore(%run_scoped3A_163 : memref<!tpu.dma_semaphore, #tpu.memory_space<semaphore_mem>>) {add = true}
        %dma_wait3A_170 = arith.constant 0 : i32
        %dma_wait3A_171 = tpu.memref_slice %arg13[%run_scoped3A_156, %dma_wait3A_170] : memref<40x128xi32, #tpu.memory_space<vmem>> -> memref<1x128xi32, #tpu.memory_space<vmem>>
        %dma_wait3A_172 = tpu.memref_squeeze %dma_wait3A_171 : memref<1x128xi32, #tpu.memory_space<vmem>> -> memref<128xi32, #tpu.memory_space<vmem>>
        %dma_wait3A_173 = arith.constant 0 : i32
        %dma_wait3A_174 = arith.constant 0 : i32
        %dma_wait3A_175 = tpu.memref_slice %arg16[%dma_wait3A_173, %dma_wait3A_174] : memref<10240x128xf32, #tpu.memory_space<vmem_shared>> -> memref<10240x128xf32, #tpu.memory_space<vmem_shared>>
        tpu.wait_indirect_dma semaphore(%run_scoped3A_163 : memref<!tpu.dma_semaphore, #tpu.memory_space<semaphore_mem>>) src(%arg15 : memref<128x128xf32, #tpu.memory_space<vmem>>) dst(%dma_wait3A_175 : memref<10240x128xf32, #tpu.memory_space<vmem_shared>>)
        tpu.yield
      }) : () -> ()
      %barrier3A_157 = arith.constant 0 : index
      tpu.barrier barrier_id(%barrier3A_157)
      %mul3A_158 = arith.constant 640 : i32
      %mul3A_159 = arith.muli %arg1, %mul3A_158 : i32
      %mul3A_160 = arith.constant 640 : i32
      %mul3A_161 = arith.muli %arg1, %mul3A_160 : i32
      "tpu.region"() ({
        %run_scoped3A_163 = tpu.sem_alloc : memref<!tpu.dma_semaphore, #tpu.memory_space<semaphore_mem>>
        %dma_start3A_164 = arith.constant 0 : i32
        %dma_start3A_165 = tpu.memref_slice %arg9[%mul3A_161, %dma_start3A_164] : memref<10240x128xf32, #tpu.memory_space<hbm>> -> memref<640x128xf32, #tpu.memory_space<hbm>>
        %dma_start3A_166 = arith.constant 0 : i32
        %dma_start3A_167 = tpu.memref_slice %arg16[%mul3A_159, %dma_start3A_166] : memref<10240x128xf32, #tpu.memory_space<vmem_shared>> -> memref<640x128xf32, #tpu.memory_space<vmem_shared>>
        tpu.enqueue_dma source(%dma_start3A_167 : memref<640x128xf32, #tpu.memory_space<vmem_shared>>) target(%dma_start3A_165 : memref<640x128xf32, #tpu.memory_space<hbm>>) target_semaphore(%run_scoped3A_163 : memref<!tpu.dma_semaphore, #tpu.memory_space<semaphore_mem>>)
        %dma_wait3A_168 = arith.constant 0 : i32
        %dma_wait3A_169 = tpu.memref_slice %arg9[%mul3A_161, %dma_wait3A_168] : memref<10240x128xf32, #tpu.memory_space<hbm>> -> memref<640x128xf32, #tpu.memory_space<hbm>>
        %dma_wait3A_170 = arith.constant 0 : i32
        %dma_wait3A_171 = tpu.memref_slice %arg16[%mul3A_159, %dma_wait3A_170] : memref<10240x128xf32, #tpu.memory_space<vmem_shared>> -> memref<640x128xf32, #tpu.memory_space<vmem_shared>>
        tpu.wait_dma2 semaphore(%run_scoped3A_163 : memref<!tpu.dma_semaphore, #tpu.memory_space<semaphore_mem>>) src(%dma_wait3A_171 : memref<640x128xf32, #tpu.memory_space<vmem_shared>>) dst(%dma_wait3A_169 : memref<640x128xf32, #tpu.memory_space<hbm>>)
        tpu.yield
      }) : () -> ()
      %barrier3A_162 = arith.constant 0 : index
      tpu.barrier barrier_id(%barrier3A_162)
    } else {
    }
    %eq3A_2 = arith.constant 1 : i32
    %eq3A_3 = arith.cmpi eq, %arg0, %eq3A_2 : i32
    %convert_element_type3A_4 = arith.extui %eq3A_3 : i1 to i32
    %cond3A_5 = arith.constant 0 : i32
    %cond3A_6 = arith.cmpi ne, %convert_element_type3A_4, %cond3A_5 : i32
    scf.if %cond3A_6 {
      %mul3A = arith.constant 640 : i32
      %mul3A_7 = arith.muli %arg1, %mul3A : i32
      %mul3A_8 = arith.constant 640 : i32
      %mul3A_9 = arith.muli %arg1, %mul3A_8 : i32
      "tpu.region"() ({
        %run_scoped3A_163 = tpu.sem_alloc : memref<!tpu.dma_semaphore, #tpu.memory_space<semaphore_mem>>
        %dma_start3A_164 = arith.constant 0 : i32
        %dma_start3A_165 = tpu.memref_slice %arg16[%mul3A_9, %dma_start3A_164] : memref<10240x128xf32, #tpu.memory_space<vmem_shared>> -> memref<640x128xf32, #tpu.memory_space<vmem_shared>>
        %dma_start3A_166 = arith.constant 0 : i32
        %dma_start3A_167 = tpu.memref_slice %arg4[%mul3A_7, %dma_start3A_166] : memref<10240x128xf32, #tpu.memory_space<hbm>> -> memref<640x128xf32, #tpu.memory_space<hbm>>
        tpu.enqueue_dma source(%dma_start3A_167 : memref<640x128xf32, #tpu.memory_space<hbm>>) target(%dma_start3A_165 : memref<640x128xf32, #tpu.memory_space<vmem_shared>>) target_semaphore(%run_scoped3A_163 : memref<!tpu.dma_semaphore, #tpu.memory_space<semaphore_mem>>)
        %dma_wait3A_168 = arith.constant 0 : i32
        %dma_wait3A_169 = tpu.memref_slice %arg16[%mul3A_9, %dma_wait3A_168] : memref<10240x128xf32, #tpu.memory_space<vmem_shared>> -> memref<640x128xf32, #tpu.memory_space<vmem_shared>>
        %dma_wait3A_170 = arith.constant 0 : i32
        %dma_wait3A_171 = tpu.memref_slice %arg4[%mul3A_7, %dma_wait3A_170] : memref<10240x128xf32, #tpu.memory_space<hbm>> -> memref<640x128xf32, #tpu.memory_space<hbm>>
        tpu.wait_dma2 semaphore(%run_scoped3A_163 : memref<!tpu.dma_semaphore, #tpu.memory_space<semaphore_mem>>) src(%dma_wait3A_171 : memref<640x128xf32, #tpu.memory_space<hbm>>) dst(%dma_wait3A_169 : memref<640x128xf32, #tpu.memory_space<vmem_shared>>)
        tpu.yield
      }) : () -> ()
      %barrier3A = arith.constant 0 : index
      tpu.barrier barrier_id(%barrier3A)
      "tpu.region"() ({
        %run_scoped3A_163 = tpu.sem_alloc : memref<!tpu.dma_semaphore, #tpu.memory_space<semaphore_mem>>
        %dma_start3A_164 = arith.constant 0 : i32
        %dma_start3A_165 = arith.constant 0 : i32
        %dma_start3A_166 = tpu.memref_slice %arg6[%arg1, %dma_start3A_164, %dma_start3A_165] : memref<16x80x128xi32, #tpu.memory_space<hbm>> -> memref<1x40x128xi32, #tpu.memory_space<hbm>>
        %dma_start3A_167 = tpu.memref_squeeze %dma_start3A_166 : memref<1x40x128xi32, #tpu.memory_space<hbm>> -> memref<40x128xi32, #tpu.memory_space<hbm>>
        %dma_start3A_168 = arith.constant 0 : i32
        %dma_start3A_169 = arith.constant 0 : i32
        %dma_start3A_170 = tpu.memref_slice %arg6[%arg1, %dma_start3A_168, %dma_start3A_169] : memref<16x80x128xi32, #tpu.memory_space<hbm>> -> memref<1x40x128xi32, #tpu.memory_space<hbm>>
        %dma_start3A_171 = tpu.memref_squeeze %dma_start3A_170 : memref<1x40x128xi32, #tpu.memory_space<hbm>> -> memref<40x128xi32, #tpu.memory_space<hbm>>
        tpu.enqueue_dma source(%dma_start3A_171 : memref<40x128xi32, #tpu.memory_space<hbm>>) target(%arg12 : memref<40x128xi32, #tpu.memory_space<vmem>>) target_semaphore(%run_scoped3A_163 : memref<!tpu.dma_semaphore, #tpu.memory_space<semaphore_mem>>)
        %dma_wait3A_172 = arith.constant 0 : i32
        %dma_wait3A_173 = arith.constant 0 : i32
        %dma_wait3A_174 = tpu.memref_slice %arg6[%arg1, %dma_wait3A_172, %dma_wait3A_173] : memref<16x80x128xi32, #tpu.memory_space<hbm>> -> memref<1x40x128xi32, #tpu.memory_space<hbm>>
        %dma_wait3A_175 = tpu.memref_squeeze %dma_wait3A_174 : memref<1x40x128xi32, #tpu.memory_space<hbm>> -> memref<40x128xi32, #tpu.memory_space<hbm>>
        %dma_wait3A_176 = arith.constant 0 : i32
        %dma_wait3A_177 = arith.constant 0 : i32
        %dma_wait3A_178 = tpu.memref_slice %arg6[%arg1, %dma_wait3A_176, %dma_wait3A_177] : memref<16x80x128xi32, #tpu.memory_space<hbm>> -> memref<1x40x128xi32, #tpu.memory_space<hbm>>
        %dma_wait3A_179 = tpu.memref_squeeze %dma_wait3A_178 : memref<1x40x128xi32, #tpu.memory_space<hbm>> -> memref<40x128xi32, #tpu.memory_space<hbm>>
        tpu.wait_dma2 semaphore(%run_scoped3A_163 : memref<!tpu.dma_semaphore, #tpu.memory_space<semaphore_mem>>) src(%dma_wait3A_179 : memref<40x128xi32, #tpu.memory_space<hbm>>) dst(%arg12 : memref<40x128xi32, #tpu.memory_space<vmem>>)
        tpu.yield
      }) : () -> ()
      "tpu.region"() ({
        %run_scoped3A_163 = tpu.sem_alloc : memref<!tpu.dma_semaphore, #tpu.memory_space<semaphore_mem>>
        %dma_start3A_164 = arith.constant 0 : i32
        %dma_start3A_165 = arith.constant 0 : i32
        %dma_start3A_166 = tpu.memref_slice %arg7[%arg1, %dma_start3A_164, %dma_start3A_165] : memref<16x80x128xi32, #tpu.memory_space<hbm>> -> memref<1x40x128xi32, #tpu.memory_space<hbm>>
        %dma_start3A_167 = tpu.memref_squeeze %dma_start3A_166 : memref<1x40x128xi32, #tpu.memory_space<hbm>> -> memref<40x128xi32, #tpu.memory_space<hbm>>
        %dma_start3A_168 = arith.constant 0 : i32
        %dma_start3A_169 = arith.constant 0 : i32
        %dma_start3A_170 = tpu.memref_slice %arg7[%arg1, %dma_start3A_168, %dma_start3A_169] : memref<16x80x128xi32, #tpu.memory_space<hbm>> -> memref<1x40x128xi32, #tpu.memory_space<hbm>>
        %dma_start3A_171 = tpu.memref_squeeze %dma_start3A_170 : memref<1x40x128xi32, #tpu.memory_space<hbm>> -> memref<40x128xi32, #tpu.memory_space<hbm>>
        tpu.enqueue_dma source(%dma_start3A_171 : memref<40x128xi32, #tpu.memory_space<hbm>>) target(%arg13 : memref<40x128xi32, #tpu.memory_space<vmem>>) target_semaphore(%run_scoped3A_163 : memref<!tpu.dma_semaphore, #tpu.memory_space<semaphore_mem>>)
        %dma_wait3A_172 = arith.constant 0 : i32
        %dma_wait3A_173 = arith.constant 0 : i32
        %dma_wait3A_174 = tpu.memref_slice %arg7[%arg1, %dma_wait3A_172, %dma_wait3A_173] : memref<16x80x128xi32, #tpu.memory_space<hbm>> -> memref<1x40x128xi32, #tpu.memory_space<hbm>>
        %dma_wait3A_175 = tpu.memref_squeeze %dma_wait3A_174 : memref<1x40x128xi32, #tpu.memory_space<hbm>> -> memref<40x128xi32, #tpu.memory_space<hbm>>
        %dma_wait3A_176 = arith.constant 0 : i32
        %dma_wait3A_177 = arith.constant 0 : i32
        %dma_wait3A_178 = tpu.memref_slice %arg7[%arg1, %dma_wait3A_176, %dma_wait3A_177] : memref<16x80x128xi32, #tpu.memory_space<hbm>> -> memref<1x40x128xi32, #tpu.memory_space<hbm>>
        %dma_wait3A_179 = tpu.memref_squeeze %dma_wait3A_178 : memref<1x40x128xi32, #tpu.memory_space<hbm>> -> memref<40x128xi32, #tpu.memory_space<hbm>>
        tpu.wait_dma2 semaphore(%run_scoped3A_163 : memref<!tpu.dma_semaphore, #tpu.memory_space<semaphore_mem>>) src(%dma_wait3A_179 : memref<40x128xi32, #tpu.memory_space<hbm>>) dst(%arg13 : memref<40x128xi32, #tpu.memory_space<vmem>>)
        tpu.yield
      }) : () -> ()
      %dma_start3A = arith.constant 0 : i32
      %dma_start3A_10 = arith.constant 0 : i32
      %dma_start3A_11 = tpu.memref_slice %arg12[%dma_start3A, %dma_start3A_10] : memref<40x128xi32, #tpu.memory_space<vmem>> -> memref<1x128xi32, #tpu.memory_space<vmem>>
      %dma_start3A_12 = tpu.memref_squeeze %dma_start3A_11 : memref<1x128xi32, #tpu.memory_space<vmem>> -> memref<128xi32, #tpu.memory_space<vmem>>
      %dma_start3A_13 = arith.constant 0 : i32
      %dma_start3A_14 = arith.constant 0 : i32
      %dma_start3A_15 = tpu.memref_slice %arg4[%dma_start3A_13, %dma_start3A_14] : memref<10240x128xf32, #tpu.memory_space<hbm>> -> memref<10240x128xf32, #tpu.memory_space<hbm>>
      tpu.enqueue_indirect_dma source(%dma_start3A_15 : memref<10240x128xf32, #tpu.memory_space<hbm>>) target(%arg14 : memref<128x128xf32, #tpu.memory_space<vmem>>) offsets(%dma_start3A_12 : memref<128xi32, #tpu.memory_space<vmem>>) semaphore(%arg17 : memref<!tpu.dma_semaphore, #tpu.memory_space<semaphore_mem>>)
      %dma_start3A_16 = arith.constant 1 : i32
      %dma_start3A_17 = arith.constant 0 : i32
      %dma_start3A_18 = tpu.memref_slice %arg12[%dma_start3A_16, %dma_start3A_17] : memref<40x128xi32, #tpu.memory_space<vmem>> -> memref<1x128xi32, #tpu.memory_space<vmem>>
      %dma_start3A_19 = tpu.memref_squeeze %dma_start3A_18 : memref<1x128xi32, #tpu.memory_space<vmem>> -> memref<128xi32, #tpu.memory_space<vmem>>
      %dma_start3A_20 = arith.constant 0 : i32
      %dma_start3A_21 = arith.constant 0 : i32
      %dma_start3A_22 = tpu.memref_slice %arg4[%dma_start3A_20, %dma_start3A_21] : memref<10240x128xf32, #tpu.memory_space<hbm>> -> memref<10240x128xf32, #tpu.memory_space<hbm>>
      tpu.enqueue_indirect_dma source(%dma_start3A_22 : memref<10240x128xf32, #tpu.memory_space<hbm>>) target(%arg15 : memref<128x128xf32, #tpu.memory_space<vmem>>) offsets(%dma_start3A_19 : memref<128xi32, #tpu.memory_space<vmem>>) semaphore(%arg18 : memref<!tpu.dma_semaphore, #tpu.memory_space<semaphore_mem>>)
      %scan3A = arith.constant 0 : i32
      %scan3A_23 = arith.constant 19 : i32
      %scan3A_24 = arith.addi %scan3A, %scan3A_23 : i32
      %scan3A_25 = arith.constant 1 : i32
      scf.for %scan3A_163 = %scan3A to %scan3A_24 step %scan3A_25  : i32 {
        %mul3A_164 = arith.constant 1 : i32
        %mul3A_165 = arith.muli %scan3A_163, %mul3A_164 : i32
        %add3A = arith.constant 0 : i32
        %add3A_166 = arith.addi %add3A, %mul3A_165 : i32
        %mul3A_167 = arith.constant 2 : i32
        %mul3A_168 = arith.muli %mul3A_167, %add3A_166 : i32
        %dma_wait3A_169 = arith.constant 0 : i32
        %dma_wait3A_170 = tpu.memref_slice %arg12[%mul3A_168, %dma_wait3A_169] : memref<40x128xi32, #tpu.memory_space<vmem>> -> memref<1x128xi32, #tpu.memory_space<vmem>>
        %dma_wait3A_171 = tpu.memref_squeeze %dma_wait3A_170 : memref<1x128xi32, #tpu.memory_space<vmem>> -> memref<128xi32, #tpu.memory_space<vmem>>
        %dma_wait3A_172 = arith.constant 0 : i32
        %dma_wait3A_173 = arith.constant 0 : i32
        %dma_wait3A_174 = tpu.memref_slice %arg4[%dma_wait3A_172, %dma_wait3A_173] : memref<10240x128xf32, #tpu.memory_space<hbm>> -> memref<10240x128xf32, #tpu.memory_space<hbm>>
        tpu.wait_indirect_dma semaphore(%arg17 : memref<!tpu.dma_semaphore, #tpu.memory_space<semaphore_mem>>) src(%dma_wait3A_174 : memref<10240x128xf32, #tpu.memory_space<hbm>>) dst(%arg14 : memref<128x128xf32, #tpu.memory_space<vmem>>)
        %mul3A_175 = arith.constant 2 : i32
        %mul3A_176 = arith.muli %mul3A_175, %add3A_166 : i32
        %dma_start3A_177 = arith.constant 0 : i32
        %dma_start3A_178 = tpu.memref_slice %arg13[%mul3A_176, %dma_start3A_177] : memref<40x128xi32, #tpu.memory_space<vmem>> -> memref<1x128xi32, #tpu.memory_space<vmem>>
        %dma_start3A_179 = tpu.memref_squeeze %dma_start3A_178 : memref<1x128xi32, #tpu.memory_space<vmem>> -> memref<128xi32, #tpu.memory_space<vmem>>
        %dma_start3A_180 = arith.constant 0 : i32
        %dma_start3A_181 = arith.constant 0 : i32
        %dma_start3A_182 = tpu.memref_slice %arg16[%dma_start3A_180, %dma_start3A_181] : memref<10240x128xf32, #tpu.memory_space<vmem_shared>> -> memref<10240x128xf32, #tpu.memory_space<vmem_shared>>
        tpu.enqueue_indirect_dma source(%arg14 : memref<128x128xf32, #tpu.memory_space<vmem>>) target(%dma_start3A_182 : memref<10240x128xf32, #tpu.memory_space<vmem_shared>>) offsets(%dma_start3A_179 : memref<128xi32, #tpu.memory_space<vmem>>) semaphore(%arg19 : memref<!tpu.dma_semaphore, #tpu.memory_space<semaphore_mem>>) {add = true}
        %mul3A_183 = arith.constant 2 : i32
        %mul3A_184 = arith.muli %mul3A_183, %add3A_166 : i32
        %add3A_185 = arith.constant 1 : i32
        %add3A_186 = arith.addi %mul3A_184, %add3A_185 : i32
        %dma_wait3A_187 = arith.constant 0 : i32
        %dma_wait3A_188 = tpu.memref_slice %arg12[%add3A_186, %dma_wait3A_187] : memref<40x128xi32, #tpu.memory_space<vmem>> -> memref<1x128xi32, #tpu.memory_space<vmem>>
        %dma_wait3A_189 = tpu.memref_squeeze %dma_wait3A_188 : memref<1x128xi32, #tpu.memory_space<vmem>> -> memref<128xi32, #tpu.memory_space<vmem>>
        %dma_wait3A_190 = arith.constant 0 : i32
        %dma_wait3A_191 = arith.constant 0 : i32
        %dma_wait3A_192 = tpu.memref_slice %arg4[%dma_wait3A_190, %dma_wait3A_191] : memref<10240x128xf32, #tpu.memory_space<hbm>> -> memref<10240x128xf32, #tpu.memory_space<hbm>>
        tpu.wait_indirect_dma semaphore(%arg18 : memref<!tpu.dma_semaphore, #tpu.memory_space<semaphore_mem>>) src(%dma_wait3A_192 : memref<10240x128xf32, #tpu.memory_space<hbm>>) dst(%arg15 : memref<128x128xf32, #tpu.memory_space<vmem>>)
        %dma_wait3A_193 = arith.constant 0 : i32
        %dma_wait3A_194 = tpu.memref_slice %arg13[%mul3A_176, %dma_wait3A_193] : memref<40x128xi32, #tpu.memory_space<vmem>> -> memref<1x128xi32, #tpu.memory_space<vmem>>
        %dma_wait3A_195 = tpu.memref_squeeze %dma_wait3A_194 : memref<1x128xi32, #tpu.memory_space<vmem>> -> memref<128xi32, #tpu.memory_space<vmem>>
        %dma_wait3A_196 = arith.constant 0 : i32
        %dma_wait3A_197 = arith.constant 0 : i32
        %dma_wait3A_198 = tpu.memref_slice %arg16[%dma_wait3A_196, %dma_wait3A_197] : memref<10240x128xf32, #tpu.memory_space<vmem_shared>> -> memref<10240x128xf32, #tpu.memory_space<vmem_shared>>
        tpu.wait_indirect_dma semaphore(%arg19 : memref<!tpu.dma_semaphore, #tpu.memory_space<semaphore_mem>>) src(%arg14 : memref<128x128xf32, #tpu.memory_space<vmem>>) dst(%dma_wait3A_198 : memref<10240x128xf32, #tpu.memory_space<vmem_shared>>)
        %mul3A_199 = arith.constant 2 : i32
        %mul3A_200 = arith.muli %mul3A_199, %add3A_166 : i32
        %add3A_201 = arith.constant 2 : i32
        %add3A_202 = arith.addi %mul3A_200, %add3A_201 : i32
        %dma_start3A_203 = arith.constant 0 : i32
        %dma_start3A_204 = tpu.memref_slice %arg12[%add3A_202, %dma_start3A_203] : memref<40x128xi32, #tpu.memory_space<vmem>> -> memref<1x128xi32, #tpu.memory_space<vmem>>
        %dma_start3A_205 = tpu.memref_squeeze %dma_start3A_204 : memref<1x128xi32, #tpu.memory_space<vmem>> -> memref<128xi32, #tpu.memory_space<vmem>>
        %dma_start3A_206 = arith.constant 0 : i32
        %dma_start3A_207 = arith.constant 0 : i32
        %dma_start3A_208 = tpu.memref_slice %arg4[%dma_start3A_206, %dma_start3A_207] : memref<10240x128xf32, #tpu.memory_space<hbm>> -> memref<10240x128xf32, #tpu.memory_space<hbm>>
        tpu.enqueue_indirect_dma source(%dma_start3A_208 : memref<10240x128xf32, #tpu.memory_space<hbm>>) target(%arg14 : memref<128x128xf32, #tpu.memory_space<vmem>>) offsets(%dma_start3A_205 : memref<128xi32, #tpu.memory_space<vmem>>) semaphore(%arg17 : memref<!tpu.dma_semaphore, #tpu.memory_space<semaphore_mem>>)
        %mul3A_209 = arith.constant 2 : i32
        %mul3A_210 = arith.muli %mul3A_209, %add3A_166 : i32
        %add3A_211 = arith.constant 1 : i32
        %add3A_212 = arith.addi %mul3A_210, %add3A_211 : i32
        %dma_start3A_213 = arith.constant 0 : i32
        %dma_start3A_214 = tpu.memref_slice %arg13[%add3A_212, %dma_start3A_213] : memref<40x128xi32, #tpu.memory_space<vmem>> -> memref<1x128xi32, #tpu.memory_space<vmem>>
        %dma_start3A_215 = tpu.memref_squeeze %dma_start3A_214 : memref<1x128xi32, #tpu.memory_space<vmem>> -> memref<128xi32, #tpu.memory_space<vmem>>
        %dma_start3A_216 = arith.constant 0 : i32
        %dma_start3A_217 = arith.constant 0 : i32
        %dma_start3A_218 = tpu.memref_slice %arg16[%dma_start3A_216, %dma_start3A_217] : memref<10240x128xf32, #tpu.memory_space<vmem_shared>> -> memref<10240x128xf32, #tpu.memory_space<vmem_shared>>
        tpu.enqueue_indirect_dma source(%arg15 : memref<128x128xf32, #tpu.memory_space<vmem>>) target(%dma_start3A_218 : memref<10240x128xf32, #tpu.memory_space<vmem_shared>>) offsets(%dma_start3A_215 : memref<128xi32, #tpu.memory_space<vmem>>) semaphore(%arg20 : memref<!tpu.dma_semaphore, #tpu.memory_space<semaphore_mem>>) {add = true}
        %dma_wait3A_219 = arith.constant 0 : i32
        %dma_wait3A_220 = tpu.memref_slice %arg13[%add3A_212, %dma_wait3A_219] : memref<40x128xi32, #tpu.memory_space<vmem>> -> memref<1x128xi32, #tpu.memory_space<vmem>>
        %dma_wait3A_221 = tpu.memref_squeeze %dma_wait3A_220 : memref<1x128xi32, #tpu.memory_space<vmem>> -> memref<128xi32, #tpu.memory_space<vmem>>
        %dma_wait3A_222 = arith.constant 0 : i32
        %dma_wait3A_223 = arith.constant 0 : i32
        %dma_wait3A_224 = tpu.memref_slice %arg16[%dma_wait3A_222, %dma_wait3A_223] : memref<10240x128xf32, #tpu.memory_space<vmem_shared>> -> memref<10240x128xf32, #tpu.memory_space<vmem_shared>>
        tpu.wait_indirect_dma semaphore(%arg20 : memref<!tpu.dma_semaphore, #tpu.memory_space<semaphore_mem>>) src(%arg15 : memref<128x128xf32, #tpu.memory_space<vmem>>) dst(%dma_wait3A_224 : memref<10240x128xf32, #tpu.memory_space<vmem_shared>>)
        %mul3A_225 = arith.constant 2 : i32
        %mul3A_226 = arith.muli %mul3A_225, %add3A_166 : i32
        %add3A_227 = arith.constant 3 : i32
        %add3A_228 = arith.addi %mul3A_226, %add3A_227 : i32
        %dma_start3A_229 = arith.constant 0 : i32
        %dma_start3A_230 = tpu.memref_slice %arg12[%add3A_228, %dma_start3A_229] : memref<40x128xi32, #tpu.memory_space<vmem>> -> memref<1x128xi32, #tpu.memory_space<vmem>>
        %dma_start3A_231 = tpu.memref_squeeze %dma_start3A_230 : memref<1x128xi32, #tpu.memory_space<vmem>> -> memref<128xi32, #tpu.memory_space<vmem>>
        %dma_start3A_232 = arith.constant 0 : i32
        %dma_start3A_233 = arith.constant 0 : i32
        %dma_start3A_234 = tpu.memref_slice %arg4[%dma_start3A_232, %dma_start3A_233] : memref<10240x128xf32, #tpu.memory_space<hbm>> -> memref<10240x128xf32, #tpu.memory_space<hbm>>
        tpu.enqueue_indirect_dma source(%dma_start3A_234 : memref<10240x128xf32, #tpu.memory_space<hbm>>) target(%arg15 : memref<128x128xf32, #tpu.memory_space<vmem>>) offsets(%dma_start3A_231 : memref<128xi32, #tpu.memory_space<vmem>>) semaphore(%arg18 : memref<!tpu.dma_semaphore, #tpu.memory_space<semaphore_mem>>)
      }
      %scan3A_26 = arith.constant 19 : i32
      %dma_wait3A = arith.constant 38 : i32
      %dma_wait3A_27 = arith.constant 0 : i32
      %dma_wait3A_28 = tpu.memref_slice %arg12[%dma_wait3A, %dma_wait3A_27] : memref<40x128xi32, #tpu.memory_space<vmem>> -> memref<1x128xi32, #tpu.memory_space<vmem>>
      %dma_wait3A_29 = tpu.memref_squeeze %dma_wait3A_28 : memref<1x128xi32, #tpu.memory_space<vmem>> -> memref<128xi32, #tpu.memory_space<vmem>>
      %dma_wait3A_30 = arith.constant 0 : i32
      %dma_wait3A_31 = arith.constant 0 : i32
      %dma_wait3A_32 = tpu.memref_slice %arg4[%dma_wait3A_30, %dma_wait3A_31] : memref<10240x128xf32, #tpu.memory_space<hbm>> -> memref<10240x128xf32, #tpu.memory_space<hbm>>
      tpu.wait_indirect_dma semaphore(%arg17 : memref<!tpu.dma_semaphore, #tpu.memory_space<semaphore_mem>>) src(%dma_wait3A_32 : memref<10240x128xf32, #tpu.memory_space<hbm>>) dst(%arg14 : memref<128x128xf32, #tpu.memory_space<vmem>>)
      %run_scoped3A = arith.constant 38 : i32
      "tpu.region"() ({
        %run_scoped3A_163 = tpu.sem_alloc : memref<!tpu.dma_semaphore, #tpu.memory_space<semaphore_mem>>
        %dma_start3A_164 = arith.constant 0 : i32
        %dma_start3A_165 = tpu.memref_slice %arg13[%run_scoped3A, %dma_start3A_164] : memref<40x128xi32, #tpu.memory_space<vmem>> -> memref<1x128xi32, #tpu.memory_space<vmem>>
        %dma_start3A_166 = tpu.memref_squeeze %dma_start3A_165 : memref<1x128xi32, #tpu.memory_space<vmem>> -> memref<128xi32, #tpu.memory_space<vmem>>
        %dma_start3A_167 = arith.constant 0 : i32
        %dma_start3A_168 = arith.constant 0 : i32
        %dma_start3A_169 = tpu.memref_slice %arg16[%dma_start3A_167, %dma_start3A_168] : memref<10240x128xf32, #tpu.memory_space<vmem_shared>> -> memref<10240x128xf32, #tpu.memory_space<vmem_shared>>
        tpu.enqueue_indirect_dma source(%arg14 : memref<128x128xf32, #tpu.memory_space<vmem>>) target(%dma_start3A_169 : memref<10240x128xf32, #tpu.memory_space<vmem_shared>>) offsets(%dma_start3A_166 : memref<128xi32, #tpu.memory_space<vmem>>) semaphore(%run_scoped3A_163 : memref<!tpu.dma_semaphore, #tpu.memory_space<semaphore_mem>>) {add = true}
        %dma_wait3A_170 = arith.constant 0 : i32
        %dma_wait3A_171 = tpu.memref_slice %arg13[%run_scoped3A, %dma_wait3A_170] : memref<40x128xi32, #tpu.memory_space<vmem>> -> memref<1x128xi32, #tpu.memory_space<vmem>>
        %dma_wait3A_172 = tpu.memref_squeeze %dma_wait3A_171 : memref<1x128xi32, #tpu.memory_space<vmem>> -> memref<128xi32, #tpu.memory_space<vmem>>
        %dma_wait3A_173 = arith.constant 0 : i32
        %dma_wait3A_174 = arith.constant 0 : i32
        %dma_wait3A_175 = tpu.memref_slice %arg16[%dma_wait3A_173, %dma_wait3A_174] : memref<10240x128xf32, #tpu.memory_space<vmem_shared>> -> memref<10240x128xf32, #tpu.memory_space<vmem_shared>>
        tpu.wait_indirect_dma semaphore(%run_scoped3A_163 : memref<!tpu.dma_semaphore, #tpu.memory_space<semaphore_mem>>) src(%arg14 : memref<128x128xf32, #tpu.memory_space<vmem>>) dst(%dma_wait3A_175 : memref<10240x128xf32, #tpu.memory_space<vmem_shared>>)
        tpu.yield
      }) : () -> ()
      %dma_wait3A_33 = arith.constant 39 : i32
      %dma_wait3A_34 = arith.constant 0 : i32
      %dma_wait3A_35 = tpu.memref_slice %arg12[%dma_wait3A_33, %dma_wait3A_34] : memref<40x128xi32, #tpu.memory_space<vmem>> -> memref<1x128xi32, #tpu.memory_space<vmem>>
      %dma_wait3A_36 = tpu.memref_squeeze %dma_wait3A_35 : memref<1x128xi32, #tpu.memory_space<vmem>> -> memref<128xi32, #tpu.memory_space<vmem>>
      %dma_wait3A_37 = arith.constant 0 : i32
      %dma_wait3A_38 = arith.constant 0 : i32
      %dma_wait3A_39 = tpu.memref_slice %arg4[%dma_wait3A_37, %dma_wait3A_38] : memref<10240x128xf32, #tpu.memory_space<hbm>> -> memref<10240x128xf32, #tpu.memory_space<hbm>>
      tpu.wait_indirect_dma semaphore(%arg18 : memref<!tpu.dma_semaphore, #tpu.memory_space<semaphore_mem>>) src(%dma_wait3A_39 : memref<10240x128xf32, #tpu.memory_space<hbm>>) dst(%arg15 : memref<128x128xf32, #tpu.memory_space<vmem>>)
      %run_scoped3A_40 = arith.constant 39 : i32
      "tpu.region"() ({
        %run_scoped3A_163 = tpu.sem_alloc : memref<!tpu.dma_semaphore, #tpu.memory_space<semaphore_mem>>
        %dma_start3A_164 = arith.constant 0 : i32
        %dma_start3A_165 = tpu.memref_slice %arg13[%run_scoped3A_40, %dma_start3A_164] : memref<40x128xi32, #tpu.memory_space<vmem>> -> memref<1x128xi32, #tpu.memory_space<vmem>>
        %dma_start3A_166 = tpu.memref_squeeze %dma_start3A_165 : memref<1x128xi32, #tpu.memory_space<vmem>> -> memref<128xi32, #tpu.memory_space<vmem>>
        %dma_start3A_167 = arith.constant 0 : i32
        %dma_start3A_168 = arith.constant 0 : i32
        %dma_start3A_169 = tpu.memref_slice %arg16[%dma_start3A_167, %dma_start3A_168] : memref<10240x128xf32, #tpu.memory_space<vmem_shared>> -> memref<10240x128xf32, #tpu.memory_space<vmem_shared>>
        tpu.enqueue_indirect_dma source(%arg15 : memref<128x128xf32, #tpu.memory_space<vmem>>) target(%dma_start3A_169 : memref<10240x128xf32, #tpu.memory_space<vmem_shared>>) offsets(%dma_start3A_166 : memref<128xi32, #tpu.memory_space<vmem>>) semaphore(%run_scoped3A_163 : memref<!tpu.dma_semaphore, #tpu.memory_space<semaphore_mem>>) {add = true}
        %dma_wait3A_170 = arith.constant 0 : i32
        %dma_wait3A_171 = tpu.memref_slice %arg13[%run_scoped3A_40, %dma_wait3A_170] : memref<40x128xi32, #tpu.memory_space<vmem>> -> memref<1x128xi32, #tpu.memory_space<vmem>>
        %dma_wait3A_172 = tpu.memref_squeeze %dma_wait3A_171 : memref<1x128xi32, #tpu.memory_space<vmem>> -> memref<128xi32, #tpu.memory_space<vmem>>
        %dma_wait3A_173 = arith.constant 0 : i32
        %dma_wait3A_174 = arith.constant 0 : i32
        %dma_wait3A_175 = tpu.memref_slice %arg16[%dma_wait3A_173, %dma_wait3A_174] : memref<10240x128xf32, #tpu.memory_space<vmem_shared>> -> memref<10240x128xf32, #tpu.memory_space<vmem_shared>>
        tpu.wait_indirect_dma semaphore(%run_scoped3A_163 : memref<!tpu.dma_semaphore, #tpu.memory_space<semaphore_mem>>) src(%arg15 : memref<128x128xf32, #tpu.memory_space<vmem>>) dst(%dma_wait3A_175 : memref<10240x128xf32, #tpu.memory_space<vmem_shared>>)
        tpu.yield
      }) : () -> ()
      "tpu.region"() ({
        %run_scoped3A_163 = tpu.sem_alloc : memref<!tpu.dma_semaphore, #tpu.memory_space<semaphore_mem>>
        %dma_start3A_164 = arith.constant 40 : i32
        %dma_start3A_165 = arith.constant 0 : i32
        %dma_start3A_166 = tpu.memref_slice %arg6[%arg1, %dma_start3A_164, %dma_start3A_165] : memref<16x80x128xi32, #tpu.memory_space<hbm>> -> memref<1x40x128xi32, #tpu.memory_space<hbm>>
        %dma_start3A_167 = tpu.memref_squeeze %dma_start3A_166 : memref<1x40x128xi32, #tpu.memory_space<hbm>> -> memref<40x128xi32, #tpu.memory_space<hbm>>
        %dma_start3A_168 = arith.constant 40 : i32
        %dma_start3A_169 = arith.constant 0 : i32
        %dma_start3A_170 = tpu.memref_slice %arg6[%arg1, %dma_start3A_168, %dma_start3A_169] : memref<16x80x128xi32, #tpu.memory_space<hbm>> -> memref<1x40x128xi32, #tpu.memory_space<hbm>>
        %dma_start3A_171 = tpu.memref_squeeze %dma_start3A_170 : memref<1x40x128xi32, #tpu.memory_space<hbm>> -> memref<40x128xi32, #tpu.memory_space<hbm>>
        tpu.enqueue_dma source(%dma_start3A_171 : memref<40x128xi32, #tpu.memory_space<hbm>>) target(%arg12 : memref<40x128xi32, #tpu.memory_space<vmem>>) target_semaphore(%run_scoped3A_163 : memref<!tpu.dma_semaphore, #tpu.memory_space<semaphore_mem>>)
        %dma_wait3A_172 = arith.constant 40 : i32
        %dma_wait3A_173 = arith.constant 0 : i32
        %dma_wait3A_174 = tpu.memref_slice %arg6[%arg1, %dma_wait3A_172, %dma_wait3A_173] : memref<16x80x128xi32, #tpu.memory_space<hbm>> -> memref<1x40x128xi32, #tpu.memory_space<hbm>>
        %dma_wait3A_175 = tpu.memref_squeeze %dma_wait3A_174 : memref<1x40x128xi32, #tpu.memory_space<hbm>> -> memref<40x128xi32, #tpu.memory_space<hbm>>
        %dma_wait3A_176 = arith.constant 40 : i32
        %dma_wait3A_177 = arith.constant 0 : i32
        %dma_wait3A_178 = tpu.memref_slice %arg6[%arg1, %dma_wait3A_176, %dma_wait3A_177] : memref<16x80x128xi32, #tpu.memory_space<hbm>> -> memref<1x40x128xi32, #tpu.memory_space<hbm>>
        %dma_wait3A_179 = tpu.memref_squeeze %dma_wait3A_178 : memref<1x40x128xi32, #tpu.memory_space<hbm>> -> memref<40x128xi32, #tpu.memory_space<hbm>>
        tpu.wait_dma2 semaphore(%run_scoped3A_163 : memref<!tpu.dma_semaphore, #tpu.memory_space<semaphore_mem>>) src(%dma_wait3A_179 : memref<40x128xi32, #tpu.memory_space<hbm>>) dst(%arg12 : memref<40x128xi32, #tpu.memory_space<vmem>>)
        tpu.yield
      }) : () -> ()
      "tpu.region"() ({
        %run_scoped3A_163 = tpu.sem_alloc : memref<!tpu.dma_semaphore, #tpu.memory_space<semaphore_mem>>
        %dma_start3A_164 = arith.constant 40 : i32
        %dma_start3A_165 = arith.constant 0 : i32
        %dma_start3A_166 = tpu.memref_slice %arg7[%arg1, %dma_start3A_164, %dma_start3A_165] : memref<16x80x128xi32, #tpu.memory_space<hbm>> -> memref<1x40x128xi32, #tpu.memory_space<hbm>>
        %dma_start3A_167 = tpu.memref_squeeze %dma_start3A_166 : memref<1x40x128xi32, #tpu.memory_space<hbm>> -> memref<40x128xi32, #tpu.memory_space<hbm>>
        %dma_start3A_168 = arith.constant 40 : i32
        %dma_start3A_169 = arith.constant 0 : i32
        %dma_start3A_170 = tpu.memref_slice %arg7[%arg1, %dma_start3A_168, %dma_start3A_169] : memref<16x80x128xi32, #tpu.memory_space<hbm>> -> memref<1x40x128xi32, #tpu.memory_space<hbm>>
        %dma_start3A_171 = tpu.memref_squeeze %dma_start3A_170 : memref<1x40x128xi32, #tpu.memory_space<hbm>> -> memref<40x128xi32, #tpu.memory_space<hbm>>
        tpu.enqueue_dma source(%dma_start3A_171 : memref<40x128xi32, #tpu.memory_space<hbm>>) target(%arg13 : memref<40x128xi32, #tpu.memory_space<vmem>>) target_semaphore(%run_scoped3A_163 : memref<!tpu.dma_semaphore, #tpu.memory_space<semaphore_mem>>)
        %dma_wait3A_172 = arith.constant 40 : i32
        %dma_wait3A_173 = arith.constant 0 : i32
        %dma_wait3A_174 = tpu.memref_slice %arg7[%arg1, %dma_wait3A_172, %dma_wait3A_173] : memref<16x80x128xi32, #tpu.memory_space<hbm>> -> memref<1x40x128xi32, #tpu.memory_space<hbm>>
        %dma_wait3A_175 = tpu.memref_squeeze %dma_wait3A_174 : memref<1x40x128xi32, #tpu.memory_space<hbm>> -> memref<40x128xi32, #tpu.memory_space<hbm>>
        %dma_wait3A_176 = arith.constant 40 : i32
        %dma_wait3A_177 = arith.constant 0 : i32
        %dma_wait3A_178 = tpu.memref_slice %arg7[%arg1, %dma_wait3A_176, %dma_wait3A_177] : memref<16x80x128xi32, #tpu.memory_space<hbm>> -> memref<1x40x128xi32, #tpu.memory_space<hbm>>
        %dma_wait3A_179 = tpu.memref_squeeze %dma_wait3A_178 : memref<1x40x128xi32, #tpu.memory_space<hbm>> -> memref<40x128xi32, #tpu.memory_space<hbm>>
        tpu.wait_dma2 semaphore(%run_scoped3A_163 : memref<!tpu.dma_semaphore, #tpu.memory_space<semaphore_mem>>) src(%dma_wait3A_179 : memref<40x128xi32, #tpu.memory_space<hbm>>) dst(%arg13 : memref<40x128xi32, #tpu.memory_space<vmem>>)
        tpu.yield
      }) : () -> ()
      %dma_start3A_41 = arith.constant 0 : i32
      %dma_start3A_42 = arith.constant 0 : i32
      %dma_start3A_43 = tpu.memref_slice %arg12[%dma_start3A_41, %dma_start3A_42] : memref<40x128xi32, #tpu.memory_space<vmem>> -> memref<1x128xi32, #tpu.memory_space<vmem>>
      %dma_start3A_44 = tpu.memref_squeeze %dma_start3A_43 : memref<1x128xi32, #tpu.memory_space<vmem>> -> memref<128xi32, #tpu.memory_space<vmem>>
      %dma_start3A_45 = arith.constant 0 : i32
      %dma_start3A_46 = arith.constant 0 : i32
      %dma_start3A_47 = tpu.memref_slice %arg4[%dma_start3A_45, %dma_start3A_46] : memref<10240x128xf32, #tpu.memory_space<hbm>> -> memref<10240x128xf32, #tpu.memory_space<hbm>>
      tpu.enqueue_indirect_dma source(%dma_start3A_47 : memref<10240x128xf32, #tpu.memory_space<hbm>>) target(%arg14 : memref<128x128xf32, #tpu.memory_space<vmem>>) offsets(%dma_start3A_44 : memref<128xi32, #tpu.memory_space<vmem>>) semaphore(%arg17 : memref<!tpu.dma_semaphore, #tpu.memory_space<semaphore_mem>>)
      %dma_start3A_48 = arith.constant 1 : i32
      %dma_start3A_49 = arith.constant 0 : i32
      %dma_start3A_50 = tpu.memref_slice %arg12[%dma_start3A_48, %dma_start3A_49] : memref<40x128xi32, #tpu.memory_space<vmem>> -> memref<1x128xi32, #tpu.memory_space<vmem>>
      %dma_start3A_51 = tpu.memref_squeeze %dma_start3A_50 : memref<1x128xi32, #tpu.memory_space<vmem>> -> memref<128xi32, #tpu.memory_space<vmem>>
      %dma_start3A_52 = arith.constant 0 : i32
      %dma_start3A_53 = arith.constant 0 : i32
      %dma_start3A_54 = tpu.memref_slice %arg4[%dma_start3A_52, %dma_start3A_53] : memref<10240x128xf32, #tpu.memory_space<hbm>> -> memref<10240x128xf32, #tpu.memory_space<hbm>>
      tpu.enqueue_indirect_dma source(%dma_start3A_54 : memref<10240x128xf32, #tpu.memory_space<hbm>>) target(%arg15 : memref<128x128xf32, #tpu.memory_space<vmem>>) offsets(%dma_start3A_51 : memref<128xi32, #tpu.memory_space<vmem>>) semaphore(%arg18 : memref<!tpu.dma_semaphore, #tpu.memory_space<semaphore_mem>>)
      %scan3A_55 = arith.constant 0 : i32
      %scan3A_56 = arith.constant 19 : i32
      %scan3A_57 = arith.addi %scan3A_55, %scan3A_56 : i32
      %scan3A_58 = arith.constant 1 : i32
      scf.for %scan3A_163 = %scan3A_55 to %scan3A_57 step %scan3A_58  : i32 {
        %mul3A_164 = arith.constant 1 : i32
        %mul3A_165 = arith.muli %scan3A_163, %mul3A_164 : i32
        %add3A = arith.constant 0 : i32
        %add3A_166 = arith.addi %add3A, %mul3A_165 : i32
        %mul3A_167 = arith.constant 2 : i32
        %mul3A_168 = arith.muli %mul3A_167, %add3A_166 : i32
        %dma_wait3A_169 = arith.constant 0 : i32
        %dma_wait3A_170 = tpu.memref_slice %arg12[%mul3A_168, %dma_wait3A_169] : memref<40x128xi32, #tpu.memory_space<vmem>> -> memref<1x128xi32, #tpu.memory_space<vmem>>
        %dma_wait3A_171 = tpu.memref_squeeze %dma_wait3A_170 : memref<1x128xi32, #tpu.memory_space<vmem>> -> memref<128xi32, #tpu.memory_space<vmem>>
        %dma_wait3A_172 = arith.constant 0 : i32
        %dma_wait3A_173 = arith.constant 0 : i32
        %dma_wait3A_174 = tpu.memref_slice %arg4[%dma_wait3A_172, %dma_wait3A_173] : memref<10240x128xf32, #tpu.memory_space<hbm>> -> memref<10240x128xf32, #tpu.memory_space<hbm>>
        tpu.wait_indirect_dma semaphore(%arg17 : memref<!tpu.dma_semaphore, #tpu.memory_space<semaphore_mem>>) src(%dma_wait3A_174 : memref<10240x128xf32, #tpu.memory_space<hbm>>) dst(%arg14 : memref<128x128xf32, #tpu.memory_space<vmem>>)
        %mul3A_175 = arith.constant 2 : i32
        %mul3A_176 = arith.muli %mul3A_175, %add3A_166 : i32
        %dma_start3A_177 = arith.constant 0 : i32
        %dma_start3A_178 = tpu.memref_slice %arg13[%mul3A_176, %dma_start3A_177] : memref<40x128xi32, #tpu.memory_space<vmem>> -> memref<1x128xi32, #tpu.memory_space<vmem>>
        %dma_start3A_179 = tpu.memref_squeeze %dma_start3A_178 : memref<1x128xi32, #tpu.memory_space<vmem>> -> memref<128xi32, #tpu.memory_space<vmem>>
        %dma_start3A_180 = arith.constant 0 : i32
        %dma_start3A_181 = arith.constant 0 : i32
        %dma_start3A_182 = tpu.memref_slice %arg16[%dma_start3A_180, %dma_start3A_181] : memref<10240x128xf32, #tpu.memory_space<vmem_shared>> -> memref<10240x128xf32, #tpu.memory_space<vmem_shared>>
        tpu.enqueue_indirect_dma source(%arg14 : memref<128x128xf32, #tpu.memory_space<vmem>>) target(%dma_start3A_182 : memref<10240x128xf32, #tpu.memory_space<vmem_shared>>) offsets(%dma_start3A_179 : memref<128xi32, #tpu.memory_space<vmem>>) semaphore(%arg19 : memref<!tpu.dma_semaphore, #tpu.memory_space<semaphore_mem>>) {add = true}
        %mul3A_183 = arith.constant 2 : i32
        %mul3A_184 = arith.muli %mul3A_183, %add3A_166 : i32
        %add3A_185 = arith.constant 1 : i32
        %add3A_186 = arith.addi %mul3A_184, %add3A_185 : i32
        %dma_wait3A_187 = arith.constant 0 : i32
        %dma_wait3A_188 = tpu.memref_slice %arg12[%add3A_186, %dma_wait3A_187] : memref<40x128xi32, #tpu.memory_space<vmem>> -> memref<1x128xi32, #tpu.memory_space<vmem>>
        %dma_wait3A_189 = tpu.memref_squeeze %dma_wait3A_188 : memref<1x128xi32, #tpu.memory_space<vmem>> -> memref<128xi32, #tpu.memory_space<vmem>>
        %dma_wait3A_190 = arith.constant 0 : i32
        %dma_wait3A_191 = arith.constant 0 : i32
        %dma_wait3A_192 = tpu.memref_slice %arg4[%dma_wait3A_190, %dma_wait3A_191] : memref<10240x128xf32, #tpu.memory_space<hbm>> -> memref<10240x128xf32, #tpu.memory_space<hbm>>
        tpu.wait_indirect_dma semaphore(%arg18 : memref<!tpu.dma_semaphore, #tpu.memory_space<semaphore_mem>>) src(%dma_wait3A_192 : memref<10240x128xf32, #tpu.memory_space<hbm>>) dst(%arg15 : memref<128x128xf32, #tpu.memory_space<vmem>>)
        %dma_wait3A_193 = arith.constant 0 : i32
        %dma_wait3A_194 = tpu.memref_slice %arg13[%mul3A_176, %dma_wait3A_193] : memref<40x128xi32, #tpu.memory_space<vmem>> -> memref<1x128xi32, #tpu.memory_space<vmem>>
        %dma_wait3A_195 = tpu.memref_squeeze %dma_wait3A_194 : memref<1x128xi32, #tpu.memory_space<vmem>> -> memref<128xi32, #tpu.memory_space<vmem>>
        %dma_wait3A_196 = arith.constant 0 : i32
        %dma_wait3A_197 = arith.constant 0 : i32
        %dma_wait3A_198 = tpu.memref_slice %arg16[%dma_wait3A_196, %dma_wait3A_197] : memref<10240x128xf32, #tpu.memory_space<vmem_shared>> -> memref<10240x128xf32, #tpu.memory_space<vmem_shared>>
        tpu.wait_indirect_dma semaphore(%arg19 : memref<!tpu.dma_semaphore, #tpu.memory_space<semaphore_mem>>) src(%arg14 : memref<128x128xf32, #tpu.memory_space<vmem>>) dst(%dma_wait3A_198 : memref<10240x128xf32, #tpu.memory_space<vmem_shared>>)
        %mul3A_199 = arith.constant 2 : i32
        %mul3A_200 = arith.muli %mul3A_199, %add3A_166 : i32
        %add3A_201 = arith.constant 2 : i32
        %add3A_202 = arith.addi %mul3A_200, %add3A_201 : i32
        %dma_start3A_203 = arith.constant 0 : i32
        %dma_start3A_204 = tpu.memref_slice %arg12[%add3A_202, %dma_start3A_203] : memref<40x128xi32, #tpu.memory_space<vmem>> -> memref<1x128xi32, #tpu.memory_space<vmem>>
        %dma_start3A_205 = tpu.memref_squeeze %dma_start3A_204 : memref<1x128xi32, #tpu.memory_space<vmem>> -> memref<128xi32, #tpu.memory_space<vmem>>
        %dma_start3A_206 = arith.constant 0 : i32
        %dma_start3A_207 = arith.constant 0 : i32
        %dma_start3A_208 = tpu.memref_slice %arg4[%dma_start3A_206, %dma_start3A_207] : memref<10240x128xf32, #tpu.memory_space<hbm>> -> memref<10240x128xf32, #tpu.memory_space<hbm>>
        tpu.enqueue_indirect_dma source(%dma_start3A_208 : memref<10240x128xf32, #tpu.memory_space<hbm>>) target(%arg14 : memref<128x128xf32, #tpu.memory_space<vmem>>) offsets(%dma_start3A_205 : memref<128xi32, #tpu.memory_space<vmem>>) semaphore(%arg17 : memref<!tpu.dma_semaphore, #tpu.memory_space<semaphore_mem>>)
        %mul3A_209 = arith.constant 2 : i32
        %mul3A_210 = arith.muli %mul3A_209, %add3A_166 : i32
        %add3A_211 = arith.constant 1 : i32
        %add3A_212 = arith.addi %mul3A_210, %add3A_211 : i32
        %dma_start3A_213 = arith.constant 0 : i32
        %dma_start3A_214 = tpu.memref_slice %arg13[%add3A_212, %dma_start3A_213] : memref<40x128xi32, #tpu.memory_space<vmem>> -> memref<1x128xi32, #tpu.memory_space<vmem>>
        %dma_start3A_215 = tpu.memref_squeeze %dma_start3A_214 : memref<1x128xi32, #tpu.memory_space<vmem>> -> memref<128xi32, #tpu.memory_space<vmem>>
        %dma_start3A_216 = arith.constant 0 : i32
        %dma_start3A_217 = arith.constant 0 : i32
        %dma_start3A_218 = tpu.memref_slice %arg16[%dma_start3A_216, %dma_start3A_217] : memref<10240x128xf32, #tpu.memory_space<vmem_shared>> -> memref<10240x128xf32, #tpu.memory_space<vmem_shared>>
        tpu.enqueue_indirect_dma source(%arg15 : memref<128x128xf32, #tpu.memory_space<vmem>>) target(%dma_start3A_218 : memref<10240x128xf32, #tpu.memory_space<vmem_shared>>) offsets(%dma_start3A_215 : memref<128xi32, #tpu.memory_space<vmem>>) semaphore(%arg20 : memref<!tpu.dma_semaphore, #tpu.memory_space<semaphore_mem>>) {add = true}
        %dma_wait3A_219 = arith.constant 0 : i32
        %dma_wait3A_220 = tpu.memref_slice %arg13[%add3A_212, %dma_wait3A_219] : memref<40x128xi32, #tpu.memory_space<vmem>> -> memref<1x128xi32, #tpu.memory_space<vmem>>
        %dma_wait3A_221 = tpu.memref_squeeze %dma_wait3A_220 : memref<1x128xi32, #tpu.memory_space<vmem>> -> memref<128xi32, #tpu.memory_space<vmem>>
        %dma_wait3A_222 = arith.constant 0 : i32
        %dma_wait3A_223 = arith.constant 0 : i32
        %dma_wait3A_224 = tpu.memref_slice %arg16[%dma_wait3A_222, %dma_wait3A_223] : memref<10240x128xf32, #tpu.memory_space<vmem_shared>> -> memref<10240x128xf32, #tpu.memory_space<vmem_shared>>
        tpu.wait_indirect_dma semaphore(%arg20 : memref<!tpu.dma_semaphore, #tpu.memory_space<semaphore_mem>>) src(%arg15 : memref<128x128xf32, #tpu.memory_space<vmem>>) dst(%dma_wait3A_224 : memref<10240x128xf32, #tpu.memory_space<vmem_shared>>)
        %mul3A_225 = arith.constant 2 : i32
        %mul3A_226 = arith.muli %mul3A_225, %add3A_166 : i32
        %add3A_227 = arith.constant 3 : i32
        %add3A_228 = arith.addi %mul3A_226, %add3A_227 : i32
        %dma_start3A_229 = arith.constant 0 : i32
        %dma_start3A_230 = tpu.memref_slice %arg12[%add3A_228, %dma_start3A_229] : memref<40x128xi32, #tpu.memory_space<vmem>> -> memref<1x128xi32, #tpu.memory_space<vmem>>
        %dma_start3A_231 = tpu.memref_squeeze %dma_start3A_230 : memref<1x128xi32, #tpu.memory_space<vmem>> -> memref<128xi32, #tpu.memory_space<vmem>>
        %dma_start3A_232 = arith.constant 0 : i32
        %dma_start3A_233 = arith.constant 0 : i32
        %dma_start3A_234 = tpu.memref_slice %arg4[%dma_start3A_232, %dma_start3A_233] : memref<10240x128xf32, #tpu.memory_space<hbm>> -> memref<10240x128xf32, #tpu.memory_space<hbm>>
        tpu.enqueue_indirect_dma source(%dma_start3A_234 : memref<10240x128xf32, #tpu.memory_space<hbm>>) target(%arg15 : memref<128x128xf32, #tpu.memory_space<vmem>>) offsets(%dma_start3A_231 : memref<128xi32, #tpu.memory_space<vmem>>) semaphore(%arg18 : memref<!tpu.dma_semaphore, #tpu.memory_space<semaphore_mem>>)
      }
      %scan3A_59 = arith.constant 19 : i32
      %dma_wait3A_60 = arith.constant 38 : i32
      %dma_wait3A_61 = arith.constant 0 : i32
      %dma_wait3A_62 = tpu.memref_slice %arg12[%dma_wait3A_60, %dma_wait3A_61] : memref<40x128xi32, #tpu.memory_space<vmem>> -> memref<1x128xi32, #tpu.memory_space<vmem>>
      %dma_wait3A_63 = tpu.memref_squeeze %dma_wait3A_62 : memref<1x128xi32, #tpu.memory_space<vmem>> -> memref<128xi32, #tpu.memory_space<vmem>>
      %dma_wait3A_64 = arith.constant 0 : i32
      %dma_wait3A_65 = arith.constant 0 : i32
      %dma_wait3A_66 = tpu.memref_slice %arg4[%dma_wait3A_64, %dma_wait3A_65] : memref<10240x128xf32, #tpu.memory_space<hbm>> -> memref<10240x128xf32, #tpu.memory_space<hbm>>
      tpu.wait_indirect_dma semaphore(%arg17 : memref<!tpu.dma_semaphore, #tpu.memory_space<semaphore_mem>>) src(%dma_wait3A_66 : memref<10240x128xf32, #tpu.memory_space<hbm>>) dst(%arg14 : memref<128x128xf32, #tpu.memory_space<vmem>>)
      %run_scoped3A_67 = arith.constant 38 : i32
      "tpu.region"() ({
        %run_scoped3A_163 = tpu.sem_alloc : memref<!tpu.dma_semaphore, #tpu.memory_space<semaphore_mem>>
        %dma_start3A_164 = arith.constant 0 : i32
        %dma_start3A_165 = tpu.memref_slice %arg13[%run_scoped3A_67, %dma_start3A_164] : memref<40x128xi32, #tpu.memory_space<vmem>> -> memref<1x128xi32, #tpu.memory_space<vmem>>
        %dma_start3A_166 = tpu.memref_squeeze %dma_start3A_165 : memref<1x128xi32, #tpu.memory_space<vmem>> -> memref<128xi32, #tpu.memory_space<vmem>>
        %dma_start3A_167 = arith.constant 0 : i32
        %dma_start3A_168 = arith.constant 0 : i32
        %dma_start3A_169 = tpu.memref_slice %arg16[%dma_start3A_167, %dma_start3A_168] : memref<10240x128xf32, #tpu.memory_space<vmem_shared>> -> memref<10240x128xf32, #tpu.memory_space<vmem_shared>>
        tpu.enqueue_indirect_dma source(%arg14 : memref<128x128xf32, #tpu.memory_space<vmem>>) target(%dma_start3A_169 : memref<10240x128xf32, #tpu.memory_space<vmem_shared>>) offsets(%dma_start3A_166 : memref<128xi32, #tpu.memory_space<vmem>>) semaphore(%run_scoped3A_163 : memref<!tpu.dma_semaphore, #tpu.memory_space<semaphore_mem>>) {add = true}
        %dma_wait3A_170 = arith.constant 0 : i32
        %dma_wait3A_171 = tpu.memref_slice %arg13[%run_scoped3A_67, %dma_wait3A_170] : memref<40x128xi32, #tpu.memory_space<vmem>> -> memref<1x128xi32, #tpu.memory_space<vmem>>
        %dma_wait3A_172 = tpu.memref_squeeze %dma_wait3A_171 : memref<1x128xi32, #tpu.memory_space<vmem>> -> memref<128xi32, #tpu.memory_space<vmem>>
        %dma_wait3A_173 = arith.constant 0 : i32
        %dma_wait3A_174 = arith.constant 0 : i32
        %dma_wait3A_175 = tpu.memref_slice %arg16[%dma_wait3A_173, %dma_wait3A_174] : memref<10240x128xf32, #tpu.memory_space<vmem_shared>> -> memref<10240x128xf32, #tpu.memory_space<vmem_shared>>
        tpu.wait_indirect_dma semaphore(%run_scoped3A_163 : memref<!tpu.dma_semaphore, #tpu.memory_space<semaphore_mem>>) src(%arg14 : memref<128x128xf32, #tpu.memory_space<vmem>>) dst(%dma_wait3A_175 : memref<10240x128xf32, #tpu.memory_space<vmem_shared>>)
        tpu.yield
      }) : () -> ()
      %dma_wait3A_68 = arith.constant 39 : i32
      %dma_wait3A_69 = arith.constant 0 : i32
      %dma_wait3A_70 = tpu.memref_slice %arg12[%dma_wait3A_68, %dma_wait3A_69] : memref<40x128xi32, #tpu.memory_space<vmem>> -> memref<1x128xi32, #tpu.memory_space<vmem>>
      %dma_wait3A_71 = tpu.memref_squeeze %dma_wait3A_70 : memref<1x128xi32, #tpu.memory_space<vmem>> -> memref<128xi32, #tpu.memory_space<vmem>>
      %dma_wait3A_72 = arith.constant 0 : i32
      %dma_wait3A_73 = arith.constant 0 : i32
      %dma_wait3A_74 = tpu.memref_slice %arg4[%dma_wait3A_72, %dma_wait3A_73] : memref<10240x128xf32, #tpu.memory_space<hbm>> -> memref<10240x128xf32, #tpu.memory_space<hbm>>
      tpu.wait_indirect_dma semaphore(%arg18 : memref<!tpu.dma_semaphore, #tpu.memory_space<semaphore_mem>>) src(%dma_wait3A_74 : memref<10240x128xf32, #tpu.memory_space<hbm>>) dst(%arg15 : memref<128x128xf32, #tpu.memory_space<vmem>>)
      %run_scoped3A_75 = arith.constant 39 : i32
      "tpu.region"() ({
        %run_scoped3A_163 = tpu.sem_alloc : memref<!tpu.dma_semaphore, #tpu.memory_space<semaphore_mem>>
        %dma_start3A_164 = arith.constant 0 : i32
        %dma_start3A_165 = tpu.memref_slice %arg13[%run_scoped3A_75, %dma_start3A_164] : memref<40x128xi32, #tpu.memory_space<vmem>> -> memref<1x128xi32, #tpu.memory_space<vmem>>
        %dma_start3A_166 = tpu.memref_squeeze %dma_start3A_165 : memref<1x128xi32, #tpu.memory_space<vmem>> -> memref<128xi32, #tpu.memory_space<vmem>>
        %dma_start3A_167 = arith.constant 0 : i32
        %dma_start3A_168 = arith.constant 0 : i32
        %dma_start3A_169 = tpu.memref_slice %arg16[%dma_start3A_167, %dma_start3A_168] : memref<10240x128xf32, #tpu.memory_space<vmem_shared>> -> memref<10240x128xf32, #tpu.memory_space<vmem_shared>>
        tpu.enqueue_indirect_dma source(%arg15 : memref<128x128xf32, #tpu.memory_space<vmem>>) target(%dma_start3A_169 : memref<10240x128xf32, #tpu.memory_space<vmem_shared>>) offsets(%dma_start3A_166 : memref<128xi32, #tpu.memory_space<vmem>>) semaphore(%run_scoped3A_163 : memref<!tpu.dma_semaphore, #tpu.memory_space<semaphore_mem>>) {add = true}
        %dma_wait3A_170 = arith.constant 0 : i32
        %dma_wait3A_171 = tpu.memref_slice %arg13[%run_scoped3A_75, %dma_wait3A_170] : memref<40x128xi32, #tpu.memory_space<vmem>> -> memref<1x128xi32, #tpu.memory_space<vmem>>
        %dma_wait3A_172 = tpu.memref_squeeze %dma_wait3A_171 : memref<1x128xi32, #tpu.memory_space<vmem>> -> memref<128xi32, #tpu.memory_space<vmem>>
        %dma_wait3A_173 = arith.constant 0 : i32
        %dma_wait3A_174 = arith.constant 0 : i32
        %dma_wait3A_175 = tpu.memref_slice %arg16[%dma_wait3A_173, %dma_wait3A_174] : memref<10240x128xf32, #tpu.memory_space<vmem_shared>> -> memref<10240x128xf32, #tpu.memory_space<vmem_shared>>
        tpu.wait_indirect_dma semaphore(%run_scoped3A_163 : memref<!tpu.dma_semaphore, #tpu.memory_space<semaphore_mem>>) src(%arg15 : memref<128x128xf32, #tpu.memory_space<vmem>>) dst(%dma_wait3A_175 : memref<10240x128xf32, #tpu.memory_space<vmem_shared>>)
        tpu.yield
      }) : () -> ()
      %barrier3A_76 = arith.constant 0 : index
      tpu.barrier barrier_id(%barrier3A_76)
      %mul3A_77 = arith.constant 640 : i32
      %mul3A_78 = arith.muli %arg1, %mul3A_77 : i32
      %mul3A_79 = arith.constant 640 : i32
      %mul3A_80 = arith.muli %arg1, %mul3A_79 : i32
      "tpu.region"() ({
        %run_scoped3A_163 = tpu.sem_alloc : memref<!tpu.dma_semaphore, #tpu.memory_space<semaphore_mem>>
        %dma_start3A_164 = arith.constant 0 : i32
        %dma_start3A_165 = tpu.memref_slice %arg10[%mul3A_80, %dma_start3A_164] : memref<10240x128xf32, #tpu.memory_space<hbm>> -> memref<640x128xf32, #tpu.memory_space<hbm>>
        %dma_start3A_166 = arith.constant 0 : i32
        %dma_start3A_167 = tpu.memref_slice %arg16[%mul3A_78, %dma_start3A_166] : memref<10240x128xf32, #tpu.memory_space<vmem_shared>> -> memref<640x128xf32, #tpu.memory_space<vmem_shared>>
        tpu.enqueue_dma source(%dma_start3A_167 : memref<640x128xf32, #tpu.memory_space<vmem_shared>>) target(%dma_start3A_165 : memref<640x128xf32, #tpu.memory_space<hbm>>) target_semaphore(%run_scoped3A_163 : memref<!tpu.dma_semaphore, #tpu.memory_space<semaphore_mem>>)
        %dma_wait3A_168 = arith.constant 0 : i32
        %dma_wait3A_169 = tpu.memref_slice %arg10[%mul3A_80, %dma_wait3A_168] : memref<10240x128xf32, #tpu.memory_space<hbm>> -> memref<640x128xf32, #tpu.memory_space<hbm>>
        %dma_wait3A_170 = arith.constant 0 : i32
        %dma_wait3A_171 = tpu.memref_slice %arg16[%mul3A_78, %dma_wait3A_170] : memref<10240x128xf32, #tpu.memory_space<vmem_shared>> -> memref<640x128xf32, #tpu.memory_space<vmem_shared>>
        tpu.wait_dma2 semaphore(%run_scoped3A_163 : memref<!tpu.dma_semaphore, #tpu.memory_space<semaphore_mem>>) src(%dma_wait3A_171 : memref<640x128xf32, #tpu.memory_space<vmem_shared>>) dst(%dma_wait3A_169 : memref<640x128xf32, #tpu.memory_space<hbm>>)
        tpu.yield
      }) : () -> ()
      %barrier3A_81 = arith.constant 0 : index
      tpu.barrier barrier_id(%barrier3A_81)
      %mul3A_82 = arith.constant 640 : i32
      %mul3A_83 = arith.muli %arg1, %mul3A_82 : i32
      %mul3A_84 = arith.constant 640 : i32
      %mul3A_85 = arith.muli %arg1, %mul3A_84 : i32
      "tpu.region"() ({
        %run_scoped3A_163 = tpu.sem_alloc : memref<!tpu.dma_semaphore, #tpu.memory_space<semaphore_mem>>
        %dma_start3A_164 = arith.constant 0 : i32
        %dma_start3A_165 = tpu.memref_slice %arg16[%mul3A_85, %dma_start3A_164] : memref<10240x128xf32, #tpu.memory_space<vmem_shared>> -> memref<640x128xf32, #tpu.memory_space<vmem_shared>>
        %dma_start3A_166 = arith.constant 0 : i32
        %dma_start3A_167 = tpu.memref_slice %arg5[%mul3A_83, %dma_start3A_166] : memref<10240x128xf32, #tpu.memory_space<hbm>> -> memref<640x128xf32, #tpu.memory_space<hbm>>
        tpu.enqueue_dma source(%dma_start3A_167 : memref<640x128xf32, #tpu.memory_space<hbm>>) target(%dma_start3A_165 : memref<640x128xf32, #tpu.memory_space<vmem_shared>>) target_semaphore(%run_scoped3A_163 : memref<!tpu.dma_semaphore, #tpu.memory_space<semaphore_mem>>)
        %dma_wait3A_168 = arith.constant 0 : i32
        %dma_wait3A_169 = tpu.memref_slice %arg16[%mul3A_85, %dma_wait3A_168] : memref<10240x128xf32, #tpu.memory_space<vmem_shared>> -> memref<640x128xf32, #tpu.memory_space<vmem_shared>>
        %dma_wait3A_170 = arith.constant 0 : i32
        %dma_wait3A_171 = tpu.memref_slice %arg5[%mul3A_83, %dma_wait3A_170] : memref<10240x128xf32, #tpu.memory_space<hbm>> -> memref<640x128xf32, #tpu.memory_space<hbm>>
        tpu.wait_dma2 semaphore(%run_scoped3A_163 : memref<!tpu.dma_semaphore, #tpu.memory_space<semaphore_mem>>) src(%dma_wait3A_171 : memref<640x128xf32, #tpu.memory_space<hbm>>) dst(%dma_wait3A_169 : memref<640x128xf32, #tpu.memory_space<vmem_shared>>)
        tpu.yield
      }) : () -> ()
      %barrier3A_86 = arith.constant 0 : index
      tpu.barrier barrier_id(%barrier3A_86)
      "tpu.region"() ({
        %run_scoped3A_163 = tpu.sem_alloc : memref<!tpu.dma_semaphore, #tpu.memory_space<semaphore_mem>>
        %dma_start3A_164 = arith.constant 0 : i32
        %dma_start3A_165 = arith.constant 0 : i32
        %dma_start3A_166 = tpu.memref_slice %arg6[%arg1, %dma_start3A_164, %dma_start3A_165] : memref<16x80x128xi32, #tpu.memory_space<hbm>> -> memref<1x40x128xi32, #tpu.memory_space<hbm>>
        %dma_start3A_167 = tpu.memref_squeeze %dma_start3A_166 : memref<1x40x128xi32, #tpu.memory_space<hbm>> -> memref<40x128xi32, #tpu.memory_space<hbm>>
        %dma_start3A_168 = arith.constant 0 : i32
        %dma_start3A_169 = arith.constant 0 : i32
        %dma_start3A_170 = tpu.memref_slice %arg6[%arg1, %dma_start3A_168, %dma_start3A_169] : memref<16x80x128xi32, #tpu.memory_space<hbm>> -> memref<1x40x128xi32, #tpu.memory_space<hbm>>
        %dma_start3A_171 = tpu.memref_squeeze %dma_start3A_170 : memref<1x40x128xi32, #tpu.memory_space<hbm>> -> memref<40x128xi32, #tpu.memory_space<hbm>>
        tpu.enqueue_dma source(%dma_start3A_171 : memref<40x128xi32, #tpu.memory_space<hbm>>) target(%arg12 : memref<40x128xi32, #tpu.memory_space<vmem>>) target_semaphore(%run_scoped3A_163 : memref<!tpu.dma_semaphore, #tpu.memory_space<semaphore_mem>>)
        %dma_wait3A_172 = arith.constant 0 : i32
        %dma_wait3A_173 = arith.constant 0 : i32
        %dma_wait3A_174 = tpu.memref_slice %arg6[%arg1, %dma_wait3A_172, %dma_wait3A_173] : memref<16x80x128xi32, #tpu.memory_space<hbm>> -> memref<1x40x128xi32, #tpu.memory_space<hbm>>
        %dma_wait3A_175 = tpu.memref_squeeze %dma_wait3A_174 : memref<1x40x128xi32, #tpu.memory_space<hbm>> -> memref<40x128xi32, #tpu.memory_space<hbm>>
        %dma_wait3A_176 = arith.constant 0 : i32
        %dma_wait3A_177 = arith.constant 0 : i32
        %dma_wait3A_178 = tpu.memref_slice %arg6[%arg1, %dma_wait3A_176, %dma_wait3A_177] : memref<16x80x128xi32, #tpu.memory_space<hbm>> -> memref<1x40x128xi32, #tpu.memory_space<hbm>>
        %dma_wait3A_179 = tpu.memref_squeeze %dma_wait3A_178 : memref<1x40x128xi32, #tpu.memory_space<hbm>> -> memref<40x128xi32, #tpu.memory_space<hbm>>
        tpu.wait_dma2 semaphore(%run_scoped3A_163 : memref<!tpu.dma_semaphore, #tpu.memory_space<semaphore_mem>>) src(%dma_wait3A_179 : memref<40x128xi32, #tpu.memory_space<hbm>>) dst(%arg12 : memref<40x128xi32, #tpu.memory_space<vmem>>)
        tpu.yield
      }) : () -> ()
      "tpu.region"() ({
        %run_scoped3A_163 = tpu.sem_alloc : memref<!tpu.dma_semaphore, #tpu.memory_space<semaphore_mem>>
        %dma_start3A_164 = arith.constant 0 : i32
        %dma_start3A_165 = arith.constant 0 : i32
        %dma_start3A_166 = tpu.memref_slice %arg7[%arg1, %dma_start3A_164, %dma_start3A_165] : memref<16x80x128xi32, #tpu.memory_space<hbm>> -> memref<1x40x128xi32, #tpu.memory_space<hbm>>
        %dma_start3A_167 = tpu.memref_squeeze %dma_start3A_166 : memref<1x40x128xi32, #tpu.memory_space<hbm>> -> memref<40x128xi32, #tpu.memory_space<hbm>>
        %dma_start3A_168 = arith.constant 0 : i32
        %dma_start3A_169 = arith.constant 0 : i32
        %dma_start3A_170 = tpu.memref_slice %arg7[%arg1, %dma_start3A_168, %dma_start3A_169] : memref<16x80x128xi32, #tpu.memory_space<hbm>> -> memref<1x40x128xi32, #tpu.memory_space<hbm>>
        %dma_start3A_171 = tpu.memref_squeeze %dma_start3A_170 : memref<1x40x128xi32, #tpu.memory_space<hbm>> -> memref<40x128xi32, #tpu.memory_space<hbm>>
        tpu.enqueue_dma source(%dma_start3A_171 : memref<40x128xi32, #tpu.memory_space<hbm>>) target(%arg13 : memref<40x128xi32, #tpu.memory_space<vmem>>) target_semaphore(%run_scoped3A_163 : memref<!tpu.dma_semaphore, #tpu.memory_space<semaphore_mem>>)
        %dma_wait3A_172 = arith.constant 0 : i32
        %dma_wait3A_173 = arith.constant 0 : i32
        %dma_wait3A_174 = tpu.memref_slice %arg7[%arg1, %dma_wait3A_172, %dma_wait3A_173] : memref<16x80x128xi32, #tpu.memory_space<hbm>> -> memref<1x40x128xi32, #tpu.memory_space<hbm>>
        %dma_wait3A_175 = tpu.memref_squeeze %dma_wait3A_174 : memref<1x40x128xi32, #tpu.memory_space<hbm>> -> memref<40x128xi32, #tpu.memory_space<hbm>>
        %dma_wait3A_176 = arith.constant 0 : i32
        %dma_wait3A_177 = arith.constant 0 : i32
        %dma_wait3A_178 = tpu.memref_slice %arg7[%arg1, %dma_wait3A_176, %dma_wait3A_177] : memref<16x80x128xi32, #tpu.memory_space<hbm>> -> memref<1x40x128xi32, #tpu.memory_space<hbm>>
        %dma_wait3A_179 = tpu.memref_squeeze %dma_wait3A_178 : memref<1x40x128xi32, #tpu.memory_space<hbm>> -> memref<40x128xi32, #tpu.memory_space<hbm>>
        tpu.wait_dma2 semaphore(%run_scoped3A_163 : memref<!tpu.dma_semaphore, #tpu.memory_space<semaphore_mem>>) src(%dma_wait3A_179 : memref<40x128xi32, #tpu.memory_space<hbm>>) dst(%arg13 : memref<40x128xi32, #tpu.memory_space<vmem>>)
        tpu.yield
      }) : () -> ()
      %dma_start3A_87 = arith.constant 0 : i32
      %dma_start3A_88 = arith.constant 0 : i32
      %dma_start3A_89 = tpu.memref_slice %arg12[%dma_start3A_87, %dma_start3A_88] : memref<40x128xi32, #tpu.memory_space<vmem>> -> memref<1x128xi32, #tpu.memory_space<vmem>>
      %dma_start3A_90 = tpu.memref_squeeze %dma_start3A_89 : memref<1x128xi32, #tpu.memory_space<vmem>> -> memref<128xi32, #tpu.memory_space<vmem>>
      %dma_start3A_91 = arith.constant 0 : i32
      %dma_start3A_92 = arith.constant 0 : i32
      %dma_start3A_93 = tpu.memref_slice %arg5[%dma_start3A_91, %dma_start3A_92] : memref<10240x128xf32, #tpu.memory_space<hbm>> -> memref<10240x128xf32, #tpu.memory_space<hbm>>
      tpu.enqueue_indirect_dma source(%dma_start3A_93 : memref<10240x128xf32, #tpu.memory_space<hbm>>) target(%arg14 : memref<128x128xf32, #tpu.memory_space<vmem>>) offsets(%dma_start3A_90 : memref<128xi32, #tpu.memory_space<vmem>>) semaphore(%arg17 : memref<!tpu.dma_semaphore, #tpu.memory_space<semaphore_mem>>)
      %dma_start3A_94 = arith.constant 1 : i32
      %dma_start3A_95 = arith.constant 0 : i32
      %dma_start3A_96 = tpu.memref_slice %arg12[%dma_start3A_94, %dma_start3A_95] : memref<40x128xi32, #tpu.memory_space<vmem>> -> memref<1x128xi32, #tpu.memory_space<vmem>>
      %dma_start3A_97 = tpu.memref_squeeze %dma_start3A_96 : memref<1x128xi32, #tpu.memory_space<vmem>> -> memref<128xi32, #tpu.memory_space<vmem>>
      %dma_start3A_98 = arith.constant 0 : i32
      %dma_start3A_99 = arith.constant 0 : i32
      %dma_start3A_100 = tpu.memref_slice %arg5[%dma_start3A_98, %dma_start3A_99] : memref<10240x128xf32, #tpu.memory_space<hbm>> -> memref<10240x128xf32, #tpu.memory_space<hbm>>
      tpu.enqueue_indirect_dma source(%dma_start3A_100 : memref<10240x128xf32, #tpu.memory_space<hbm>>) target(%arg15 : memref<128x128xf32, #tpu.memory_space<vmem>>) offsets(%dma_start3A_97 : memref<128xi32, #tpu.memory_space<vmem>>) semaphore(%arg18 : memref<!tpu.dma_semaphore, #tpu.memory_space<semaphore_mem>>)
      %scan3A_101 = arith.constant 0 : i32
      %scan3A_102 = arith.constant 19 : i32
      %scan3A_103 = arith.addi %scan3A_101, %scan3A_102 : i32
      %scan3A_104 = arith.constant 1 : i32
      scf.for %scan3A_163 = %scan3A_101 to %scan3A_103 step %scan3A_104  : i32 {
        %mul3A_164 = arith.constant 1 : i32
        %mul3A_165 = arith.muli %scan3A_163, %mul3A_164 : i32
        %add3A = arith.constant 0 : i32
        %add3A_166 = arith.addi %add3A, %mul3A_165 : i32
        %mul3A_167 = arith.constant 2 : i32
        %mul3A_168 = arith.muli %mul3A_167, %add3A_166 : i32
        %dma_wait3A_169 = arith.constant 0 : i32
        %dma_wait3A_170 = tpu.memref_slice %arg12[%mul3A_168, %dma_wait3A_169] : memref<40x128xi32, #tpu.memory_space<vmem>> -> memref<1x128xi32, #tpu.memory_space<vmem>>
        %dma_wait3A_171 = tpu.memref_squeeze %dma_wait3A_170 : memref<1x128xi32, #tpu.memory_space<vmem>> -> memref<128xi32, #tpu.memory_space<vmem>>
        %dma_wait3A_172 = arith.constant 0 : i32
        %dma_wait3A_173 = arith.constant 0 : i32
        %dma_wait3A_174 = tpu.memref_slice %arg5[%dma_wait3A_172, %dma_wait3A_173] : memref<10240x128xf32, #tpu.memory_space<hbm>> -> memref<10240x128xf32, #tpu.memory_space<hbm>>
        tpu.wait_indirect_dma semaphore(%arg17 : memref<!tpu.dma_semaphore, #tpu.memory_space<semaphore_mem>>) src(%dma_wait3A_174 : memref<10240x128xf32, #tpu.memory_space<hbm>>) dst(%arg14 : memref<128x128xf32, #tpu.memory_space<vmem>>)
        %mul3A_175 = arith.constant 2 : i32
        %mul3A_176 = arith.muli %mul3A_175, %add3A_166 : i32
        %dma_start3A_177 = arith.constant 0 : i32
        %dma_start3A_178 = tpu.memref_slice %arg13[%mul3A_176, %dma_start3A_177] : memref<40x128xi32, #tpu.memory_space<vmem>> -> memref<1x128xi32, #tpu.memory_space<vmem>>
        %dma_start3A_179 = tpu.memref_squeeze %dma_start3A_178 : memref<1x128xi32, #tpu.memory_space<vmem>> -> memref<128xi32, #tpu.memory_space<vmem>>
        %dma_start3A_180 = arith.constant 0 : i32
        %dma_start3A_181 = arith.constant 0 : i32
        %dma_start3A_182 = tpu.memref_slice %arg16[%dma_start3A_180, %dma_start3A_181] : memref<10240x128xf32, #tpu.memory_space<vmem_shared>> -> memref<10240x128xf32, #tpu.memory_space<vmem_shared>>
        tpu.enqueue_indirect_dma source(%arg14 : memref<128x128xf32, #tpu.memory_space<vmem>>) target(%dma_start3A_182 : memref<10240x128xf32, #tpu.memory_space<vmem_shared>>) offsets(%dma_start3A_179 : memref<128xi32, #tpu.memory_space<vmem>>) semaphore(%arg19 : memref<!tpu.dma_semaphore, #tpu.memory_space<semaphore_mem>>) {add = true}
        %mul3A_183 = arith.constant 2 : i32
        %mul3A_184 = arith.muli %mul3A_183, %add3A_166 : i32
        %add3A_185 = arith.constant 1 : i32
        %add3A_186 = arith.addi %mul3A_184, %add3A_185 : i32
        %dma_wait3A_187 = arith.constant 0 : i32
        %dma_wait3A_188 = tpu.memref_slice %arg12[%add3A_186, %dma_wait3A_187] : memref<40x128xi32, #tpu.memory_space<vmem>> -> memref<1x128xi32, #tpu.memory_space<vmem>>
        %dma_wait3A_189 = tpu.memref_squeeze %dma_wait3A_188 : memref<1x128xi32, #tpu.memory_space<vmem>> -> memref<128xi32, #tpu.memory_space<vmem>>
        %dma_wait3A_190 = arith.constant 0 : i32
        %dma_wait3A_191 = arith.constant 0 : i32
        %dma_wait3A_192 = tpu.memref_slice %arg5[%dma_wait3A_190, %dma_wait3A_191] : memref<10240x128xf32, #tpu.memory_space<hbm>> -> memref<10240x128xf32, #tpu.memory_space<hbm>>
        tpu.wait_indirect_dma semaphore(%arg18 : memref<!tpu.dma_semaphore, #tpu.memory_space<semaphore_mem>>) src(%dma_wait3A_192 : memref<10240x128xf32, #tpu.memory_space<hbm>>) dst(%arg15 : memref<128x128xf32, #tpu.memory_space<vmem>>)
        %dma_wait3A_193 = arith.constant 0 : i32
        %dma_wait3A_194 = tpu.memref_slice %arg13[%mul3A_176, %dma_wait3A_193] : memref<40x128xi32, #tpu.memory_space<vmem>> -> memref<1x128xi32, #tpu.memory_space<vmem>>
        %dma_wait3A_195 = tpu.memref_squeeze %dma_wait3A_194 : memref<1x128xi32, #tpu.memory_space<vmem>> -> memref<128xi32, #tpu.memory_space<vmem>>
        %dma_wait3A_196 = arith.constant 0 : i32
        %dma_wait3A_197 = arith.constant 0 : i32
        %dma_wait3A_198 = tpu.memref_slice %arg16[%dma_wait3A_196, %dma_wait3A_197] : memref<10240x128xf32, #tpu.memory_space<vmem_shared>> -> memref<10240x128xf32, #tpu.memory_space<vmem_shared>>
        tpu.wait_indirect_dma semaphore(%arg19 : memref<!tpu.dma_semaphore, #tpu.memory_space<semaphore_mem>>) src(%arg14 : memref<128x128xf32, #tpu.memory_space<vmem>>) dst(%dma_wait3A_198 : memref<10240x128xf32, #tpu.memory_space<vmem_shared>>)
        %mul3A_199 = arith.constant 2 : i32
        %mul3A_200 = arith.muli %mul3A_199, %add3A_166 : i32
        %add3A_201 = arith.constant 2 : i32
        %add3A_202 = arith.addi %mul3A_200, %add3A_201 : i32
        %dma_start3A_203 = arith.constant 0 : i32
        %dma_start3A_204 = tpu.memref_slice %arg12[%add3A_202, %dma_start3A_203] : memref<40x128xi32, #tpu.memory_space<vmem>> -> memref<1x128xi32, #tpu.memory_space<vmem>>
        %dma_start3A_205 = tpu.memref_squeeze %dma_start3A_204 : memref<1x128xi32, #tpu.memory_space<vmem>> -> memref<128xi32, #tpu.memory_space<vmem>>
        %dma_start3A_206 = arith.constant 0 : i32
        %dma_start3A_207 = arith.constant 0 : i32
        %dma_start3A_208 = tpu.memref_slice %arg5[%dma_start3A_206, %dma_start3A_207] : memref<10240x128xf32, #tpu.memory_space<hbm>> -> memref<10240x128xf32, #tpu.memory_space<hbm>>
        tpu.enqueue_indirect_dma source(%dma_start3A_208 : memref<10240x128xf32, #tpu.memory_space<hbm>>) target(%arg14 : memref<128x128xf32, #tpu.memory_space<vmem>>) offsets(%dma_start3A_205 : memref<128xi32, #tpu.memory_space<vmem>>) semaphore(%arg17 : memref<!tpu.dma_semaphore, #tpu.memory_space<semaphore_mem>>)
        %mul3A_209 = arith.constant 2 : i32
        %mul3A_210 = arith.muli %mul3A_209, %add3A_166 : i32
        %add3A_211 = arith.constant 1 : i32
        %add3A_212 = arith.addi %mul3A_210, %add3A_211 : i32
        %dma_start3A_213 = arith.constant 0 : i32
        %dma_start3A_214 = tpu.memref_slice %arg13[%add3A_212, %dma_start3A_213] : memref<40x128xi32, #tpu.memory_space<vmem>> -> memref<1x128xi32, #tpu.memory_space<vmem>>
        %dma_start3A_215 = tpu.memref_squeeze %dma_start3A_214 : memref<1x128xi32, #tpu.memory_space<vmem>> -> memref<128xi32, #tpu.memory_space<vmem>>
        %dma_start3A_216 = arith.constant 0 : i32
        %dma_start3A_217 = arith.constant 0 : i32
        %dma_start3A_218 = tpu.memref_slice %arg16[%dma_start3A_216, %dma_start3A_217] : memref<10240x128xf32, #tpu.memory_space<vmem_shared>> -> memref<10240x128xf32, #tpu.memory_space<vmem_shared>>
        tpu.enqueue_indirect_dma source(%arg15 : memref<128x128xf32, #tpu.memory_space<vmem>>) target(%dma_start3A_218 : memref<10240x128xf32, #tpu.memory_space<vmem_shared>>) offsets(%dma_start3A_215 : memref<128xi32, #tpu.memory_space<vmem>>) semaphore(%arg20 : memref<!tpu.dma_semaphore, #tpu.memory_space<semaphore_mem>>) {add = true}
        %dma_wait3A_219 = arith.constant 0 : i32
        %dma_wait3A_220 = tpu.memref_slice %arg13[%add3A_212, %dma_wait3A_219] : memref<40x128xi32, #tpu.memory_space<vmem>> -> memref<1x128xi32, #tpu.memory_space<vmem>>
        %dma_wait3A_221 = tpu.memref_squeeze %dma_wait3A_220 : memref<1x128xi32, #tpu.memory_space<vmem>> -> memref<128xi32, #tpu.memory_space<vmem>>
        %dma_wait3A_222 = arith.constant 0 : i32
        %dma_wait3A_223 = arith.constant 0 : i32
        %dma_wait3A_224 = tpu.memref_slice %arg16[%dma_wait3A_222, %dma_wait3A_223] : memref<10240x128xf32, #tpu.memory_space<vmem_shared>> -> memref<10240x128xf32, #tpu.memory_space<vmem_shared>>
        tpu.wait_indirect_dma semaphore(%arg20 : memref<!tpu.dma_semaphore, #tpu.memory_space<semaphore_mem>>) src(%arg15 : memref<128x128xf32, #tpu.memory_space<vmem>>) dst(%dma_wait3A_224 : memref<10240x128xf32, #tpu.memory_space<vmem_shared>>)
        %mul3A_225 = arith.constant 2 : i32
        %mul3A_226 = arith.muli %mul3A_225, %add3A_166 : i32
        %add3A_227 = arith.constant 3 : i32
        %add3A_228 = arith.addi %mul3A_226, %add3A_227 : i32
        %dma_start3A_229 = arith.constant 0 : i32
        %dma_start3A_230 = tpu.memref_slice %arg12[%add3A_228, %dma_start3A_229] : memref<40x128xi32, #tpu.memory_space<vmem>> -> memref<1x128xi32, #tpu.memory_space<vmem>>
        %dma_start3A_231 = tpu.memref_squeeze %dma_start3A_230 : memref<1x128xi32, #tpu.memory_space<vmem>> -> memref<128xi32, #tpu.memory_space<vmem>>
        %dma_start3A_232 = arith.constant 0 : i32
        %dma_start3A_233 = arith.constant 0 : i32
        %dma_start3A_234 = tpu.memref_slice %arg5[%dma_start3A_232, %dma_start3A_233] : memref<10240x128xf32, #tpu.memory_space<hbm>> -> memref<10240x128xf32, #tpu.memory_space<hbm>>
        tpu.enqueue_indirect_dma source(%dma_start3A_234 : memref<10240x128xf32, #tpu.memory_space<hbm>>) target(%arg15 : memref<128x128xf32, #tpu.memory_space<vmem>>) offsets(%dma_start3A_231 : memref<128xi32, #tpu.memory_space<vmem>>) semaphore(%arg18 : memref<!tpu.dma_semaphore, #tpu.memory_space<semaphore_mem>>)
      }
      %scan3A_105 = arith.constant 19 : i32
      %dma_wait3A_106 = arith.constant 38 : i32
      %dma_wait3A_107 = arith.constant 0 : i32
      %dma_wait3A_108 = tpu.memref_slice %arg12[%dma_wait3A_106, %dma_wait3A_107] : memref<40x128xi32, #tpu.memory_space<vmem>> -> memref<1x128xi32, #tpu.memory_space<vmem>>
      %dma_wait3A_109 = tpu.memref_squeeze %dma_wait3A_108 : memref<1x128xi32, #tpu.memory_space<vmem>> -> memref<128xi32, #tpu.memory_space<vmem>>
      %dma_wait3A_110 = arith.constant 0 : i32
      %dma_wait3A_111 = arith.constant 0 : i32
      %dma_wait3A_112 = tpu.memref_slice %arg5[%dma_wait3A_110, %dma_wait3A_111] : memref<10240x128xf32, #tpu.memory_space<hbm>> -> memref<10240x128xf32, #tpu.memory_space<hbm>>
      tpu.wait_indirect_dma semaphore(%arg17 : memref<!tpu.dma_semaphore, #tpu.memory_space<semaphore_mem>>) src(%dma_wait3A_112 : memref<10240x128xf32, #tpu.memory_space<hbm>>) dst(%arg14 : memref<128x128xf32, #tpu.memory_space<vmem>>)
      %run_scoped3A_113 = arith.constant 38 : i32
      "tpu.region"() ({
        %run_scoped3A_163 = tpu.sem_alloc : memref<!tpu.dma_semaphore, #tpu.memory_space<semaphore_mem>>
        %dma_start3A_164 = arith.constant 0 : i32
        %dma_start3A_165 = tpu.memref_slice %arg13[%run_scoped3A_113, %dma_start3A_164] : memref<40x128xi32, #tpu.memory_space<vmem>> -> memref<1x128xi32, #tpu.memory_space<vmem>>
        %dma_start3A_166 = tpu.memref_squeeze %dma_start3A_165 : memref<1x128xi32, #tpu.memory_space<vmem>> -> memref<128xi32, #tpu.memory_space<vmem>>
        %dma_start3A_167 = arith.constant 0 : i32
        %dma_start3A_168 = arith.constant 0 : i32
        %dma_start3A_169 = tpu.memref_slice %arg16[%dma_start3A_167, %dma_start3A_168] : memref<10240x128xf32, #tpu.memory_space<vmem_shared>> -> memref<10240x128xf32, #tpu.memory_space<vmem_shared>>
        tpu.enqueue_indirect_dma source(%arg14 : memref<128x128xf32, #tpu.memory_space<vmem>>) target(%dma_start3A_169 : memref<10240x128xf32, #tpu.memory_space<vmem_shared>>) offsets(%dma_start3A_166 : memref<128xi32, #tpu.memory_space<vmem>>) semaphore(%run_scoped3A_163 : memref<!tpu.dma_semaphore, #tpu.memory_space<semaphore_mem>>) {add = true}
        %dma_wait3A_170 = arith.constant 0 : i32
        %dma_wait3A_171 = tpu.memref_slice %arg13[%run_scoped3A_113, %dma_wait3A_170] : memref<40x128xi32, #tpu.memory_space<vmem>> -> memref<1x128xi32, #tpu.memory_space<vmem>>
        %dma_wait3A_172 = tpu.memref_squeeze %dma_wait3A_171 : memref<1x128xi32, #tpu.memory_space<vmem>> -> memref<128xi32, #tpu.memory_space<vmem>>
        %dma_wait3A_173 = arith.constant 0 : i32
        %dma_wait3A_174 = arith.constant 0 : i32
        %dma_wait3A_175 = tpu.memref_slice %arg16[%dma_wait3A_173, %dma_wait3A_174] : memref<10240x128xf32, #tpu.memory_space<vmem_shared>> -> memref<10240x128xf32, #tpu.memory_space<vmem_shared>>
        tpu.wait_indirect_dma semaphore(%run_scoped3A_163 : memref<!tpu.dma_semaphore, #tpu.memory_space<semaphore_mem>>) src(%arg14 : memref<128x128xf32, #tpu.memory_space<vmem>>) dst(%dma_wait3A_175 : memref<10240x128xf32, #tpu.memory_space<vmem_shared>>)
        tpu.yield
      }) : () -> ()
      %dma_wait3A_114 = arith.constant 39 : i32
      %dma_wait3A_115 = arith.constant 0 : i32
      %dma_wait3A_116 = tpu.memref_slice %arg12[%dma_wait3A_114, %dma_wait3A_115] : memref<40x128xi32, #tpu.memory_space<vmem>> -> memref<1x128xi32, #tpu.memory_space<vmem>>
      %dma_wait3A_117 = tpu.memref_squeeze %dma_wait3A_116 : memref<1x128xi32, #tpu.memory_space<vmem>> -> memref<128xi32, #tpu.memory_space<vmem>>
      %dma_wait3A_118 = arith.constant 0 : i32
      %dma_wait3A_119 = arith.constant 0 : i32
      %dma_wait3A_120 = tpu.memref_slice %arg5[%dma_wait3A_118, %dma_wait3A_119] : memref<10240x128xf32, #tpu.memory_space<hbm>> -> memref<10240x128xf32, #tpu.memory_space<hbm>>
      tpu.wait_indirect_dma semaphore(%arg18 : memref<!tpu.dma_semaphore, #tpu.memory_space<semaphore_mem>>) src(%dma_wait3A_120 : memref<10240x128xf32, #tpu.memory_space<hbm>>) dst(%arg15 : memref<128x128xf32, #tpu.memory_space<vmem>>)
      %run_scoped3A_121 = arith.constant 39 : i32
      "tpu.region"() ({
        %run_scoped3A_163 = tpu.sem_alloc : memref<!tpu.dma_semaphore, #tpu.memory_space<semaphore_mem>>
        %dma_start3A_164 = arith.constant 0 : i32
        %dma_start3A_165 = tpu.memref_slice %arg13[%run_scoped3A_121, %dma_start3A_164] : memref<40x128xi32, #tpu.memory_space<vmem>> -> memref<1x128xi32, #tpu.memory_space<vmem>>
        %dma_start3A_166 = tpu.memref_squeeze %dma_start3A_165 : memref<1x128xi32, #tpu.memory_space<vmem>> -> memref<128xi32, #tpu.memory_space<vmem>>
        %dma_start3A_167 = arith.constant 0 : i32
        %dma_start3A_168 = arith.constant 0 : i32
        %dma_start3A_169 = tpu.memref_slice %arg16[%dma_start3A_167, %dma_start3A_168] : memref<10240x128xf32, #tpu.memory_space<vmem_shared>> -> memref<10240x128xf32, #tpu.memory_space<vmem_shared>>
        tpu.enqueue_indirect_dma source(%arg15 : memref<128x128xf32, #tpu.memory_space<vmem>>) target(%dma_start3A_169 : memref<10240x128xf32, #tpu.memory_space<vmem_shared>>) offsets(%dma_start3A_166 : memref<128xi32, #tpu.memory_space<vmem>>) semaphore(%run_scoped3A_163 : memref<!tpu.dma_semaphore, #tpu.memory_space<semaphore_mem>>) {add = true}
        %dma_wait3A_170 = arith.constant 0 : i32
        %dma_wait3A_171 = tpu.memref_slice %arg13[%run_scoped3A_121, %dma_wait3A_170] : memref<40x128xi32, #tpu.memory_space<vmem>> -> memref<1x128xi32, #tpu.memory_space<vmem>>
        %dma_wait3A_172 = tpu.memref_squeeze %dma_wait3A_171 : memref<1x128xi32, #tpu.memory_space<vmem>> -> memref<128xi32, #tpu.memory_space<vmem>>
        %dma_wait3A_173 = arith.constant 0 : i32
        %dma_wait3A_174 = arith.constant 0 : i32
        %dma_wait3A_175 = tpu.memref_slice %arg16[%dma_wait3A_173, %dma_wait3A_174] : memref<10240x128xf32, #tpu.memory_space<vmem_shared>> -> memref<10240x128xf32, #tpu.memory_space<vmem_shared>>
        tpu.wait_indirect_dma semaphore(%run_scoped3A_163 : memref<!tpu.dma_semaphore, #tpu.memory_space<semaphore_mem>>) src(%arg15 : memref<128x128xf32, #tpu.memory_space<vmem>>) dst(%dma_wait3A_175 : memref<10240x128xf32, #tpu.memory_space<vmem_shared>>)
        tpu.yield
      }) : () -> ()
      "tpu.region"() ({
        %run_scoped3A_163 = tpu.sem_alloc : memref<!tpu.dma_semaphore, #tpu.memory_space<semaphore_mem>>
        %dma_start3A_164 = arith.constant 40 : i32
        %dma_start3A_165 = arith.constant 0 : i32
        %dma_start3A_166 = tpu.memref_slice %arg6[%arg1, %dma_start3A_164, %dma_start3A_165] : memref<16x80x128xi32, #tpu.memory_space<hbm>> -> memref<1x40x128xi32, #tpu.memory_space<hbm>>
        %dma_start3A_167 = tpu.memref_squeeze %dma_start3A_166 : memref<1x40x128xi32, #tpu.memory_space<hbm>> -> memref<40x128xi32, #tpu.memory_space<hbm>>
        %dma_start3A_168 = arith.constant 40 : i32
        %dma_start3A_169 = arith.constant 0 : i32
        %dma_start3A_170 = tpu.memref_slice %arg6[%arg1, %dma_start3A_168, %dma_start3A_169] : memref<16x80x128xi32, #tpu.memory_space<hbm>> -> memref<1x40x128xi32, #tpu.memory_space<hbm>>
        %dma_start3A_171 = tpu.memref_squeeze %dma_start3A_170 : memref<1x40x128xi32, #tpu.memory_space<hbm>> -> memref<40x128xi32, #tpu.memory_space<hbm>>
        tpu.enqueue_dma source(%dma_start3A_171 : memref<40x128xi32, #tpu.memory_space<hbm>>) target(%arg12 : memref<40x128xi32, #tpu.memory_space<vmem>>) target_semaphore(%run_scoped3A_163 : memref<!tpu.dma_semaphore, #tpu.memory_space<semaphore_mem>>)
        %dma_wait3A_172 = arith.constant 40 : i32
        %dma_wait3A_173 = arith.constant 0 : i32
        %dma_wait3A_174 = tpu.memref_slice %arg6[%arg1, %dma_wait3A_172, %dma_wait3A_173] : memref<16x80x128xi32, #tpu.memory_space<hbm>> -> memref<1x40x128xi32, #tpu.memory_space<hbm>>
        %dma_wait3A_175 = tpu.memref_squeeze %dma_wait3A_174 : memref<1x40x128xi32, #tpu.memory_space<hbm>> -> memref<40x128xi32, #tpu.memory_space<hbm>>
        %dma_wait3A_176 = arith.constant 40 : i32
        %dma_wait3A_177 = arith.constant 0 : i32
        %dma_wait3A_178 = tpu.memref_slice %arg6[%arg1, %dma_wait3A_176, %dma_wait3A_177] : memref<16x80x128xi32, #tpu.memory_space<hbm>> -> memref<1x40x128xi32, #tpu.memory_space<hbm>>
        %dma_wait3A_179 = tpu.memref_squeeze %dma_wait3A_178 : memref<1x40x128xi32, #tpu.memory_space<hbm>> -> memref<40x128xi32, #tpu.memory_space<hbm>>
        tpu.wait_dma2 semaphore(%run_scoped3A_163 : memref<!tpu.dma_semaphore, #tpu.memory_space<semaphore_mem>>) src(%dma_wait3A_179 : memref<40x128xi32, #tpu.memory_space<hbm>>) dst(%arg12 : memref<40x128xi32, #tpu.memory_space<vmem>>)
        tpu.yield
      }) : () -> ()
      "tpu.region"() ({
        %run_scoped3A_163 = tpu.sem_alloc : memref<!tpu.dma_semaphore, #tpu.memory_space<semaphore_mem>>
        %dma_start3A_164 = arith.constant 40 : i32
        %dma_start3A_165 = arith.constant 0 : i32
        %dma_start3A_166 = tpu.memref_slice %arg7[%arg1, %dma_start3A_164, %dma_start3A_165] : memref<16x80x128xi32, #tpu.memory_space<hbm>> -> memref<1x40x128xi32, #tpu.memory_space<hbm>>
        %dma_start3A_167 = tpu.memref_squeeze %dma_start3A_166 : memref<1x40x128xi32, #tpu.memory_space<hbm>> -> memref<40x128xi32, #tpu.memory_space<hbm>>
        %dma_start3A_168 = arith.constant 40 : i32
        %dma_start3A_169 = arith.constant 0 : i32
        %dma_start3A_170 = tpu.memref_slice %arg7[%arg1, %dma_start3A_168, %dma_start3A_169] : memref<16x80x128xi32, #tpu.memory_space<hbm>> -> memref<1x40x128xi32, #tpu.memory_space<hbm>>
        %dma_start3A_171 = tpu.memref_squeeze %dma_start3A_170 : memref<1x40x128xi32, #tpu.memory_space<hbm>> -> memref<40x128xi32, #tpu.memory_space<hbm>>
        tpu.enqueue_dma source(%dma_start3A_171 : memref<40x128xi32, #tpu.memory_space<hbm>>) target(%arg13 : memref<40x128xi32, #tpu.memory_space<vmem>>) target_semaphore(%run_scoped3A_163 : memref<!tpu.dma_semaphore, #tpu.memory_space<semaphore_mem>>)
        %dma_wait3A_172 = arith.constant 40 : i32
        %dma_wait3A_173 = arith.constant 0 : i32
        %dma_wait3A_174 = tpu.memref_slice %arg7[%arg1, %dma_wait3A_172, %dma_wait3A_173] : memref<16x80x128xi32, #tpu.memory_space<hbm>> -> memref<1x40x128xi32, #tpu.memory_space<hbm>>
        %dma_wait3A_175 = tpu.memref_squeeze %dma_wait3A_174 : memref<1x40x128xi32, #tpu.memory_space<hbm>> -> memref<40x128xi32, #tpu.memory_space<hbm>>
        %dma_wait3A_176 = arith.constant 40 : i32
        %dma_wait3A_177 = arith.constant 0 : i32
        %dma_wait3A_178 = tpu.memref_slice %arg7[%arg1, %dma_wait3A_176, %dma_wait3A_177] : memref<16x80x128xi32, #tpu.memory_space<hbm>> -> memref<1x40x128xi32, #tpu.memory_space<hbm>>
        %dma_wait3A_179 = tpu.memref_squeeze %dma_wait3A_178 : memref<1x40x128xi32, #tpu.memory_space<hbm>> -> memref<40x128xi32, #tpu.memory_space<hbm>>
        tpu.wait_dma2 semaphore(%run_scoped3A_163 : memref<!tpu.dma_semaphore, #tpu.memory_space<semaphore_mem>>) src(%dma_wait3A_179 : memref<40x128xi32, #tpu.memory_space<hbm>>) dst(%arg13 : memref<40x128xi32, #tpu.memory_space<vmem>>)
        tpu.yield
      }) : () -> ()
      %dma_start3A_122 = arith.constant 0 : i32
      %dma_start3A_123 = arith.constant 0 : i32
      %dma_start3A_124 = tpu.memref_slice %arg12[%dma_start3A_122, %dma_start3A_123] : memref<40x128xi32, #tpu.memory_space<vmem>> -> memref<1x128xi32, #tpu.memory_space<vmem>>
      %dma_start3A_125 = tpu.memref_squeeze %dma_start3A_124 : memref<1x128xi32, #tpu.memory_space<vmem>> -> memref<128xi32, #tpu.memory_space<vmem>>
      %dma_start3A_126 = arith.constant 0 : i32
      %dma_start3A_127 = arith.constant 0 : i32
      %dma_start3A_128 = tpu.memref_slice %arg5[%dma_start3A_126, %dma_start3A_127] : memref<10240x128xf32, #tpu.memory_space<hbm>> -> memref<10240x128xf32, #tpu.memory_space<hbm>>
      tpu.enqueue_indirect_dma source(%dma_start3A_128 : memref<10240x128xf32, #tpu.memory_space<hbm>>) target(%arg14 : memref<128x128xf32, #tpu.memory_space<vmem>>) offsets(%dma_start3A_125 : memref<128xi32, #tpu.memory_space<vmem>>) semaphore(%arg17 : memref<!tpu.dma_semaphore, #tpu.memory_space<semaphore_mem>>)
      %dma_start3A_129 = arith.constant 1 : i32
      %dma_start3A_130 = arith.constant 0 : i32
      %dma_start3A_131 = tpu.memref_slice %arg12[%dma_start3A_129, %dma_start3A_130] : memref<40x128xi32, #tpu.memory_space<vmem>> -> memref<1x128xi32, #tpu.memory_space<vmem>>
      %dma_start3A_132 = tpu.memref_squeeze %dma_start3A_131 : memref<1x128xi32, #tpu.memory_space<vmem>> -> memref<128xi32, #tpu.memory_space<vmem>>
      %dma_start3A_133 = arith.constant 0 : i32
      %dma_start3A_134 = arith.constant 0 : i32
      %dma_start3A_135 = tpu.memref_slice %arg5[%dma_start3A_133, %dma_start3A_134] : memref<10240x128xf32, #tpu.memory_space<hbm>> -> memref<10240x128xf32, #tpu.memory_space<hbm>>
      tpu.enqueue_indirect_dma source(%dma_start3A_135 : memref<10240x128xf32, #tpu.memory_space<hbm>>) target(%arg15 : memref<128x128xf32, #tpu.memory_space<vmem>>) offsets(%dma_start3A_132 : memref<128xi32, #tpu.memory_space<vmem>>) semaphore(%arg18 : memref<!tpu.dma_semaphore, #tpu.memory_space<semaphore_mem>>)
      %scan3A_136 = arith.constant 0 : i32
      %scan3A_137 = arith.constant 19 : i32
      %scan3A_138 = arith.addi %scan3A_136, %scan3A_137 : i32
      %scan3A_139 = arith.constant 1 : i32
      scf.for %scan3A_163 = %scan3A_136 to %scan3A_138 step %scan3A_139  : i32 {
        %mul3A_164 = arith.constant 1 : i32
        %mul3A_165 = arith.muli %scan3A_163, %mul3A_164 : i32
        %add3A = arith.constant 0 : i32
        %add3A_166 = arith.addi %add3A, %mul3A_165 : i32
        %mul3A_167 = arith.constant 2 : i32
        %mul3A_168 = arith.muli %mul3A_167, %add3A_166 : i32
        %dma_wait3A_169 = arith.constant 0 : i32
        %dma_wait3A_170 = tpu.memref_slice %arg12[%mul3A_168, %dma_wait3A_169] : memref<40x128xi32, #tpu.memory_space<vmem>> -> memref<1x128xi32, #tpu.memory_space<vmem>>
        %dma_wait3A_171 = tpu.memref_squeeze %dma_wait3A_170 : memref<1x128xi32, #tpu.memory_space<vmem>> -> memref<128xi32, #tpu.memory_space<vmem>>
        %dma_wait3A_172 = arith.constant 0 : i32
        %dma_wait3A_173 = arith.constant 0 : i32
        %dma_wait3A_174 = tpu.memref_slice %arg5[%dma_wait3A_172, %dma_wait3A_173] : memref<10240x128xf32, #tpu.memory_space<hbm>> -> memref<10240x128xf32, #tpu.memory_space<hbm>>
        tpu.wait_indirect_dma semaphore(%arg17 : memref<!tpu.dma_semaphore, #tpu.memory_space<semaphore_mem>>) src(%dma_wait3A_174 : memref<10240x128xf32, #tpu.memory_space<hbm>>) dst(%arg14 : memref<128x128xf32, #tpu.memory_space<vmem>>)
        %mul3A_175 = arith.constant 2 : i32
        %mul3A_176 = arith.muli %mul3A_175, %add3A_166 : i32
        %dma_start3A_177 = arith.constant 0 : i32
        %dma_start3A_178 = tpu.memref_slice %arg13[%mul3A_176, %dma_start3A_177] : memref<40x128xi32, #tpu.memory_space<vmem>> -> memref<1x128xi32, #tpu.memory_space<vmem>>
        %dma_start3A_179 = tpu.memref_squeeze %dma_start3A_178 : memref<1x128xi32, #tpu.memory_space<vmem>> -> memref<128xi32, #tpu.memory_space<vmem>>
        %dma_start3A_180 = arith.constant 0 : i32
        %dma_start3A_181 = arith.constant 0 : i32
        %dma_start3A_182 = tpu.memref_slice %arg16[%dma_start3A_180, %dma_start3A_181] : memref<10240x128xf32, #tpu.memory_space<vmem_shared>> -> memref<10240x128xf32, #tpu.memory_space<vmem_shared>>
        tpu.enqueue_indirect_dma source(%arg14 : memref<128x128xf32, #tpu.memory_space<vmem>>) target(%dma_start3A_182 : memref<10240x128xf32, #tpu.memory_space<vmem_shared>>) offsets(%dma_start3A_179 : memref<128xi32, #tpu.memory_space<vmem>>) semaphore(%arg19 : memref<!tpu.dma_semaphore, #tpu.memory_space<semaphore_mem>>) {add = true}
        %mul3A_183 = arith.constant 2 : i32
        %mul3A_184 = arith.muli %mul3A_183, %add3A_166 : i32
        %add3A_185 = arith.constant 1 : i32
        %add3A_186 = arith.addi %mul3A_184, %add3A_185 : i32
        %dma_wait3A_187 = arith.constant 0 : i32
        %dma_wait3A_188 = tpu.memref_slice %arg12[%add3A_186, %dma_wait3A_187] : memref<40x128xi32, #tpu.memory_space<vmem>> -> memref<1x128xi32, #tpu.memory_space<vmem>>
        %dma_wait3A_189 = tpu.memref_squeeze %dma_wait3A_188 : memref<1x128xi32, #tpu.memory_space<vmem>> -> memref<128xi32, #tpu.memory_space<vmem>>
        %dma_wait3A_190 = arith.constant 0 : i32
        %dma_wait3A_191 = arith.constant 0 : i32
        %dma_wait3A_192 = tpu.memref_slice %arg5[%dma_wait3A_190, %dma_wait3A_191] : memref<10240x128xf32, #tpu.memory_space<hbm>> -> memref<10240x128xf32, #tpu.memory_space<hbm>>
        tpu.wait_indirect_dma semaphore(%arg18 : memref<!tpu.dma_semaphore, #tpu.memory_space<semaphore_mem>>) src(%dma_wait3A_192 : memref<10240x128xf32, #tpu.memory_space<hbm>>) dst(%arg15 : memref<128x128xf32, #tpu.memory_space<vmem>>)
        %dma_wait3A_193 = arith.constant 0 : i32
        %dma_wait3A_194 = tpu.memref_slice %arg13[%mul3A_176, %dma_wait3A_193] : memref<40x128xi32, #tpu.memory_space<vmem>> -> memref<1x128xi32, #tpu.memory_space<vmem>>
        %dma_wait3A_195 = tpu.memref_squeeze %dma_wait3A_194 : memref<1x128xi32, #tpu.memory_space<vmem>> -> memref<128xi32, #tpu.memory_space<vmem>>
        %dma_wait3A_196 = arith.constant 0 : i32
        %dma_wait3A_197 = arith.constant 0 : i32
        %dma_wait3A_198 = tpu.memref_slice %arg16[%dma_wait3A_196, %dma_wait3A_197] : memref<10240x128xf32, #tpu.memory_space<vmem_shared>> -> memref<10240x128xf32, #tpu.memory_space<vmem_shared>>
        tpu.wait_indirect_dma semaphore(%arg19 : memref<!tpu.dma_semaphore, #tpu.memory_space<semaphore_mem>>) src(%arg14 : memref<128x128xf32, #tpu.memory_space<vmem>>) dst(%dma_wait3A_198 : memref<10240x128xf32, #tpu.memory_space<vmem_shared>>)
        %mul3A_199 = arith.constant 2 : i32
        %mul3A_200 = arith.muli %mul3A_199, %add3A_166 : i32
        %add3A_201 = arith.constant 2 : i32
        %add3A_202 = arith.addi %mul3A_200, %add3A_201 : i32
        %dma_start3A_203 = arith.constant 0 : i32
        %dma_start3A_204 = tpu.memref_slice %arg12[%add3A_202, %dma_start3A_203] : memref<40x128xi32, #tpu.memory_space<vmem>> -> memref<1x128xi32, #tpu.memory_space<vmem>>
        %dma_start3A_205 = tpu.memref_squeeze %dma_start3A_204 : memref<1x128xi32, #tpu.memory_space<vmem>> -> memref<128xi32, #tpu.memory_space<vmem>>
        %dma_start3A_206 = arith.constant 0 : i32
        %dma_start3A_207 = arith.constant 0 : i32
        %dma_start3A_208 = tpu.memref_slice %arg5[%dma_start3A_206, %dma_start3A_207] : memref<10240x128xf32, #tpu.memory_space<hbm>> -> memref<10240x128xf32, #tpu.memory_space<hbm>>
        tpu.enqueue_indirect_dma source(%dma_start3A_208 : memref<10240x128xf32, #tpu.memory_space<hbm>>) target(%arg14 : memref<128x128xf32, #tpu.memory_space<vmem>>) offsets(%dma_start3A_205 : memref<128xi32, #tpu.memory_space<vmem>>) semaphore(%arg17 : memref<!tpu.dma_semaphore, #tpu.memory_space<semaphore_mem>>)
        %mul3A_209 = arith.constant 2 : i32
        %mul3A_210 = arith.muli %mul3A_209, %add3A_166 : i32
        %add3A_211 = arith.constant 1 : i32
        %add3A_212 = arith.addi %mul3A_210, %add3A_211 : i32
        %dma_start3A_213 = arith.constant 0 : i32
        %dma_start3A_214 = tpu.memref_slice %arg13[%add3A_212, %dma_start3A_213] : memref<40x128xi32, #tpu.memory_space<vmem>> -> memref<1x128xi32, #tpu.memory_space<vmem>>
        %dma_start3A_215 = tpu.memref_squeeze %dma_start3A_214 : memref<1x128xi32, #tpu.memory_space<vmem>> -> memref<128xi32, #tpu.memory_space<vmem>>
        %dma_start3A_216 = arith.constant 0 : i32
        %dma_start3A_217 = arith.constant 0 : i32
        %dma_start3A_218 = tpu.memref_slice %arg16[%dma_start3A_216, %dma_start3A_217] : memref<10240x128xf32, #tpu.memory_space<vmem_shared>> -> memref<10240x128xf32, #tpu.memory_space<vmem_shared>>
        tpu.enqueue_indirect_dma source(%arg15 : memref<128x128xf32, #tpu.memory_space<vmem>>) target(%dma_start3A_218 : memref<10240x128xf32, #tpu.memory_space<vmem_shared>>) offsets(%dma_start3A_215 : memref<128xi32, #tpu.memory_space<vmem>>) semaphore(%arg20 : memref<!tpu.dma_semaphore, #tpu.memory_space<semaphore_mem>>) {add = true}
        %dma_wait3A_219 = arith.constant 0 : i32
        %dma_wait3A_220 = tpu.memref_slice %arg13[%add3A_212, %dma_wait3A_219] : memref<40x128xi32, #tpu.memory_space<vmem>> -> memref<1x128xi32, #tpu.memory_space<vmem>>
        %dma_wait3A_221 = tpu.memref_squeeze %dma_wait3A_220 : memref<1x128xi32, #tpu.memory_space<vmem>> -> memref<128xi32, #tpu.memory_space<vmem>>
        %dma_wait3A_222 = arith.constant 0 : i32
        %dma_wait3A_223 = arith.constant 0 : i32
        %dma_wait3A_224 = tpu.memref_slice %arg16[%dma_wait3A_222, %dma_wait3A_223] : memref<10240x128xf32, #tpu.memory_space<vmem_shared>> -> memref<10240x128xf32, #tpu.memory_space<vmem_shared>>
        tpu.wait_indirect_dma semaphore(%arg20 : memref<!tpu.dma_semaphore, #tpu.memory_space<semaphore_mem>>) src(%arg15 : memref<128x128xf32, #tpu.memory_space<vmem>>) dst(%dma_wait3A_224 : memref<10240x128xf32, #tpu.memory_space<vmem_shared>>)
        %mul3A_225 = arith.constant 2 : i32
        %mul3A_226 = arith.muli %mul3A_225, %add3A_166 : i32
        %add3A_227 = arith.constant 3 : i32
        %add3A_228 = arith.addi %mul3A_226, %add3A_227 : i32
        %dma_start3A_229 = arith.constant 0 : i32
        %dma_start3A_230 = tpu.memref_slice %arg12[%add3A_228, %dma_start3A_229] : memref<40x128xi32, #tpu.memory_space<vmem>> -> memref<1x128xi32, #tpu.memory_space<vmem>>
        %dma_start3A_231 = tpu.memref_squeeze %dma_start3A_230 : memref<1x128xi32, #tpu.memory_space<vmem>> -> memref<128xi32, #tpu.memory_space<vmem>>
        %dma_start3A_232 = arith.constant 0 : i32
        %dma_start3A_233 = arith.constant 0 : i32
        %dma_start3A_234 = tpu.memref_slice %arg5[%dma_start3A_232, %dma_start3A_233] : memref<10240x128xf32, #tpu.memory_space<hbm>> -> memref<10240x128xf32, #tpu.memory_space<hbm>>
        tpu.enqueue_indirect_dma source(%dma_start3A_234 : memref<10240x128xf32, #tpu.memory_space<hbm>>) target(%arg15 : memref<128x128xf32, #tpu.memory_space<vmem>>) offsets(%dma_start3A_231 : memref<128xi32, #tpu.memory_space<vmem>>) semaphore(%arg18 : memref<!tpu.dma_semaphore, #tpu.memory_space<semaphore_mem>>)
      }
      %scan3A_140 = arith.constant 19 : i32
      %dma_wait3A_141 = arith.constant 38 : i32
      %dma_wait3A_142 = arith.constant 0 : i32
      %dma_wait3A_143 = tpu.memref_slice %arg12[%dma_wait3A_141, %dma_wait3A_142] : memref<40x128xi32, #tpu.memory_space<vmem>> -> memref<1x128xi32, #tpu.memory_space<vmem>>
      %dma_wait3A_144 = tpu.memref_squeeze %dma_wait3A_143 : memref<1x128xi32, #tpu.memory_space<vmem>> -> memref<128xi32, #tpu.memory_space<vmem>>
      %dma_wait3A_145 = arith.constant 0 : i32
      %dma_wait3A_146 = arith.constant 0 : i32
      %dma_wait3A_147 = tpu.memref_slice %arg5[%dma_wait3A_145, %dma_wait3A_146] : memref<10240x128xf32, #tpu.memory_space<hbm>> -> memref<10240x128xf32, #tpu.memory_space<hbm>>
      tpu.wait_indirect_dma semaphore(%arg17 : memref<!tpu.dma_semaphore, #tpu.memory_space<semaphore_mem>>) src(%dma_wait3A_147 : memref<10240x128xf32, #tpu.memory_space<hbm>>) dst(%arg14 : memref<128x128xf32, #tpu.memory_space<vmem>>)
      %run_scoped3A_148 = arith.constant 38 : i32
      "tpu.region"() ({
        %run_scoped3A_163 = tpu.sem_alloc : memref<!tpu.dma_semaphore, #tpu.memory_space<semaphore_mem>>
        %dma_start3A_164 = arith.constant 0 : i32
        %dma_start3A_165 = tpu.memref_slice %arg13[%run_scoped3A_148, %dma_start3A_164] : memref<40x128xi32, #tpu.memory_space<vmem>> -> memref<1x128xi32, #tpu.memory_space<vmem>>
        %dma_start3A_166 = tpu.memref_squeeze %dma_start3A_165 : memref<1x128xi32, #tpu.memory_space<vmem>> -> memref<128xi32, #tpu.memory_space<vmem>>
        %dma_start3A_167 = arith.constant 0 : i32
        %dma_start3A_168 = arith.constant 0 : i32
        %dma_start3A_169 = tpu.memref_slice %arg16[%dma_start3A_167, %dma_start3A_168] : memref<10240x128xf32, #tpu.memory_space<vmem_shared>> -> memref<10240x128xf32, #tpu.memory_space<vmem_shared>>
        tpu.enqueue_indirect_dma source(%arg14 : memref<128x128xf32, #tpu.memory_space<vmem>>) target(%dma_start3A_169 : memref<10240x128xf32, #tpu.memory_space<vmem_shared>>) offsets(%dma_start3A_166 : memref<128xi32, #tpu.memory_space<vmem>>) semaphore(%run_scoped3A_163 : memref<!tpu.dma_semaphore, #tpu.memory_space<semaphore_mem>>) {add = true}
        %dma_wait3A_170 = arith.constant 0 : i32
        %dma_wait3A_171 = tpu.memref_slice %arg13[%run_scoped3A_148, %dma_wait3A_170] : memref<40x128xi32, #tpu.memory_space<vmem>> -> memref<1x128xi32, #tpu.memory_space<vmem>>
        %dma_wait3A_172 = tpu.memref_squeeze %dma_wait3A_171 : memref<1x128xi32, #tpu.memory_space<vmem>> -> memref<128xi32, #tpu.memory_space<vmem>>
        %dma_wait3A_173 = arith.constant 0 : i32
        %dma_wait3A_174 = arith.constant 0 : i32
        %dma_wait3A_175 = tpu.memref_slice %arg16[%dma_wait3A_173, %dma_wait3A_174] : memref<10240x128xf32, #tpu.memory_space<vmem_shared>> -> memref<10240x128xf32, #tpu.memory_space<vmem_shared>>
        tpu.wait_indirect_dma semaphore(%run_scoped3A_163 : memref<!tpu.dma_semaphore, #tpu.memory_space<semaphore_mem>>) src(%arg14 : memref<128x128xf32, #tpu.memory_space<vmem>>) dst(%dma_wait3A_175 : memref<10240x128xf32, #tpu.memory_space<vmem_shared>>)
        tpu.yield
      }) : () -> ()
      %dma_wait3A_149 = arith.constant 39 : i32
      %dma_wait3A_150 = arith.constant 0 : i32
      %dma_wait3A_151 = tpu.memref_slice %arg12[%dma_wait3A_149, %dma_wait3A_150] : memref<40x128xi32, #tpu.memory_space<vmem>> -> memref<1x128xi32, #tpu.memory_space<vmem>>
      %dma_wait3A_152 = tpu.memref_squeeze %dma_wait3A_151 : memref<1x128xi32, #tpu.memory_space<vmem>> -> memref<128xi32, #tpu.memory_space<vmem>>
      %dma_wait3A_153 = arith.constant 0 : i32
      %dma_wait3A_154 = arith.constant 0 : i32
      %dma_wait3A_155 = tpu.memref_slice %arg5[%dma_wait3A_153, %dma_wait3A_154] : memref<10240x128xf32, #tpu.memory_space<hbm>> -> memref<10240x128xf32, #tpu.memory_space<hbm>>
      tpu.wait_indirect_dma semaphore(%arg18 : memref<!tpu.dma_semaphore, #tpu.memory_space<semaphore_mem>>) src(%dma_wait3A_155 : memref<10240x128xf32, #tpu.memory_space<hbm>>) dst(%arg15 : memref<128x128xf32, #tpu.memory_space<vmem>>)
      %run_scoped3A_156 = arith.constant 39 : i32
      "tpu.region"() ({
        %run_scoped3A_163 = tpu.sem_alloc : memref<!tpu.dma_semaphore, #tpu.memory_space<semaphore_mem>>
        %dma_start3A_164 = arith.constant 0 : i32
        %dma_start3A_165 = tpu.memref_slice %arg13[%run_scoped3A_156, %dma_start3A_164] : memref<40x128xi32, #tpu.memory_space<vmem>> -> memref<1x128xi32, #tpu.memory_space<vmem>>
        %dma_start3A_166 = tpu.memref_squeeze %dma_start3A_165 : memref<1x128xi32, #tpu.memory_space<vmem>> -> memref<128xi32, #tpu.memory_space<vmem>>
        %dma_start3A_167 = arith.constant 0 : i32
        %dma_start3A_168 = arith.constant 0 : i32
        %dma_start3A_169 = tpu.memref_slice %arg16[%dma_start3A_167, %dma_start3A_168] : memref<10240x128xf32, #tpu.memory_space<vmem_shared>> -> memref<10240x128xf32, #tpu.memory_space<vmem_shared>>
        tpu.enqueue_indirect_dma source(%arg15 : memref<128x128xf32, #tpu.memory_space<vmem>>) target(%dma_start3A_169 : memref<10240x128xf32, #tpu.memory_space<vmem_shared>>) offsets(%dma_start3A_166 : memref<128xi32, #tpu.memory_space<vmem>>) semaphore(%run_scoped3A_163 : memref<!tpu.dma_semaphore, #tpu.memory_space<semaphore_mem>>) {add = true}
        %dma_wait3A_170 = arith.constant 0 : i32
        %dma_wait3A_171 = tpu.memref_slice %arg13[%run_scoped3A_156, %dma_wait3A_170] : memref<40x128xi32, #tpu.memory_space<vmem>> -> memref<1x128xi32, #tpu.memory_space<vmem>>
        %dma_wait3A_172 = tpu.memref_squeeze %dma_wait3A_171 : memref<1x128xi32, #tpu.memory_space<vmem>> -> memref<128xi32, #tpu.memory_space<vmem>>
        %dma_wait3A_173 = arith.constant 0 : i32
        %dma_wait3A_174 = arith.constant 0 : i32
        %dma_wait3A_175 = tpu.memref_slice %arg16[%dma_wait3A_173, %dma_wait3A_174] : memref<10240x128xf32, #tpu.memory_space<vmem_shared>> -> memref<10240x128xf32, #tpu.memory_space<vmem_shared>>
        tpu.wait_indirect_dma semaphore(%run_scoped3A_163 : memref<!tpu.dma_semaphore, #tpu.memory_space<semaphore_mem>>) src(%arg15 : memref<128x128xf32, #tpu.memory_space<vmem>>) dst(%dma_wait3A_175 : memref<10240x128xf32, #tpu.memory_space<vmem_shared>>)
        tpu.yield
      }) : () -> ()
      %barrier3A_157 = arith.constant 0 : index
      tpu.barrier barrier_id(%barrier3A_157)
      %mul3A_158 = arith.constant 640 : i32
      %mul3A_159 = arith.muli %arg1, %mul3A_158 : i32
      %mul3A_160 = arith.constant 640 : i32
      %mul3A_161 = arith.muli %arg1, %mul3A_160 : i32
      "tpu.region"() ({
        %run_scoped3A_163 = tpu.sem_alloc : memref<!tpu.dma_semaphore, #tpu.memory_space<semaphore_mem>>
        %dma_start3A_164 = arith.constant 0 : i32
        %dma_start3A_165 = tpu.memref_slice %arg11[%mul3A_161, %dma_start3A_164] : memref<10240x128xf32, #tpu.memory_space<hbm>> -> memref<640x128xf32, #tpu.memory_space<hbm>>
        %dma_start3A_166 = arith.constant 0 : i32
        %dma_start3A_167 = tpu.memref_slice %arg16[%mul3A_159, %dma_start3A_166] : memref<10240x128xf32, #tpu.memory_space<vmem_shared>> -> memref<640x128xf32, #tpu.memory_space<vmem_shared>>
        tpu.enqueue_dma source(%dma_start3A_167 : memref<640x128xf32, #tpu.memory_space<vmem_shared>>) target(%dma_start3A_165 : memref<640x128xf32, #tpu.memory_space<hbm>>) target_semaphore(%run_scoped3A_163 : memref<!tpu.dma_semaphore, #tpu.memory_space<semaphore_mem>>)
        %dma_wait3A_168 = arith.constant 0 : i32
        %dma_wait3A_169 = tpu.memref_slice %arg11[%mul3A_161, %dma_wait3A_168] : memref<10240x128xf32, #tpu.memory_space<hbm>> -> memref<640x128xf32, #tpu.memory_space<hbm>>
        %dma_wait3A_170 = arith.constant 0 : i32
        %dma_wait3A_171 = tpu.memref_slice %arg16[%mul3A_159, %dma_wait3A_170] : memref<10240x128xf32, #tpu.memory_space<vmem_shared>> -> memref<640x128xf32, #tpu.memory_space<vmem_shared>>
        tpu.wait_dma2 semaphore(%run_scoped3A_163 : memref<!tpu.dma_semaphore, #tpu.memory_space<semaphore_mem>>) src(%dma_wait3A_171 : memref<640x128xf32, #tpu.memory_space<vmem_shared>>) dst(%dma_wait3A_169 : memref<640x128xf32, #tpu.memory_space<hbm>>)
        tpu.yield
      }) : () -> ()
      %barrier3A_162 = arith.constant 0 : index
      tpu.barrier barrier_id(%barrier3A_162)
    } else {
    }
    return
  }
}

module attributes {stable_mosaic.version = 14 : i64} {
  func.func @_mm1_body(%arg0: i32, %arg1: memref<640x256xf32, #tpu.memory_space<vmem>>, %arg2: memref<256x512xf32, #tpu.memory_space<vmem>>, %arg3: memref<640x1xf32, #tpu.memory_space<vmem>>, %arg4: memref<640x1xf32, #tpu.memory_space<vmem>>, %arg5: memref<640x128xf32, #tpu.memory_space<vmem>>, %arg6: memref<640x128xf32, #tpu.memory_space<vmem>>, %arg7: memref<640x128xf32, #tpu.memory_space<vmem>>, %arg8: memref<640x128xf32, #tpu.memory_space<vmem>>, %arg9: memref<640x1xf32, #tpu.memory_space<vmem>>) attributes {dimension_semantics = [#tpu.dimension_semantics<arbitrary>], iteration_bounds = array<i64: 16>, scalar_prefetch = 0 : i64, scratch_operands = 0 : i64, tpu.core_type = #tpu.core_type<tc>, window_params = [{transform_indices = @transform_0, window_bounds = array<i64: 640, 256>}, {pipeline_mode = #tpu.pipeline_mode<synchronous>, transform_indices = @transform_1, window_bounds = array<i64: 256, 512>}, {transform_indices = @transform_2, window_bounds = array<i64: 640, 1>}, {transform_indices = @transform_3, window_bounds = array<i64: 640, 1>}, {transform_indices = @transform_4, window_bounds = array<i64: 640, 128>}, {transform_indices = @transform_5, window_bounds = array<i64: 640, 128>}, {transform_indices = @transform_6, window_bounds = array<i64: 640, 128>}, {transform_indices = @transform_7, window_bounds = array<i64: 640, 128>}, {transform_indices = @transform_8, window_bounds = array<i64: 640, 1>}]} {
    %get3A = arith.constant 0 : index
    %get3A_0 = arith.constant 0 : index
    %get3A_1 = vector.load %arg3[%get3A, %get3A_0] : memref<640x1xf32, #tpu.memory_space<vmem>>, vector<640x1xf32>
    %add3A = arith.constant 1.000000e+00 : f32
    %add3A_2 = vector.broadcast %add3A : f32 to vector<640x1xf32>
    %add3A_3 = arith.addf %add3A_2, %get3A_1 : vector<640x1xf32>
    %get3A_4 = arith.constant 0 : index
    %get3A_5 = arith.constant 0 : index
    %get3A_6 = vector.load %arg4[%get3A_4, %get3A_5] : memref<640x1xf32, #tpu.memory_space<vmem>>, vector<640x1xf32>
    %add3A_7 = arith.addf %add3A_3, %get3A_6 : vector<640x1xf32>
    %rsqrt3A = math.rsqrt %add3A_7 : vector<640x1xf32>
    %get3A_8 = arith.constant 0 : index
    %get3A_9 = arith.constant 0 : index
    %get3A_10 = vector.load %arg1[%get3A_8, %get3A_9] : memref<640x256xf32, #tpu.memory_space<vmem>>, vector<640x256xf32>
    %get3A_11 = arith.constant 0 : index
    %get3A_12 = arith.constant 0 : index
    %get3A_13 = vector.load %arg2[%get3A_11, %get3A_12] : memref<256x512xf32, #tpu.memory_space<vmem>>, vector<256x512xf32>
    %dot_general3A = arith.constant dense<0.000000e+00> : vector<640x512xf32>
    %dot_general3A_14 = tpu.matmul %get3A_10, %get3A_13, %dot_general3A {dimension_numbers = #tpu.dot_dimension_numbers<[1], [0], [0], [1], [0, 0, 1, 1], [], []>, transpose_lhs_hint = false} : vector<640x256xf32>, vector<256x512xf32>, vector<640x512xf32> -> vector<640x512xf32>
    %swap3A = arith.constant 0 : index
    %swap3A_15 = arith.constant 0 : index
    %swap3A_16 = vector.load %arg9[%swap3A, %swap3A_15] : memref<640x1xf32, #tpu.memory_space<vmem>>, vector<640x1xf32>
    tpu.vector_store %arg9[%swap3A, %swap3A_15], %rsqrt3A {strides = array<i32>} : memref<640x1xf32, #tpu.memory_space<vmem>>, vector<640x1xf32>,
    %slice3A = vector.extract_strided_slice %dot_general3A_14 {offsets = [0, 0], sizes = [640, 128], strides = [1, 1]} : vector<640x512xf32> to vector<640x128xf32>
    %mul3A = vector.broadcast %rsqrt3A : vector<640x1xf32> to vector<640x128xf32>
    %mul3A_17 = arith.mulf %mul3A, %slice3A : vector<640x128xf32>
    %swap3A_18 = arith.constant 0 : index
    %swap3A_19 = arith.constant 0 : index
    %swap3A_20 = vector.load %arg5[%swap3A_18, %swap3A_19] : memref<640x128xf32, #tpu.memory_space<vmem>>, vector<640x128xf32>
    tpu.vector_store %arg5[%swap3A_18, %swap3A_19], %mul3A_17 {strides = array<i32>} : memref<640x128xf32, #tpu.memory_space<vmem>>, vector<640x128xf32>,
    %slice3A_21 = vector.extract_strided_slice %dot_general3A_14 {offsets = [0, 128], sizes = [640, 128], strides = [1, 1]} : vector<640x512xf32> to vector<640x128xf32>
    %mul3A_22 = vector.broadcast %rsqrt3A : vector<640x1xf32> to vector<640x128xf32>
    %mul3A_23 = arith.mulf %mul3A_22, %slice3A_21 : vector<640x128xf32>
    %swap3A_24 = arith.constant 0 : index
    %swap3A_25 = arith.constant 0 : index
    %swap3A_26 = vector.load %arg6[%swap3A_24, %swap3A_25] : memref<640x128xf32, #tpu.memory_space<vmem>>, vector<640x128xf32>
    tpu.vector_store %arg6[%swap3A_24, %swap3A_25], %mul3A_23 {strides = array<i32>} : memref<640x128xf32, #tpu.memory_space<vmem>>, vector<640x128xf32>,
    %slice3A_27 = vector.extract_strided_slice %dot_general3A_14 {offsets = [0, 256], sizes = [640, 128], strides = [1, 1]} : vector<640x512xf32> to vector<640x128xf32>
    %mul3A_28 = vector.broadcast %rsqrt3A : vector<640x1xf32> to vector<640x128xf32>
    %mul3A_29 = arith.mulf %mul3A_28, %slice3A_27 : vector<640x128xf32>
    %swap3A_30 = arith.constant 0 : index
    %swap3A_31 = arith.constant 0 : index
    %swap3A_32 = vector.load %arg7[%swap3A_30, %swap3A_31] : memref<640x128xf32, #tpu.memory_space<vmem>>, vector<640x128xf32>
    tpu.vector_store %arg7[%swap3A_30, %swap3A_31], %mul3A_29 {strides = array<i32>} : memref<640x128xf32, #tpu.memory_space<vmem>>, vector<640x128xf32>,
    %slice3A_33 = vector.extract_strided_slice %dot_general3A_14 {offsets = [0, 384], sizes = [640, 128], strides = [1, 1]} : vector<640x512xf32> to vector<640x128xf32>
    %mul3A_34 = vector.broadcast %rsqrt3A : vector<640x1xf32> to vector<640x128xf32>
    %mul3A_35 = arith.mulf %mul3A_34, %slice3A_33 : vector<640x128xf32>
    %swap3A_36 = arith.constant 0 : index
    %swap3A_37 = arith.constant 0 : index
    %swap3A_38 = vector.load %arg8[%swap3A_36, %swap3A_37] : memref<640x128xf32, #tpu.memory_space<vmem>>, vector<640x128xf32>
    tpu.vector_store %arg8[%swap3A_36, %swap3A_37], %mul3A_35 {strides = array<i32>} : memref<640x128xf32, #tpu.memory_space<vmem>>, vector<640x128xf32>,
    return
  }
  func.func @transform_0(%arg0: i32) -> (i32, i32) {
    %c0_i32 = arith.constant 0 : i32
    %c0_i32_0 = arith.constant 0 : i32
    return %arg0, %c0_i32 : i32, i32
  }
  func.func @transform_1(%arg0: i32) -> (i32, i32) {
    %c0_i32 = arith.constant 0 : i32
    %c0_i32_0 = arith.constant 0 : i32
    %c0_i32_1 = arith.constant 0 : i32
    return %c0_i32, %c0_i32_0 : i32, i32
  }
  func.func @transform_2(%arg0: i32) -> (i32, i32) {
    %c0_i32 = arith.constant 0 : i32
    %c0_i32_0 = arith.constant 0 : i32
    return %arg0, %c0_i32 : i32, i32
  }
  func.func @transform_3(%arg0: i32) -> (i32, i32) {
    %c0_i32 = arith.constant 0 : i32
    %c0_i32_0 = arith.constant 0 : i32
    return %arg0, %c0_i32 : i32, i32
  }
  func.func @transform_4(%arg0: i32) -> (i32, i32) {
    %c0_i32 = arith.constant 0 : i32
    %c0_i32_0 = arith.constant 0 : i32
    return %arg0, %c0_i32 : i32, i32
  }
  func.func @transform_5(%arg0: i32) -> (i32, i32) {
    %c0_i32 = arith.constant 0 : i32
    %c0_i32_0 = arith.constant 0 : i32
    return %arg0, %c0_i32 : i32, i32
  }
  func.func @transform_6(%arg0: i32) -> (i32, i32) {
    %c0_i32 = arith.constant 0 : i32
    %c0_i32_0 = arith.constant 0 : i32
    return %arg0, %c0_i32 : i32, i32
  }
  func.func @transform_7(%arg0: i32) -> (i32, i32) {
    %c0_i32 = arith.constant 0 : i32
    %c0_i32_0 = arith.constant 0 : i32
    return %arg0, %c0_i32 : i32, i32
  }
  func.func @transform_8(%arg0: i32) -> (i32, i32) {
    %c0_i32 = arith.constant 0 : i32
    %c0_i32_0 = arith.constant 0 : i32
    return %arg0, %c0_i32 : i32, i32
  }
}

module attributes {stable_mosaic.version = 14 : i64} {
  func.func @_mm2_body(%arg0: i32, %arg1: memref<640x128xf32, #tpu.memory_space<vmem>>, %arg2: memref<640x128xf32, #tpu.memory_space<vmem>>, %arg3: memref<640x128xf32, #tpu.memory_space<vmem>>, %arg4: memref<640x128xf32, #tpu.memory_space<vmem>>, %arg5: memref<640x1xf32, #tpu.memory_space<vmem>>, %arg6: memref<512x256xf32, #tpu.memory_space<vmem>>, %arg7: memref<640x128xf32, #tpu.memory_space<vmem>>, %arg8: memref<640x128xf32, #tpu.memory_space<vmem>>) attributes {dimension_semantics = [#tpu.dimension_semantics<arbitrary>], iteration_bounds = array<i64: 16>, scalar_prefetch = 0 : i64, scratch_operands = 0 : i64, tpu.core_type = #tpu.core_type<tc>, window_params = [{transform_indices = @transform_0, window_bounds = array<i64: 640, 128>}, {transform_indices = @transform_1, window_bounds = array<i64: 640, 128>}, {transform_indices = @transform_2, window_bounds = array<i64: 640, 128>}, {transform_indices = @transform_3, window_bounds = array<i64: 640, 128>}, {transform_indices = @transform_4, window_bounds = array<i64: 640, 1>}, {pipeline_mode = #tpu.pipeline_mode<synchronous>, transform_indices = @transform_5, window_bounds = array<i64: 512, 256>}, {transform_indices = @transform_6, window_bounds = array<i64: 640, 128>}, {transform_indices = @transform_7, window_bounds = array<i64: 640, 128>}]} {
    %get3A = arith.constant 0 : index
    %get3A_0 = arith.constant 0 : index
    %get3A_1 = vector.load %arg5[%get3A, %get3A_0] : memref<640x1xf32, #tpu.memory_space<vmem>>, vector<640x1xf32>
    %broadcast_in_dim3A = arith.constant 0.000000e+00 : f32
    %broadcast_in_dim3A_2 = vector.broadcast %broadcast_in_dim3A : f32 to vector<640x256xf32>
    %get3A_3 = arith.constant 0 : index
    %get3A_4 = arith.constant 0 : index
    %get3A_5 = vector.load %arg1[%get3A_3, %get3A_4] : memref<640x128xf32, #tpu.memory_space<vmem>>, vector<640x128xf32>
    %mul3A = vector.broadcast %get3A_1 : vector<640x1xf32> to vector<640x128xf32>
    %mul3A_6 = arith.mulf %mul3A, %get3A_5 : vector<640x128xf32>
    %max3A = arith.constant 0.000000e+00 : f32
    %max3A_7 = vector.broadcast %max3A : f32 to vector<640x128xf32>
    %max3A_8 = arith.maximumf %mul3A_6, %max3A_7 : vector<640x128xf32>
    %get3A_9 = arith.constant 0 : index
    %get3A_10 = arith.constant 0 : index
    %get3A_11 = vector.load %arg6[%get3A_9, %get3A_10] : memref<512x256xf32, #tpu.memory_space<vmem>>, vector<512x256xf32>
    %slice3A = vector.extract_strided_slice %get3A_11 {offsets = [0, 0], sizes = [128, 256], strides = [1, 1]} : vector<512x256xf32> to vector<128x256xf32>
    %dot_general3A = arith.constant dense<0.000000e+00> : vector<640x256xf32>
    %dot_general3A_12 = tpu.matmul %max3A_8, %slice3A, %dot_general3A {dimension_numbers = #tpu.dot_dimension_numbers<[1], [0], [0], [1], [0, 0, 1, 1], [], []>, transpose_lhs_hint = false} : vector<640x128xf32>, vector<128x256xf32>, vector<640x256xf32> -> vector<640x256xf32>
    %add3A = arith.addf %broadcast_in_dim3A_2, %dot_general3A_12 : vector<640x256xf32>
    %get3A_13 = arith.constant 0 : index
    %get3A_14 = arith.constant 0 : index
    %get3A_15 = vector.load %arg2[%get3A_13, %get3A_14] : memref<640x128xf32, #tpu.memory_space<vmem>>, vector<640x128xf32>
    %mul3A_16 = vector.broadcast %get3A_1 : vector<640x1xf32> to vector<640x128xf32>
    %mul3A_17 = arith.mulf %mul3A_16, %get3A_15 : vector<640x128xf32>
    %max3A_18 = arith.constant 0.000000e+00 : f32
    %max3A_19 = vector.broadcast %max3A_18 : f32 to vector<640x128xf32>
    %max3A_20 = arith.maximumf %mul3A_17, %max3A_19 : vector<640x128xf32>
    %get3A_21 = arith.constant 0 : index
    %get3A_22 = arith.constant 0 : index
    %get3A_23 = vector.load %arg6[%get3A_21, %get3A_22] : memref<512x256xf32, #tpu.memory_space<vmem>>, vector<512x256xf32>
    %slice3A_24 = vector.extract_strided_slice %get3A_23 {offsets = [128, 0], sizes = [128, 256], strides = [1, 1]} : vector<512x256xf32> to vector<128x256xf32>
    %dot_general3A_25 = arith.constant dense<0.000000e+00> : vector<640x256xf32>
    %dot_general3A_26 = tpu.matmul %max3A_20, %slice3A_24, %dot_general3A_25 {dimension_numbers = #tpu.dot_dimension_numbers<[1], [0], [0], [1], [0, 0, 1, 1], [], []>, transpose_lhs_hint = false} : vector<640x128xf32>, vector<128x256xf32>, vector<640x256xf32> -> vector<640x256xf32>
    %add3A_27 = arith.addf %add3A, %dot_general3A_26 : vector<640x256xf32>
    %get3A_28 = arith.constant 0 : index
    %get3A_29 = arith.constant 0 : index
    %get3A_30 = vector.load %arg3[%get3A_28, %get3A_29] : memref<640x128xf32, #tpu.memory_space<vmem>>, vector<640x128xf32>
    %mul3A_31 = vector.broadcast %get3A_1 : vector<640x1xf32> to vector<640x128xf32>
    %mul3A_32 = arith.mulf %mul3A_31, %get3A_30 : vector<640x128xf32>
    %max3A_33 = arith.constant 0.000000e+00 : f32
    %max3A_34 = vector.broadcast %max3A_33 : f32 to vector<640x128xf32>
    %max3A_35 = arith.maximumf %mul3A_32, %max3A_34 : vector<640x128xf32>
    %get3A_36 = arith.constant 0 : index
    %get3A_37 = arith.constant 0 : index
    %get3A_38 = vector.load %arg6[%get3A_36, %get3A_37] : memref<512x256xf32, #tpu.memory_space<vmem>>, vector<512x256xf32>
    %slice3A_39 = vector.extract_strided_slice %get3A_38 {offsets = [256, 0], sizes = [128, 256], strides = [1, 1]} : vector<512x256xf32> to vector<128x256xf32>
    %dot_general3A_40 = arith.constant dense<0.000000e+00> : vector<640x256xf32>
    %dot_general3A_41 = tpu.matmul %max3A_35, %slice3A_39, %dot_general3A_40 {dimension_numbers = #tpu.dot_dimension_numbers<[1], [0], [0], [1], [0, 0, 1, 1], [], []>, transpose_lhs_hint = false} : vector<640x128xf32>, vector<128x256xf32>, vector<640x256xf32> -> vector<640x256xf32>
    %add3A_42 = arith.addf %add3A_27, %dot_general3A_41 : vector<640x256xf32>
    %get3A_43 = arith.constant 0 : index
    %get3A_44 = arith.constant 0 : index
    %get3A_45 = vector.load %arg4[%get3A_43, %get3A_44] : memref<640x128xf32, #tpu.memory_space<vmem>>, vector<640x128xf32>
    %mul3A_46 = vector.broadcast %get3A_1 : vector<640x1xf32> to vector<640x128xf32>
    %mul3A_47 = arith.mulf %mul3A_46, %get3A_45 : vector<640x128xf32>
    %max3A_48 = arith.constant 0.000000e+00 : f32
    %max3A_49 = vector.broadcast %max3A_48 : f32 to vector<640x128xf32>
    %max3A_50 = arith.maximumf %mul3A_47, %max3A_49 : vector<640x128xf32>
    %get3A_51 = arith.constant 0 : index
    %get3A_52 = arith.constant 0 : index
    %get3A_53 = vector.load %arg6[%get3A_51, %get3A_52] : memref<512x256xf32, #tpu.memory_space<vmem>>, vector<512x256xf32>
    %slice3A_54 = vector.extract_strided_slice %get3A_53 {offsets = [384, 0], sizes = [128, 256], strides = [1, 1]} : vector<512x256xf32> to vector<128x256xf32>
    %dot_general3A_55 = arith.constant dense<0.000000e+00> : vector<640x256xf32>
    %dot_general3A_56 = tpu.matmul %max3A_50, %slice3A_54, %dot_general3A_55 {dimension_numbers = #tpu.dot_dimension_numbers<[1], [0], [0], [1], [0, 0, 1, 1], [], []>, transpose_lhs_hint = false} : vector<640x128xf32>, vector<128x256xf32>, vector<640x256xf32> -> vector<640x256xf32>
    %add3A_57 = arith.addf %add3A_42, %dot_general3A_56 : vector<640x256xf32>
    %slice3A_58 = vector.extract_strided_slice %add3A_57 {offsets = [0, 0], sizes = [640, 128], strides = [1, 1]} : vector<640x256xf32> to vector<640x128xf32>
    %mul3A_59 = vector.broadcast %get3A_1 : vector<640x1xf32> to vector<640x128xf32>
    %mul3A_60 = arith.mulf %mul3A_59, %slice3A_58 : vector<640x128xf32>
    %swap3A = arith.constant 0 : index
    %swap3A_61 = arith.constant 0 : index
    %swap3A_62 = vector.load %arg7[%swap3A, %swap3A_61] : memref<640x128xf32, #tpu.memory_space<vmem>>, vector<640x128xf32>
    tpu.vector_store %arg7[%swap3A, %swap3A_61], %mul3A_60 {strides = array<i32>} : memref<640x128xf32, #tpu.memory_space<vmem>>, vector<640x128xf32>,
    %slice3A_63 = vector.extract_strided_slice %add3A_57 {offsets = [0, 128], sizes = [640, 128], strides = [1, 1]} : vector<640x256xf32> to vector<640x128xf32>
    %mul3A_64 = vector.broadcast %get3A_1 : vector<640x1xf32> to vector<640x128xf32>
    %mul3A_65 = arith.mulf %mul3A_64, %slice3A_63 : vector<640x128xf32>
    %swap3A_66 = arith.constant 0 : index
    %swap3A_67 = arith.constant 0 : index
    %swap3A_68 = vector.load %arg8[%swap3A_66, %swap3A_67] : memref<640x128xf32, #tpu.memory_space<vmem>>, vector<640x128xf32>
    tpu.vector_store %arg8[%swap3A_66, %swap3A_67], %mul3A_65 {strides = array<i32>} : memref<640x128xf32, #tpu.memory_space<vmem>>, vector<640x128xf32>,
    return
  }
  func.func @transform_0(%arg0: i32) -> (i32, i32) {
    %c0_i32 = arith.constant 0 : i32
    %c0_i32_0 = arith.constant 0 : i32
    return %arg0, %c0_i32 : i32, i32
  }
  func.func @transform_1(%arg0: i32) -> (i32, i32) {
    %c0_i32 = arith.constant 0 : i32
    %c0_i32_0 = arith.constant 0 : i32
    return %arg0, %c0_i32 : i32, i32
  }
  func.func @transform_2(%arg0: i32) -> (i32, i32) {
    %c0_i32 = arith.constant 0 : i32
    %c0_i32_0 = arith.constant 0 : i32
    return %arg0, %c0_i32 : i32, i32
  }
  func.func @transform_3(%arg0: i32) -> (i32, i32) {
    %c0_i32 = arith.constant 0 : i32
    %c0_i32_0 = arith.constant 0 : i32
    return %arg0, %c0_i32 : i32, i32
  }
  func.func @transform_4(%arg0: i32) -> (i32, i32) {
    %c0_i32 = arith.constant 0 : i32
    %c0_i32_0 = arith.constant 0 : i32
    return %arg0, %c0_i32 : i32, i32
  }
  func.func @transform_5(%arg0: i32) -> (i32, i32) {
    %c0_i32 = arith.constant 0 : i32
    %c0_i32_0 = arith.constant 0 : i32
    %c0_i32_1 = arith.constant 0 : i32
    return %c0_i32, %c0_i32_0 : i32, i32
  }
  func.func @transform_6(%arg0: i32) -> (i32, i32) {
    %c0_i32 = arith.constant 0 : i32
    %c0_i32_0 = arith.constant 0 : i32
    return %arg0, %c0_i32 : i32, i32
  }
  func.func @transform_7(%arg0: i32) -> (i32, i32) {
    %c0_i32 = arith.constant 0 : i32
    %c0_i32_0 = arith.constant 0 : i32
    return %arg0, %c0_i32 : i32, i32
  }
}

module attributes {stable_mosaic.version = 14 : i64} {
  func.func @_final_body(%arg0: i32, %arg1: memref<80x256xf32, #tpu.memory_space<vmem>>, %arg2: memref<256x256xf32, #tpu.memory_space<vmem>>, %arg3: memref<80x128xf32, #tpu.memory_space<vmem>>, %arg4: memref<80x128xf32, #tpu.memory_space<vmem>>, %arg5: memref<80x1xf32, #tpu.memory_space<vmem>>, %arg6: memref<1x1xf32, #tpu.memory_space<vmem>>, %arg7: memref<80x256xf32, #tpu.memory_space<vmem>>) attributes {dimension_semantics = [#tpu.dimension_semantics<arbitrary>], iteration_bounds = array<i64: 125>, scalar_prefetch = 0 : i64, scratch_operands = 0 : i64, tpu.core_type = #tpu.core_type<tc>, window_params = [{transform_indices = @transform_0, window_bounds = array<i64: 80, 256>}, {pipeline_mode = #tpu.pipeline_mode<synchronous>, transform_indices = @transform_1, window_bounds = array<i64: 256, 256>}, {transform_indices = @transform_2, window_bounds = array<i64: 80, 128>}, {transform_indices = @transform_3, window_bounds = array<i64: 80, 128>}, {transform_indices = @transform_4, window_bounds = array<i64: 80, 1>}, {pipeline_mode = #tpu.pipeline_mode<synchronous>, transform_indices = @transform_5, window_bounds = array<i64: 1, 1>}, {transform_indices = @transform_6, window_bounds = array<i64: 80, 256>}]} {
    %get3A = arith.constant 0 : index
    %get3A_0 = arith.constant 0 : index
    %get3A_1 = vector.load %arg1[%get3A, %get3A_0] : memref<80x256xf32, #tpu.memory_space<vmem>>, vector<80x256xf32>
    %get3A_2 = arith.constant 0 : index
    %get3A_3 = arith.constant 0 : index
    %get3A_4 = vector.load %arg2[%get3A_2, %get3A_3] : memref<256x256xf32, #tpu.memory_space<vmem>>, vector<256x256xf32>
    %dot_general3A = arith.constant dense<0.000000e+00> : vector<80x256xf32>
    %dot_general3A_5 = tpu.matmul %get3A_1, %get3A_4, %dot_general3A {dimension_numbers = #tpu.dot_dimension_numbers<[1], [1], [0], [0], [0, 0, 1, 0], [], []>, transpose_lhs_hint = false} : vector<80x256xf32>, vector<256x256xf32>, vector<80x256xf32> -> vector<80x256xf32>
    %get3A_6 = arith.constant 0 : index
    %get3A_7 = arith.constant 0 : index
    %get3A_8 = vector.load %arg5[%get3A_6, %get3A_7] : memref<80x1xf32, #tpu.memory_space<vmem>>, vector<80x1xf32>
    %get3A_9 = arith.constant 0 : index
    %get3A_10 = arith.constant 0 : index
    %get3A_11 = vector.load %arg3[%get3A_9, %get3A_10] : memref<80x128xf32, #tpu.memory_space<vmem>>, vector<80x128xf32>
    %mul3A = vector.broadcast %get3A_8 : vector<80x1xf32> to vector<80x128xf32>
    %mul3A_12 = arith.mulf %mul3A, %get3A_11 : vector<80x128xf32>
    %get3A_13 = arith.constant 0 : index
    %get3A_14 = arith.constant 0 : index
    %get3A_15 = vector.load %arg4[%get3A_13, %get3A_14] : memref<80x128xf32, #tpu.memory_space<vmem>>, vector<80x128xf32>
    %mul3A_16 = vector.broadcast %get3A_8 : vector<80x1xf32> to vector<80x128xf32>
    %mul3A_17 = arith.mulf %mul3A_16, %get3A_15 : vector<80x128xf32>
    %concatenate3A = tpu.concatenate %mul3A_12, %mul3A_17 in 1 : vector<80x128xf32>, vector<80x128xf32> -> vector<80x256xf32>
    %get3A_18 = arith.constant 0 : index
    %get3A_19 = arith.constant 0 : index
    %get3A_20 = vector.load %arg6[%get3A_18, %get3A_19] : memref<1x1xf32, #tpu.memory_space<vmem>>, vector<1x1xf32>
    %mul3A_21 = vector.broadcast %get3A_20 : vector<1x1xf32> to vector<80x256xf32>
    %mul3A_22 = arith.mulf %concatenate3A, %mul3A_21 : vector<80x256xf32>
    %sub3A = arith.constant 1.000000e+00 : f32
    %sub3A_23 = vector.broadcast %sub3A : f32 to vector<1x1xf32>
    %sub3A_24 = arith.subf %sub3A_23, %get3A_20 : vector<1x1xf32>
    %mul3A_25 = vector.broadcast %sub3A_24 : vector<1x1xf32> to vector<80x256xf32>
    %mul3A_26 = arith.mulf %dot_general3A_5, %mul3A_25 : vector<80x256xf32>
    %add3A = arith.addf %mul3A_22, %mul3A_26 : vector<80x256xf32>
    %reduce_max3A = arith.constant dense<0xFF800000> : vector<80xf32>
    %reduce_max3A_27 = vector.multi_reduction <maximumf>, %add3A, %reduce_max3A [1] : vector<80x256xf32> to vector<80xf32>
    %broadcast_in_dim3A = vector.shape_cast %reduce_max3A_27 : vector<80xf32> to vector<80x1xf32>
    %sub3A_28 = vector.broadcast %broadcast_in_dim3A : vector<80x1xf32> to vector<80x256xf32>
    %sub3A_29 = arith.subf %add3A, %sub3A_28 : vector<80x256xf32>
    %exp3A = math.exp %sub3A_29 : vector<80x256xf32>
    %reduce_sum3A = arith.constant dense<0.000000e+00> : vector<80xf32>
    %reduce_sum3A_30 = vector.multi_reduction <add>, %exp3A, %reduce_sum3A [1] : vector<80x256xf32> to vector<80xf32>
    %broadcast_in_dim3A_31 = vector.shape_cast %reduce_sum3A_30 : vector<80xf32> to vector<80x1xf32>
    %log3A = math.log %broadcast_in_dim3A_31 : vector<80x1xf32>
    %add3A_32 = arith.addf %log3A, %broadcast_in_dim3A : vector<80x1xf32>
    %sub3A_33 = vector.broadcast %add3A_32 : vector<80x1xf32> to vector<80x256xf32>
    %sub3A_34 = arith.subf %add3A, %sub3A_33 : vector<80x256xf32>
    %swap3A = arith.constant 0 : index
    %swap3A_35 = arith.constant 0 : index
    %swap3A_36 = vector.load %arg7[%swap3A, %swap3A_35] : memref<80x256xf32, #tpu.memory_space<vmem>>, vector<80x256xf32>
    tpu.vector_store %arg7[%swap3A, %swap3A_35], %sub3A_34 {strides = array<i32>} : memref<80x256xf32, #tpu.memory_space<vmem>>, vector<80x256xf32>,
    return
  }
  func.func @transform_0(%arg0: i32) -> (i32, i32) {
    %c0_i32 = arith.constant 0 : i32
    %c0_i32_0 = arith.constant 0 : i32
    return %arg0, %c0_i32 : i32, i32
  }
  func.func @transform_1(%arg0: i32) -> (i32, i32) {
    %c0_i32 = arith.constant 0 : i32
    %c0_i32_0 = arith.constant 0 : i32
    %c0_i32_1 = arith.constant 0 : i32
    return %c0_i32, %c0_i32_0 : i32, i32
  }
  func.func @transform_2(%arg0: i32) -> (i32, i32) {
    %c0_i32 = arith.constant 0 : i32
    %c0_i32_0 = arith.constant 0 : i32
    return %arg0, %c0_i32 : i32, i32
  }
  func.func @transform_3(%arg0: i32) -> (i32, i32) {
    %c0_i32 = arith.constant 0 : i32
    %c0_i32_0 = arith.constant 0 : i32
    return %arg0, %c0_i32 : i32, i32
  }
  func.func @transform_4(%arg0: i32) -> (i32, i32) {
    %c0_i32 = arith.constant 0 : i32
    %c0_i32_0 = arith.constant 0 : i32
    return %arg0, %c0_i32 : i32, i32
  }
  func.func @transform_5(%arg0: i32) -> (i32, i32) {
    %c0_i32 = arith.constant 0 : i32
    %c0_i32_0 = arith.constant 0 : i32
    %c0_i32_1 = arith.constant 0 : i32
    return %c0_i32, %c0_i32_0 : i32, i32
  }
  func.func @transform_6(%arg0: i32) -> (i32, i32) {
    %c0_i32 = arith.constant 0 : i32
    %c0_i32_0 = arith.constant 0 : i32
    return %arg0, %c0_i32 : i32, i32
  }
}

</mosaic_0001>

<sc_bundles>
// kernel: kernel.11.cloned.1.call-start
scs
__scs_entry_jumppad:
0x0: {  	(pc) =	sbr.rel $0x88, $3  }
0x1: {  	(tag) =	ssettag $0x0;
	lr =	simm.s32 $0x1  }
0x2: {  	[smem:$0x3F9B] =	sst lr;
	_ =	strace $0xD0000000  }
0x3: {  	_ = 	snop  }
0x4: {  	_ = 	snop  }
0x5: {  	_ = 	snop  }
0x6: {  	_ = 	snop  }
0x7: {  	_ = 	snop  }
__scs_overlays_trampoline_lowered:
0x8: {  	[smem:$0x3FAA] =	sst s0  }
0x9: {  	[smem:$0x3FAB] =	sst s1  }
0xa: {  	[smem:$0x3FAC] =	sst s2  }
0xb: {  	[smem:$0x3FAD] =	sst s3  }
0xc: {  	[smem:$0x3FAE] =	sst s4  }
0xd: {  	[smem:$0x3FAF] =	sst s5  }
0xe: {  	[smem:$0x3FB0] =	sst s6  }
0xf: {  	[smem:$0x3FB1] =	sst s7  }
0x10: {  	[smem:$0x3FB2] =	sst s8  }
0x11: {  	[smem:$0x3FB3] =	sst s9;
	s0 =	simm.s32 @!p0 $0x0  }
0x12: {  	s1 =	sld [smem:$0x3F99];
	s0 =	simm.s32 @p0 $0x1  }
0x13: {  	[smem:$0x3FB4] =	sst s0;
	s0 =	simm.s32 @!p1 $0x0  }
0x14: {  	s2 =	sld [smem:$0x3F98];
	s0 =	simm.s32 @p1 $0x1  }
0x15: {  	[smem:$0x3FB5] =	sst s0;
	s0 =	simm.s32 @!p2 $0x0  }
0x16: {  	s3 =	sld [smem:$0x3FDB];
	s0 =	simm.s32 @p2 $0x1  }
0x17: {  	s4 =	simm.s32 $0x1BF5;
	[smem:$0x3FB7] =	sst s0  }
0x18: {  	s0 =	sld [smem:$0x3F9A];
	_ =	swait.ge [sflag:s4], $0x0  }
0x19: {  	s7 =	sld [smem:$0x3F9B]  }
0x1a: {  	s8 =	sadd.s32 $0xFFFFE003, lr  }
0x1b: {  	s9 =	sadd.s32 $0xFFFFFEF7, lr;
	s5 =	simm.s32 $0xFFFFFFFF;
	p2 =	slt.u32 s8, $0xFFFFF086  }
0x1c: {  	p1 =	slt.u32 s9, $0xF7A;
	s5 =	simm.s32 @!p2 $0x0  }
0x1d: {  	s5 =	simm.s32 @p1 $0x1;
	p0 =	seq.s32 s7, s2  }
0x1e: {  	s7 =	smul.u32 @!p0 $0xF7A, s2;
	p2 =	seq.s32 @!p0 s5, $0x0  }
0x1f: {  	s9 =	smul.u32 $0xF7A, s1;
	s8 =	simm.s32 @!p0 $0x1BF5;
	p2 =	por !p2, p0  }
0x20: {  	[sflag:s8] =	ssyncset.s32 @!p0 $0xFFFFF086;
	s6 =	sadd.s32 @!p0 s3, s7;
	s7 =	simm.s32 @!p0 $0x108  }
0x21: {  	s3 =	sadd.s32 s3, s9;
	s6 =	sadd.s32 @!p0 $0x88, s6;
	s7 =	simm.s32 @p2 $0x1082  }
0x22: {  	[simem:s7], [sflag:s8] =	dma.local @!p0 [hbm:s6], $0xF7A  }
0x23: {  	s9 =	sor.u32 $0xD0000000, s2;
	s6 =	simm.s32 $0x108;
	_ =	swait.ge @!p0 [sflag:s8], $0x0  }
0x24: {  	s3 =	sadd.s32 $0x88, s3;
	s6 =	simm.s32 @!p1 $0x1082;
	[sflag:s4] =	ssyncset.s32 $0xFFFFF086  }
0x25: {  	[simem:s6], [sflag:s4] =	dma.local [hbm:s3], $0xF7A  }
0x26: {  	[smem:$0x3F9B] =	sst s1;
	(tag) =	ssettag s2;
	_ =	strace s9  }
0x27: {  	s1 =	sld [smem:$0x3FAB]  }
0x28: {  	s2 =	sld [smem:$0x3FAC]  }
0x29: {  	s4 =	sld [smem:$0x3FAE]  }
0x2a: {  	p0 =	seq.s32 s5, $0x0;
	s5 =	sld [smem:$0x3FAF]  }
0x2b: {  	s6 =	sld [smem:$0x3FB0]  }
0x2c: {  	s7 =	sld [smem:$0x3FB1]  }
0x2d: {  	s3 =	simm.s32 $0x108;
	s8 =	sld [smem:$0x3FB2]  }
0x2e: {  	s3 =	simm.s32 @!p0 $0x1082;
	s9 =	sld [smem:$0x3FB3]  }
0x2f: {  	lr =	sadd.s32 s0, s3;
	s0 =	sld [smem:$0x3FAA]  }
0x30: {  	s3 =	sld [smem:$0x3FAD]  }
0x31: {  	[smem:$0x3FB6] =	sst s10  }
0x32: {  	s10 =	sld [smem:$0x3FB4];
	_ =	sdelay $0x3  }
0x33: {  	p0 =	seq.s32 s10, $0x1;
	s10 =	sld [smem:$0x3FB6];
	_ =	sdelay $0x3  }
0x34: {  	[smem:$0x3FB6] =	sst s10  }
0x35: {  	s10 =	sld [smem:$0x3FB5];
	_ =	sdelay $0x3  }
0x36: {  	p1 =	seq.s32 s10, $0x1;
	s10 =	sld [smem:$0x3FB6];
	_ =	sdelay $0x3  }
0x37: {  	[smem:$0x3FB6] =	sst s10  }
0x38: {  	s10 =	sld [smem:$0x3FB7]  }
0x39: {  	_ = 	snop;
	(pc) =	sbr.ind lr, $3  }
0x3a: {  	_ = 	snop  }
0x3b: {  	_ = 	snop  }
0x3c: {  	p2 =	seq.s32 s10, $0x1;
	s10 =	sld [smem:$0x3FB6]  }
0x3d: {  	_ =	shalt  }
0x3e: {  	_ =	shalt  }
0x3f: {  	_ =	shalt  }
0x40: {  	_ =	shalt  }
0x41: {  	_ =	shalt  }
0x42: {  	_ =	shalt  }
0x43: {  	_ =	shalt  }
0x44: {  	_ =	shalt  }
0x45: {  	_ =	shalt  }
0x46: {  	_ =	shalt  }
0x47: {  	_ =	shalt  }
0x48: {  	_ =	shalt  }
0x49: {  	_ =	shalt  }
0x4a: {  	_ =	shalt  }
0x4b: {  	_ =	shalt  }
0x4c: {  	_ =	shalt  }
0x4d: {  	_ =	shalt  }
0x4e: {  	_ =	shalt  }
0x4f: {  	_ =	shalt  }
0x50: {  	_ =	shalt  }
0x51: {  	_ =	shalt  }
0x52: {  	_ =	shalt  }
0x53: {  	_ =	shalt  }
0x54: {  	_ =	shalt  }
0x55: {  	_ =	shalt  }
0x56: {  	_ =	shalt  }
0x57: {  	_ =	shalt  }
0x58: {  	_ =	shalt  }
0x59: {  	_ =	shalt  }
0x5a: {  	_ =	shalt  }
0x5b: {  	_ =	shalt  }
0x5c: {  	_ =	shalt  }
0x5d: {  	_ =	shalt  }
0x5e: {  	_ =	shalt  }
0x5f: {  	_ =	shalt  }
0x60: {  	_ =	shalt  }
0x61: {  	_ =	shalt  }
0x62: {  	_ =	shalt  }
0x63: {  	_ =	shalt  }
0x64: {  	_ =	shalt  }
0x65: {  	_ =	shalt  }
0x66: {  	_ =	shalt  }
0x67: {  	_ =	shalt  }
0x68: {  	_ =	shalt  }
0x69: {  	_ =	shalt  }
0x6a: {  	_ =	shalt  }
0x6b: {  	_ =	shalt  }
0x6c: {  	_ =	shalt  }
0x6d: {  	_ =	shalt  }
0x6e: {  	_ =	shalt  }
0x6f: {  	_ =	shalt  }
0x70: {  	_ =	shalt  }
0x71: {  	_ =	shalt  }
0x72: {  	_ =	shalt  }
0x73: {  	_ =	shalt  }
0x74: {  	_ =	shalt  }
0x75: {  	_ =	shalt  }
0x76: {  	_ =	shalt  }
0x77: {  	_ =	shalt  }
0x78: {  	_ =	shalt  }
0x79: {  	_ =	shalt  }
0x7a: {  	_ =	shalt  }
0x7b: {  	_ =	shalt  }
0x7c: {  	_ =	shalt  }
0x7d: {  	_ =	shalt  }
0x7e: {  	_ =	shalt  }
0x7f: {  	_ =	shalt  }
0x80: {  	_ =	shalt  }
0x81: {  	_ =	shalt  }
0x82: {  	_ =	shalt  }
0x83: {  	_ =	shalt  }
0x84: {  	_ =	shalt  }
0x85: {  	_ =	shalt  }
0x86: {  	_ =	shalt  }
0x87: {  	_ =	shalt  }
.Lfunc_end0:
.L_simem_size_0:
called_computation.1_lowered:
.L_overlay_start_0:
0x88: {  	s2 =	sld [smem:$0x3FD9]  }
0x89: {  	s3 =	sld [smem:$0x3FFE];
	_ =	sdelay $0x1  }
0x8a: {  	s1 =	srdreg.scid  }
0x8b: {  	s0 =	sand.u32 $0x1, s1  }
0x8c: {  	s17 =	sshll.u32 s0, $0xA;
	s2 =	sadd.s32 s3, s2  }
0x8d: {  	s2 =	sadd.s32 s2, s17  }
0x8e: {  	[smem:$0x3FC2] =	sst s2  }
0x8f: {  	_ = 	snop  }
0x90: {  	s2 =	sld [smem:$0x3FD0];
	(tm) =	ssettm $0x1  }
0x91: {  	s18 =	sld [smem:$0x3FFB];
	_ =	sdelay $0x3  }
0x92: {  	_ =	strace s18  }
0x93: {  	s3 =	sld [smem:$0x3FFC];
	_ =	sdelay $0x3  }
0x94: {  	_ =	strace s3  }
0x95: {  	s3 =	sld [smem:$0x3FFD];
	_ =	sdelay $0x3  }
0x96: {  	_ =	strace s3  }
0x97: {  	_ =	strace $0x8FFFFFFF  }
0x98: {  	s19 =	sld [smem:$0x3FDB];
	_ =	sdelay $0x1  }
0x99: {  	s4 =	simm.s32 $_scs_section_size  }
0x9a: {  	s5 =	simm.s32 $_size__tile_overlayer_lowered;
	s6 =	simm.s32 $_tile_overlayer_lowered  }
0x9b: {  	s22 =	simm.s32 $0x1BFF;
	s21 =	sshll.u32 s6, $0x1;
	s3 =	sadd.s32 s4, s19  }
0x9c: {  	s7 =	simm.s32 $0x0;
	s20 =	sshll.u32 s5, $0x1;
	s5 =	sadd.s32 s21, s3  }
0x9d: {  	[timem:s7], [sflag:s22] =	dma.local [hbm:s5], s20  }
0x9e: {  	_ =	swait.ge [sflag:s22], s20  }
0x9f: {  	s4 =	ssub.s32 $0x0, s20;
	[sflag:s22] =	ssyncset.done $0x0  }
0xa0: {  	[sflag:s22] =	ssyncadd.s32 s4;
	_ =	sdelay $0x1  }
0xa1: {  	s23 =	simm.s32 $0x1B8B  }
0xa2: {  	_ =	swait.ge [sflag:s23], $0x1  }
0xa3: {  	[sflag:s23] =	ssyncset.done $0x0  }
0xa4: {  	s25 =	simm.s32 $0x1B8E;
	s24 =	sld [smem:$0x3FFE];
	[sflag:s23] =	ssyncadd.s32 $0xFFFFFFFF  }
0xa5: {  	s26 =	simm.s32 $execute0_lowered;
	[smem:$0x3FD2] =	sst s25  }
0xa6: {  	s5 =	sshll.u32 s26, $0x1;
	_ =	strace $0x80000049;
	[dreg:$0x1] =	wrdreg $0xFFFFFFFF  }
0xa7: {  	s28 =	simm.s32 $_size_execute0_lowered;
	s3 =	sadd.s32 s3, s5;
	[dreg:$0x0] =	wrdreg $0x0  }
0xa8: {  	s5 =	sshll.u32 s28, $0x1;
	[dreg:$0x2] =	wrdreg s3  }
0xa9: {  	[dreg:$0x3] =	wrdreg s5  }
0xaa: {  	[dreg:$0x4] =	wrdreg $0xC0  }
0xab: {  	_ =	task [dreg:s7], $0x5FFFF  }
0xac: {  	[dreg:$0x1] =	wrdreg $0xFFFFFFFF  }
0xad: {  	[dreg:$0x0] =	wrdreg $0x60  }
0xae: {  	[dreg:$0x2] =	wrdreg s2  }
0xaf: {  	[dreg:$0x3] =	wrdreg s24  }
0xb0: {  	[dreg:$0x4] =	wrdreg $0xA8000  }
0xb1: {  	[dreg:$0x5] =	wrdreg $0x9  }
0xb2: {  	_ =	task.clear_ibuf [dreg:s7], $0x6FFFF;
	_ =	strace $0x90000049  }
0xb3: {  	s29 =	simm.s32 $0x9;
	_ =	strace $0x8000004B  }
0xb4: {  	_ =	swait.ge [sflag:s29], $0x1  }
0xb5: {  	[sflag:s29] =	ssyncadd.s32 $0xFFFFFFFF  }
0xb6: {  	_ =	strace $0x9000004B  }
0xb7: {  	_ =	sfence  }
0xb8: {  	s30 =	sld [smem:$0x0];
	_ =	sdelay $0x2  }
0xb9: {  	s31 =	sshll.u32 s1, $0xD;
	s1 =	sshrl.u32 s1, $0x2  }
0xba: {  	s3 =	sand.u32 $0x4000, s31;
	s1 =	sadd.s32 s1, s30  }
0xbb: {  	s0 =	sor.u32 s3, s0;
	s1 =	sshll.u32 s1, $0x11  }
0xbc: {  	s0 =	sor.u32 s1, s0  }
0xbd: {  	s0 =	sadd.s32 $0x8F2B, s0  }
0xbe: {  	[sflag:s0] =	ssyncadd.remote.s32 $0x1  }
0xbf: {  	_ =	sfence.sel $0xFFFF  }
0xc0: {  	[dreg:$0x0] =	wrdreg $0xFFFFFFFF;
	(pc) =	sbr.abs _section_cstart, $3  }
0xc1: {  	[dreg:$0x1] =	wrdreg $0xFFFFFFFF  }
0xc2: {  	_ =	task.clear_ibuf [dreg:s7], $0x2FFFF;
	_ =	strace $0x9FFFFFFF  }
0xc3: {  	(tm) =	ssettm $0x7FFFFFFF  }
tec
execute0_lowered:
.L_overlay_start_1:
0x0: {  	(tag) =	ssettag $0x1  }
0x1: {  	s1 =	rddreg [dreg:$0x0]  }
0x2: {  	s0 =	rddreg [dreg:$0x1]  }
0x3: {  	s2 =	rddreg [dreg:$0x2]  }
0x4: {  	s3 =	simm.s32 $0x0;
	s8 =	srdreg.scid;
	s5 =	stileid.u32  }
0x5: {  	s28 =	simm.s32 $0x6800;
	s29 =	simm.s32 $0x1;
	s30 =	simm.s32 $0x2  }
0x6: {  	s31 =	simm.s32 $0x3;
	[smem:$0x7FF] =	sst s3;
	s4 =	sadd.s32 $0x31000, s0  }
0x7: {  	s6 =	sadd.s32 $0x59000, s0;
	s7 =	sadd.s32 $0x81000, s0;
	s9 =	sadd.s32 $0xA9000, s0  }
0x8: {  	s10 =	sand.u32 $0x1, s8;
	s12 =	sadd.s32 $0x4000, s0;
	s8 =	smul.u32 $0x2800, s5  }
0x9: {  	s13 =	sadd.s32 $0xD6000, s0;
	s14 =	smul.u32 $0x50000, s5;
	_ =	strace $0x8000004A  }
0xa: {  	s11 =	ssub.s32 $0x2, s10;
	[dreg:$0x4] =	wrdreg s13;
	p0 =	seq.s32 s10, $0x1  }
0xb: {  	s16 =	sshrl.u32 s11, $0x1;
	s17 =	sadd.s32 s8, s0;
	s0 =	sadd.s32 $0x126000, s0  }
0xc: {  	s19 =	sshrl.u32 s14, $0x2;
	s20 =	sshrl.u32 s8, $0x3;
	s21 =	sadd.s32 s1, s8  }
0xd: {  	s24 =	sadd.s32 s4, s8;
	s25 =	sadd.s32 s6, s8;
	[dreg:$0x5] =	wrdreg s0  }
0xe: {  	s18 =	ssub.s32 s11, s16;
	s11 =	sadd.s32 s19, s2;
	[dreg:$0x6] =	wrdreg s21  }
0xf: {  	s22 =	sadd.s32 $0x280, s20;
	s13 =	sadd.s32 s9, s20;
	[dreg:$0x8] =	wrdreg s24  }
0x10: {  	s14 =	sadd.s32 s12, s20;
	s23 =	sadd.s32 $0xAE000, s17;
	[dreg:$0x9] =	wrdreg s25  }
.Ltmp0:
0x11: {  	s26 =	sadd.s32 $0xFE000, s17;
	s21 =	sadd.s32 s7, s8;
	(pc) =	sbr.rel .LBB2_1-.Ltmp0, $4  }
0x12: {  	s24 =	simm.s32 $0x1400;
	s25 =	simm.s32 $0x80;
	s0 =	simm.s32 $0x4  }
0x13: {  	s15 =	sadd.s32 s9, s22;
	s16 =	sadd.s32 s12, s22;
	[dreg:$0x7] =	wrdreg s23  }
0x14: {  	[dreg:$0xa] =	wrdreg s26;
	s22 =	smax.u32 s18, $0x1;
	s23 =	simm.s32 $0x5  }
0x15: {  	s26 =	simm.s32 $0x2800;
	s9 =	simm.s32 $0x2700;
	s12 =	simm.s32 $0x2780  }
.LBB2_19:
0x16: {  	[tilespmem:s28], [sflag:$0x2] =	stream.indirect.gather [hbm4b:s7+s25], $0x80, s19, s25, $0xb8;
	[tilespmem:$0x1E800] =	vst v63  }
0x17: {  	s18 =	rddreg [dreg:$0x5]  }
.LBB2_20:
0x18: {  	_ =	swait.ge [sflag:s29], $0x4000  }
0x19: {  	[sflag:s29] =	ssyncset.done $0x0  }
0x1a: {  	[sflag:s29] =	ssyncadd.s32 $0xFFFFC000  }
0x1b: {  	[spmem:s2] =	stream.indirect.scatter.add.f32 [tilespmem:s26], [sflag:$0x5], $0x80, s9, s25, $0xb8;
	[tilespmem:$0x1E800] =	vst v63  }
0x1c: {  	_ =	swait.ge [sflag:s23], $0x4000  }
0x1d: {  	[sflag:s23] =	ssyncset.done $0x0  }
0x1e: {  	[sflag:s23] =	ssyncadd.s32 $0xFFFFC000  }
0x1f: {  	_ =	swait.ge [sflag:s30], $0x4000  }
0x20: {  	[sflag:s30] =	ssyncset.done $0x0  }
0x21: {  	[sflag:s30] =	ssyncadd.s32 $0xFFFFC000  }
0x22: {  	[spmem:s2] =	stream.indirect.scatter.add.f32 [tilespmem:s28], [sflag:$0x5], $0x80, s12, s25, $0xb8;
	[tilespmem:$0x1E800] =	vst v63  }
0x23: {  	_ =	swait.ge [sflag:s23], $0x4000  }
0x24: {  	[sflag:s23] =	ssyncset.done $0x0  }
0x25: {  	s3 =	sadd.s32 $0x1, s3;
	[sflag:s23] =	ssyncadd.s32 $0xFFFFC000  }
0x26: {  	s18 =	sadd.s32 s18, s8;
	p1 =	sne.s32 s3, s22;
	[bflag:$0x0] =	sbarrier.arrive $0xFFFF  }
0x27: {  	[hbm:s18], [sflag:s17] =	dma.local [spmem:s10], $0x2800  }
.Ltmp1:
0x28: {  	_ =	swait.ge [sflag:s23], $0x2800;
	(pc) =	sbr.rel @!p1 .LBB2_21-.Ltmp1, $3  }
0x29: {  	[sflag:s23] =	ssyncset.done $0x0  }
0x2a: {  	[sflag:s23] =	ssyncadd.s32 $0xFFFFD800  }
0x2b: {  	[bflag:$0x0] =	sbarrier.arrive $0xFFFF;
	_ =	sdelay $0x1  }
.LBB2_1:
.Ltmp2:
0x2c: {  	(pc) =	sbr.rel @!p0 .LBB2_2-.Ltmp2, $3  }
0x2d: {  	_ =	sdelay $0x1  }
0x2e: {  	s18 =	sshll.u32 s5, $0x6  }
0x2f: {  	s10 =	sshrl.u32 s11, $0x3;
	s17 =	sor.u32 $0x1C05, s18  }
0x30: {  	s17 =	sor.u32 $0x1C05, s18;
	s20 =	rddreg [dreg:$0x9]  }
0x31: {  	[spmem:s10], [sflag:s17] =	dma.local [hbm:s20], $0x2800  }
0x32: {  	_ =	swait.ge [sflag:s23], $0x2800  }
0x33: {  	[sflag:s23] =	ssyncset.done $0x0  }
0x34: {  	[sflag:s23] =	ssyncadd.s32 $0xFFFFD800  }
0x35: {  	s19 =	simm.s32 $0x0;
	[bflag:$0x0] =	sbarrier.arrive $0xFFFF  }
0x36: {  	[tilespmem:s19], [sflag:$0x5] =	stream.linear.gather [hbm4b:s13+s19], $0x1400, $0x38;
	[tilespmem:$0x1E800] =	vst v63  }
0x37: {  	_ =	swait.ge [sflag:s23], $0x1400  }
0x38: {  	[sflag:s23] =	ssyncset.done $0x0  }
0x39: {  	[sflag:s23] =	ssyncadd.s32 $0xFFFFEC00  }
0x3a: {  	[tilespmem:s24], [sflag:$0x5] =	stream.linear.gather [hbm4b:s14+s19], $0x1400, $0x38;
	[tilespmem:$0x1E800] =	vst v63  }
0x3b: {  	_ =	swait.ge [sflag:s23], $0x1400  }
0x3c: {  	[sflag:s23] =	ssyncset.done $0x0  }
0x3d: {  	[sflag:s23] =	ssyncadd.s32 $0xFFFFEC00  }
0x3e: {  	[tilespmem:s26], [sflag:$0x1] =	stream.indirect.gather [hbm4b:s6+s25], $0x80, s19, s25, $0xb8;
	[tilespmem:$0x1E800] =	vst v63  }
0x3f: {  	_ = 	snop  }
0x40: {  	[tilespmem:s28], [sflag:$0x2] =	stream.indirect.gather [hbm4b:s6+s25], $0x80, s25, s25, $0xb8;
	[tilespmem:$0x1E800] =	vst v63  }
0x41: {  	_ =	swait.ge [sflag:s29], $0x4000  }
0x42: {  	[sflag:s29] =	ssyncset.done $0x0  }
0x43: {  	s20 =	simm.s32 $0x1400;
	[sflag:s29] =	ssyncadd.s32 $0xFFFFC000  }
0x44: {  	[spmem:s2] =	stream.indirect.scatter.add.f32 [tilespmem:s26], [sflag:$0x3], $0x80, s20, s25, $0xb8;
	[tilespmem:$0x1E800] =	vst v63  }
0x45: {  	_ =	swait.ge [sflag:s30], $0x4000  }
0x46: {  	[sflag:s30] =	ssyncset.done $0x0  }
0x47: {  	[sflag:s30] =	ssyncadd.s32 $0xFFFFC000  }
0x48: {  	_ =	swait.ge [sflag:s31], $0x4000  }
0x49: {  	[sflag:s31] =	ssyncset.done $0x0  }
0x4a: {  	s19 =	simm.s32 $0x100;
	[sflag:s31] =	ssyncadd.s32 $0xFFFFC000  }
0x4b: {  	[tilespmem:s26], [sflag:$0x1] =	stream.indirect.gather [hbm4b:s6+s25], $0x80, s19, s25, $0xb8;
	[tilespmem:$0x1E800] =	vst v63  }
0x4c: {  	s20 =	simm.s32 $0x1480  }
0x4d: {  	[spmem:s2] =	stream.indirect.scatter.add.f32 [tilespmem:s28], [sflag:$0x4], $0x80, s20, s25, $0xb8;
	[tilespmem:$0x1E800] =	vst v63  }
0x4e: {  	_ =	swait.ge [sflag:s0], $0x4000  }
0x4f: {  	[sflag:s0] =	ssyncset.done $0x0  }
0x50: {  	s18 =	simm.s32 $0x400;
	s19 =	simm.s32 $0x180;
	[sflag:s0] =	ssyncadd.s32 $0xFFFFC000  }
.LBB2_12:
0x51: {  	[tilespmem:s28], [sflag:$0x2] =	stream.indirect.gather [hbm4b:s6+s25], $0x80, s19, s25, $0xb8;
	[tilespmem:$0x1E800] =	vst v63  }
0x52: {  	s19 =	smov.u32 s18  }
0x53: {  	p1 =	sne.s32 s18, $0x4800;
	s18 =	sadd.s32 $0x400, s18;
	_ =	swait.ge [sflag:s29], $0x4000  }
0x54: {  	s19 =	sshra.s32 s19, $0x2;
	[sflag:s29] =	ssyncset.done $0x0  }
0x55: {  	s20 =	sadd.s32 $0x1400, s19;
	[sflag:s29] =	ssyncadd.s32 $0xFFFFC000  }
0x56: {  	[spmem:s2] =	stream.indirect.scatter.add.f32 [tilespmem:s26], [sflag:$0x3], $0x80, s20, s25, $0xb8;
	[tilespmem:$0x1E800] =	vst v63  }
0x57: {  	_ =	swait.ge [sflag:s30], $0x4000  }
0x58: {  	[sflag:s30] =	ssyncset.done $0x0  }
0x59: {  	[sflag:s30] =	ssyncadd.s32 $0xFFFFC000  }
0x5a: {  	_ =	swait.ge [sflag:s31], $0x4000  }
0x5b: {  	[sflag:s31] =	ssyncset.done $0x0  }
0x5c: {  	s20 =	sadd.s32 $0x100, s19;
	[sflag:s31] =	ssyncadd.s32 $0xFFFFC000  }
0x5d: {  	[tilespmem:s26], [sflag:$0x1] =	stream.indirect.gather [hbm4b:s6+s25], $0x80, s20, s25, $0xb8;
	[tilespmem:$0x1E800] =	vst v63  }
.Ltmp3:
0x5e: {  	s20 =	sadd.s32 $0x1480, s19;
	(pc) =	sbr.rel @p1 .LBB2_12-.Ltmp3, $4  }
0x5f: {  	[spmem:s2] =	stream.indirect.scatter.add.f32 [tilespmem:s28], [sflag:$0x4], $0x80, s20, s25, $0xb8;
	[tilespmem:$0x1E800] =	vst v63  }
0x60: {  	_ =	swait.ge [sflag:s0], $0x4000  }
0x61: {  	[sflag:s0] =	ssyncset.done $0x0  }
0x62: {  	s19 =	sadd.s32 $0x180, s19;
	[sflag:s0] =	ssyncadd.s32 $0xFFFFC000  }
0x63: {  	[tilespmem:s28], [sflag:$0x2] =	stream.indirect.gather [hbm4b:s6+s25], $0x80, s19, s25, $0xb8;
	[tilespmem:$0x1E800] =	vst v63  }
0x64: {  	_ =	swait.ge [sflag:s29], $0x4000  }
0x65: {  	[sflag:s29] =	ssyncset.done $0x0  }
0x66: {  	[sflag:s29] =	ssyncadd.s32 $0xFFFFC000  }
0x67: {  	[spmem:s2] =	stream.indirect.scatter.add.f32 [tilespmem:s26], [sflag:$0x5], $0x80, s9, s25, $0xb8;
	[tilespmem:$0x1E800] =	vst v63  }
0x68: {  	_ =	swait.ge [sflag:s23], $0x4000  }
0x69: {  	[sflag:s23] =	ssyncset.done $0x0  }
0x6a: {  	[sflag:s23] =	ssyncadd.s32 $0xFFFFC000  }
0x6b: {  	_ =	swait.ge [sflag:s30], $0x4000  }
0x6c: {  	[sflag:s30] =	ssyncset.done $0x0  }
0x6d: {  	[sflag:s30] =	ssyncadd.s32 $0xFFFFC000  }
0x6e: {  	[spmem:s2] =	stream.indirect.scatter.add.f32 [tilespmem:s28], [sflag:$0x5], $0x80, s12, s25, $0xb8;
	[tilespmem:$0x1E800] =	vst v63  }
0x6f: {  	_ =	swait.ge [sflag:s23], $0x4000  }
0x70: {  	[sflag:s23] =	ssyncset.done $0x0  }
0x71: {  	s18 =	simm.s32 $0x0;
	[sflag:s23] =	ssyncadd.s32 $0xFFFFC000  }
0x72: {  	[tilespmem:s18], [sflag:$0x5] =	stream.linear.gather [hbm4b:s15+s18], $0x1400, $0x38;
	[tilespmem:$0x1E800] =	vst v63  }
0x73: {  	_ =	swait.ge [sflag:s23], $0x1400  }
0x74: {  	[sflag:s23] =	ssyncset.done $0x0  }
0x75: {  	[sflag:s23] =	ssyncadd.s32 $0xFFFFEC00  }
0x76: {  	[tilespmem:s24], [sflag:$0x5] =	stream.linear.gather [hbm4b:s16+s18], $0x1400, $0x38;
	[tilespmem:$0x1E800] =	vst v63  }
0x77: {  	_ =	swait.ge [sflag:s23], $0x1400  }
0x78: {  	[sflag:s23] =	ssyncset.done $0x0  }
0x79: {  	[sflag:s23] =	ssyncadd.s32 $0xFFFFEC00  }
0x7a: {  	[tilespmem:s26], [sflag:$0x1] =	stream.indirect.gather [hbm4b:s6+s25], $0x80, s18, s25, $0xb8;
	[tilespmem:$0x1E800] =	vst v63  }
0x7b: {  	_ = 	snop  }
0x7c: {  	[tilespmem:s28], [sflag:$0x2] =	stream.indirect.gather [hbm4b:s6+s25], $0x80, s25, s25, $0xb8;
	[tilespmem:$0x1E800] =	vst v63  }
0x7d: {  	_ =	swait.ge [sflag:s29], $0x4000  }
0x7e: {  	[sflag:s29] =	ssyncset.done $0x0  }
0x7f: {  	s20 =	simm.s32 $0x1400;
	[sflag:s29] =	ssyncadd.s32 $0xFFFFC000  }
0x80: {  	[spmem:s2] =	stream.indirect.scatter.add.f32 [tilespmem:s26], [sflag:$0x3], $0x80, s20, s25, $0xb8;
	[tilespmem:$0x1E800] =	vst v63  }
0x81: {  	_ =	swait.ge [sflag:s30], $0x4000  }
0x82: {  	[sflag:s30] =	ssyncset.done $0x0  }
0x83: {  	[sflag:s30] =	ssyncadd.s32 $0xFFFFC000  }
0x84: {  	_ =	swait.ge [sflag:s31], $0x4000  }
0x85: {  	[sflag:s31] =	ssyncset.done $0x0  }
0x86: {  	s19 =	simm.s32 $0x100;
	[sflag:s31] =	ssyncadd.s32 $0xFFFFC000  }
0x87: {  	[tilespmem:s26], [sflag:$0x1] =	stream.indirect.gather [hbm4b:s6+s25], $0x80, s19, s25, $0xb8;
	[tilespmem:$0x1E800] =	vst v63  }
0x88: {  	s20 =	simm.s32 $0x1480  }
0x89: {  	[spmem:s2] =	stream.indirect.scatter.add.f32 [tilespmem:s28], [sflag:$0x4], $0x80, s20, s25, $0xb8;
	[tilespmem:$0x1E800] =	vst v63  }
0x8a: {  	_ =	swait.ge [sflag:s0], $0x4000  }
0x8b: {  	[sflag:s0] =	ssyncset.done $0x0  }
0x8c: {  	s18 =	simm.s32 $0x400;
	s19 =	simm.s32 $0x180;
	[sflag:s0] =	ssyncadd.s32 $0xFFFFC000  }
.LBB2_14:
0x8d: {  	[tilespmem:s28], [sflag:$0x2] =	stream.indirect.gather [hbm4b:s6+s25], $0x80, s19, s25, $0xb8;
	[tilespmem:$0x1E800] =	vst v63  }
0x8e: {  	s19 =	smov.u32 s18  }
0x8f: {  	p1 =	sne.s32 s18, $0x4800;
	s18 =	sadd.s32 $0x400, s18;
	_ =	swait.ge [sflag:s29], $0x4000  }
0x90: {  	s19 =	sshra.s32 s19, $0x2;
	[sflag:s29] =	ssyncset.done $0x0  }
0x91: {  	s20 =	sadd.s32 $0x1400, s19;
	[sflag:s29] =	ssyncadd.s32 $0xFFFFC000  }
0x92: {  	[spmem:s2] =	stream.indirect.scatter.add.f32 [tilespmem:s26], [sflag:$0x3], $0x80, s20, s25, $0xb8;
	[tilespmem:$0x1E800] =	vst v63  }
0x93: {  	_ =	swait.ge [sflag:s30], $0x4000  }
0x94: {  	[sflag:s30] =	ssyncset.done $0x0  }
0x95: {  	[sflag:s30] =	ssyncadd.s32 $0xFFFFC000  }
0x96: {  	_ =	swait.ge [sflag:s31], $0x4000  }
0x97: {  	[sflag:s31] =	ssyncset.done $0x0  }
0x98: {  	s20 =	sadd.s32 $0x100, s19;
	[sflag:s31] =	ssyncadd.s32 $0xFFFFC000  }
0x99: {  	[tilespmem:s26], [sflag:$0x1] =	stream.indirect.gather [hbm4b:s6+s25], $0x80, s20, s25, $0xb8;
	[tilespmem:$0x1E800] =	vst v63  }
.Ltmp4:
0x9a: {  	s20 =	sadd.s32 $0x1480, s19;
	(pc) =	sbr.rel @p1 .LBB2_14-.Ltmp4, $4  }
0x9b: {  	[spmem:s2] =	stream.indirect.scatter.add.f32 [tilespmem:s28], [sflag:$0x4], $0x80, s20, s25, $0xb8;
	[tilespmem:$0x1E800] =	vst v63  }
0x9c: {  	_ =	swait.ge [sflag:s0], $0x4000  }
0x9d: {  	[sflag:s0] =	ssyncset.done $0x0  }
0x9e: {  	s19 =	sadd.s32 $0x180, s19;
	[sflag:s0] =	ssyncadd.s32 $0xFFFFC000  }
0x9f: {  	[tilespmem:s28], [sflag:$0x2] =	stream.indirect.gather [hbm4b:s6+s25], $0x80, s19, s25, $0xb8;
	[tilespmem:$0x1E800] =	vst v63  }
0xa0: {  	_ =	swait.ge [sflag:s29], $0x4000  }
0xa1: {  	[sflag:s29] =	ssyncset.done $0x0  }
0xa2: {  	[sflag:s29] =	ssyncadd.s32 $0xFFFFC000  }
0xa3: {  	[spmem:s2] =	stream.indirect.scatter.add.f32 [tilespmem:s26], [sflag:$0x5], $0x80, s9, s25, $0xb8;
	[tilespmem:$0x1E800] =	vst v63  }
0xa4: {  	_ =	swait.ge [sflag:s23], $0x4000  }
0xa5: {  	[sflag:s23] =	ssyncset.done $0x0  }
0xa6: {  	[sflag:s23] =	ssyncadd.s32 $0xFFFFC000  }
0xa7: {  	_ =	swait.ge [sflag:s30], $0x4000  }
0xa8: {  	[sflag:s30] =	ssyncset.done $0x0  }
0xa9: {  	[sflag:s30] =	ssyncadd.s32 $0xFFFFC000  }
0xaa: {  	[spmem:s2] =	stream.indirect.scatter.add.f32 [tilespmem:s28], [sflag:$0x5], $0x80, s12, s25, $0xb8;
	[tilespmem:$0x1E800] =	vst v63  }
0xab: {  	_ =	swait.ge [sflag:s23], $0x4000  }
0xac: {  	[sflag:s23] =	ssyncset.done $0x0  }
0xad: {  	[sflag:s23] =	ssyncadd.s32 $0xFFFFC000  }
0xae: {  	[bflag:$0x0] =	sbarrier.arrive $0xFFFF  }
0xaf: {  	s18 =	rddreg [dreg:$0xa]  }
0xb0: {  	[hbm:s18], [sflag:s17] =	dma.local [spmem:s10], $0x2800  }
0xb1: {  	_ =	swait.ge [sflag:s23], $0x2800  }
0xb2: {  	[sflag:s23] =	ssyncset.done $0x0  }
0xb3: {  	[sflag:s23] =	ssyncadd.s32 $0xFFFFD800  }
0xb4: {  	[bflag:$0x0] =	sbarrier.arrive $0xFFFF  }
0xb5: {  	[spmem:s10], [sflag:s17] =	dma.local [hbm:s21], $0x2800  }
0xb6: {  	_ =	swait.ge [sflag:s23], $0x2800  }
0xb7: {  	[sflag:s23] =	ssyncset.done $0x0  }
0xb8: {  	[sflag:s23] =	ssyncadd.s32 $0xFFFFD800  }
0xb9: {  	s19 =	simm.s32 $0x0;
	[bflag:$0x0] =	sbarrier.arrive $0xFFFF  }
0xba: {  	[tilespmem:s19], [sflag:$0x5] =	stream.linear.gather [hbm4b:s13+s19], $0x1400, $0x38;
	[tilespmem:$0x1E800] =	vst v63  }
0xbb: {  	_ =	swait.ge [sflag:s23], $0x1400  }
0xbc: {  	[sflag:s23] =	ssyncset.done $0x0  }
0xbd: {  	[sflag:s23] =	ssyncadd.s32 $0xFFFFEC00  }
0xbe: {  	[tilespmem:s24], [sflag:$0x5] =	stream.linear.gather [hbm4b:s14+s19], $0x1400, $0x38;
	[tilespmem:$0x1E800] =	vst v63  }
0xbf: {  	_ =	swait.ge [sflag:s23], $0x1400  }
0xc0: {  	[sflag:s23] =	ssyncset.done $0x0  }
0xc1: {  	[sflag:s23] =	ssyncadd.s32 $0xFFFFEC00  }
0xc2: {  	[tilespmem:s26], [sflag:$0x1] =	stream.indirect.gather [hbm4b:s7+s25], $0x80, s19, s25, $0xb8;
	[tilespmem:$0x1E800] =	vst v63  }
0xc3: {  	_ = 	snop  }
0xc4: {  	[tilespmem:s28], [sflag:$0x2] =	stream.indirect.gather [hbm4b:s7+s25], $0x80, s25, s25, $0xb8;
	[tilespmem:$0x1E800] =	vst v63  }
0xc5: {  	_ =	swait.ge [sflag:s29], $0x4000  }
0xc6: {  	[sflag:s29] =	ssyncset.done $0x0  }
0xc7: {  	s20 =	simm.s32 $0x1400;
	[sflag:s29] =	ssyncadd.s32 $0xFFFFC000  }
0xc8: {  	[spmem:s2] =	stream.indirect.scatter.add.f32 [tilespmem:s26], [sflag:$0x3], $0x80, s20, s25, $0xb8;
	[tilespmem:$0x1E800] =	vst v63  }
0xc9: {  	_ =	swait.ge [sflag:s30], $0x4000  }
0xca: {  	[sflag:s30] =	ssyncset.done $0x0  }
0xcb: {  	[sflag:s30] =	ssyncadd.s32 $0xFFFFC000  }
0xcc: {  	_ =	swait.ge [sflag:s31], $0x4000  }
0xcd: {  	[sflag:s31] =	ssyncset.done $0x0  }
0xce: {  	s19 =	simm.s32 $0x100;
	[sflag:s31] =	ssyncadd.s32 $0xFFFFC000  }
0xcf: {  	[tilespmem:s26], [sflag:$0x1] =	stream.indirect.gather [hbm4b:s7+s25], $0x80, s19, s25, $0xb8;
	[tilespmem:$0x1E800] =	vst v63  }
0xd0: {  	s20 =	simm.s32 $0x1480  }
0xd1: {  	[spmem:s2] =	stream.indirect.scatter.add.f32 [tilespmem:s28], [sflag:$0x4], $0x80, s20, s25, $0xb8;
	[tilespmem:$0x1E800] =	vst v63  }
0xd2: {  	_ =	swait.ge [sflag:s0], $0x4000  }
0xd3: {  	[sflag:s0] =	ssyncset.done $0x0  }
0xd4: {  	s18 =	simm.s32 $0x400;
	s19 =	simm.s32 $0x180;
	[sflag:s0] =	ssyncadd.s32 $0xFFFFC000  }
.LBB2_16:
0xd5: {  	[tilespmem:s28], [sflag:$0x2] =	stream.indirect.gather [hbm4b:s7+s25], $0x80, s19, s25, $0xb8;
	[tilespmem:$0x1E800] =	vst v63  }
0xd6: {  	s19 =	smov.u32 s18  }
0xd7: {  	p1 =	sne.s32 s18, $0x4800;
	s18 =	sadd.s32 $0x400, s18;
	_ =	swait.ge [sflag:s29], $0x4000  }
0xd8: {  	s19 =	sshra.s32 s19, $0x2;
	[sflag:s29] =	ssyncset.done $0x0  }
0xd9: {  	s20 =	sadd.s32 $0x1400, s19;
	[sflag:s29] =	ssyncadd.s32 $0xFFFFC000  }
0xda: {  	[spmem:s2] =	stream.indirect.scatter.add.f32 [tilespmem:s26], [sflag:$0x3], $0x80, s20, s25, $0xb8;
	[tilespmem:$0x1E800] =	vst v63  }
0xdb: {  	_ =	swait.ge [sflag:s30], $0x4000  }
0xdc: {  	[sflag:s30] =	ssyncset.done $0x0  }
0xdd: {  	[sflag:s30] =	ssyncadd.s32 $0xFFFFC000  }
0xde: {  	_ =	swait.ge [sflag:s31], $0x4000  }
0xdf: {  	[sflag:s31] =	ssyncset.done $0x0  }
0xe0: {  	s20 =	sadd.s32 $0x100, s19;
	[sflag:s31] =	ssyncadd.s32 $0xFFFFC000  }
0xe1: {  	[tilespmem:s26], [sflag:$0x1] =	stream.indirect.gather [hbm4b:s7+s25], $0x80, s20, s25, $0xb8;
	[tilespmem:$0x1E800] =	vst v63  }
.Ltmp5:
0xe2: {  	s20 =	sadd.s32 $0x1480, s19;
	(pc) =	sbr.rel @p1 .LBB2_16-.Ltmp5, $4  }
0xe3: {  	[spmem:s2] =	stream.indirect.scatter.add.f32 [tilespmem:s28], [sflag:$0x4], $0x80, s20, s25, $0xb8;
	[tilespmem:$0x1E800] =	vst v63  }
0xe4: {  	_ =	swait.ge [sflag:s0], $0x4000  }
0xe5: {  	[sflag:s0] =	ssyncset.done $0x0  }
0xe6: {  	s19 =	sadd.s32 $0x180, s19;
	[sflag:s0] =	ssyncadd.s32 $0xFFFFC000  }
0xe7: {  	[tilespmem:s28], [sflag:$0x2] =	stream.indirect.gather [hbm4b:s7+s25], $0x80, s19, s25, $0xb8;
	[tilespmem:$0x1E800] =	vst v63  }
0xe8: {  	_ =	swait.ge [sflag:s29], $0x4000  }
0xe9: {  	[sflag:s29] =	ssyncset.done $0x0  }
0xea: {  	[sflag:s29] =	ssyncadd.s32 $0xFFFFC000  }
0xeb: {  	[spmem:s2] =	stream.indirect.scatter.add.f32 [tilespmem:s26], [sflag:$0x5], $0x80, s9, s25, $0xb8;
	[tilespmem:$0x1E800] =	vst v63  }
0xec: {  	_ =	swait.ge [sflag:s23], $0x4000  }
0xed: {  	[sflag:s23] =	ssyncset.done $0x0  }
0xee: {  	[sflag:s23] =	ssyncadd.s32 $0xFFFFC000  }
0xef: {  	_ =	swait.ge [sflag:s30], $0x4000  }
0xf0: {  	[sflag:s30] =	ssyncset.done $0x0  }
0xf1: {  	[sflag:s30] =	ssyncadd.s32 $0xFFFFC000  }
0xf2: {  	[spmem:s2] =	stream.indirect.scatter.add.f32 [tilespmem:s28], [sflag:$0x5], $0x80, s12, s25, $0xb8;
	[tilespmem:$0x1E800] =	vst v63  }
0xf3: {  	_ =	swait.ge [sflag:s23], $0x4000  }
0xf4: {  	[sflag:s23] =	ssyncset.done $0x0  }
0xf5: {  	s18 =	simm.s32 $0x0;
	[sflag:s23] =	ssyncadd.s32 $0xFFFFC000  }
0xf6: {  	[tilespmem:s18], [sflag:$0x5] =	stream.linear.gather [hbm4b:s15+s18], $0x1400, $0x38;
	[tilespmem:$0x1E800] =	vst v63  }
0xf7: {  	_ =	swait.ge [sflag:s23], $0x1400  }
0xf8: {  	[sflag:s23] =	ssyncset.done $0x0  }
0xf9: {  	[sflag:s23] =	ssyncadd.s32 $0xFFFFEC00  }
0xfa: {  	[tilespmem:s24], [sflag:$0x5] =	stream.linear.gather [hbm4b:s16+s18], $0x1400, $0x38;
	[tilespmem:$0x1E800] =	vst v63  }
0xfb: {  	_ =	swait.ge [sflag:s23], $0x1400  }
0xfc: {  	[sflag:s23] =	ssyncset.done $0x0  }
0xfd: {  	[sflag:s23] =	ssyncadd.s32 $0xFFFFEC00  }
0xfe: {  	[tilespmem:s26], [sflag:$0x1] =	stream.indirect.gather [hbm4b:s7+s25], $0x80, s18, s25, $0xb8;
	[tilespmem:$0x1E800] =	vst v63  }
0xff: {  	_ = 	snop  }
0x100: {  	[tilespmem:s28], [sflag:$0x2] =	stream.indirect.gather [hbm4b:s7+s25], $0x80, s25, s25, $0xb8;
	[tilespmem:$0x1E800] =	vst v63  }
0x101: {  	_ =	swait.ge [sflag:s29], $0x4000  }
0x102: {  	[sflag:s29] =	ssyncset.done $0x0  }
0x103: {  	s20 =	simm.s32 $0x1400;
	[sflag:s29] =	ssyncadd.s32 $0xFFFFC000  }
0x104: {  	[spmem:s2] =	stream.indirect.scatter.add.f32 [tilespmem:s26], [sflag:$0x3], $0x80, s20, s25, $0xb8;
	[tilespmem:$0x1E800] =	vst v63  }
0x105: {  	_ =	swait.ge [sflag:s30], $0x4000  }
0x106: {  	[sflag:s30] =	ssyncset.done $0x0  }
0x107: {  	[sflag:s30] =	ssyncadd.s32 $0xFFFFC000  }
0x108: {  	_ =	swait.ge [sflag:s31], $0x4000  }
0x109: {  	[sflag:s31] =	ssyncset.done $0x0  }
0x10a: {  	s19 =	simm.s32 $0x100;
	[sflag:s31] =	ssyncadd.s32 $0xFFFFC000  }
0x10b: {  	[tilespmem:s26], [sflag:$0x1] =	stream.indirect.gather [hbm4b:s7+s25], $0x80, s19, s25, $0xb8;
	[tilespmem:$0x1E800] =	vst v63  }
0x10c: {  	s20 =	simm.s32 $0x1480  }
0x10d: {  	[spmem:s2] =	stream.indirect.scatter.add.f32 [tilespmem:s28], [sflag:$0x4], $0x80, s20, s25, $0xb8;
	[tilespmem:$0x1E800] =	vst v63  }
0x10e: {  	_ =	swait.ge [sflag:s0], $0x4000  }
0x10f: {  	[sflag:s0] =	ssyncset.done $0x0  }
0x110: {  	s18 =	simm.s32 $0x400;
	s19 =	simm.s32 $0x180;
	[sflag:s0] =	ssyncadd.s32 $0xFFFFC000  }
.LBB2_18:
0x111: {  	[tilespmem:s28], [sflag:$0x2] =	stream.indirect.gather [hbm4b:s7+s25], $0x80, s19, s25, $0xb8;
	[tilespmem:$0x1E800] =	vst v63  }
0x112: {  	s19 =	smov.u32 s18  }
0x113: {  	p1 =	sne.s32 s18, $0x4800;
	s18 =	sadd.s32 $0x400, s18;
	_ =	swait.ge [sflag:s29], $0x4000  }
0x114: {  	s19 =	sshra.s32 s19, $0x2;
	[sflag:s29] =	ssyncset.done $0x0  }
0x115: {  	s20 =	sadd.s32 $0x1400, s19;
	[sflag:s29] =	ssyncadd.s32 $0xFFFFC000  }
0x116: {  	[spmem:s2] =	stream.indirect.scatter.add.f32 [tilespmem:s26], [sflag:$0x3], $0x80, s20, s25, $0xb8;
	[tilespmem:$0x1E800] =	vst v63  }
0x117: {  	_ =	swait.ge [sflag:s30], $0x4000  }
0x118: {  	[sflag:s30] =	ssyncset.done $0x0  }
0x119: {  	[sflag:s30] =	ssyncadd.s32 $0xFFFFC000  }
0x11a: {  	_ =	swait.ge [sflag:s31], $0x4000  }
0x11b: {  	[sflag:s31] =	ssyncset.done $0x0  }
0x11c: {  	s20 =	sadd.s32 $0x100, s19;
	[sflag:s31] =	ssyncadd.s32 $0xFFFFC000  }
0x11d: {  	[tilespmem:s26], [sflag:$0x1] =	stream.indirect.gather [hbm4b:s7+s25], $0x80, s20, s25, $0xb8;
	[tilespmem:$0x1E800] =	vst v63  }
.Ltmp6:
0x11e: {  	s20 =	sadd.s32 $0x1480, s19;
	(pc) =	sbr.rel @p1 .LBB2_18-.Ltmp6, $4  }
0x11f: {  	[spmem:s2] =	stream.indirect.scatter.add.f32 [tilespmem:s28], [sflag:$0x4], $0x80, s20, s25, $0xb8;
	[tilespmem:$0x1E800] =	vst v63  }
0x120: {  	_ =	swait.ge [sflag:s0], $0x4000  }
0x121: {  	[sflag:s0] =	ssyncset.done $0x0  }
0x122: {  	s19 =	sadd.s32 $0x180, s19;
	[sflag:s0] =	ssyncadd.s32 $0xFFFFC000  }
.Ltmp7:
0x123: {  	_ = 	snop;
	(pc) =	sbr.rel .LBB2_19-.Ltmp7, $1  }
0x124: {  	_ =	sdelay $0x3  }
.LBB2_2:
0x125: {  	s18 =	rddreg [dreg:$0x6]  }
0x126: {  	[spmem:s10], [sflag:s17] =	dma.local [hbm:s18], $0x2800  }
0x127: {  	_ =	swait.ge [sflag:s23], $0x2800  }
0x128: {  	[sflag:s23] =	ssyncset.done $0x0  }
0x129: {  	[sflag:s23] =	ssyncadd.s32 $0xFFFFD800  }
0x12a: {  	s19 =	simm.s32 $0x0;
	[bflag:$0x0] =	sbarrier.arrive $0xFFFF  }
0x12b: {  	[tilespmem:s19], [sflag:$0x5] =	stream.linear.gather [hbm4b:s13+s19], $0x1400, $0x38;
	[tilespmem:$0x1E800] =	vst v63  }
0x12c: {  	_ =	swait.ge [sflag:s23], $0x1400  }
0x12d: {  	[sflag:s23] =	ssyncset.done $0x0  }
0x12e: {  	[sflag:s23] =	ssyncadd.s32 $0xFFFFEC00  }
0x12f: {  	[tilespmem:s24], [sflag:$0x5] =	stream.linear.gather [hbm4b:s14+s19], $0x1400, $0x38;
	[tilespmem:$0x1E800] =	vst v63  }
0x130: {  	_ =	swait.ge [sflag:s23], $0x1400  }
0x131: {  	[sflag:s23] =	ssyncset.done $0x0  }
0x132: {  	[sflag:s23] =	ssyncadd.s32 $0xFFFFEC00  }
0x133: {  	[tilespmem:s26], [sflag:$0x1] =	stream.indirect.gather [hbm4b:s1+s25], $0x80, s19, s25, $0xb8;
	[tilespmem:$0x1E800] =	vst v63  }
0x134: {  	_ = 	snop  }
0x135: {  	[tilespmem:s28], [sflag:$0x2] =	stream.indirect.gather [hbm4b:s1+s25], $0x80, s25, s25, $0xb8;
	[tilespmem:$0x1E800] =	vst v63  }
0x136: {  	_ =	swait.ge [sflag:s29], $0x4000  }
0x137: {  	[sflag:s29] =	ssyncset.done $0x0  }
0x138: {  	s20 =	simm.s32 $0x1400;
	[sflag:s29] =	ssyncadd.s32 $0xFFFFC000  }
0x139: {  	[spmem:s2] =	stream.indirect.scatter.add.f32 [tilespmem:s26], [sflag:$0x3], $0x80, s20, s25, $0xb8;
	[tilespmem:$0x1E800] =	vst v63  }
0x13a: {  	_ =	swait.ge [sflag:s30], $0x4000  }
0x13b: {  	[sflag:s30] =	ssyncset.done $0x0  }
0x13c: {  	[sflag:s30] =	ssyncadd.s32 $0xFFFFC000  }
0x13d: {  	_ =	swait.ge [sflag:s31], $0x4000  }
0x13e: {  	[sflag:s31] =	ssyncset.done $0x0  }
0x13f: {  	s19 =	simm.s32 $0x100;
	[sflag:s31] =	ssyncadd.s32 $0xFFFFC000  }
0x140: {  	[tilespmem:s26], [sflag:$0x1] =	stream.indirect.gather [hbm4b:s1+s25], $0x80, s19, s25, $0xb8;
	[tilespmem:$0x1E800] =	vst v63  }
0x141: {  	s20 =	simm.s32 $0x1480  }
0x142: {  	[spmem:s2] =	stream.indirect.scatter.add.f32 [tilespmem:s28], [sflag:$0x4], $0x80, s20, s25, $0xb8;
	[tilespmem:$0x1E800] =	vst v63  }
0x143: {  	_ =	swait.ge [sflag:s0], $0x4000  }
0x144: {  	[sflag:s0] =	ssyncset.done $0x0  }
0x145: {  	s18 =	simm.s32 $0x400;
	s19 =	simm.s32 $0x180;
	[sflag:s0] =	ssyncadd.s32 $0xFFFFC000  }
.LBB2_3:
0x146: {  	[tilespmem:s28], [sflag:$0x2] =	stream.indirect.gather [hbm4b:s1+s25], $0x80, s19, s25, $0xb8;
	[tilespmem:$0x1E800] =	vst v63  }
0x147: {  	s19 =	smov.u32 s18  }
0x148: {  	p1 =	sne.s32 s18, $0x4800;
	s18 =	sadd.s32 $0x400, s18;
	_ =	swait.ge [sflag:s29], $0x4000  }
0x149: {  	s19 =	sshra.s32 s19, $0x2;
	[sflag:s29] =	ssyncset.done $0x0  }
0x14a: {  	s20 =	sadd.s32 $0x1400, s19;
	[sflag:s29] =	ssyncadd.s32 $0xFFFFC000  }
0x14b: {  	[spmem:s2] =	stream.indirect.scatter.add.f32 [tilespmem:s26], [sflag:$0x3], $0x80, s20, s25, $0xb8;
	[tilespmem:$0x1E800] =	vst v63  }
0x14c: {  	_ =	swait.ge [sflag:s30], $0x4000  }
0x14d: {  	[sflag:s30] =	ssyncset.done $0x0  }
0x14e: {  	[sflag:s30] =	ssyncadd.s32 $0xFFFFC000  }
0x14f: {  	_ =	swait.ge [sflag:s31], $0x4000  }
0x150: {  	[sflag:s31] =	ssyncset.done $0x0  }
0x151: {  	s20 =	sadd.s32 $0x100, s19;
	[sflag:s31] =	ssyncadd.s32 $0xFFFFC000  }
0x152: {  	[tilespmem:s26], [sflag:$0x1] =	stream.indirect.gather [hbm4b:s1+s25], $0x80, s20, s25, $0xb8;
	[tilespmem:$0x1E800] =	vst v63  }
.Ltmp8:
0x153: {  	s20 =	sadd.s32 $0x1480, s19;
	(pc) =	sbr.rel @p1 .LBB2_3-.Ltmp8, $4  }
0x154: {  	[spmem:s2] =	stream.indirect.scatter.add.f32 [tilespmem:s28], [sflag:$0x4], $0x80, s20, s25, $0xb8;
	[tilespmem:$0x1E800] =	vst v63  }
0x155: {  	_ =	swait.ge [sflag:s0], $0x4000  }
0x156: {  	[sflag:s0] =	ssyncset.done $0x0  }
0x157: {  	s19 =	sadd.s32 $0x180, s19;
	[sflag:s0] =	ssyncadd.s32 $0xFFFFC000  }
0x158: {  	[tilespmem:s28], [sflag:$0x2] =	stream.indirect.gather [hbm4b:s1+s25], $0x80, s19, s25, $0xb8;
	[tilespmem:$0x1E800] =	vst v63  }
0x159: {  	_ =	swait.ge [sflag:s29], $0x4000  }
0x15a: {  	[sflag:s29] =	ssyncset.done $0x0  }
0x15b: {  	[sflag:s29] =	ssyncadd.s32 $0xFFFFC000  }
0x15c: {  	[spmem:s2] =	stream.indirect.scatter.add.f32 [tilespmem:s26], [sflag:$0x5], $0x80, s9, s25, $0xb8;
	[tilespmem:$0x1E800] =	vst v63  }
0x15d: {  	_ =	swait.ge [sflag:s23], $0x4000  }
0x15e: {  	[sflag:s23] =	ssyncset.done $0x0  }
0x15f: {  	[sflag:s23] =	ssyncadd.s32 $0xFFFFC000  }
0x160: {  	_ =	swait.ge [sflag:s30], $0x4000  }
0x161: {  	[sflag:s30] =	ssyncset.done $0x0  }
0x162: {  	[sflag:s30] =	ssyncadd.s32 $0xFFFFC000  }
0x163: {  	[spmem:s2] =	stream.indirect.scatter.add.f32 [tilespmem:s28], [sflag:$0x5], $0x80, s12, s25, $0xb8;
	[tilespmem:$0x1E800] =	vst v63  }
0x164: {  	_ =	swait.ge [sflag:s23], $0x4000  }
0x165: {  	[sflag:s23] =	ssyncset.done $0x0  }
0x166: {  	s18 =	simm.s32 $0x0;
	[sflag:s23] =	ssyncadd.s32 $0xFFFFC000  }
0x167: {  	[tilespmem:s18], [sflag:$0x5] =	stream.linear.gather [hbm4b:s15+s18], $0x1400, $0x38;
	[tilespmem:$0x1E800] =	vst v63  }
0x168: {  	_ =	swait.ge [sflag:s23], $0x1400  }
0x169: {  	[sflag:s23] =	ssyncset.done $0x0  }
0x16a: {  	[sflag:s23] =	ssyncadd.s32 $0xFFFFEC00  }
0x16b: {  	[tilespmem:s24], [sflag:$0x5] =	stream.linear.gather [hbm4b:s16+s18], $0x1400, $0x38;
	[tilespmem:$0x1E800] =	vst v63  }
0x16c: {  	_ =	swait.ge [sflag:s23], $0x1400  }
0x16d: {  	[sflag:s23] =	ssyncset.done $0x0  }
0x16e: {  	[sflag:s23] =	ssyncadd.s32 $0xFFFFEC00  }
0x16f: {  	[tilespmem:s26], [sflag:$0x1] =	stream.indirect.gather [hbm4b:s1+s25], $0x80, s18, s25, $0xb8;
	[tilespmem:$0x1E800] =	vst v63  }
0x170: {  	_ = 	snop  }
0x171: {  	[tilespmem:s28], [sflag:$0x2] =	stream.indirect.gather [hbm4b:s1+s25], $0x80, s25, s25, $0xb8;
	[tilespmem:$0x1E800] =	vst v63  }
0x172: {  	_ =	swait.ge [sflag:s29], $0x4000  }
0x173: {  	[sflag:s29] =	ssyncset.done $0x0  }
0x174: {  	s20 =	simm.s32 $0x1400;
	[sflag:s29] =	ssyncadd.s32 $0xFFFFC000  }
0x175: {  	[spmem:s2] =	stream.indirect.scatter.add.f32 [tilespmem:s26], [sflag:$0x3], $0x80, s20, s25, $0xb8;
	[tilespmem:$0x1E800] =	vst v63  }
0x176: {  	_ =	swait.ge [sflag:s30], $0x4000  }
0x177: {  	[sflag:s30] =	ssyncset.done $0x0  }
0x178: {  	[sflag:s30] =	ssyncadd.s32 $0xFFFFC000  }
0x179: {  	_ =	swait.ge [sflag:s31], $0x4000  }
0x17a: {  	[sflag:s31] =	ssyncset.done $0x0  }
0x17b: {  	s19 =	simm.s32 $0x100;
	[sflag:s31] =	ssyncadd.s32 $0xFFFFC000  }
0x17c: {  	[tilespmem:s26], [sflag:$0x1] =	stream.indirect.gather [hbm4b:s1+s25], $0x80, s19, s25, $0xb8;
	[tilespmem:$0x1E800] =	vst v63  }
0x17d: {  	s20 =	simm.s32 $0x1480  }
0x17e: {  	[spmem:s2] =	stream.indirect.scatter.add.f32 [tilespmem:s28], [sflag:$0x4], $0x80, s20, s25, $0xb8;
	[tilespmem:$0x1E800] =	vst v63  }
0x17f: {  	_ =	swait.ge [sflag:s0], $0x4000  }
0x180: {  	[sflag:s0] =	ssyncset.done $0x0  }
0x181: {  	s18 =	simm.s32 $0x400;
	s19 =	simm.s32 $0x180;
	[sflag:s0] =	ssyncadd.s32 $0xFFFFC000  }
.LBB2_5:
0x182: {  	[tilespmem:s28], [sflag:$0x2] =	stream.indirect.gather [hbm4b:s1+s25], $0x80, s19, s25, $0xb8;
	[tilespmem:$0x1E800] =	vst v63  }
0x183: {  	s19 =	smov.u32 s18  }
0x184: {  	p1 =	sne.s32 s18, $0x4800;
	s18 =	sadd.s32 $0x400, s18;
	_ =	swait.ge [sflag:s29], $0x4000  }
0x185: {  	s19 =	sshra.s32 s19, $0x2;
	[sflag:s29] =	ssyncset.done $0x0  }
0x186: {  	s20 =	sadd.s32 $0x1400, s19;
	[sflag:s29] =	ssyncadd.s32 $0xFFFFC000  }
0x187: {  	[spmem:s2] =	stream.indirect.scatter.add.f32 [tilespmem:s26], [sflag:$0x3], $0x80, s20, s25, $0xb8;
	[tilespmem:$0x1E800] =	vst v63  }
0x188: {  	_ =	swait.ge [sflag:s30], $0x4000  }
0x189: {  	[sflag:s30] =	ssyncset.done $0x0  }
0x18a: {  	[sflag:s30] =	ssyncadd.s32 $0xFFFFC000  }
0x18b: {  	_ =	swait.ge [sflag:s31], $0x4000  }
0x18c: {  	[sflag:s31] =	ssyncset.done $0x0  }
0x18d: {  	s20 =	sadd.s32 $0x100, s19;
	[sflag:s31] =	ssyncadd.s32 $0xFFFFC000  }
0x18e: {  	[tilespmem:s26], [sflag:$0x1] =	stream.indirect.gather [hbm4b:s1+s25], $0x80, s20, s25, $0xb8;
	[tilespmem:$0x1E800] =	vst v63  }
.Ltmp9:
0x18f: {  	s20 =	sadd.s32 $0x1480, s19;
	(pc) =	sbr.rel @p1 .LBB2_5-.Ltmp9, $4  }
0x190: {  	[spmem:s2] =	stream.indirect.scatter.add.f32 [tilespmem:s28], [sflag:$0x4], $0x80, s20, s25, $0xb8;
	[tilespmem:$0x1E800] =	vst v63  }
0x191: {  	_ =	swait.ge [sflag:s0], $0x4000  }
0x192: {  	[sflag:s0] =	ssyncset.done $0x0  }
0x193: {  	s19 =	sadd.s32 $0x180, s19;
	[sflag:s0] =	ssyncadd.s32 $0xFFFFC000  }
0x194: {  	[tilespmem:s28], [sflag:$0x2] =	stream.indirect.gather [hbm4b:s1+s25], $0x80, s19, s25, $0xb8;
	[tilespmem:$0x1E800] =	vst v63  }
0x195: {  	_ =	swait.ge [sflag:s29], $0x4000  }
0x196: {  	[sflag:s29] =	ssyncset.done $0x0  }
0x197: {  	[sflag:s29] =	ssyncadd.s32 $0xFFFFC000  }
0x198: {  	[spmem:s2] =	stream.indirect.scatter.add.f32 [tilespmem:s26], [sflag:$0x5], $0x80, s9, s25, $0xb8;
	[tilespmem:$0x1E800] =	vst v63  }
0x199: {  	_ =	swait.ge [sflag:s23], $0x4000  }
0x19a: {  	[sflag:s23] =	ssyncset.done $0x0  }
0x19b: {  	[sflag:s23] =	ssyncadd.s32 $0xFFFFC000  }
0x19c: {  	_ =	swait.ge [sflag:s30], $0x4000  }
0x19d: {  	[sflag:s30] =	ssyncset.done $0x0  }
0x19e: {  	[sflag:s30] =	ssyncadd.s32 $0xFFFFC000  }
0x19f: {  	[spmem:s2] =	stream.indirect.scatter.add.f32 [tilespmem:s28], [sflag:$0x5], $0x80, s12, s25, $0xb8;
	[tilespmem:$0x1E800] =	vst v63  }
0x1a0: {  	_ =	swait.ge [sflag:s23], $0x4000  }
0x1a1: {  	[sflag:s23] =	ssyncset.done $0x0  }
0x1a2: {  	[sflag:s23] =	ssyncadd.s32 $0xFFFFC000  }
0x1a3: {  	[bflag:$0x0] =	sbarrier.arrive $0xFFFF  }
0x1a4: {  	s18 =	rddreg [dreg:$0x7]  }
0x1a5: {  	[hbm:s18], [sflag:s17] =	dma.local [spmem:s10], $0x2800  }
0x1a6: {  	_ =	swait.ge [sflag:s23], $0x2800  }
0x1a7: {  	[sflag:s23] =	ssyncset.done $0x0  }
0x1a8: {  	[sflag:s23] =	ssyncadd.s32 $0xFFFFD800  }
0x1a9: {  	[bflag:$0x0] =	sbarrier.arrive $0xFFFF  }
0x1aa: {  	s20 =	rddreg [dreg:$0x8]  }
0x1ab: {  	[spmem:s10], [sflag:s17] =	dma.local [hbm:s20], $0x2800  }
0x1ac: {  	_ =	swait.ge [sflag:s23], $0x2800  }
0x1ad: {  	[sflag:s23] =	ssyncset.done $0x0  }
0x1ae: {  	[sflag:s23] =	ssyncadd.s32 $0xFFFFD800  }
0x1af: {  	s19 =	simm.s32 $0x0;
	[bflag:$0x0] =	sbarrier.arrive $0xFFFF  }
0x1b0: {  	[tilespmem:s19], [sflag:$0x5] =	stream.linear.gather [hbm4b:s13+s19], $0x1400, $0x38;
	[tilespmem:$0x1E800] =	vst v63  }
0x1b1: {  	_ =	swait.ge [sflag:s23], $0x1400  }
0x1b2: {  	[sflag:s23] =	ssyncset.done $0x0  }
0x1b3: {  	[sflag:s23] =	ssyncadd.s32 $0xFFFFEC00  }
0x1b4: {  	[tilespmem:s24], [sflag:$0x5] =	stream.linear.gather [hbm4b:s14+s19], $0x1400, $0x38;
	[tilespmem:$0x1E800] =	vst v63  }
0x1b5: {  	_ =	swait.ge [sflag:s23], $0x1400  }
0x1b6: {  	[sflag:s23] =	ssyncset.done $0x0  }
0x1b7: {  	[sflag:s23] =	ssyncadd.s32 $0xFFFFEC00  }
0x1b8: {  	[tilespmem:s26], [sflag:$0x1] =	stream.indirect.gather [hbm4b:s4+s25], $0x80, s19, s25, $0xb8;
	[tilespmem:$0x1E800] =	vst v63  }
0x1b9: {  	_ = 	snop  }
0x1ba: {  	[tilespmem:s28], [sflag:$0x2] =	stream.indirect.gather [hbm4b:s4+s25], $0x80, s25, s25, $0xb8;
	[tilespmem:$0x1E800] =	vst v63  }
0x1bb: {  	_ =	swait.ge [sflag:s29], $0x4000  }
0x1bc: {  	[sflag:s29] =	ssyncset.done $0x0  }
0x1bd: {  	s20 =	simm.s32 $0x1400;
	[sflag:s29] =	ssyncadd.s32 $0xFFFFC000  }
0x1be: {  	[spmem:s2] =	stream.indirect.scatter.add.f32 [tilespmem:s26], [sflag:$0x3], $0x80, s20, s25, $0xb8;
	[tilespmem:$0x1E800] =	vst v63  }
0x1bf: {  	_ =	swait.ge [sflag:s30], $0x4000  }
0x1c0: {  	[sflag:s30] =	ssyncset.done $0x0  }
0x1c1: {  	[sflag:s30] =	ssyncadd.s32 $0xFFFFC000  }
0x1c2: {  	_ =	swait.ge [sflag:s31], $0x4000  }
0x1c3: {  	[sflag:s31] =	ssyncset.done $0x0  }
0x1c4: {  	s19 =	simm.s32 $0x100;
	[sflag:s31] =	ssyncadd.s32 $0xFFFFC000  }
0x1c5: {  	[tilespmem:s26], [sflag:$0x1] =	stream.indirect.gather [hbm4b:s4+s25], $0x80, s19, s25, $0xb8;
	[tilespmem:$0x1E800] =	vst v63  }
0x1c6: {  	s20 =	simm.s32 $0x1480  }
0x1c7: {  	[spmem:s2] =	stream.indirect.scatter.add.f32 [tilespmem:s28], [sflag:$0x4], $0x80, s20, s25, $0xb8;
	[tilespmem:$0x1E800] =	vst v63  }
0x1c8: {  	_ =	swait.ge [sflag:s0], $0x4000  }
0x1c9: {  	[sflag:s0] =	ssyncset.done $0x0  }
0x1ca: {  	s18 =	simm.s32 $0x400;
	s19 =	simm.s32 $0x180;
	[sflag:s0] =	ssyncadd.s32 $0xFFFFC000  }
.LBB2_7:
0x1cb: {  	[tilespmem:s28], [sflag:$0x2] =	stream.indirect.gather [hbm4b:s4+s25], $0x80, s19, s25, $0xb8;
	[tilespmem:$0x1E800] =	vst v63  }
0x1cc: {  	s19 =	smov.u32 s18  }
0x1cd: {  	p1 =	sne.s32 s18, $0x4800;
	s18 =	sadd.s32 $0x400, s18;
	_ =	swait.ge [sflag:s29], $0x4000  }
0x1ce: {  	s19 =	sshra.s32 s19, $0x2;
	[sflag:s29] =	ssyncset.done $0x0  }
0x1cf: {  	s20 =	sadd.s32 $0x1400, s19;
	[sflag:s29] =	ssyncadd.s32 $0xFFFFC000  }
0x1d0: {  	[spmem:s2] =	stream.indirect.scatter.add.f32 [tilespmem:s26], [sflag:$0x3], $0x80, s20, s25, $0xb8;
	[tilespmem:$0x1E800] =	vst v63  }
0x1d1: {  	_ =	swait.ge [sflag:s30], $0x4000  }
0x1d2: {  	[sflag:s30] =	ssyncset.done $0x0  }
0x1d3: {  	[sflag:s30] =	ssyncadd.s32 $0xFFFFC000  }
0x1d4: {  	_ =	swait.ge [sflag:s31], $0x4000  }
0x1d5: {  	[sflag:s31] =	ssyncset.done $0x0  }
0x1d6: {  	s20 =	sadd.s32 $0x100, s19;
	[sflag:s31] =	ssyncadd.s32 $0xFFFFC000  }
0x1d7: {  	[tilespmem:s26], [sflag:$0x1] =	stream.indirect.gather [hbm4b:s4+s25], $0x80, s20, s25, $0xb8;
	[tilespmem:$0x1E800] =	vst v63  }
.Ltmp10:
0x1d8: {  	s20 =	sadd.s32 $0x1480, s19;
	(pc) =	sbr.rel @p1 .LBB2_7-.Ltmp10, $4  }
0x1d9: {  	[spmem:s2] =	stream.indirect.scatter.add.f32 [tilespmem:s28], [sflag:$0x4], $0x80, s20, s25, $0xb8;
	[tilespmem:$0x1E800] =	vst v63  }
0x1da: {  	_ =	swait.ge [sflag:s0], $0x4000  }
0x1db: {  	[sflag:s0] =	ssyncset.done $0x0  }
0x1dc: {  	s19 =	sadd.s32 $0x180, s19;
	[sflag:s0] =	ssyncadd.s32 $0xFFFFC000  }
0x1dd: {  	[tilespmem:s28], [sflag:$0x2] =	stream.indirect.gather [hbm4b:s4+s25], $0x80, s19, s25, $0xb8;
	[tilespmem:$0x1E800] =	vst v63  }
0x1de: {  	_ =	swait.ge [sflag:s29], $0x4000  }
0x1df: {  	[sflag:s29] =	ssyncset.done $0x0  }
0x1e0: {  	[sflag:s29] =	ssyncadd.s32 $0xFFFFC000  }
0x1e1: {  	[spmem:s2] =	stream.indirect.scatter.add.f32 [tilespmem:s26], [sflag:$0x5], $0x80, s9, s25, $0xb8;
	[tilespmem:$0x1E800] =	vst v63  }
0x1e2: {  	_ =	swait.ge [sflag:s23], $0x4000  }
0x1e3: {  	[sflag:s23] =	ssyncset.done $0x0  }
0x1e4: {  	[sflag:s23] =	ssyncadd.s32 $0xFFFFC000  }
0x1e5: {  	_ =	swait.ge [sflag:s30], $0x4000  }
0x1e6: {  	[sflag:s30] =	ssyncset.done $0x0  }
0x1e7: {  	[sflag:s30] =	ssyncadd.s32 $0xFFFFC000  }
0x1e8: {  	[spmem:s2] =	stream.indirect.scatter.add.f32 [tilespmem:s28], [sflag:$0x5], $0x80, s12, s25, $0xb8;
	[tilespmem:$0x1E800] =	vst v63  }
0x1e9: {  	_ =	swait.ge [sflag:s23], $0x4000  }
0x1ea: {  	[sflag:s23] =	ssyncset.done $0x0  }
0x1eb: {  	s18 =	simm.s32 $0x0;
	[sflag:s23] =	ssyncadd.s32 $0xFFFFC000  }
0x1ec: {  	[tilespmem:s18], [sflag:$0x5] =	stream.linear.gather [hbm4b:s15+s18], $0x1400, $0x38;
	[tilespmem:$0x1E800] =	vst v63  }
0x1ed: {  	_ =	swait.ge [sflag:s23], $0x1400  }
0x1ee: {  	[sflag:s23] =	ssyncset.done $0x0  }
0x1ef: {  	[sflag:s23] =	ssyncadd.s32 $0xFFFFEC00  }
0x1f0: {  	[tilespmem:s24], [sflag:$0x5] =	stream.linear.gather [hbm4b:s16+s18], $0x1400, $0x38;
	[tilespmem:$0x1E800] =	vst v63  }
0x1f1: {  	_ =	swait.ge [sflag:s23], $0x1400  }
0x1f2: {  	[sflag:s23] =	ssyncset.done $0x0  }
0x1f3: {  	[sflag:s23] =	ssyncadd.s32 $0xFFFFEC00  }
0x1f4: {  	[tilespmem:s26], [sflag:$0x1] =	stream.indirect.gather [hbm4b:s4+s25], $0x80, s18, s25, $0xb8;
	[tilespmem:$0x1E800] =	vst v63  }
0x1f5: {  	_ = 	snop  }
0x1f6: {  	[tilespmem:s28], [sflag:$0x2] =	stream.indirect.gather [hbm4b:s4+s25], $0x80, s25, s25, $0xb8;
	[tilespmem:$0x1E800] =	vst v63  }
0x1f7: {  	_ =	swait.ge [sflag:s29], $0x4000  }
0x1f8: {  	[sflag:s29] =	ssyncset.done $0x0  }
0x1f9: {  	s20 =	simm.s32 $0x1400;
	[sflag:s29] =	ssyncadd.s32 $0xFFFFC000  }
0x1fa: {  	[spmem:s2] =	stream.indirect.scatter.add.f32 [tilespmem:s26], [sflag:$0x3], $0x80, s20, s25, $0xb8;
	[tilespmem:$0x1E800] =	vst v63  }
0x1fb: {  	_ =	swait.ge [sflag:s30], $0x4000  }
0x1fc: {  	[sflag:s30] =	ssyncset.done $0x0  }
0x1fd: {  	[sflag:s30] =	ssyncadd.s32 $0xFFFFC000  }
0x1fe: {  	_ =	swait.ge [sflag:s31], $0x4000  }
0x1ff: {  	[sflag:s31] =	ssyncset.done $0x0  }
0x200: {  	s19 =	simm.s32 $0x100;
	[sflag:s31] =	ssyncadd.s32 $0xFFFFC000  }
0x201: {  	[tilespmem:s26], [sflag:$0x1] =	stream.indirect.gather [hbm4b:s4+s25], $0x80, s19, s25, $0xb8;
	[tilespmem:$0x1E800] =	vst v63  }
0x202: {  	s20 =	simm.s32 $0x1480  }
0x203: {  	[spmem:s2] =	stream.indirect.scatter.add.f32 [tilespmem:s28], [sflag:$0x4], $0x80, s20, s25, $0xb8;
	[tilespmem:$0x1E800] =	vst v63  }
0x204: {  	_ =	swait.ge [sflag:s0], $0x4000  }
0x205: {  	[sflag:s0] =	ssyncset.done $0x0  }
0x206: {  	s18 =	simm.s32 $0x400;
	s19 =	simm.s32 $0x180;
	[sflag:s0] =	ssyncadd.s32 $0xFFFFC000  }
.LBB2_9:
0x207: {  	[tilespmem:s28], [sflag:$0x2] =	stream.indirect.gather [hbm4b:s4+s25], $0x80, s19, s25, $0xb8;
	[tilespmem:$0x1E800] =	vst v63  }
0x208: {  	s19 =	smov.u32 s18  }
0x209: {  	p1 =	seq.s32 s18, $0x4800;
	s18 =	sadd.s32 $0x400, s18;
	_ =	swait.ge [sflag:s29], $0x4000  }
0x20a: {  	s19 =	sshra.s32 s19, $0x2;
	[sflag:s29] =	ssyncset.done $0x0  }
0x20b: {  	s20 =	sadd.s32 $0x1400, s19;
	[sflag:s29] =	ssyncadd.s32 $0xFFFFC000  }
0x20c: {  	[spmem:s2] =	stream.indirect.scatter.add.f32 [tilespmem:s26], [sflag:$0x3], $0x80, s20, s25, $0xb8;
	[tilespmem:$0x1E800] =	vst v63  }
0x20d: {  	_ =	swait.ge [sflag:s30], $0x4000  }
0x20e: {  	[sflag:s30] =	ssyncset.done $0x0  }
0x20f: {  	[sflag:s30] =	ssyncadd.s32 $0xFFFFC000  }
0x210: {  	_ =	swait.ge [sflag:s31], $0x4000  }
0x211: {  	[sflag:s31] =	ssyncset.done $0x0  }
0x212: {  	s20 =	sadd.s32 $0x100, s19;
	[sflag:s31] =	ssyncadd.s32 $0xFFFFC000  }
0x213: {  	[tilespmem:s26], [sflag:$0x1] =	stream.indirect.gather [hbm4b:s4+s25], $0x80, s20, s25, $0xb8;
	[tilespmem:$0x1E800] =	vst v63  }
.Ltmp11:
0x214: {  	s20 =	sadd.s32 $0x1480, s19;
	(pc) =	sbr.rel @!p1 .LBB2_9-.Ltmp11, $4  }
0x215: {  	[spmem:s2] =	stream.indirect.scatter.add.f32 [tilespmem:s28], [sflag:$0x4], $0x80, s20, s25, $0xb8;
	[tilespmem:$0x1E800] =	vst v63  }
0x216: {  	_ =	swait.ge [sflag:s0], $0x4000  }
0x217: {  	[sflag:s0] =	ssyncset.done $0x0  }
0x218: {  	s19 =	sadd.s32 $0x180, s19;
	[sflag:s0] =	ssyncadd.s32 $0xFFFFC000  }
.Ltmp12:
0x219: {  	(pc) =	sbr.rel .LBB2_20-.Ltmp12, $3  }
0x21a: {  	_ =	sdelay $0x1  }
0x21b: {  	[tilespmem:s28], [sflag:$0x2] =	stream.indirect.gather [hbm4b:s4+s25], $0x80, s19, s25, $0xb8;
	[tilespmem:$0x1E800] =	vst v63  }
0x21c: {  	s18 =	rddreg [dreg:$0x4]  }
.LBB2_21:
0x21d: {  	_ =	sfence.sel $0x180000  }
0x21e: {  	[bflag:$0x0] =	sbarrier.arrive $0xFFFF  }
0x21f: {  	_ =	strace $0x9000004A  }
0x220: {  	[bflag:$0x2] =	sbarrier.arrive $0xFFFF  }
0x221: {  	p0 =	sne.s32 s5, $0x0;
	s0 =	rddreg [dreg:$0x3]  }
0x222: {  	s0 =	sadd.s32 @!p0 $0x100000, s0  }
0x223: {  	[sflag:s0] =	ssyncadd.tile.s32 @!p0 $0x1;
	_ =	shalt  }
.Lfunc_end2:
_tile_overlayer_lowered:
.L_overlay_start_2:
0x224: {  	(tag) =	ssettag $0x2  }
0x225: {  	s0 =	rddreg [dreg:$0x0];
	s2 =	stileid.u32  }
0x226: {  	s1 =	rddreg [dreg:$0x1];
	p0 =	sne.s32 s2, $0x0  }
0x227: {  	s3 =	rddreg [dreg:$0x2];
	[bflag:$0x3] =	sbarrier.arrive $0xFFFF;
	s2 =	simm.s32 @!p0 $0x1C05  }
0x228: {  	[timem:s3], [sflag:s2] =	dma.local @!p0 [hbm:s0], s1  }
0x229: {  	s0 =	simm.s32 @!p0 $0x5  }
0x22a: {  	_ =	swait.ge @!p0 [sflag:s0], s1  }
0x22b: {  	s1 =	ssub.s32 @!p0 $0x0, s1;
	[sflag:s0] =	ssyncset.done @!p0 $0x0  }
0x22c: {  	[sflag:s0] =	ssyncadd.s32 @!p0 s1  }
0x22d: {  	[bflag:$0x3] =	sbarrier.arrive $0xFFFF  }
0x22e: {  	_ =	shalt  }

// kernel: kernel.14.cloned.1.call-start
scs
__scs_entry_jumppad:
0x0: {  	(pc) =	sbr.rel $0x88, $3  }
0x1: {  	(tag) =	ssettag $0x0;
	lr =	simm.s32 $0x1  }
0x2: {  	[smem:$0x3F9B] =	sst lr;
	_ =	strace $0xD0000000  }
0x3: {  	_ = 	snop  }
0x4: {  	_ = 	snop  }
0x5: {  	_ = 	snop  }
0x6: {  	_ = 	snop  }
0x7: {  	_ = 	snop  }
__scs_overlays_trampoline_lowered:
0x8: {  	[smem:$0x3FAA] =	sst s0  }
0x9: {  	[smem:$0x3FAB] =	sst s1  }
0xa: {  	[smem:$0x3FAC] =	sst s2  }
0xb: {  	[smem:$0x3FAD] =	sst s3  }
0xc: {  	[smem:$0x3FAE] =	sst s4  }
0xd: {  	[smem:$0x3FAF] =	sst s5  }
0xe: {  	[smem:$0x3FB0] =	sst s6  }
0xf: {  	[smem:$0x3FB1] =	sst s7  }
0x10: {  	[smem:$0x3FB2] =	sst s8  }
0x11: {  	[smem:$0x3FB3] =	sst s9;
	s0 =	simm.s32 @!p0 $0x0  }
0x12: {  	s1 =	sld [smem:$0x3F99];
	s0 =	simm.s32 @p0 $0x1  }
0x13: {  	[smem:$0x3FB4] =	sst s0;
	s0 =	simm.s32 @!p1 $0x0  }
0x14: {  	s2 =	sld [smem:$0x3F98];
	s0 =	simm.s32 @p1 $0x1  }
0x15: {  	[smem:$0x3FB5] =	sst s0;
	s0 =	simm.s32 @!p2 $0x0  }
0x16: {  	s3 =	sld [smem:$0x3FDB];
	s0 =	simm.s32 @p2 $0x1  }
0x17: {  	s4 =	simm.s32 $0x1BF5;
	[smem:$0x3FB7] =	sst s0  }
0x18: {  	s0 =	sld [smem:$0x3F9A];
	_ =	swait.ge [sflag:s4], $0x0  }
0x19: {  	s7 =	sld [smem:$0x3F9B]  }
0x1a: {  	s8 =	sadd.s32 $0xFFFFE003, lr  }
0x1b: {  	s9 =	sadd.s32 $0xFFFFFEF7, lr;
	s5 =	simm.s32 $0xFFFFFFFF;
	p2 =	slt.u32 s8, $0xFFFFF086  }
0x1c: {  	p1 =	slt.u32 s9, $0xF7A;
	s5 =	simm.s32 @!p2 $0x0  }
0x1d: {  	s5 =	simm.s32 @p1 $0x1;
	p0 =	seq.s32 s7, s2  }
0x1e: {  	s7 =	smul.u32 @!p0 $0xF7A, s2;
	p2 =	seq.s32 @!p0 s5, $0x0  }
0x1f: {  	s9 =	smul.u32 $0xF7A, s1;
	s8 =	simm.s32 @!p0 $0x1BF5;
	p2 =	por !p2, p0  }
0x20: {  	[sflag:s8] =	ssyncset.s32 @!p0 $0xFFFFF086;
	s6 =	sadd.s32 @!p0 s3, s7;
	s7 =	simm.s32 @!p0 $0x108  }
0x21: {  	s3 =	sadd.s32 s3, s9;
	s6 =	sadd.s32 @!p0 $0x88, s6;
	s7 =	simm.s32 @p2 $0x1082  }
0x22: {  	[simem:s7], [sflag:s8] =	dma.local @!p0 [hbm:s6], $0xF7A  }
0x23: {  	s9 =	sor.u32 $0xD0000000, s2;
	s6 =	simm.s32 $0x108;
	_ =	swait.ge @!p0 [sflag:s8], $0x0  }
0x24: {  	s3 =	sadd.s32 $0x88, s3;
	s6 =	simm.s32 @!p1 $0x1082;
	[sflag:s4] =	ssyncset.s32 $0xFFFFF086  }
0x25: {  	[simem:s6], [sflag:s4] =	dma.local [hbm:s3], $0xF7A  }
0x26: {  	[smem:$0x3F9B] =	sst s1;
	(tag) =	ssettag s2;
	_ =	strace s9  }
0x27: {  	s1 =	sld [smem:$0x3FAB]  }
0x28: {  	s2 =	sld [smem:$0x3FAC]  }
0x29: {  	s4 =	sld [smem:$0x3FAE]  }
0x2a: {  	p0 =	seq.s32 s5, $0x0;
	s5 =	sld [smem:$0x3FAF]  }
0x2b: {  	s6 =	sld [smem:$0x3FB0]  }
0x2c: {  	s7 =	sld [smem:$0x3FB1]  }
0x2d: {  	s3 =	simm.s32 $0x108;
	s8 =	sld [smem:$0x3FB2]  }
0x2e: {  	s3 =	simm.s32 @!p0 $0x1082;
	s9 =	sld [smem:$0x3FB3]  }
0x2f: {  	lr =	sadd.s32 s0, s3;
	s0 =	sld [smem:$0x3FAA]  }
0x30: {  	s3 =	sld [smem:$0x3FAD]  }
0x31: {  	[smem:$0x3FB6] =	sst s10  }
0x32: {  	s10 =	sld [smem:$0x3FB4];
	_ =	sdelay $0x3  }
0x33: {  	p0 =	seq.s32 s10, $0x1;
	s10 =	sld [smem:$0x3FB6];
	_ =	sdelay $0x3  }
0x34: {  	[smem:$0x3FB6] =	sst s10  }
0x35: {  	s10 =	sld [smem:$0x3FB5];
	_ =	sdelay $0x3  }
0x36: {  	p1 =	seq.s32 s10, $0x1;
	s10 =	sld [smem:$0x3FB6];
	_ =	sdelay $0x3  }
0x37: {  	[smem:$0x3FB6] =	sst s10  }
0x38: {  	s10 =	sld [smem:$0x3FB7]  }
0x39: {  	_ = 	snop;
	(pc) =	sbr.ind lr, $3  }
0x3a: {  	_ = 	snop  }
0x3b: {  	_ = 	snop  }
0x3c: {  	p2 =	seq.s32 s10, $0x1;
	s10 =	sld [smem:$0x3FB6]  }
0x3d: {  	_ =	shalt  }
0x3e: {  	_ =	shalt  }
0x3f: {  	_ =	shalt  }
0x40: {  	_ =	shalt  }
0x41: {  	_ =	shalt  }
0x42: {  	_ =	shalt  }
0x43: {  	_ =	shalt  }
0x44: {  	_ =	shalt  }
0x45: {  	_ =	shalt  }
0x46: {  	_ =	shalt  }
0x47: {  	_ =	shalt  }
0x48: {  	_ =	shalt  }
0x49: {  	_ =	shalt  }
0x4a: {  	_ =	shalt  }
0x4b: {  	_ =	shalt  }
0x4c: {  	_ =	shalt  }
0x4d: {  	_ =	shalt  }
0x4e: {  	_ =	shalt  }
0x4f: {  	_ =	shalt  }
0x50: {  	_ =	shalt  }
0x51: {  	_ =	shalt  }
0x52: {  	_ =	shalt  }
0x53: {  	_ =	shalt  }
0x54: {  	_ =	shalt  }
0x55: {  	_ =	shalt  }
0x56: {  	_ =	shalt  }
0x57: {  	_ =	shalt  }
0x58: {  	_ =	shalt  }
0x59: {  	_ =	shalt  }
0x5a: {  	_ =	shalt  }
0x5b: {  	_ =	shalt  }
0x5c: {  	_ =	shalt  }
0x5d: {  	_ =	shalt  }
0x5e: {  	_ =	shalt  }
0x5f: {  	_ =	shalt  }
0x60: {  	_ =	shalt  }
0x61: {  	_ =	shalt  }
0x62: {  	_ =	shalt  }
0x63: {  	_ =	shalt  }
0x64: {  	_ =	shalt  }
0x65: {  	_ =	shalt  }
0x66: {  	_ =	shalt  }
0x67: {  	_ =	shalt  }
0x68: {  	_ =	shalt  }
0x69: {  	_ =	shalt  }
0x6a: {  	_ =	shalt  }
0x6b: {  	_ =	shalt  }
0x6c: {  	_ =	shalt  }
0x6d: {  	_ =	shalt  }
0x6e: {  	_ =	shalt  }
0x6f: {  	_ =	shalt  }
0x70: {  	_ =	shalt  }
0x71: {  	_ =	shalt  }
0x72: {  	_ =	shalt  }
0x73: {  	_ =	shalt  }
0x74: {  	_ =	shalt  }
0x75: {  	_ =	shalt  }
0x76: {  	_ =	shalt  }
0x77: {  	_ =	shalt  }
0x78: {  	_ =	shalt  }
0x79: {  	_ =	shalt  }
0x7a: {  	_ =	shalt  }
0x7b: {  	_ =	shalt  }
0x7c: {  	_ =	shalt  }
0x7d: {  	_ =	shalt  }
0x7e: {  	_ =	shalt  }
0x7f: {  	_ =	shalt  }
0x80: {  	_ =	shalt  }
0x81: {  	_ =	shalt  }
0x82: {  	_ =	shalt  }
0x83: {  	_ =	shalt  }
0x84: {  	_ =	shalt  }
0x85: {  	_ =	shalt  }
0x86: {  	_ =	shalt  }
0x87: {  	_ =	shalt  }
.Lfunc_end0:
.L_simem_size_0:
called_computation.2_lowered:
.L_overlay_start_0:
0x88: {  	s2 =	sld [smem:$0x3FD9]  }
0x89: {  	s3 =	sld [smem:$0x3FFE];
	_ =	sdelay $0x1  }
0x8a: {  	s1 =	srdreg.scid  }
0x8b: {  	s0 =	sand.u32 $0x1, s1  }
0x8c: {  	s17 =	sshll.u32 s0, $0xA;
	s2 =	sadd.s32 s3, s2  }
0x8d: {  	s2 =	sadd.s32 s2, s17  }
0x8e: {  	[smem:$0x3FC2] =	sst s2  }
0x8f: {  	_ = 	snop  }
0x90: {  	s2 =	sld [smem:$0x3FD0];
	(tm) =	ssettm $0x1  }
0x91: {  	s18 =	sld [smem:$0x3FFB];
	_ =	sdelay $0x3  }
0x92: {  	_ =	strace s18  }
0x93: {  	s3 =	sld [smem:$0x3FFC];
	_ =	sdelay $0x3  }
0x94: {  	_ =	strace s3  }
0x95: {  	s3 =	sld [smem:$0x3FFD];
	_ =	sdelay $0x3  }
0x96: {  	_ =	strace s3  }
0x97: {  	_ =	strace $0x8FFFFFFF  }
0x98: {  	s19 =	sld [smem:$0x3FDB];
	_ =	sdelay $0x1  }
0x99: {  	s4 =	simm.s32 $_scs_section_size  }
0x9a: {  	s5 =	simm.s32 $_size__tile_overlayer_lowered;
	s6 =	simm.s32 $_tile_overlayer_lowered  }
0x9b: {  	s22 =	simm.s32 $0x1BFF;
	s21 =	sshll.u32 s6, $0x1;
	s3 =	sadd.s32 s4, s19  }
0x9c: {  	s7 =	simm.s32 $0x0;
	s20 =	sshll.u32 s5, $0x1;
	s5 =	sadd.s32 s21, s3  }
0x9d: {  	[timem:s7], [sflag:s22] =	dma.local [hbm:s5], s20  }
0x9e: {  	_ =	swait.ge [sflag:s22], s20  }
0x9f: {  	s4 =	ssub.s32 $0x0, s20;
	[sflag:s22] =	ssyncset.done $0x0  }
0xa0: {  	[sflag:s22] =	ssyncadd.s32 s4;
	_ =	sdelay $0x1  }
0xa1: {  	s23 =	simm.s32 $0x1B8B  }
0xa2: {  	_ =	swait.ge [sflag:s23], $0x1  }
0xa3: {  	[sflag:s23] =	ssyncset.done $0x0  }
0xa4: {  	s25 =	simm.s32 $0x1B8E;
	s24 =	sld [smem:$0x3FFE];
	[sflag:s23] =	ssyncadd.s32 $0xFFFFFFFF  }
0xa5: {  	s26 =	simm.s32 $execute0_lowered;
	[smem:$0x3FD2] =	sst s25  }
0xa6: {  	s5 =	sshll.u32 s26, $0x1;
	_ =	strace $0x8000004C;
	[dreg:$0x1] =	wrdreg $0xFFFFFFFF  }
0xa7: {  	s28 =	simm.s32 $_size_execute0_lowered;
	s3 =	sadd.s32 s3, s5;
	[dreg:$0x0] =	wrdreg $0x0  }
0xa8: {  	s5 =	sshll.u32 s28, $0x1;
	[dreg:$0x2] =	wrdreg s3  }
0xa9: {  	[dreg:$0x3] =	wrdreg s5  }
0xaa: {  	[dreg:$0x4] =	wrdreg $0xC0  }
0xab: {  	_ =	task [dreg:s7], $0x5FFFF  }
0xac: {  	[dreg:$0x1] =	wrdreg $0xFFFFFFFF  }
0xad: {  	[dreg:$0x0] =	wrdreg $0x60  }
0xae: {  	[dreg:$0x2] =	wrdreg s2  }
0xaf: {  	[dreg:$0x3] =	wrdreg s24  }
0xb0: {  	[dreg:$0x4] =	wrdreg $0xA8000  }
0xb1: {  	[dreg:$0x5] =	wrdreg $0x9  }
0xb2: {  	_ =	task.clear_ibuf [dreg:s7], $0x6FFFF;
	_ =	strace $0x9000004C  }
0xb3: {  	s29 =	simm.s32 $0x9;
	_ =	strace $0x8000004E  }
0xb4: {  	_ =	swait.ge [sflag:s29], $0x1  }
0xb5: {  	[sflag:s29] =	ssyncadd.s32 $0xFFFFFFFF  }
0xb6: {  	_ =	strace $0x9000004E  }
0xb7: {  	_ =	sfence  }
0xb8: {  	s30 =	sld [smem:$0x0];
	_ =	sdelay $0x2  }
0xb9: {  	s31 =	sshll.u32 s1, $0xD;
	s1 =	sshrl.u32 s1, $0x2  }
0xba: {  	s3 =	sand.u32 $0x4000, s31;
	s1 =	sadd.s32 s1, s30  }
0xbb: {  	s0 =	sor.u32 s3, s0;
	s1 =	sshll.u32 s1, $0x11  }
0xbc: {  	s0 =	sor.u32 s1, s0  }
0xbd: {  	s0 =	sadd.s32 $0x8F2B, s0  }
0xbe: {  	[sflag:s0] =	ssyncadd.remote.s32 $0x1  }
0xbf: {  	_ =	sfence.sel $0xFFFF  }
0xc0: {  	[dreg:$0x0] =	wrdreg $0xFFFFFFFF;
	(pc) =	sbr.abs _section_cstart, $3  }
0xc1: {  	[dreg:$0x1] =	wrdreg $0xFFFFFFFF  }
0xc2: {  	_ =	task.clear_ibuf [dreg:s7], $0x2FFFF;
	_ =	strace $0x9FFFFFFF  }
0xc3: {  	(tm) =	ssettm $0x7FFFFFFF  }
tec
execute0_lowered:
.L_overlay_start_1:
0x0: {  	(tag) =	ssettag $0x1  }
0x1: {  	s1 =	rddreg [dreg:$0x0]  }
0x2: {  	s0 =	rddreg [dreg:$0x1]  }
0x3: {  	s2 =	rddreg [dreg:$0x2];
	s3 =	simm.s32 $0x0;
	s6 =	srdreg.scid  }
0x4: {  	s15 =	stileid.u32;
	s19 =	simm.s32 $0x5;
	s20 =	simm.s32 $0x1400  }
0x5: {  	s21 =	simm.s32 $0x80;
	s22 =	simm.s32 $0x2800;
	s23 =	simm.s32 $0x6800  }
0x6: {  	s24 =	simm.s32 $0x1;
	s28 =	simm.s32 $0x4;
	s29 =	simm.s32 $0x2700  }
0x7: {  	s30 =	simm.s32 $0x2780;
	[smem:$0x7FF] =	sst s3;
	s5 =	sadd.s32 $0x31000, s0  }
0x8: {  	s4 =	sadd.s32 $0xA9000, s0;
	s13 =	sadd.s32 $0x4000, s0;
	s9 =	sand.u32 $0x1, s6  }
0x9: {  	s25 =	sadd.s32 $0x59000, s0;
	s11 =	smul.u32 $0x50000, s15;
	s7 =	sadd.s32 $0x81000, s0  }
0xa: {  	s8 =	smul.u32 $0x2800, s15;
	_ =	strace $0x8000004D;
	[dreg:$0x4] =	wrdreg s25  }
0xb: {  	s10 =	ssub.s32 $0x2, s9;
	p0 =	seq.s32 s9, $0x1;
	s25 =	simm.s32 $0x2  }
0xc: {  	s26 =	sshrl.u32 s10, $0x1;
	s31 =	sshrl.u32 s11, $0x2;
	s9 =	sadd.s32 s1, s8  }
.Ltmp0:
0xd: {  	s12 =	sshrl.u32 s8, $0x3;
	s0 =	ssub.s32 s10, s26;
	(pc) =	sbr.rel .LBB2_1-.Ltmp0, $4  }
0xe: {  	s18 =	sadd.s32 s31, s2;
	s10 =	sadd.s32 s4, s12;
	s14 =	sadd.s32 $0x280, s12  }
0xf: {  	s11 =	sadd.s32 s13, s12;
	s26 =	simm.s32 $0x3;
	s12 =	sadd.s32 s4, s14  }
0x10: {  	s13 =	sadd.s32 s13, s14;
	s14 =	sshll.u32 s15, $0x6;
	s15 =	sadd.s32 s5, s8  }
0x11: {  	s16 =	smax.u32 s0, $0x1;
	s18 =	sshrl.u32 s18, $0x3;
	s17 =	sor.u32 $0x1C05, s14  }
.LBB2_11:
0x12: {  	[tilespmem:s23], [sflag:$0x2] =	stream.indirect.gather [hbm4b:s5+s21], $0x80, s4, s21, $0xb8;
	[tilespmem:$0x1E800] =	vst v63  }
0x13: {  	s0 =	smov.u32 s7;
	s31 =	smov.u32 s17  }
.LBB2_12:
0x14: {  	_ =	swait.ge [sflag:s24], $0x4000  }
0x15: {  	[sflag:s24] =	ssyncset.done $0x0  }
0x16: {  	[sflag:s24] =	ssyncadd.s32 $0xFFFFC000  }
0x17: {  	[spmem:s2] =	stream.indirect.scatter.add.f32 [tilespmem:s22], [sflag:$0x5], $0x80, s29, s21, $0xb8;
	[tilespmem:$0x1E800] =	vst v63  }
0x18: {  	_ =	swait.ge [sflag:s19], $0x4000  }
0x19: {  	[sflag:s19] =	ssyncset.done $0x0  }
0x1a: {  	[sflag:s19] =	ssyncadd.s32 $0xFFFFC000  }
0x1b: {  	_ =	swait.ge [sflag:s25], $0x4000  }
0x1c: {  	[sflag:s25] =	ssyncset.done $0x0  }
0x1d: {  	[sflag:s25] =	ssyncadd.s32 $0xFFFFC000  }
0x1e: {  	[spmem:s2] =	stream.indirect.scatter.add.f32 [tilespmem:s23], [sflag:$0x5], $0x80, s30, s21, $0xb8;
	[tilespmem:$0x1E800] =	vst v63  }
0x1f: {  	_ =	swait.ge [sflag:s19], $0x4000  }
0x20: {  	[sflag:s19] =	ssyncset.done $0x0  }
0x21: {  	s3 =	sadd.s32 $0x1, s3;
	[sflag:s19] =	ssyncadd.s32 $0xFFFFC000  }
0x22: {  	s0 =	sadd.s32 s0, s8;
	p1 =	sne.s32 s3, s16;
	[bflag:$0x0] =	sbarrier.arrive $0xFFFF  }
0x23: {  	[hbm:s0], [sflag:s31] =	dma.local [spmem:s18], $0x2800  }
.Ltmp1:
0x24: {  	_ =	swait.ge [sflag:s19], $0x2800;
	(pc) =	sbr.rel @!p1 .LBB2_13-.Ltmp1, $3  }
0x25: {  	[sflag:s19] =	ssyncset.done $0x0  }
0x26: {  	[sflag:s19] =	ssyncadd.s32 $0xFFFFD800  }
0x27: {  	[bflag:$0x0] =	sbarrier.arrive $0xFFFF;
	_ =	sdelay $0x1  }
.LBB2_1:
.Ltmp2:
0x28: {  	(pc) =	sbr.rel @!p0 .LBB2_2-.Ltmp2, $1  }
0x29: {  	_ =	sdelay $0x3  }
0x2a: {  	[spmem:s18], [sflag:s17] =	dma.local [hbm:s15], $0x2800  }
0x2b: {  	_ =	swait.ge [sflag:s19], $0x2800  }
0x2c: {  	[sflag:s19] =	ssyncset.done $0x0  }
0x2d: {  	[sflag:s19] =	ssyncadd.s32 $0xFFFFD800  }
0x2e: {  	s0 =	simm.s32 $0x0;
	[bflag:$0x0] =	sbarrier.arrive $0xFFFF  }
0x2f: {  	[tilespmem:s0], [sflag:$0x5] =	stream.linear.gather [hbm4b:s10+s0], $0x1400, $0x38;
	[tilespmem:$0x1E800] =	vst v63  }
0x30: {  	_ =	swait.ge [sflag:s19], $0x1400  }
0x31: {  	[sflag:s19] =	ssyncset.done $0x0  }
0x32: {  	[sflag:s19] =	ssyncadd.s32 $0xFFFFEC00  }
0x33: {  	[tilespmem:s20], [sflag:$0x5] =	stream.linear.gather [hbm4b:s11+s0], $0x1400, $0x38;
	[tilespmem:$0x1E800] =	vst v63  }
0x34: {  	_ =	swait.ge [sflag:s19], $0x1400  }
0x35: {  	[sflag:s19] =	ssyncset.done $0x0  }
0x36: {  	[sflag:s19] =	ssyncadd.s32 $0xFFFFEC00  }
0x37: {  	[tilespmem:s22], [sflag:$0x1] =	stream.indirect.gather [hbm4b:s5+s21], $0x80, s0, s21, $0xb8;
	[tilespmem:$0x1E800] =	vst v63  }
0x38: {  	_ = 	snop  }
0x39: {  	[tilespmem:s23], [sflag:$0x2] =	stream.indirect.gather [hbm4b:s5+s21], $0x80, s21, s21, $0xb8;
	[tilespmem:$0x1E800] =	vst v63  }
0x3a: {  	_ =	swait.ge [sflag:s24], $0x4000  }
0x3b: {  	[sflag:s24] =	ssyncset.done $0x0  }
0x3c: {  	s4 =	simm.s32 $0x1400;
	[sflag:s24] =	ssyncadd.s32 $0xFFFFC000  }
0x3d: {  	[spmem:s2] =	stream.indirect.scatter.add.f32 [tilespmem:s22], [sflag:$0x3], $0x80, s4, s21, $0xb8;
	[tilespmem:$0x1E800] =	vst v63  }
0x3e: {  	_ =	swait.ge [sflag:s25], $0x4000  }
0x3f: {  	[sflag:s25] =	ssyncset.done $0x0  }
0x40: {  	[sflag:s25] =	ssyncadd.s32 $0xFFFFC000  }
0x41: {  	_ =	swait.ge [sflag:s26], $0x4000  }
0x42: {  	[sflag:s26] =	ssyncset.done $0x0  }
0x43: {  	s6 =	simm.s32 $0x100;
	[sflag:s26] =	ssyncadd.s32 $0xFFFFC000  }
0x44: {  	[tilespmem:s22], [sflag:$0x1] =	stream.indirect.gather [hbm4b:s5+s21], $0x80, s6, s21, $0xb8;
	[tilespmem:$0x1E800] =	vst v63  }
0x45: {  	s31 =	simm.s32 $0x1480  }
0x46: {  	[spmem:s2] =	stream.indirect.scatter.add.f32 [tilespmem:s23], [sflag:$0x4], $0x80, s31, s21, $0xb8;
	[tilespmem:$0x1E800] =	vst v63  }
0x47: {  	_ =	swait.ge [sflag:s28], $0x4000  }
0x48: {  	[sflag:s28] =	ssyncset.done $0x0  }
0x49: {  	s0 =	simm.s32 $0x400;
	s4 =	simm.s32 $0x180;
	[sflag:s28] =	ssyncadd.s32 $0xFFFFC000  }
.LBB2_8:
0x4a: {  	[tilespmem:s23], [sflag:$0x2] =	stream.indirect.gather [hbm4b:s5+s21], $0x80, s4, s21, $0xb8;
	[tilespmem:$0x1E800] =	vst v63  }
0x4b: {  	s4 =	smov.u32 s0  }
0x4c: {  	p1 =	sne.s32 s0, $0x4800;
	s0 =	sadd.s32 $0x400, s0;
	_ =	swait.ge [sflag:s24], $0x4000  }
0x4d: {  	s4 =	sshra.s32 s4, $0x2;
	[sflag:s24] =	ssyncset.done $0x0  }
0x4e: {  	s6 =	sadd.s32 $0x1400, s4;
	[sflag:s24] =	ssyncadd.s32 $0xFFFFC000  }
0x4f: {  	[spmem:s2] =	stream.indirect.scatter.add.f32 [tilespmem:s22], [sflag:$0x3], $0x80, s6, s21, $0xb8;
	[tilespmem:$0x1E800] =	vst v63  }
0x50: {  	_ =	swait.ge [sflag:s25], $0x4000  }
0x51: {  	[sflag:s25] =	ssyncset.done $0x0  }
0x52: {  	[sflag:s25] =	ssyncadd.s32 $0xFFFFC000  }
0x53: {  	_ =	swait.ge [sflag:s26], $0x4000  }
0x54: {  	[sflag:s26] =	ssyncset.done $0x0  }
0x55: {  	s6 =	sadd.s32 $0x100, s4;
	[sflag:s26] =	ssyncadd.s32 $0xFFFFC000  }
0x56: {  	[tilespmem:s22], [sflag:$0x1] =	stream.indirect.gather [hbm4b:s5+s21], $0x80, s6, s21, $0xb8;
	[tilespmem:$0x1E800] =	vst v63  }
.Ltmp3:
0x57: {  	s6 =	sadd.s32 $0x1480, s4;
	(pc) =	sbr.rel @p1 .LBB2_8-.Ltmp3, $4  }
0x58: {  	[spmem:s2] =	stream.indirect.scatter.add.f32 [tilespmem:s23], [sflag:$0x4], $0x80, s6, s21, $0xb8;
	[tilespmem:$0x1E800] =	vst v63  }
0x59: {  	_ =	swait.ge [sflag:s28], $0x4000  }
0x5a: {  	[sflag:s28] =	ssyncset.done $0x0  }
0x5b: {  	s4 =	sadd.s32 $0x180, s4;
	[sflag:s28] =	ssyncadd.s32 $0xFFFFC000  }
0x5c: {  	[tilespmem:s23], [sflag:$0x2] =	stream.indirect.gather [hbm4b:s5+s21], $0x80, s4, s21, $0xb8;
	[tilespmem:$0x1E800] =	vst v63  }
0x5d: {  	_ =	swait.ge [sflag:s24], $0x4000  }
0x5e: {  	[sflag:s24] =	ssyncset.done $0x0  }
0x5f: {  	[sflag:s24] =	ssyncadd.s32 $0xFFFFC000  }
0x60: {  	[spmem:s2] =	stream.indirect.scatter.add.f32 [tilespmem:s22], [sflag:$0x5], $0x80, s29, s21, $0xb8;
	[tilespmem:$0x1E800] =	vst v63  }
0x61: {  	_ =	swait.ge [sflag:s19], $0x4000  }
0x62: {  	[sflag:s19] =	ssyncset.done $0x0  }
0x63: {  	[sflag:s19] =	ssyncadd.s32 $0xFFFFC000  }
0x64: {  	_ =	swait.ge [sflag:s25], $0x4000  }
0x65: {  	[sflag:s25] =	ssyncset.done $0x0  }
0x66: {  	[sflag:s25] =	ssyncadd.s32 $0xFFFFC000  }
0x67: {  	[spmem:s2] =	stream.indirect.scatter.add.f32 [tilespmem:s23], [sflag:$0x5], $0x80, s30, s21, $0xb8;
	[tilespmem:$0x1E800] =	vst v63  }
0x68: {  	_ =	swait.ge [sflag:s19], $0x4000  }
0x69: {  	[sflag:s19] =	ssyncset.done $0x0  }
0x6a: {  	s0 =	simm.s32 $0x0;
	[sflag:s19] =	ssyncadd.s32 $0xFFFFC000  }
0x6b: {  	[tilespmem:s0], [sflag:$0x5] =	stream.linear.gather [hbm4b:s12+s0], $0x1400, $0x38;
	[tilespmem:$0x1E800] =	vst v63  }
0x6c: {  	_ =	swait.ge [sflag:s19], $0x1400  }
0x6d: {  	[sflag:s19] =	ssyncset.done $0x0  }
0x6e: {  	[sflag:s19] =	ssyncadd.s32 $0xFFFFEC00  }
0x6f: {  	[tilespmem:s20], [sflag:$0x5] =	stream.linear.gather [hbm4b:s13+s0], $0x1400, $0x38;
	[tilespmem:$0x1E800] =	vst v63  }
0x70: {  	_ =	swait.ge [sflag:s19], $0x1400  }
0x71: {  	[sflag:s19] =	ssyncset.done $0x0  }
0x72: {  	[sflag:s19] =	ssyncadd.s32 $0xFFFFEC00  }
0x73: {  	[tilespmem:s22], [sflag:$0x1] =	stream.indirect.gather [hbm4b:s5+s21], $0x80, s0, s21, $0xb8;
	[tilespmem:$0x1E800] =	vst v63  }
0x74: {  	_ = 	snop  }
0x75: {  	[tilespmem:s23], [sflag:$0x2] =	stream.indirect.gather [hbm4b:s5+s21], $0x80, s21, s21, $0xb8;
	[tilespmem:$0x1E800] =	vst v63  }
0x76: {  	_ =	swait.ge [sflag:s24], $0x4000  }
0x77: {  	[sflag:s24] =	ssyncset.done $0x0  }
0x78: {  	s4 =	simm.s32 $0x1400;
	[sflag:s24] =	ssyncadd.s32 $0xFFFFC000  }
0x79: {  	[spmem:s2] =	stream.indirect.scatter.add.f32 [tilespmem:s22], [sflag:$0x3], $0x80, s4, s21, $0xb8;
	[tilespmem:$0x1E800] =	vst v63  }
0x7a: {  	_ =	swait.ge [sflag:s25], $0x4000  }
0x7b: {  	[sflag:s25] =	ssyncset.done $0x0  }
0x7c: {  	[sflag:s25] =	ssyncadd.s32 $0xFFFFC000  }
0x7d: {  	_ =	swait.ge [sflag:s26], $0x4000  }
0x7e: {  	[sflag:s26] =	ssyncset.done $0x0  }
0x7f: {  	s6 =	simm.s32 $0x100;
	[sflag:s26] =	ssyncadd.s32 $0xFFFFC000  }
0x80: {  	[tilespmem:s22], [sflag:$0x1] =	stream.indirect.gather [hbm4b:s5+s21], $0x80, s6, s21, $0xb8;
	[tilespmem:$0x1E800] =	vst v63  }
0x81: {  	s31 =	simm.s32 $0x1480  }
0x82: {  	[spmem:s2] =	stream.indirect.scatter.add.f32 [tilespmem:s23], [sflag:$0x4], $0x80, s31, s21, $0xb8;
	[tilespmem:$0x1E800] =	vst v63  }
0x83: {  	_ =	swait.ge [sflag:s28], $0x4000  }
0x84: {  	[sflag:s28] =	ssyncset.done $0x0  }
0x85: {  	s0 =	simm.s32 $0x400;
	s4 =	simm.s32 $0x180;
	[sflag:s28] =	ssyncadd.s32 $0xFFFFC000  }
.LBB2_10:
0x86: {  	[tilespmem:s23], [sflag:$0x2] =	stream.indirect.gather [hbm4b:s5+s21], $0x80, s4, s21, $0xb8;
	[tilespmem:$0x1E800] =	vst v63  }
0x87: {  	s4 =	smov.u32 s0  }
0x88: {  	p1 =	sne.s32 s0, $0x4800;
	s0 =	sadd.s32 $0x400, s0;
	_ =	swait.ge [sflag:s24], $0x4000  }
0x89: {  	s4 =	sshra.s32 s4, $0x2;
	[sflag:s24] =	ssyncset.done $0x0  }
0x8a: {  	s6 =	sadd.s32 $0x1400, s4;
	[sflag:s24] =	ssyncadd.s32 $0xFFFFC000  }
0x8b: {  	[spmem:s2] =	stream.indirect.scatter.add.f32 [tilespmem:s22], [sflag:$0x3], $0x80, s6, s21, $0xb8;
	[tilespmem:$0x1E800] =	vst v63  }
0x8c: {  	_ =	swait.ge [sflag:s25], $0x4000  }
0x8d: {  	[sflag:s25] =	ssyncset.done $0x0  }
0x8e: {  	[sflag:s25] =	ssyncadd.s32 $0xFFFFC000  }
0x8f: {  	_ =	swait.ge [sflag:s26], $0x4000  }
0x90: {  	[sflag:s26] =	ssyncset.done $0x0  }
0x91: {  	s6 =	sadd.s32 $0x100, s4;
	[sflag:s26] =	ssyncadd.s32 $0xFFFFC000  }
0x92: {  	[tilespmem:s22], [sflag:$0x1] =	stream.indirect.gather [hbm4b:s5+s21], $0x80, s6, s21, $0xb8;
	[tilespmem:$0x1E800] =	vst v63  }
.Ltmp4:
0x93: {  	s6 =	sadd.s32 $0x1480, s4;
	(pc) =	sbr.rel @p1 .LBB2_10-.Ltmp4, $4  }
0x94: {  	[spmem:s2] =	stream.indirect.scatter.add.f32 [tilespmem:s23], [sflag:$0x4], $0x80, s6, s21, $0xb8;
	[tilespmem:$0x1E800] =	vst v63  }
0x95: {  	_ =	swait.ge [sflag:s28], $0x4000  }
0x96: {  	[sflag:s28] =	ssyncset.done $0x0  }
0x97: {  	s4 =	sadd.s32 $0x180, s4;
	[sflag:s28] =	ssyncadd.s32 $0xFFFFC000  }
.Ltmp5:
0x98: {  	_ = 	snop;
	(pc) =	sbr.rel .LBB2_11-.Ltmp5, $1  }
0x99: {  	_ =	sdelay $0x3  }
.LBB2_2:
0x9a: {  	s31 =	sor.u32 $0x1C05, s14  }
0x9b: {  	[spmem:s18], [sflag:s31] =	dma.local [hbm:s9], $0x2800  }
0x9c: {  	_ =	swait.ge [sflag:s19], $0x2800  }
0x9d: {  	[sflag:s19] =	ssyncset.done $0x0  }
0x9e: {  	[sflag:s19] =	ssyncadd.s32 $0xFFFFD800  }
0x9f: {  	s0 =	simm.s32 $0x0;
	[bflag:$0x0] =	sbarrier.arrive $0xFFFF  }
0xa0: {  	[tilespmem:s0], [sflag:$0x5] =	stream.linear.gather [hbm4b:s10+s0], $0x1400, $0x38;
	[tilespmem:$0x1E800] =	vst v63  }
0xa1: {  	_ =	swait.ge [sflag:s19], $0x1400  }
0xa2: {  	[sflag:s19] =	ssyncset.done $0x0  }
0xa3: {  	[sflag:s19] =	ssyncadd.s32 $0xFFFFEC00  }
0xa4: {  	[tilespmem:s20], [sflag:$0x5] =	stream.linear.gather [hbm4b:s11+s0], $0x1400, $0x38;
	[tilespmem:$0x1E800] =	vst v63  }
0xa5: {  	_ =	swait.ge [sflag:s19], $0x1400  }
0xa6: {  	[sflag:s19] =	ssyncset.done $0x0  }
0xa7: {  	[sflag:s19] =	ssyncadd.s32 $0xFFFFEC00  }
0xa8: {  	[tilespmem:s22], [sflag:$0x1] =	stream.indirect.gather [hbm4b:s1+s21], $0x80, s0, s21, $0xb8;
	[tilespmem:$0x1E800] =	vst v63  }
0xa9: {  	_ = 	snop  }
0xaa: {  	[tilespmem:s23], [sflag:$0x2] =	stream.indirect.gather [hbm4b:s1+s21], $0x80, s21, s21, $0xb8;
	[tilespmem:$0x1E800] =	vst v63  }
0xab: {  	_ =	swait.ge [sflag:s24], $0x4000  }
0xac: {  	[sflag:s24] =	ssyncset.done $0x0  }
0xad: {  	s6 =	simm.s32 $0x1400;
	[sflag:s24] =	ssyncadd.s32 $0xFFFFC000  }
0xae: {  	[spmem:s2] =	stream.indirect.scatter.add.f32 [tilespmem:s22], [sflag:$0x3], $0x80, s6, s21, $0xb8;
	[tilespmem:$0x1E800] =	vst v63  }
0xaf: {  	_ =	swait.ge [sflag:s25], $0x4000  }
0xb0: {  	[sflag:s25] =	ssyncset.done $0x0  }
0xb1: {  	[sflag:s25] =	ssyncadd.s32 $0xFFFFC000  }
0xb2: {  	_ =	swait.ge [sflag:s26], $0x4000  }
0xb3: {  	[sflag:s26] =	ssyncset.done $0x0  }
0xb4: {  	s4 =	simm.s32 $0x100;
	[sflag:s26] =	ssyncadd.s32 $0xFFFFC000  }
0xb5: {  	[tilespmem:s22], [sflag:$0x1] =	stream.indirect.gather [hbm4b:s1+s21], $0x80, s4, s21, $0xb8;
	[tilespmem:$0x1E800] =	vst v63  }
0xb6: {  	s6 =	simm.s32 $0x1480  }
0xb7: {  	[spmem:s2] =	stream.indirect.scatter.add.f32 [tilespmem:s23], [sflag:$0x4], $0x80, s6, s21, $0xb8;
	[tilespmem:$0x1E800] =	vst v63  }
0xb8: {  	_ =	swait.ge [sflag:s28], $0x4000  }
0xb9: {  	[sflag:s28] =	ssyncset.done $0x0  }
0xba: {  	s0 =	simm.s32 $0x400;
	s4 =	simm.s32 $0x180;
	[sflag:s28] =	ssyncadd.s32 $0xFFFFC000  }
.LBB2_3:
0xbb: {  	[tilespmem:s23], [sflag:$0x2] =	stream.indirect.gather [hbm4b:s1+s21], $0x80, s4, s21, $0xb8;
	[tilespmem:$0x1E800] =	vst v63  }
0xbc: {  	s4 =	smov.u32 s0  }
0xbd: {  	p1 =	sne.s32 s0, $0x4800;
	s0 =	sadd.s32 $0x400, s0;
	_ =	swait.ge [sflag:s24], $0x4000  }
0xbe: {  	s4 =	sshra.s32 s4, $0x2;
	[sflag:s24] =	ssyncset.done $0x0  }
0xbf: {  	s6 =	sadd.s32 $0x1400, s4;
	[sflag:s24] =	ssyncadd.s32 $0xFFFFC000  }
0xc0: {  	[spmem:s2] =	stream.indirect.scatter.add.f32 [tilespmem:s22], [sflag:$0x3], $0x80, s6, s21, $0xb8;
	[tilespmem:$0x1E800] =	vst v63  }
0xc1: {  	_ =	swait.ge [sflag:s25], $0x4000  }
0xc2: {  	[sflag:s25] =	ssyncset.done $0x0  }
0xc3: {  	[sflag:s25] =	ssyncadd.s32 $0xFFFFC000  }
0xc4: {  	_ =	swait.ge [sflag:s26], $0x4000  }
0xc5: {  	[sflag:s26] =	ssyncset.done $0x0  }
0xc6: {  	s6 =	sadd.s32 $0x100, s4;
	[sflag:s26] =	ssyncadd.s32 $0xFFFFC000  }
0xc7: {  	[tilespmem:s22], [sflag:$0x1] =	stream.indirect.gather [hbm4b:s1+s21], $0x80, s6, s21, $0xb8;
	[tilespmem:$0x1E800] =	vst v63  }
.Ltmp6:
0xc8: {  	s6 =	sadd.s32 $0x1480, s4;
	(pc) =	sbr.rel @p1 .LBB2_3-.Ltmp6, $4  }
0xc9: {  	[spmem:s2] =	stream.indirect.scatter.add.f32 [tilespmem:s23], [sflag:$0x4], $0x80, s6, s21, $0xb8;
	[tilespmem:$0x1E800] =	vst v63  }
0xca: {  	_ =	swait.ge [sflag:s28], $0x4000  }
0xcb: {  	[sflag:s28] =	ssyncset.done $0x0  }
0xcc: {  	s4 =	sadd.s32 $0x180, s4;
	[sflag:s28] =	ssyncadd.s32 $0xFFFFC000  }
0xcd: {  	[tilespmem:s23], [sflag:$0x2] =	stream.indirect.gather [hbm4b:s1+s21], $0x80, s4, s21, $0xb8;
	[tilespmem:$0x1E800] =	vst v63  }
0xce: {  	_ =	swait.ge [sflag:s24], $0x4000  }
0xcf: {  	[sflag:s24] =	ssyncset.done $0x0  }
0xd0: {  	[sflag:s24] =	ssyncadd.s32 $0xFFFFC000  }
0xd1: {  	[spmem:s2] =	stream.indirect.scatter.add.f32 [tilespmem:s22], [sflag:$0x5], $0x80, s29, s21, $0xb8;
	[tilespmem:$0x1E800] =	vst v63  }
0xd2: {  	_ =	swait.ge [sflag:s19], $0x4000  }
0xd3: {  	[sflag:s19] =	ssyncset.done $0x0  }
0xd4: {  	[sflag:s19] =	ssyncadd.s32 $0xFFFFC000  }
0xd5: {  	_ =	swait.ge [sflag:s25], $0x4000  }
0xd6: {  	[sflag:s25] =	ssyncset.done $0x0  }
0xd7: {  	[sflag:s25] =	ssyncadd.s32 $0xFFFFC000  }
0xd8: {  	[spmem:s2] =	stream.indirect.scatter.add.f32 [tilespmem:s23], [sflag:$0x5], $0x80, s30, s21, $0xb8;
	[tilespmem:$0x1E800] =	vst v63  }
0xd9: {  	_ =	swait.ge [sflag:s19], $0x4000  }
0xda: {  	[sflag:s19] =	ssyncset.done $0x0  }
0xdb: {  	s0 =	simm.s32 $0x0;
	[sflag:s19] =	ssyncadd.s32 $0xFFFFC000  }
0xdc: {  	[tilespmem:s0], [sflag:$0x5] =	stream.linear.gather [hbm4b:s12+s0], $0x1400, $0x38;
	[tilespmem:$0x1E800] =	vst v63  }
0xdd: {  	_ =	swait.ge [sflag:s19], $0x1400  }
0xde: {  	[sflag:s19] =	ssyncset.done $0x0  }
0xdf: {  	[sflag:s19] =	ssyncadd.s32 $0xFFFFEC00  }
0xe0: {  	[tilespmem:s20], [sflag:$0x5] =	stream.linear.gather [hbm4b:s13+s0], $0x1400, $0x38;
	[tilespmem:$0x1E800] =	vst v63  }
0xe1: {  	_ =	swait.ge [sflag:s19], $0x1400  }
0xe2: {  	[sflag:s19] =	ssyncset.done $0x0  }
0xe3: {  	[sflag:s19] =	ssyncadd.s32 $0xFFFFEC00  }
0xe4: {  	[tilespmem:s22], [sflag:$0x1] =	stream.indirect.gather [hbm4b:s1+s21], $0x80, s0, s21, $0xb8;
	[tilespmem:$0x1E800] =	vst v63  }
0xe5: {  	_ = 	snop  }
0xe6: {  	[tilespmem:s23], [sflag:$0x2] =	stream.indirect.gather [hbm4b:s1+s21], $0x80, s21, s21, $0xb8;
	[tilespmem:$0x1E800] =	vst v63  }
0xe7: {  	_ =	swait.ge [sflag:s24], $0x4000  }
0xe8: {  	[sflag:s24] =	ssyncset.done $0x0  }
0xe9: {  	s6 =	simm.s32 $0x1400;
	[sflag:s24] =	ssyncadd.s32 $0xFFFFC000  }
0xea: {  	[spmem:s2] =	stream.indirect.scatter.add.f32 [tilespmem:s22], [sflag:$0x3], $0x80, s6, s21, $0xb8;
	[tilespmem:$0x1E800] =	vst v63  }
0xeb: {  	_ =	swait.ge [sflag:s25], $0x4000  }
0xec: {  	[sflag:s25] =	ssyncset.done $0x0  }
0xed: {  	[sflag:s25] =	ssyncadd.s32 $0xFFFFC000  }
0xee: {  	_ =	swait.ge [sflag:s26], $0x4000  }
0xef: {  	[sflag:s26] =	ssyncset.done $0x0  }
0xf0: {  	s4 =	simm.s32 $0x100;
	[sflag:s26] =	ssyncadd.s32 $0xFFFFC000  }
0xf1: {  	[tilespmem:s22], [sflag:$0x1] =	stream.indirect.gather [hbm4b:s1+s21], $0x80, s4, s21, $0xb8;
	[tilespmem:$0x1E800] =	vst v63  }
0xf2: {  	s6 =	simm.s32 $0x1480  }
0xf3: {  	[spmem:s2] =	stream.indirect.scatter.add.f32 [tilespmem:s23], [sflag:$0x4], $0x80, s6, s21, $0xb8;
	[tilespmem:$0x1E800] =	vst v63  }
0xf4: {  	_ =	swait.ge [sflag:s28], $0x4000  }
0xf5: {  	[sflag:s28] =	ssyncset.done $0x0  }
0xf6: {  	s0 =	simm.s32 $0x400;
	s4 =	simm.s32 $0x180;
	[sflag:s28] =	ssyncadd.s32 $0xFFFFC000  }
.LBB2_5:
0xf7: {  	[tilespmem:s23], [sflag:$0x2] =	stream.indirect.gather [hbm4b:s1+s21], $0x80, s4, s21, $0xb8;
	[tilespmem:$0x1E800] =	vst v63  }
0xf8: {  	s4 =	smov.u32 s0  }
0xf9: {  	p1 =	seq.s32 s0, $0x4800;
	s0 =	sadd.s32 $0x400, s0;
	_ =	swait.ge [sflag:s24], $0x4000  }
0xfa: {  	s4 =	sshra.s32 s4, $0x2;
	[sflag:s24] =	ssyncset.done $0x0  }
0xfb: {  	s6 =	sadd.s32 $0x1400, s4;
	[sflag:s24] =	ssyncadd.s32 $0xFFFFC000  }
0xfc: {  	[spmem:s2] =	stream.indirect.scatter.add.f32 [tilespmem:s22], [sflag:$0x3], $0x80, s6, s21, $0xb8;
	[tilespmem:$0x1E800] =	vst v63  }
0xfd: {  	_ =	swait.ge [sflag:s25], $0x4000  }
0xfe: {  	[sflag:s25] =	ssyncset.done $0x0  }
0xff: {  	[sflag:s25] =	ssyncadd.s32 $0xFFFFC000  }
0x100: {  	_ =	swait.ge [sflag:s26], $0x4000  }
0x101: {  	[sflag:s26] =	ssyncset.done $0x0  }
0x102: {  	s6 =	sadd.s32 $0x100, s4;
	[sflag:s26] =	ssyncadd.s32 $0xFFFFC000  }
0x103: {  	[tilespmem:s22], [sflag:$0x1] =	stream.indirect.gather [hbm4b:s1+s21], $0x80, s6, s21, $0xb8;
	[tilespmem:$0x1E800] =	vst v63  }
.Ltmp7:
0x104: {  	s6 =	sadd.s32 $0x1480, s4;
	(pc) =	sbr.rel @!p1 .LBB2_5-.Ltmp7, $4  }
0x105: {  	[spmem:s2] =	stream.indirect.scatter.add.f32 [tilespmem:s23], [sflag:$0x4], $0x80, s6, s21, $0xb8;
	[tilespmem:$0x1E800] =	vst v63  }
0x106: {  	_ =	swait.ge [sflag:s28], $0x4000  }
0x107: {  	[sflag:s28] =	ssyncset.done $0x0  }
0x108: {  	s4 =	sadd.s32 $0x180, s4;
	[sflag:s28] =	ssyncadd.s32 $0xFFFFC000  }
.Ltmp8:
0x109: {  	(pc) =	sbr.rel .LBB2_12-.Ltmp8, $3  }
0x10a: {  	_ =	sdelay $0x1  }
0x10b: {  	[tilespmem:s23], [sflag:$0x2] =	stream.indirect.gather [hbm4b:s1+s21], $0x80, s4, s21, $0xb8;
	[tilespmem:$0x1E800] =	vst v63  }
0x10c: {  	s0 =	rddreg [dreg:$0x4]  }
.LBB2_13:
0x10d: {  	_ =	sfence.sel $0x180000  }
0x10e: {  	[bflag:$0x0] =	sbarrier.arrive $0xFFFF  }
0x10f: {  	_ =	strace $0x9000004D  }
0x110: {  	s0 =	stileid.u32;
	[bflag:$0x2] =	sbarrier.arrive $0xFFFF  }
0x111: {  	p0 =	sne.s32 s0, $0x0;
	s0 =	rddreg [dreg:$0x3]  }
0x112: {  	s0 =	sadd.s32 @!p0 $0x100000, s0  }
0x113: {  	[sflag:s0] =	ssyncadd.tile.s32 @!p0 $0x1;
	_ =	shalt  }
.Lfunc_end2:
_tile_overlayer_lowered:
.L_overlay_start_2:
0x114: {  	(tag) =	ssettag $0x2  }
0x115: {  	s0 =	rddreg [dreg:$0x0];
	s2 =	stileid.u32  }
0x116: {  	s1 =	rddreg [dreg:$0x1];
	p0 =	sne.s32 s2, $0x0  }
0x117: {  	s3 =	rddreg [dreg:$0x2];
	[bflag:$0x3] =	sbarrier.arrive $0xFFFF;
	s2 =	simm.s32 @!p0 $0x1C05  }
0x118: {  	[timem:s3], [sflag:s2] =	dma.local @!p0 [hbm:s0], s1  }
0x119: {  	s0 =	simm.s32 @!p0 $0x5  }
0x11a: {  	_ =	swait.ge @!p0 [sflag:s0], s1  }
0x11b: {  	s1 =	ssub.s32 @!p0 $0x0, s1;
	[sflag:s0] =	ssyncset.done @!p0 $0x0  }
0x11c: {  	[sflag:s0] =	ssyncadd.s32 @!p0 s1  }
0x11d: {  	[bflag:$0x3] =	sbarrier.arrive $0xFFFF  }
0x11e: {  	_ =	shalt  }

// kernel: kernel.8.cloned.1.call-start
scs
__scs_entry_jumppad:
0x0: {  	(pc) =	sbr.rel $0x88, $3  }
0x1: {  	(tag) =	ssettag $0x0;
	lr =	simm.s32 $0x1  }
0x2: {  	[smem:$0x3F9B] =	sst lr;
	_ =	strace $0xD0000000  }
0x3: {  	_ = 	snop  }
0x4: {  	_ = 	snop  }
0x5: {  	_ = 	snop  }
0x6: {  	_ = 	snop  }
0x7: {  	_ = 	snop  }
__scs_overlays_trampoline_lowered:
0x8: {  	[smem:$0x3FAA] =	sst s0  }
0x9: {  	[smem:$0x3FAB] =	sst s1  }
0xa: {  	[smem:$0x3FAC] =	sst s2  }
0xb: {  	[smem:$0x3FAD] =	sst s3  }
0xc: {  	[smem:$0x3FAE] =	sst s4  }
0xd: {  	[smem:$0x3FAF] =	sst s5  }
0xe: {  	[smem:$0x3FB0] =	sst s6  }
0xf: {  	[smem:$0x3FB1] =	sst s7  }
0x10: {  	[smem:$0x3FB2] =	sst s8  }
0x11: {  	[smem:$0x3FB3] =	sst s9;
	s0 =	simm.s32 @!p0 $0x0  }
0x12: {  	s1 =	sld [smem:$0x3F99];
	s0 =	simm.s32 @p0 $0x1  }
0x13: {  	[smem:$0x3FB4] =	sst s0;
	s0 =	simm.s32 @!p1 $0x0  }
0x14: {  	s2 =	sld [smem:$0x3F98];
	s0 =	simm.s32 @p1 $0x1  }
0x15: {  	[smem:$0x3FB5] =	sst s0;
	s0 =	simm.s32 @!p2 $0x0  }
0x16: {  	s3 =	sld [smem:$0x3FDB];
	s0 =	simm.s32 @p2 $0x1  }
0x17: {  	s4 =	simm.s32 $0x1BF5;
	[smem:$0x3FB7] =	sst s0  }
0x18: {  	s0 =	sld [smem:$0x3F9A];
	_ =	swait.ge [sflag:s4], $0x0  }
0x19: {  	s7 =	sld [smem:$0x3F9B]  }
0x1a: {  	s8 =	sadd.s32 $0xFFFFE003, lr  }
0x1b: {  	s9 =	sadd.s32 $0xFFFFFEF7, lr;
	s5 =	simm.s32 $0xFFFFFFFF;
	p2 =	slt.u32 s8, $0xFFFFF086  }
0x1c: {  	p1 =	slt.u32 s9, $0xF7A;
	s5 =	simm.s32 @!p2 $0x0  }
0x1d: {  	s5 =	simm.s32 @p1 $0x1;
	p0 =	seq.s32 s7, s2  }
0x1e: {  	s7 =	smul.u32 @!p0 $0xF7A, s2;
	p2 =	seq.s32 @!p0 s5, $0x0  }
0x1f: {  	s9 =	smul.u32 $0xF7A, s1;
	s8 =	simm.s32 @!p0 $0x1BF5;
	p2 =	por !p2, p0  }
0x20: {  	[sflag:s8] =	ssyncset.s32 @!p0 $0xFFFFF086;
	s6 =	sadd.s32 @!p0 s3, s7;
	s7 =	simm.s32 @!p0 $0x108  }
0x21: {  	s3 =	sadd.s32 s3, s9;
	s6 =	sadd.s32 @!p0 $0x88, s6;
	s7 =	simm.s32 @p2 $0x1082  }
0x22: {  	[simem:s7], [sflag:s8] =	dma.local @!p0 [hbm:s6], $0xF7A  }
0x23: {  	s9 =	sor.u32 $0xD0000000, s2;
	s6 =	simm.s32 $0x108;
	_ =	swait.ge @!p0 [sflag:s8], $0x0  }
0x24: {  	s3 =	sadd.s32 $0x88, s3;
	s6 =	simm.s32 @!p1 $0x1082;
	[sflag:s4] =	ssyncset.s32 $0xFFFFF086  }
0x25: {  	[simem:s6], [sflag:s4] =	dma.local [hbm:s3], $0xF7A  }
0x26: {  	[smem:$0x3F9B] =	sst s1;
	(tag) =	ssettag s2;
	_ =	strace s9  }
0x27: {  	s1 =	sld [smem:$0x3FAB]  }
0x28: {  	s2 =	sld [smem:$0x3FAC]  }
0x29: {  	s4 =	sld [smem:$0x3FAE]  }
0x2a: {  	p0 =	seq.s32 s5, $0x0;
	s5 =	sld [smem:$0x3FAF]  }
0x2b: {  	s6 =	sld [smem:$0x3FB0]  }
0x2c: {  	s7 =	sld [smem:$0x3FB1]  }
0x2d: {  	s3 =	simm.s32 $0x108;
	s8 =	sld [smem:$0x3FB2]  }
0x2e: {  	s3 =	simm.s32 @!p0 $0x1082;
	s9 =	sld [smem:$0x3FB3]  }
0x2f: {  	lr =	sadd.s32 s0, s3;
	s0 =	sld [smem:$0x3FAA]  }
0x30: {  	s3 =	sld [smem:$0x3FAD]  }
0x31: {  	[smem:$0x3FB6] =	sst s10  }
0x32: {  	s10 =	sld [smem:$0x3FB4];
	_ =	sdelay $0x3  }
0x33: {  	p0 =	seq.s32 s10, $0x1;
	s10 =	sld [smem:$0x3FB6];
	_ =	sdelay $0x3  }
0x34: {  	[smem:$0x3FB6] =	sst s10  }
0x35: {  	s10 =	sld [smem:$0x3FB5];
	_ =	sdelay $0x3  }
0x36: {  	p1 =	seq.s32 s10, $0x1;
	s10 =	sld [smem:$0x3FB6];
	_ =	sdelay $0x3  }
0x37: {  	[smem:$0x3FB6] =	sst s10  }
0x38: {  	s10 =	sld [smem:$0x3FB7]  }
0x39: {  	_ = 	snop;
	(pc) =	sbr.ind lr, $3  }
0x3a: {  	_ = 	snop  }
0x3b: {  	_ = 	snop  }
0x3c: {  	p2 =	seq.s32 s10, $0x1;
	s10 =	sld [smem:$0x3FB6]  }
0x3d: {  	_ =	shalt  }
0x3e: {  	_ =	shalt  }
0x3f: {  	_ =	shalt  }
0x40: {  	_ =	shalt  }
0x41: {  	_ =	shalt  }
0x42: {  	_ =	shalt  }
0x43: {  	_ =	shalt  }
0x44: {  	_ =	shalt  }
0x45: {  	_ =	shalt  }
0x46: {  	_ =	shalt  }
0x47: {  	_ =	shalt  }
0x48: {  	_ =	shalt  }
0x49: {  	_ =	shalt  }
0x4a: {  	_ =	shalt  }
0x4b: {  	_ =	shalt  }
0x4c: {  	_ =	shalt  }
0x4d: {  	_ =	shalt  }
0x4e: {  	_ =	shalt  }
0x4f: {  	_ =	shalt  }
0x50: {  	_ =	shalt  }
0x51: {  	_ =	shalt  }
0x52: {  	_ =	shalt  }
0x53: {  	_ =	shalt  }
0x54: {  	_ =	shalt  }
0x55: {  	_ =	shalt  }
0x56: {  	_ =	shalt  }
0x57: {  	_ =	shalt  }
0x58: {  	_ =	shalt  }
0x59: {  	_ =	shalt  }
0x5a: {  	_ =	shalt  }
0x5b: {  	_ =	shalt  }
0x5c: {  	_ =	shalt  }
0x5d: {  	_ =	shalt  }
0x5e: {  	_ =	shalt  }
0x5f: {  	_ =	shalt  }
0x60: {  	_ =	shalt  }
0x61: {  	_ =	shalt  }
0x62: {  	_ =	shalt  }
0x63: {  	_ =	shalt  }
0x64: {  	_ =	shalt  }
0x65: {  	_ =	shalt  }
0x66: {  	_ =	shalt  }
0x67: {  	_ =	shalt  }
0x68: {  	_ =	shalt  }
0x69: {  	_ =	shalt  }
0x6a: {  	_ =	shalt  }
0x6b: {  	_ =	shalt  }
0x6c: {  	_ =	shalt  }
0x6d: {  	_ =	shalt  }
0x6e: {  	_ =	shalt  }
0x6f: {  	_ =	shalt  }
0x70: {  	_ =	shalt  }
0x71: {  	_ =	shalt  }
0x72: {  	_ =	shalt  }
0x73: {  	_ =	shalt  }
0x74: {  	_ =	shalt  }
0x75: {  	_ =	shalt  }
0x76: {  	_ =	shalt  }
0x77: {  	_ =	shalt  }
0x78: {  	_ =	shalt  }
0x79: {  	_ =	shalt  }
0x7a: {  	_ =	shalt  }
0x7b: {  	_ =	shalt  }
0x7c: {  	_ =	shalt  }
0x7d: {  	_ =	shalt  }
0x7e: {  	_ =	shalt  }
0x7f: {  	_ =	shalt  }
0x80: {  	_ =	shalt  }
0x81: {  	_ =	shalt  }
0x82: {  	_ =	shalt  }
0x83: {  	_ =	shalt  }
0x84: {  	_ =	shalt  }
0x85: {  	_ =	shalt  }
0x86: {  	_ =	shalt  }
0x87: {  	_ =	shalt  }
.Lfunc_end0:
.L_simem_size_0:
called_computation_lowered:
.L_overlay_start_0:
0x88: {  	s2 =	sld [smem:$0x3FD9]  }
0x89: {  	s3 =	sld [smem:$0x3FFE];
	_ =	sdelay $0x1  }
0x8a: {  	s1 =	srdreg.scid  }
0x8b: {  	s0 =	sand.u32 $0x1, s1  }
0x8c: {  	s17 =	sshll.u32 s0, $0xA;
	s2 =	sadd.s32 s3, s2  }
0x8d: {  	s2 =	sadd.s32 s2, s17  }
0x8e: {  	[smem:$0x3FC2] =	sst s2  }
0x8f: {  	_ = 	snop  }
0x90: {  	s2 =	sld [smem:$0x3FD0];
	(tm) =	ssettm $0x1  }
0x91: {  	s18 =	sld [smem:$0x3FFB];
	_ =	sdelay $0x3  }
0x92: {  	_ =	strace s18  }
0x93: {  	s3 =	sld [smem:$0x3FFC];
	_ =	sdelay $0x3  }
0x94: {  	_ =	strace s3  }
0x95: {  	s3 =	sld [smem:$0x3FFD];
	_ =	sdelay $0x3  }
0x96: {  	_ =	strace s3  }
0x97: {  	_ =	strace $0x8FFFFFFF  }
0x98: {  	s19 =	sld [smem:$0x3FDB];
	_ =	sdelay $0x1  }
0x99: {  	s4 =	simm.s32 $_scs_section_size  }
0x9a: {  	s5 =	simm.s32 $_size__tile_overlayer_lowered;
	s6 =	simm.s32 $_tile_overlayer_lowered  }
0x9b: {  	s22 =	simm.s32 $0x1BFF;
	s21 =	sshll.u32 s6, $0x1;
	s3 =	sadd.s32 s4, s19  }
0x9c: {  	s7 =	simm.s32 $0x0;
	s20 =	sshll.u32 s5, $0x1;
	s5 =	sadd.s32 s21, s3  }
0x9d: {  	[timem:s7], [sflag:s22] =	dma.local [hbm:s5], s20  }
0x9e: {  	_ =	swait.ge [sflag:s22], s20  }
0x9f: {  	s4 =	ssub.s32 $0x0, s20;
	[sflag:s22] =	ssyncset.done $0x0  }
0xa0: {  	[sflag:s22] =	ssyncadd.s32 s4;
	_ =	sdelay $0x1  }
0xa1: {  	s23 =	simm.s32 $0x1B8B  }
0xa2: {  	_ =	swait.ge [sflag:s23], $0x1  }
0xa3: {  	[sflag:s23] =	ssyncset.done $0x0  }
0xa4: {  	s25 =	simm.s32 $0x1B8E;
	s24 =	sld [smem:$0x3FFE];
	[sflag:s23] =	ssyncadd.s32 $0xFFFFFFFF  }
0xa5: {  	s26 =	simm.s32 $execute0_lowered;
	[smem:$0x3FD2] =	sst s25  }
0xa6: {  	s5 =	sshll.u32 s26, $0x1;
	_ =	strace $0x80000046;
	[dreg:$0x1] =	wrdreg $0xFFFFFFFF  }
0xa7: {  	s28 =	simm.s32 $_size_execute0_lowered;
	s3 =	sadd.s32 s3, s5;
	[dreg:$0x0] =	wrdreg $0x0  }
0xa8: {  	s5 =	sshll.u32 s28, $0x1;
	[dreg:$0x2] =	wrdreg s3  }
0xa9: {  	[dreg:$0x3] =	wrdreg s5  }
0xaa: {  	[dreg:$0x4] =	wrdreg $0xC0  }
0xab: {  	_ =	task [dreg:s7], $0x5FFFF  }
0xac: {  	[dreg:$0x1] =	wrdreg $0xFFFFFFFF  }
0xad: {  	[dreg:$0x0] =	wrdreg $0x60  }
0xae: {  	[dreg:$0x2] =	wrdreg s24  }
0xaf: {  	[dreg:$0x3] =	wrdreg s2  }
0xb0: {  	[dreg:$0x4] =	wrdreg $0x68000  }
0xb1: {  	[dreg:$0x5] =	wrdreg $0x9  }
0xb2: {  	_ =	task.clear_ibuf [dreg:s7], $0x6FFFF;
	_ =	strace $0x90000046  }
0xb3: {  	s29 =	simm.s32 $0x9;
	_ =	strace $0x80000048  }
0xb4: {  	_ =	swait.ge [sflag:s29], $0x1  }
0xb5: {  	[sflag:s29] =	ssyncadd.s32 $0xFFFFFFFF  }
0xb6: {  	_ =	strace $0x90000048  }
0xb7: {  	_ =	sfence  }
0xb8: {  	s30 =	sld [smem:$0x0];
	_ =	sdelay $0x2  }
0xb9: {  	s31 =	sshll.u32 s1, $0xD;
	s1 =	sshrl.u32 s1, $0x2  }
0xba: {  	s3 =	sand.u32 $0x4000, s31;
	s1 =	sadd.s32 s1, s30  }
0xbb: {  	s0 =	sor.u32 s3, s0;
	s1 =	sshll.u32 s1, $0x11  }
0xbc: {  	s0 =	sor.u32 s1, s0  }
0xbd: {  	s0 =	sadd.s32 $0x8F2B, s0  }
0xbe: {  	[sflag:s0] =	ssyncadd.remote.s32 $0x1  }
0xbf: {  	_ =	sfence.sel $0xFFFF  }
0xc0: {  	[dreg:$0x0] =	wrdreg $0xFFFFFFFF;
	(pc) =	sbr.abs _section_cstart, $3  }
0xc1: {  	[dreg:$0x1] =	wrdreg $0xFFFFFFFF  }
0xc2: {  	_ =	task.clear_ibuf [dreg:s7], $0x2FFFF;
	_ =	strace $0x9FFFFFFF  }
0xc3: {  	(tm) =	ssettm $0x7FFFFFFF  }
tec
execute0_lowered:
.L_overlay_start_1:
0x0: {  	(tag) =	ssettag $0x1  }
0x1: {  	s5 =	rddreg [dreg:$0x0]  }
0x2: {  	s2 =	rddreg [dreg:$0x1];
	s0 =	stileid.u32  }
0x3: {  	s1 =	srdreg.scid;
	s3 =	rddreg [dreg:$0x2]  }
0x4: {  	s4 =	simm.s32 $0x0;
	s18 =	simm.s32 $0x80;
	s6 =	smul.u32 $0x500, s0  }
0x5: {  	s7 =	sand.u32 $0x1, s1;
	s1 =	rddreg [dreg:$0x3];
	s9 =	smul.u32 $0x14000, s0  }
0x6: {  	s19 =	simm.s32 $0x0;
	[smem:$0x7FF] =	sst s4;
	s10 =	smul.u32 $0x50000, s0  }
0x7: {  	s12 =	sshll.u32 s0, $0x6;
	s8 =	smul.u32 $0x140000, s7;
	_ =	strace $0x80000047  }
0x8: {  	s30 =	ssub.s32 $0x2, s7;
	s31 =	smul.u32 $0x5000, s7;
	s12 =	sor.u32 $0x1C01, s12  }
0x9: {  	s6 =	sadd.s32 s6, s5;
	s11 =	sshrl.u32 s30, $0x1;
	s10 =	sshrl.u32 s10, $0x2  }
0xa: {  	s8 =	sadd.s32 s9, s8;
	s9 =	ssub.s32 s30, s11;
	s13 =	sadd.s32 s10, s3  }
0xb: {  	s6 =	sadd.s32 $0x4000, s6;
	s10 =	simm.s32 $0x2800;
	s11 =	simm.s32 $0x1  }
0xc: {  	s8 =	sshrl.u32 s8, $0x3;
	s14 =	sadd.s32 $0x4000, s13;
	s15 =	sadd.s32 $0x8000, s13  }
0xd: {  	s16 =	sadd.s32 $0xC000, s13;
	s17 =	sadd.s32 $0x10000, s13;
	s13 =	sshrl.u32 s13, $0x3  }
0xe: {  	s8 =	sadd.s32 s8, s5;
	s5 =	sadd.s32 $0x800, s2;
	s14 =	sshrl.u32 s14, $0x3  }
0xf: {  	s15 =	sshrl.u32 s15, $0x3;
	s16 =	sshrl.u32 s16, $0x3;
	s17 =	sshrl.u32 s17, $0x3  }
0x10: {  	s7 =	sadd.s32 $0x9000, s8;
	s8 =	smax.u32 s9, $0x1;
	s9 =	sshrl.u32 s31, $0x2  }
.LBB2_1:
0x11: {  	[tilespmem:s10], [sflag:$0x1] =	stream.linear.gather [hbm4b:s2+s4], $0x4000, $0x38;
	[tilespmem:$0x1A800] =	vst v63  }
0x12: {  	_ =	swait.ge [sflag:s11], $0x4000  }
0x13: {  	[sflag:s11] =	ssyncset.done $0x0  }
0x14: {  	[sflag:s11] =	ssyncadd.s32 $0xFFFFC000  }
0x15: {  	[spmem:s13], [sflag:s12] =	dma.local [hbm:s5], $0x800  }
0x16: {  	_ =	swait.ge [sflag:s11], $0x800  }
0x17: {  	[sflag:s11] =	ssyncset.done $0x0  }
0x18: {  	[sflag:s11] =	ssyncadd.s32 $0xFFFFF800  }
0x19: {  	[spmem:s14], [sflag:s12] =	dma.local [hbm:s5], $0x800  }
0x1a: {  	_ =	swait.ge [sflag:s11], $0x800  }
0x1b: {  	[sflag:s11] =	ssyncset.done $0x0  }
0x1c: {  	[sflag:s11] =	ssyncadd.s32 $0xFFFFF800  }
0x1d: {  	[spmem:s15], [sflag:s12] =	dma.local [hbm:s5], $0x800  }
0x1e: {  	_ =	swait.ge [sflag:s11], $0x800  }
0x1f: {  	[sflag:s11] =	ssyncset.done $0x0  }
0x20: {  	[sflag:s11] =	ssyncadd.s32 $0xFFFFF800  }
0x21: {  	[spmem:s16], [sflag:s12] =	dma.local [hbm:s5], $0x800  }
0x22: {  	_ =	swait.ge [sflag:s11], $0x800  }
0x23: {  	[sflag:s11] =	ssyncset.done $0x0  }
0x24: {  	[sflag:s11] =	ssyncadd.s32 $0xFFFFF800  }
0x25: {  	[spmem:s17], [sflag:s12] =	dma.local [hbm:s5], $0x800  }
0x26: {  	_ =	swait.ge [sflag:s11], $0x800  }
0x27: {  	[sflag:s11] =	ssyncset.done $0x0  }
0x28: {  	[sflag:s11] =	ssyncadd.s32 $0xFFFFF800  }
0x29: {  	[tilespmem:s4], [sflag:$0x1] =	stream.linear.gather [hbm4b:s6+s4], $0x2800, $0x38;
	[tilespmem:$0x1A800] =	vst v63  }
0x2a: {  	_ =	swait.ge [sflag:s11], $0x2800  }
0x2b: {  	[sflag:s11] =	ssyncset.done $0x0  }
0x2c: {  	[sflag:s11] =	ssyncadd.s32 $0xFFFFD800  }
0x2d: {  	s20 =	sadd.s32 $0x0, s9;
	[bflag:$0x0] =	sbarrier.arrive $0xFFFF  }
0x2e: {  	[spmem:s3] =	stream.indirect.scatter.add.f32 [tilespmem:s10], [sflag:$0x1], $0x80, s20, s18, $0xb8;
	[tilespmem:$0x1A800] =	vst v63  }
0x2f: {  	s20 =	simm.s32 $0x200;
	_ =	swait.ge [sflag:s11], $0x4000  }
.LBB2_2:
0x30: {  	s21 =	sshra.s32 s20, $0x2;
	[sflag:s11] =	ssyncset.done $0x0;
	p0 =	sne.s32 s20, $0x4E00  }
.Ltmp0:
0x31: {  	s21 =	sadd.s32 s21, s9;
	[sflag:s11] =	ssyncadd.s32 $0xFFFFC000;
	(pc) =	sbr.rel @p0 .LBB2_2-.Ltmp0, $3  }
0x32: {  	[spmem:s3] =	stream.indirect.scatter.add.f32 [tilespmem:s10], [sflag:$0x1], $0x80, s21, s18, $0xb8;
	[tilespmem:$0x1A800] =	vst v63  }
0x33: {  	s20 =	sadd.s32 $0x200, s20;
	_ =	sdelay $0x1  }
0x34: {  	_ =	swait.ge [sflag:s11], $0x4000  }
0x35: {  	[sflag:s11] =	ssyncset.done $0x0;
	s19 =	sadd.s32 $0x1, s19  }
0x36: {  	[sflag:s11] =	ssyncadd.s32 $0xFFFFC000;
	p0 =	sne.s32 s19, s8  }
.Ltmp1:
0x37: {  	[bflag:$0x0] =	sbarrier.arrive $0xFFFF;
	(pc) =	sbr.rel @p0 .LBB2_1-.Ltmp1, $4  }
0x38: {  	[hbm:s7], [sflag:s12] =	dma.local [spmem:s13], $0x2800  }
0x39: {  	_ =	swait.ge [sflag:s11], $0x2800  }
0x3a: {  	[sflag:s11] =	ssyncset.done $0x0  }
0x3b: {  	[sflag:s11] =	ssyncadd.s32 $0xFFFFD800  }
0x3c: {  	_ =	sfence.sel $0x180000  }
0x3d: {  	[bflag:$0x0] =	sbarrier.arrive $0xFFFF  }
0x3e: {  	p0 =	sne.s32 s0, $0x0;
	_ =	strace $0x90000047  }
0x3f: {  	s0 =	sadd.s32 @!p0 $0x100000, s1;
	[bflag:$0x2] =	sbarrier.arrive $0xFFFF  }
0x40: {  	[sflag:s0] =	ssyncadd.tile.s32 @!p0 $0x1;
	_ =	shalt  }
.Lfunc_end2:
_tile_overlayer_lowered:
.L_overlay_start_2:
0x41: {  	(tag) =	ssettag $0x2  }
0x42: {  	s0 =	rddreg [dreg:$0x0];
	s2 =	stileid.u32  }
0x43: {  	s1 =	rddreg [dreg:$0x1];
	p0 =	sne.s32 s2, $0x0  }
0x44: {  	s3 =	rddreg [dreg:$0x2];
	[bflag:$0x3] =	sbarrier.arrive $0xFFFF;
	s2 =	simm.s32 @!p0 $0x1C01  }
0x45: {  	[timem:s3], [sflag:s2] =	dma.local @!p0 [hbm:s0], s1  }
0x46: {  	s0 =	simm.s32 @!p0 $0x1  }
0x47: {  	_ =	swait.ge @!p0 [sflag:s0], s1  }
0x48: {  	s1 =	ssub.s32 @!p0 $0x0, s1;
	[sflag:s0] =	ssyncset.done @!p0 $0x0  }
0x49: {  	[sflag:s0] =	ssyncadd.s32 @!p0 s1  }
0x4a: {  	[bflag:$0x3] =	sbarrier.arrive $0xFFFF  }
0x4b: {  	_ =	shalt  }

</sc_bundles>
